<compile_context>
chip_gen: v7x
topology: tpu7x:2x2x1
jax: 0.10.2.dev20260603
libtpu: 0.0.44.dev20260713+nightly
codegen_flags: <defaults>
</compile_context>

<pallas_src>
import functools
import jax
import jax.numpy as jnp
from jax import lax
from jax.experimental import pallas as pl
from jax.experimental.pallas import tpu as pltpu
from jax.experimental.pallas import tpu_sc as plsc

_B, _S, _D, _L = 128, 512, 1024, 256
_H = _D // 2
_BG = _B // 16


def _fa(a, b, c):
    t = a ^ b
    return t ^ c, (a & b) | (c & t)


def _ha(a, b):
    return a ^ b, a & b


def _count16(xs):
    c2 = []
    n1 = []
    for i in range(5):
        s, c = _fa(xs[3 * i], xs[3 * i + 1], xs[3 * i + 2])
        n1.append(s)
        c2.append(c)
    n1.append(xs[15])
    n2 = []
    for i in range(2):
        s, c = _fa(n1[3 * i], n1[3 * i + 1], n1[3 * i + 2])
        n2.append(s)
        c2.append(c)
    w0, c = _ha(n2[0], n2[1])
    c2.append(c)
    c4 = []
    m1 = []
    for i in range(2):
        s, c = _fa(c2[3 * i], c2[3 * i + 1], c2[3 * i + 2])
        m1.append(s)
        c4.append(c)
    m1.append(c2[6])
    m1.append(c2[7])
    s, c = _fa(m1[0], m1[1], m1[2])
    c4.append(c)
    w1, c = _ha(s, m1[3])
    c4.append(c)
    c8 = []
    s, c = _fa(c4[0], c4[1], c4[2])
    c8.append(c)
    w2, c = _ha(s, c4[3])
    c8.append(c)
    w3, w4 = _ha(c8[0], c8[1])
    return (w0, w1, w2, w3, w4)


def _global_add(g, w):
    g = list(g)
    g[0], carry = _ha(g[0], w[0])
    for k in range(1, 5):
        t = g[k] ^ w[k]
        s = t ^ carry
        carry = (g[k] & w[k]) | (carry & t)
        g[k] = s
    for k in range(5, 10):
        g[k], carry = _ha(g[k], carry)
    return tuple(g)


def _sc_body(x_hbm, pos_hbm, lvl_hbm, out_hbm,
             pkl_v, pkp_v, x_v, lvlp_v, posp_v, lvl_loc, pos_loc,
             out_v, shared_v):
    half = lax.axis_index("c")
    sid = lax.axis_index("s")

    co = pl.multiple_of(half * _H, 128)
    pltpu.sync_copy(
        lvl_hbm.at[pl.ds(pl.multiple_of(sid * 16, 8), 16), pl.ds(co, _H)],
        pkl_v)
    pltpu.sync_copy(
        pos_hbm.at[pl.ds(pl.multiple_of(sid * 32, 8), 32), pl.ds(co, _H)],
        pkp_v)

    half_f = jnp.full((16,), 0.5, jnp.float32)

    def pack_lvl(r, c_):
        word = jnp.zeros((16,), jnp.int32)
        for bb in range(32):
            v = pkl_v[r, pl.ds(bb * 16, 16)]
            bit = (half_f - half_f * lax.sign(v)).astype(jnp.int32)
            word = word | (bit << bb)
        lvl_loc[pl.ds(pl.multiple_of(r * 16, 16), 16)] = word
        return c_

    lax.fori_loop(0, 16, pack_lvl, 0)

    def pack_pos(r, c_):
        word = jnp.zeros((16,), jnp.int32)
        for bb in range(32):
            v = pkp_v[r, pl.ds(bb * 16, 16)]
            bit = (half_f + half_f * lax.sign(v)).astype(jnp.int32)
            word = word | (bit << bb)
        pos_loc[pl.ds(pl.multiple_of(r * 16, 16), 16)] = word
        return c_

    lax.fori_loop(0, 32, pack_pos, 0)

    pltpu.sync_copy(lvl_loc, shared_v.at[pl.ds(pl.multiple_of(sid * 256, 256), 256)])
    pltpu.sync_copy(pos_loc, shared_v.at[pl.ds(pl.multiple_of(_L * 16 + sid * 512, 512), 512)])
    plsc.subcore_barrier()
    pltpu.sync_copy(shared_v.at[pl.ds(0, _L * 16)], lvlp_v)
    pltpu.sync_copy(shared_v.at[pl.ds(_L * 16, _S * 16)], posp_v)

    pltpu.sync_copy(x_hbm.at[pl.ds(pl.multiple_of(sid * _BG * _S, 512), _BG * _S)], x_v)

    def b_step(b, carry):
        z = jnp.zeros((16,), jnp.int32)

        @plsc.parallel_loop(0, _S // 16, unroll=2, carry=(z,) * 10)
        def s_loop(t, g):
            base = t * 16
            v = x_v[pl.ds(pl.multiple_of(b * _S + base, 16), 16)]
            q = v * jnp.float32(_L - 1) + jnp.float32(0.5)
            ivec = jnp.clip(q.astype(jnp.int32), 0, _L - 1) * 16
            xs = []
            for j in range(16):
                io = pl.multiple_of(ivec[j], 16)
                po = pl.multiple_of((base + j) * 16, 16)
                xs.append(lvlp_v[pl.ds(io, 16)] ^ posp_v[pl.ds(po, 16)])
            return _global_add(g, _count16(xs))

        g = s_loop

        low = g[0]
        for k in range(1, 8):
            low = low | g[k]
        ge = g[9] | (g[8] & low)
        for bb in range(32):
            bit = lax.shift_right_logical(ge, bb) & 1
            valf = jnp.where(bit == 1, jnp.float32(1.0), jnp.float32(-1.0))
            out_v[pl.ds(pl.multiple_of(b * _H + bb * 16, 16), 16)] = valf
        return carry

    lax.fori_loop(0, _BG, b_step, 0)

    oo = pl.multiple_of((half * 16 + sid) * (_BG * _H), 512)
    pltpu.sync_copy(out_v, out_hbm.at[pl.ds(oo, _BG * _H)])


@jax.jit
def kernel(x, position_weight, level_weight):
    mesh = plsc.VectorSubcoreMesh(core_axis_name="c", subcore_axis_name="s")
    run = functools.partial(
        pl.kernel,
        mesh=mesh,
        out_type=jax.ShapeDtypeStruct((_B * _D,), jnp.float32),
        scratch_types=[
            pltpu.VMEM((16, _H), jnp.float32),
            pltpu.VMEM((32, _H), jnp.float32),
            pltpu.VMEM((_BG * _S,), jnp.float32),
            pltpu.VMEM((_L * 16,), jnp.int32),
            pltpu.VMEM((_S * 16,), jnp.int32),
            pltpu.VMEM((16 * 16,), jnp.int32),
            pltpu.VMEM((32 * 16,), jnp.int32),
            pltpu.VMEM((_BG * _H,), jnp.float32),
            pltpu.VMEM_SHARED(((_L + _S) * 16,), jnp.int32),
        ],
    )(_sc_body)
    out = run(x.reshape(_B * _S), position_weight, level_weight)
    return out.reshape(2, _B, _H).transpose(1, 0, 2).reshape(_B, _D)

# --- scband reference (transcript-rebuilt; emitter-appended) ---
"""Pipeline reference for scband-encoder-5652176962335 (READ-ONLY COPY).

The authoritative reference and input builder live on the scoring server;
editing this copy changes nothing except your own understanding.
"""

import jax, jax.numpy as jnp
import numpy as np

BATCH = 128
SIZE = 512
OUT_FEATURES = 1024
LEVELS = 256

def setup_inputs(seed: int = 0) -> dict:
    key = jax.random.key(seed)
    k1, k2, k3 = jax.random.split(key, 3)
    # x: feature values assumed normalized to [0, 1] (torchhd Level default low=0, high=1)
    x = jax.random.uniform(k1, (BATCH, SIZE), dtype=jnp.float32)
    # embeddings.Random(size, out_features): random bipolar MAP hypervectors
    position_weight = jnp.where(jax.random.bernoulli(k2, 0.5, (SIZE, OUT_FEATURES)), 1.0, -1.0).astype(jnp.float32)
    # embeddings.Level(levels, out_features): level hypervector table (bipolar)
    level_weight = jnp.where(jax.random.bernoulli(k3, 0.5, (LEVELS, OUT_FEATURES)), 1.0, -1.0).astype(jnp.float32)
    return {"x": x, "position_weight": position_weight, "level_weight": level_weight}

def reference(x, position_weight, level_weight):
    levels = level_weight.shape[0]
    # torchhd embeddings.Level forward: quantize value in [0,1] to nearest level index, then gather
    idx = jnp.clip(jnp.round(x * (levels - 1)), 0, levels - 1).astype(jnp.int32)  # [B, S]
    value_hv = jnp.take(level_weight, idx, axis=0)  # [B, S, D] gather
    # torchhd.bind (MAP): elementwise multiply with position hypervectors
    bound = position_weight[None, :, :] * value_hv  # [B, S, D]
    # torchhd.multiset: sum over the hypervector set dimension (-2)
    sample_hv = jnp.sum(bound, axis=-2)  # [B, D]
    # torchhd.hard_quantize: sign to {-1, +1}
    return jnp.where(sample_hv > 0, 1.0, -1.0).astype(jnp.float32)

if __name__ == "__main__":
    import jax
    _d = setup_inputs()
    print(jax.jit(kernel)(*tuple(_d.values())))

</pallas_src>

<mosaic_0001>
#map = affine_map<(d0, d1) -> (0)>
#map1 = affine_map<(d0, d1) -> (0, 0)>
module attributes {stable_mosaic.version = 14 : i64} {
  func.func @_sc_body(%arg0: i32, %arg1: i32, %arg2: memref<65536xf32, #tpu.memory_space<hbm>>, %arg3: memref<512x1024xf32, #tpu.memory_space<hbm>>, %arg4: memref<256x1024xf32, #tpu.memory_space<hbm>>, %arg5: memref<131072xf32, #tpu.memory_space<hbm>>, %arg6: memref<16x512xf32, #tpu.memory_space<vmem>>, %arg7: memref<32x512xf32, #tpu.memory_space<vmem>>, %arg8: memref<4096xf32, #tpu.memory_space<vmem>>, %arg9: memref<4096xi32, #tpu.memory_space<vmem>>, %arg10: memref<8192xi32, #tpu.memory_space<vmem>>, %arg11: memref<256xi32, #tpu.memory_space<vmem>>, %arg12: memref<512xi32, #tpu.memory_space<vmem>>, %arg13: memref<4096xf32, #tpu.memory_space<vmem>>, %arg14: memref<12288xi32, #tpu.memory_space<vmem_shared>>) attributes {dimension_semantics = [#tpu.dimension_semantics<core_parallel>, #tpu.dimension_semantics<subcore_parallel>], iteration_bounds = array<i64: 2, 16>, scalar_prefetch = 0 : i64, scratch_operands = 9 : i64, tpu.core_type = #tpu.core_type<sc_vector_subcore>, window_params = [{transform_indices = #map}, {transform_indices = #map1}, {transform_indices = #map1}, {transform_indices = #map}]} {
    %mul3A = arith.constant 512 : i32
    %mul3A_0 = arith.muli %arg0, %mul3A : i32
    %multiple_of3A = tpu.assume_multiple %mul3A_0, 128 : i32
    %mul3A_1 = arith.constant 16 : i32
    %mul3A_2 = arith.muli %arg1, %mul3A_1 : i32
    %multiple_of3A_3 = tpu.assume_multiple %mul3A_2, 8 : i32
    "tpu.region"() ({
      %run_scoped3A = tpu.sem_alloc : memref<!tpu.dma_semaphore, #tpu.memory_space<semaphore_mem>>
      %dma_start3A = tpu.memref_slice %arg4[%multiple_of3A_3, %multiple_of3A] : memref<256x1024xf32, #tpu.memory_space<hbm>> -> memref<16x512xf32, #tpu.memory_space<hbm>>
      %dma_start3A_43 = tpu.memref_slice %arg4[%multiple_of3A_3, %multiple_of3A] : memref<256x1024xf32, #tpu.memory_space<hbm>> -> memref<16x512xf32, #tpu.memory_space<hbm>>
      tpu.enqueue_dma source(%dma_start3A_43 : memref<16x512xf32, #tpu.memory_space<hbm>>) target(%arg6 : memref<16x512xf32, #tpu.memory_space<vmem>>) target_semaphore(%run_scoped3A : memref<!tpu.dma_semaphore, #tpu.memory_space<semaphore_mem>>)
      %dma_wait3A = tpu.memref_slice %arg4[%multiple_of3A_3, %multiple_of3A] : memref<256x1024xf32, #tpu.memory_space<hbm>> -> memref<16x512xf32, #tpu.memory_space<hbm>>
      %dma_wait3A_44 = tpu.memref_slice %arg4[%multiple_of3A_3, %multiple_of3A] : memref<256x1024xf32, #tpu.memory_space<hbm>> -> memref<16x512xf32, #tpu.memory_space<hbm>>
      tpu.wait_dma2 semaphore(%run_scoped3A : memref<!tpu.dma_semaphore, #tpu.memory_space<semaphore_mem>>) src(%dma_wait3A_44 : memref<16x512xf32, #tpu.memory_space<hbm>>) dst(%arg6 : memref<16x512xf32, #tpu.memory_space<vmem>>)
      tpu.yield
    }) : () -> ()
    %mul3A_4 = arith.constant 32 : i32
    %mul3A_5 = arith.muli %arg1, %mul3A_4 : i32
    %multiple_of3A_6 = tpu.assume_multiple %mul3A_5, 8 : i32
    "tpu.region"() ({
      %run_scoped3A = tpu.sem_alloc : memref<!tpu.dma_semaphore, #tpu.memory_space<semaphore_mem>>
      %dma_start3A = tpu.memref_slice %arg3[%multiple_of3A_6, %multiple_of3A] : memref<512x1024xf32, #tpu.memory_space<hbm>> -> memref<32x512xf32, #tpu.memory_space<hbm>>
      %dma_start3A_43 = tpu.memref_slice %arg3[%multiple_of3A_6, %multiple_of3A] : memref<512x1024xf32, #tpu.memory_space<hbm>> -> memref<32x512xf32, #tpu.memory_space<hbm>>
      tpu.enqueue_dma source(%dma_start3A_43 : memref<32x512xf32, #tpu.memory_space<hbm>>) target(%arg7 : memref<32x512xf32, #tpu.memory_space<vmem>>) target_semaphore(%run_scoped3A : memref<!tpu.dma_semaphore, #tpu.memory_space<semaphore_mem>>)
      %dma_wait3A = tpu.memref_slice %arg3[%multiple_of3A_6, %multiple_of3A] : memref<512x1024xf32, #tpu.memory_space<hbm>> -> memref<32x512xf32, #tpu.memory_space<hbm>>
      %dma_wait3A_44 = tpu.memref_slice %arg3[%multiple_of3A_6, %multiple_of3A] : memref<512x1024xf32, #tpu.memory_space<hbm>> -> memref<32x512xf32, #tpu.memory_space<hbm>>
      tpu.wait_dma2 semaphore(%run_scoped3A : memref<!tpu.dma_semaphore, #tpu.memory_space<semaphore_mem>>) src(%dma_wait3A_44 : memref<32x512xf32, #tpu.memory_space<hbm>>) dst(%arg7 : memref<32x512xf32, #tpu.memory_space<vmem>>)
      tpu.yield
    }) : () -> ()
    %broadcast_in_dim3A = arith.constant 5.000000e-01 : f32
    %broadcast_in_dim3A_7 = vector.broadcast %broadcast_in_dim3A : f32 to vector<16xf32>
    %scan3A = arith.constant 0 : i32
    %scan3A_8 = arith.constant 0 : i32
    %scan3A_9 = arith.constant 16 : i32
    %scan3A_10 = arith.addi %scan3A_8, %scan3A_9 : i32
    %scan3A_11 = arith.constant 1 : i32
    scf.for %scan3A_43 = %scan3A_8 to %scan3A_10 step %scan3A_11  : i32 {
      %broadcast_in_dim3A_44 = arith.constant 0 : i32
      %broadcast_in_dim3A_45 = vector.broadcast %broadcast_in_dim3A_44 : i32 to vector<16xi32>
      %get3A = arith.index_cast %scan3A_43 : i32 to index
      %get3A_46 = arith.constant 0 : index
      %get3A_47 = tpu.vector_load %arg6[%get3A, %get3A_46] {strides = array<i32>} : memref<16x512xf32, #tpu.memory_space<vmem>>, vector<1x16xf32>,
      %get3A_48 = vector.shape_cast %get3A_47 : vector<1x16xf32> to vector<16xf32>
      %sign3A = tpu.bitcast %get3A_48 : vector<16xf32> -> vector<16xi32>
      %sign3A_49 = arith.constant -2147483648 : i32
      %sign3A_50 = vector.broadcast %sign3A_49 : i32 to vector<16xi32>
      %sign3A_51 = arith.andi %sign3A, %sign3A_50 : vector<16xi32>
      %sign3A_52 = arith.constant 1065353216 : i32
      %sign3A_53 = vector.broadcast %sign3A_52 : i32 to vector<16xi32>
      %sign3A_54 = arith.ori %sign3A_53, %sign3A_51 : vector<16xi32>
      %sign3A_55 = tpu.bitcast %sign3A_54 : vector<16xi32> -> vector<16xf32>
      %sign3A_56 = math.absf %get3A_48 : vector<16xf32>
      %sign3A_57 = arith.constant 0.000000e+00 : f32
      %sign3A_58 = vector.broadcast %sign3A_57 : f32 to vector<16xf32>
      %sign3A_59 = arith.cmpf ogt, %sign3A_56, %sign3A_58 : vector<16xf32>
      %sign3A_60 = arith.select %sign3A_59, %sign3A_55, %get3A_48 : vector<16xi1>, vector<16xf32>
      %mul3A_61 = arith.mulf %broadcast_in_dim3A_7, %sign3A_60 : vector<16xf32>
      %sub3A = arith.subf %broadcast_in_dim3A_7, %mul3A_61 : vector<16xf32>
      %convert_element_type3A = arith.fptosi %sub3A : vector<16xf32> to vector<16xi32>
      %shift_left3A = arith.constant 0 : i32
      %shift_left3A_62 = vector.broadcast %shift_left3A : i32 to vector<16xi32>
      %shift_left3A_63 = arith.shli %convert_element_type3A, %shift_left3A_62 : vector<16xi32>
      %or3A = arith.ori %broadcast_in_dim3A_45, %shift_left3A_63 : vector<16xi32>
      %get3A_64 = arith.index_cast %scan3A_43 : i32 to index
      %get3A_65 = arith.constant 16 : index
      %get3A_66 = tpu.vector_load %arg6[%get3A_64, %get3A_65] {strides = array<i32>} : memref<16x512xf32, #tpu.memory_space<vmem>>, vector<1x16xf32>,
      %get3A_67 = vector.shape_cast %get3A_66 : vector<1x16xf32> to vector<16xf32>
      %sign3A_68 = tpu.bitcast %get3A_67 : vector<16xf32> -> vector<16xi32>
      %sign3A_69 = arith.constant -2147483648 : i32
      %sign3A_70 = vector.broadcast %sign3A_69 : i32 to vector<16xi32>
      %sign3A_71 = arith.andi %sign3A_68, %sign3A_70 : vector<16xi32>
      %sign3A_72 = arith.constant 1065353216 : i32
      %sign3A_73 = vector.broadcast %sign3A_72 : i32 to vector<16xi32>
      %sign3A_74 = arith.ori %sign3A_73, %sign3A_71 : vector<16xi32>
      %sign3A_75 = tpu.bitcast %sign3A_74 : vector<16xi32> -> vector<16xf32>
      %sign3A_76 = math.absf %get3A_67 : vector<16xf32>
      %sign3A_77 = arith.constant 0.000000e+00 : f32
      %sign3A_78 = vector.broadcast %sign3A_77 : f32 to vector<16xf32>
      %sign3A_79 = arith.cmpf ogt, %sign3A_76, %sign3A_78 : vector<16xf32>
      %sign3A_80 = arith.select %sign3A_79, %sign3A_75, %get3A_67 : vector<16xi1>, vector<16xf32>
      %mul3A_81 = arith.mulf %broadcast_in_dim3A_7, %sign3A_80 : vector<16xf32>
      %sub3A_82 = arith.subf %broadcast_in_dim3A_7, %mul3A_81 : vector<16xf32>
      %convert_element_type3A_83 = arith.fptosi %sub3A_82 : vector<16xf32> to vector<16xi32>
      %shift_left3A_84 = arith.constant 1 : i32
      %shift_left3A_85 = vector.broadcast %shift_left3A_84 : i32 to vector<16xi32>
      %shift_left3A_86 = arith.shli %convert_element_type3A_83, %shift_left3A_85 : vector<16xi32>
      %or3A_87 = arith.ori %or3A, %shift_left3A_86 : vector<16xi32>
      %get3A_88 = arith.index_cast %scan3A_43 : i32 to index
      %get3A_89 = arith.constant 32 : index
      %get3A_90 = tpu.vector_load %arg6[%get3A_88, %get3A_89] {strides = array<i32>} : memref<16x512xf32, #tpu.memory_space<vmem>>, vector<1x16xf32>,
      %get3A_91 = vector.shape_cast %get3A_90 : vector<1x16xf32> to vector<16xf32>
      %sign3A_92 = tpu.bitcast %get3A_91 : vector<16xf32> -> vector<16xi32>
      %sign3A_93 = arith.constant -2147483648 : i32
      %sign3A_94 = vector.broadcast %sign3A_93 : i32 to vector<16xi32>
      %sign3A_95 = arith.andi %sign3A_92, %sign3A_94 : vector<16xi32>
      %sign3A_96 = arith.constant 1065353216 : i32
      %sign3A_97 = vector.broadcast %sign3A_96 : i32 to vector<16xi32>
      %sign3A_98 = arith.ori %sign3A_97, %sign3A_95 : vector<16xi32>
      %sign3A_99 = tpu.bitcast %sign3A_98 : vector<16xi32> -> vector<16xf32>
      %sign3A_100 = math.absf %get3A_91 : vector<16xf32>
      %sign3A_101 = arith.constant 0.000000e+00 : f32
      %sign3A_102 = vector.broadcast %sign3A_101 : f32 to vector<16xf32>
      %sign3A_103 = arith.cmpf ogt, %sign3A_100, %sign3A_102 : vector<16xf32>
      %sign3A_104 = arith.select %sign3A_103, %sign3A_99, %get3A_91 : vector<16xi1>, vector<16xf32>
      %mul3A_105 = arith.mulf %broadcast_in_dim3A_7, %sign3A_104 : vector<16xf32>
      %sub3A_106 = arith.subf %broadcast_in_dim3A_7, %mul3A_105 : vector<16xf32>
      %convert_element_type3A_107 = arith.fptosi %sub3A_106 : vector<16xf32> to vector<16xi32>
      %shift_left3A_108 = arith.constant 2 : i32
      %shift_left3A_109 = vector.broadcast %shift_left3A_108 : i32 to vector<16xi32>
      %shift_left3A_110 = arith.shli %convert_element_type3A_107, %shift_left3A_109 : vector<16xi32>
      %or3A_111 = arith.ori %or3A_87, %shift_left3A_110 : vector<16xi32>
      %get3A_112 = arith.index_cast %scan3A_43 : i32 to index
      %get3A_113 = arith.constant 48 : index
      %get3A_114 = tpu.vector_load %arg6[%get3A_112, %get3A_113] {strides = array<i32>} : memref<16x512xf32, #tpu.memory_space<vmem>>, vector<1x16xf32>,
      %get3A_115 = vector.shape_cast %get3A_114 : vector<1x16xf32> to vector<16xf32>
      %sign3A_116 = tpu.bitcast %get3A_115 : vector<16xf32> -> vector<16xi32>
      %sign3A_117 = arith.constant -2147483648 : i32
      %sign3A_118 = vector.broadcast %sign3A_117 : i32 to vector<16xi32>
      %sign3A_119 = arith.andi %sign3A_116, %sign3A_118 : vector<16xi32>
      %sign3A_120 = arith.constant 1065353216 : i32
      %sign3A_121 = vector.broadcast %sign3A_120 : i32 to vector<16xi32>
      %sign3A_122 = arith.ori %sign3A_121, %sign3A_119 : vector<16xi32>
      %sign3A_123 = tpu.bitcast %sign3A_122 : vector<16xi32> -> vector<16xf32>
      %sign3A_124 = math.absf %get3A_115 : vector<16xf32>
      %sign3A_125 = arith.constant 0.000000e+00 : f32
      %sign3A_126 = vector.broadcast %sign3A_125 : f32 to vector<16xf32>
      %sign3A_127 = arith.cmpf ogt, %sign3A_124, %sign3A_126 : vector<16xf32>
      %sign3A_128 = arith.select %sign3A_127, %sign3A_123, %get3A_115 : vector<16xi1>, vector<16xf32>
      %mul3A_129 = arith.mulf %broadcast_in_dim3A_7, %sign3A_128 : vector<16xf32>
      %sub3A_130 = arith.subf %broadcast_in_dim3A_7, %mul3A_129 : vector<16xf32>
      %convert_element_type3A_131 = arith.fptosi %sub3A_130 : vector<16xf32> to vector<16xi32>
      %shift_left3A_132 = arith.constant 3 : i32
      %shift_left3A_133 = vector.broadcast %shift_left3A_132 : i32 to vector<16xi32>
      %shift_left3A_134 = arith.shli %convert_element_type3A_131, %shift_left3A_133 : vector<16xi32>
      %or3A_135 = arith.ori %or3A_111, %shift_left3A_134 : vector<16xi32>
      %get3A_136 = arith.index_cast %scan3A_43 : i32 to index
      %get3A_137 = arith.constant 64 : index
      %get3A_138 = tpu.vector_load %arg6[%get3A_136, %get3A_137] {strides = array<i32>} : memref<16x512xf32, #tpu.memory_space<vmem>>, vector<1x16xf32>,
      %get3A_139 = vector.shape_cast %get3A_138 : vector<1x16xf32> to vector<16xf32>
      %sign3A_140 = tpu.bitcast %get3A_139 : vector<16xf32> -> vector<16xi32>
      %sign3A_141 = arith.constant -2147483648 : i32
      %sign3A_142 = vector.broadcast %sign3A_141 : i32 to vector<16xi32>
      %sign3A_143 = arith.andi %sign3A_140, %sign3A_142 : vector<16xi32>
      %sign3A_144 = arith.constant 1065353216 : i32
      %sign3A_145 = vector.broadcast %sign3A_144 : i32 to vector<16xi32>
      %sign3A_146 = arith.ori %sign3A_145, %sign3A_143 : vector<16xi32>
      %sign3A_147 = tpu.bitcast %sign3A_146 : vector<16xi32> -> vector<16xf32>
      %sign3A_148 = math.absf %get3A_139 : vector<16xf32>
      %sign3A_149 = arith.constant 0.000000e+00 : f32
      %sign3A_150 = vector.broadcast %sign3A_149 : f32 to vector<16xf32>
      %sign3A_151 = arith.cmpf ogt, %sign3A_148, %sign3A_150 : vector<16xf32>
      %sign3A_152 = arith.select %sign3A_151, %sign3A_147, %get3A_139 : vector<16xi1>, vector<16xf32>
      %mul3A_153 = arith.mulf %broadcast_in_dim3A_7, %sign3A_152 : vector<16xf32>
      %sub3A_154 = arith.subf %broadcast_in_dim3A_7, %mul3A_153 : vector<16xf32>
      %convert_element_type3A_155 = arith.fptosi %sub3A_154 : vector<16xf32> to vector<16xi32>
      %shift_left3A_156 = arith.constant 4 : i32
      %shift_left3A_157 = vector.broadcast %shift_left3A_156 : i32 to vector<16xi32>
      %shift_left3A_158 = arith.shli %convert_element_type3A_155, %shift_left3A_157 : vector<16xi32>
      %or3A_159 = arith.ori %or3A_135, %shift_left3A_158 : vector<16xi32>
      %get3A_160 = arith.index_cast %scan3A_43 : i32 to index
      %get3A_161 = arith.constant 80 : index
      %get3A_162 = tpu.vector_load %arg6[%get3A_160, %get3A_161] {strides = array<i32>} : memref<16x512xf32, #tpu.memory_space<vmem>>, vector<1x16xf32>,
      %get3A_163 = vector.shape_cast %get3A_162 : vector<1x16xf32> to vector<16xf32>
      %sign3A_164 = tpu.bitcast %get3A_163 : vector<16xf32> -> vector<16xi32>
      %sign3A_165 = arith.constant -2147483648 : i32
      %sign3A_166 = vector.broadcast %sign3A_165 : i32 to vector<16xi32>
      %sign3A_167 = arith.andi %sign3A_164, %sign3A_166 : vector<16xi32>
      %sign3A_168 = arith.constant 1065353216 : i32
      %sign3A_169 = vector.broadcast %sign3A_168 : i32 to vector<16xi32>
      %sign3A_170 = arith.ori %sign3A_169, %sign3A_167 : vector<16xi32>
      %sign3A_171 = tpu.bitcast %sign3A_170 : vector<16xi32> -> vector<16xf32>
      %sign3A_172 = math.absf %get3A_163 : vector<16xf32>
      %sign3A_173 = arith.constant 0.000000e+00 : f32
      %sign3A_174 = vector.broadcast %sign3A_173 : f32 to vector<16xf32>
      %sign3A_175 = arith.cmpf ogt, %sign3A_172, %sign3A_174 : vector<16xf32>
      %sign3A_176 = arith.select %sign3A_175, %sign3A_171, %get3A_163 : vector<16xi1>, vector<16xf32>
      %mul3A_177 = arith.mulf %broadcast_in_dim3A_7, %sign3A_176 : vector<16xf32>
      %sub3A_178 = arith.subf %broadcast_in_dim3A_7, %mul3A_177 : vector<16xf32>
      %convert_element_type3A_179 = arith.fptosi %sub3A_178 : vector<16xf32> to vector<16xi32>
      %shift_left3A_180 = arith.constant 5 : i32
      %shift_left3A_181 = vector.broadcast %shift_left3A_180 : i32 to vector<16xi32>
      %shift_left3A_182 = arith.shli %convert_element_type3A_179, %shift_left3A_181 : vector<16xi32>
      %or3A_183 = arith.ori %or3A_159, %shift_left3A_182 : vector<16xi32>
      %get3A_184 = arith.index_cast %scan3A_43 : i32 to index
      %get3A_185 = arith.constant 96 : index
      %get3A_186 = tpu.vector_load %arg6[%get3A_184, %get3A_185] {strides = array<i32>} : memref<16x512xf32, #tpu.memory_space<vmem>>, vector<1x16xf32>,
      %get3A_187 = vector.shape_cast %get3A_186 : vector<1x16xf32> to vector<16xf32>
      %sign3A_188 = tpu.bitcast %get3A_187 : vector<16xf32> -> vector<16xi32>
      %sign3A_189 = arith.constant -2147483648 : i32
      %sign3A_190 = vector.broadcast %sign3A_189 : i32 to vector<16xi32>
      %sign3A_191 = arith.andi %sign3A_188, %sign3A_190 : vector<16xi32>
      %sign3A_192 = arith.constant 1065353216 : i32
      %sign3A_193 = vector.broadcast %sign3A_192 : i32 to vector<16xi32>
      %sign3A_194 = arith.ori %sign3A_193, %sign3A_191 : vector<16xi32>
      %sign3A_195 = tpu.bitcast %sign3A_194 : vector<16xi32> -> vector<16xf32>
      %sign3A_196 = math.absf %get3A_187 : vector<16xf32>
      %sign3A_197 = arith.constant 0.000000e+00 : f32
      %sign3A_198 = vector.broadcast %sign3A_197 : f32 to vector<16xf32>
      %sign3A_199 = arith.cmpf ogt, %sign3A_196, %sign3A_198 : vector<16xf32>
      %sign3A_200 = arith.select %sign3A_199, %sign3A_195, %get3A_187 : vector<16xi1>, vector<16xf32>
      %mul3A_201 = arith.mulf %broadcast_in_dim3A_7, %sign3A_200 : vector<16xf32>
      %sub3A_202 = arith.subf %broadcast_in_dim3A_7, %mul3A_201 : vector<16xf32>
      %convert_element_type3A_203 = arith.fptosi %sub3A_202 : vector<16xf32> to vector<16xi32>
      %shift_left3A_204 = arith.constant 6 : i32
      %shift_left3A_205 = vector.broadcast %shift_left3A_204 : i32 to vector<16xi32>
      %shift_left3A_206 = arith.shli %convert_element_type3A_203, %shift_left3A_205 : vector<16xi32>
      %or3A_207 = arith.ori %or3A_183, %shift_left3A_206 : vector<16xi32>
      %get3A_208 = arith.index_cast %scan3A_43 : i32 to index
      %get3A_209 = arith.constant 112 : index
      %get3A_210 = tpu.vector_load %arg6[%get3A_208, %get3A_209] {strides = array<i32>} : memref<16x512xf32, #tpu.memory_space<vmem>>, vector<1x16xf32>,
      %get3A_211 = vector.shape_cast %get3A_210 : vector<1x16xf32> to vector<16xf32>
      %sign3A_212 = tpu.bitcast %get3A_211 : vector<16xf32> -> vector<16xi32>
      %sign3A_213 = arith.constant -2147483648 : i32
      %sign3A_214 = vector.broadcast %sign3A_213 : i32 to vector<16xi32>
      %sign3A_215 = arith.andi %sign3A_212, %sign3A_214 : vector<16xi32>
      %sign3A_216 = arith.constant 1065353216 : i32
      %sign3A_217 = vector.broadcast %sign3A_216 : i32 to vector<16xi32>
      %sign3A_218 = arith.ori %sign3A_217, %sign3A_215 : vector<16xi32>
      %sign3A_219 = tpu.bitcast %sign3A_218 : vector<16xi32> -> vector<16xf32>
      %sign3A_220 = math.absf %get3A_211 : vector<16xf32>
      %sign3A_221 = arith.constant 0.000000e+00 : f32
      %sign3A_222 = vector.broadcast %sign3A_221 : f32 to vector<16xf32>
      %sign3A_223 = arith.cmpf ogt, %sign3A_220, %sign3A_222 : vector<16xf32>
      %sign3A_224 = arith.select %sign3A_223, %sign3A_219, %get3A_211 : vector<16xi1>, vector<16xf32>
      %mul3A_225 = arith.mulf %broadcast_in_dim3A_7, %sign3A_224 : vector<16xf32>
      %sub3A_226 = arith.subf %broadcast_in_dim3A_7, %mul3A_225 : vector<16xf32>
      %convert_element_type3A_227 = arith.fptosi %sub3A_226 : vector<16xf32> to vector<16xi32>
      %shift_left3A_228 = arith.constant 7 : i32
      %shift_left3A_229 = vector.broadcast %shift_left3A_228 : i32 to vector<16xi32>
      %shift_left3A_230 = arith.shli %convert_element_type3A_227, %shift_left3A_229 : vector<16xi32>
      %or3A_231 = arith.ori %or3A_207, %shift_left3A_230 : vector<16xi32>
      %get3A_232 = arith.index_cast %scan3A_43 : i32 to index
      %get3A_233 = arith.constant 128 : index
      %get3A_234 = tpu.vector_load %arg6[%get3A_232, %get3A_233] {strides = array<i32>} : memref<16x512xf32, #tpu.memory_space<vmem>>, vector<1x16xf32>,
      %get3A_235 = vector.shape_cast %get3A_234 : vector<1x16xf32> to vector<16xf32>
      %sign3A_236 = tpu.bitcast %get3A_235 : vector<16xf32> -> vector<16xi32>
      %sign3A_237 = arith.constant -2147483648 : i32
      %sign3A_238 = vector.broadcast %sign3A_237 : i32 to vector<16xi32>
      %sign3A_239 = arith.andi %sign3A_236, %sign3A_238 : vector<16xi32>
      %sign3A_240 = arith.constant 1065353216 : i32
      %sign3A_241 = vector.broadcast %sign3A_240 : i32 to vector<16xi32>
      %sign3A_242 = arith.ori %sign3A_241, %sign3A_239 : vector<16xi32>
      %sign3A_243 = tpu.bitcast %sign3A_242 : vector<16xi32> -> vector<16xf32>
      %sign3A_244 = math.absf %get3A_235 : vector<16xf32>
      %sign3A_245 = arith.constant 0.000000e+00 : f32
      %sign3A_246 = vector.broadcast %sign3A_245 : f32 to vector<16xf32>
      %sign3A_247 = arith.cmpf ogt, %sign3A_244, %sign3A_246 : vector<16xf32>
      %sign3A_248 = arith.select %sign3A_247, %sign3A_243, %get3A_235 : vector<16xi1>, vector<16xf32>
      %mul3A_249 = arith.mulf %broadcast_in_dim3A_7, %sign3A_248 : vector<16xf32>
      %sub3A_250 = arith.subf %broadcast_in_dim3A_7, %mul3A_249 : vector<16xf32>
      %convert_element_type3A_251 = arith.fptosi %sub3A_250 : vector<16xf32> to vector<16xi32>
      %shift_left3A_252 = arith.constant 8 : i32
      %shift_left3A_253 = vector.broadcast %shift_left3A_252 : i32 to vector<16xi32>
      %shift_left3A_254 = arith.shli %convert_element_type3A_251, %shift_left3A_253 : vector<16xi32>
      %or3A_255 = arith.ori %or3A_231, %shift_left3A_254 : vector<16xi32>
      %get3A_256 = arith.index_cast %scan3A_43 : i32 to index
      %get3A_257 = arith.constant 144 : index
      %get3A_258 = tpu.vector_load %arg6[%get3A_256, %get3A_257] {strides = array<i32>} : memref<16x512xf32, #tpu.memory_space<vmem>>, vector<1x16xf32>,
      %get3A_259 = vector.shape_cast %get3A_258 : vector<1x16xf32> to vector<16xf32>
      %sign3A_260 = tpu.bitcast %get3A_259 : vector<16xf32> -> vector<16xi32>
      %sign3A_261 = arith.constant -2147483648 : i32
      %sign3A_262 = vector.broadcast %sign3A_261 : i32 to vector<16xi32>
      %sign3A_263 = arith.andi %sign3A_260, %sign3A_262 : vector<16xi32>
      %sign3A_264 = arith.constant 1065353216 : i32
      %sign3A_265 = vector.broadcast %sign3A_264 : i32 to vector<16xi32>
      %sign3A_266 = arith.ori %sign3A_265, %sign3A_263 : vector<16xi32>
      %sign3A_267 = tpu.bitcast %sign3A_266 : vector<16xi32> -> vector<16xf32>
      %sign3A_268 = math.absf %get3A_259 : vector<16xf32>
      %sign3A_269 = arith.constant 0.000000e+00 : f32
      %sign3A_270 = vector.broadcast %sign3A_269 : f32 to vector<16xf32>
      %sign3A_271 = arith.cmpf ogt, %sign3A_268, %sign3A_270 : vector<16xf32>
      %sign3A_272 = arith.select %sign3A_271, %sign3A_267, %get3A_259 : vector<16xi1>, vector<16xf32>
      %mul3A_273 = arith.mulf %broadcast_in_dim3A_7, %sign3A_272 : vector<16xf32>
      %sub3A_274 = arith.subf %broadcast_in_dim3A_7, %mul3A_273 : vector<16xf32>
      %convert_element_type3A_275 = arith.fptosi %sub3A_274 : vector<16xf32> to vector<16xi32>
      %shift_left3A_276 = arith.constant 9 : i32
      %shift_left3A_277 = vector.broadcast %shift_left3A_276 : i32 to vector<16xi32>
      %shift_left3A_278 = arith.shli %convert_element_type3A_275, %shift_left3A_277 : vector<16xi32>
      %or3A_279 = arith.ori %or3A_255, %shift_left3A_278 : vector<16xi32>
      %get3A_280 = arith.index_cast %scan3A_43 : i32 to index
      %get3A_281 = arith.constant 160 : index
      %get3A_282 = tpu.vector_load %arg6[%get3A_280, %get3A_281] {strides = array<i32>} : memref<16x512xf32, #tpu.memory_space<vmem>>, vector<1x16xf32>,
      %get3A_283 = vector.shape_cast %get3A_282 : vector<1x16xf32> to vector<16xf32>
      %sign3A_284 = tpu.bitcast %get3A_283 : vector<16xf32> -> vector<16xi32>
      %sign3A_285 = arith.constant -2147483648 : i32
      %sign3A_286 = vector.broadcast %sign3A_285 : i32 to vector<16xi32>
      %sign3A_287 = arith.andi %sign3A_284, %sign3A_286 : vector<16xi32>
      %sign3A_288 = arith.constant 1065353216 : i32
      %sign3A_289 = vector.broadcast %sign3A_288 : i32 to vector<16xi32>
      %sign3A_290 = arith.ori %sign3A_289, %sign3A_287 : vector<16xi32>
      %sign3A_291 = tpu.bitcast %sign3A_290 : vector<16xi32> -> vector<16xf32>
      %sign3A_292 = math.absf %get3A_283 : vector<16xf32>
      %sign3A_293 = arith.constant 0.000000e+00 : f32
      %sign3A_294 = vector.broadcast %sign3A_293 : f32 to vector<16xf32>
      %sign3A_295 = arith.cmpf ogt, %sign3A_292, %sign3A_294 : vector<16xf32>
      %sign3A_296 = arith.select %sign3A_295, %sign3A_291, %get3A_283 : vector<16xi1>, vector<16xf32>
      %mul3A_297 = arith.mulf %broadcast_in_dim3A_7, %sign3A_296 : vector<16xf32>
      %sub3A_298 = arith.subf %broadcast_in_dim3A_7, %mul3A_297 : vector<16xf32>
      %convert_element_type3A_299 = arith.fptosi %sub3A_298 : vector<16xf32> to vector<16xi32>
      %shift_left3A_300 = arith.constant 10 : i32
      %shift_left3A_301 = vector.broadcast %shift_left3A_300 : i32 to vector<16xi32>
      %shift_left3A_302 = arith.shli %convert_element_type3A_299, %shift_left3A_301 : vector<16xi32>
      %or3A_303 = arith.ori %or3A_279, %shift_left3A_302 : vector<16xi32>
      %get3A_304 = arith.index_cast %scan3A_43 : i32 to index
      %get3A_305 = arith.constant 176 : index
      %get3A_306 = tpu.vector_load %arg6[%get3A_304, %get3A_305] {strides = array<i32>} : memref<16x512xf32, #tpu.memory_space<vmem>>, vector<1x16xf32>,
      %get3A_307 = vector.shape_cast %get3A_306 : vector<1x16xf32> to vector<16xf32>
      %sign3A_308 = tpu.bitcast %get3A_307 : vector<16xf32> -> vector<16xi32>
      %sign3A_309 = arith.constant -2147483648 : i32
      %sign3A_310 = vector.broadcast %sign3A_309 : i32 to vector<16xi32>
      %sign3A_311 = arith.andi %sign3A_308, %sign3A_310 : vector<16xi32>
      %sign3A_312 = arith.constant 1065353216 : i32
      %sign3A_313 = vector.broadcast %sign3A_312 : i32 to vector<16xi32>
      %sign3A_314 = arith.ori %sign3A_313, %sign3A_311 : vector<16xi32>
      %sign3A_315 = tpu.bitcast %sign3A_314 : vector<16xi32> -> vector<16xf32>
      %sign3A_316 = math.absf %get3A_307 : vector<16xf32>
      %sign3A_317 = arith.constant 0.000000e+00 : f32
      %sign3A_318 = vector.broadcast %sign3A_317 : f32 to vector<16xf32>
      %sign3A_319 = arith.cmpf ogt, %sign3A_316, %sign3A_318 : vector<16xf32>
      %sign3A_320 = arith.select %sign3A_319, %sign3A_315, %get3A_307 : vector<16xi1>, vector<16xf32>
      %mul3A_321 = arith.mulf %broadcast_in_dim3A_7, %sign3A_320 : vector<16xf32>
      %sub3A_322 = arith.subf %broadcast_in_dim3A_7, %mul3A_321 : vector<16xf32>
      %convert_element_type3A_323 = arith.fptosi %sub3A_322 : vector<16xf32> to vector<16xi32>
      %shift_left3A_324 = arith.constant 11 : i32
      %shift_left3A_325 = vector.broadcast %shift_left3A_324 : i32 to vector<16xi32>
      %shift_left3A_326 = arith.shli %convert_element_type3A_323, %shift_left3A_325 : vector<16xi32>
      %or3A_327 = arith.ori %or3A_303, %shift_left3A_326 : vector<16xi32>
      %get3A_328 = arith.index_cast %scan3A_43 : i32 to index
      %get3A_329 = arith.constant 192 : index
      %get3A_330 = tpu.vector_load %arg6[%get3A_328, %get3A_329] {strides = array<i32>} : memref<16x512xf32, #tpu.memory_space<vmem>>, vector<1x16xf32>,
      %get3A_331 = vector.shape_cast %get3A_330 : vector<1x16xf32> to vector<16xf32>
      %sign3A_332 = tpu.bitcast %get3A_331 : vector<16xf32> -> vector<16xi32>
      %sign3A_333 = arith.constant -2147483648 : i32
      %sign3A_334 = vector.broadcast %sign3A_333 : i32 to vector<16xi32>
      %sign3A_335 = arith.andi %sign3A_332, %sign3A_334 : vector<16xi32>
      %sign3A_336 = arith.constant 1065353216 : i32
      %sign3A_337 = vector.broadcast %sign3A_336 : i32 to vector<16xi32>
      %sign3A_338 = arith.ori %sign3A_337, %sign3A_335 : vector<16xi32>
      %sign3A_339 = tpu.bitcast %sign3A_338 : vector<16xi32> -> vector<16xf32>
      %sign3A_340 = math.absf %get3A_331 : vector<16xf32>
      %sign3A_341 = arith.constant 0.000000e+00 : f32
      %sign3A_342 = vector.broadcast %sign3A_341 : f32 to vector<16xf32>
      %sign3A_343 = arith.cmpf ogt, %sign3A_340, %sign3A_342 : vector<16xf32>
      %sign3A_344 = arith.select %sign3A_343, %sign3A_339, %get3A_331 : vector<16xi1>, vector<16xf32>
      %mul3A_345 = arith.mulf %broadcast_in_dim3A_7, %sign3A_344 : vector<16xf32>
      %sub3A_346 = arith.subf %broadcast_in_dim3A_7, %mul3A_345 : vector<16xf32>
      %convert_element_type3A_347 = arith.fptosi %sub3A_346 : vector<16xf32> to vector<16xi32>
      %shift_left3A_348 = arith.constant 12 : i32
      %shift_left3A_349 = vector.broadcast %shift_left3A_348 : i32 to vector<16xi32>
      %shift_left3A_350 = arith.shli %convert_element_type3A_347, %shift_left3A_349 : vector<16xi32>
      %or3A_351 = arith.ori %or3A_327, %shift_left3A_350 : vector<16xi32>
      %get3A_352 = arith.index_cast %scan3A_43 : i32 to index
      %get3A_353 = arith.constant 208 : index
      %get3A_354 = tpu.vector_load %arg6[%get3A_352, %get3A_353] {strides = array<i32>} : memref<16x512xf32, #tpu.memory_space<vmem>>, vector<1x16xf32>,
      %get3A_355 = vector.shape_cast %get3A_354 : vector<1x16xf32> to vector<16xf32>
      %sign3A_356 = tpu.bitcast %get3A_355 : vector<16xf32> -> vector<16xi32>
      %sign3A_357 = arith.constant -2147483648 : i32
      %sign3A_358 = vector.broadcast %sign3A_357 : i32 to vector<16xi32>
      %sign3A_359 = arith.andi %sign3A_356, %sign3A_358 : vector<16xi32>
      %sign3A_360 = arith.constant 1065353216 : i32
      %sign3A_361 = vector.broadcast %sign3A_360 : i32 to vector<16xi32>
      %sign3A_362 = arith.ori %sign3A_361, %sign3A_359 : vector<16xi32>
      %sign3A_363 = tpu.bitcast %sign3A_362 : vector<16xi32> -> vector<16xf32>
      %sign3A_364 = math.absf %get3A_355 : vector<16xf32>
      %sign3A_365 = arith.constant 0.000000e+00 : f32
      %sign3A_366 = vector.broadcast %sign3A_365 : f32 to vector<16xf32>
      %sign3A_367 = arith.cmpf ogt, %sign3A_364, %sign3A_366 : vector<16xf32>
      %sign3A_368 = arith.select %sign3A_367, %sign3A_363, %get3A_355 : vector<16xi1>, vector<16xf32>
      %mul3A_369 = arith.mulf %broadcast_in_dim3A_7, %sign3A_368 : vector<16xf32>
      %sub3A_370 = arith.subf %broadcast_in_dim3A_7, %mul3A_369 : vector<16xf32>
      %convert_element_type3A_371 = arith.fptosi %sub3A_370 : vector<16xf32> to vector<16xi32>
      %shift_left3A_372 = arith.constant 13 : i32
      %shift_left3A_373 = vector.broadcast %shift_left3A_372 : i32 to vector<16xi32>
      %shift_left3A_374 = arith.shli %convert_element_type3A_371, %shift_left3A_373 : vector<16xi32>
      %or3A_375 = arith.ori %or3A_351, %shift_left3A_374 : vector<16xi32>
      %get3A_376 = arith.index_cast %scan3A_43 : i32 to index
      %get3A_377 = arith.constant 224 : index
      %get3A_378 = tpu.vector_load %arg6[%get3A_376, %get3A_377] {strides = array<i32>} : memref<16x512xf32, #tpu.memory_space<vmem>>, vector<1x16xf32>,
      %get3A_379 = vector.shape_cast %get3A_378 : vector<1x16xf32> to vector<16xf32>
      %sign3A_380 = tpu.bitcast %get3A_379 : vector<16xf32> -> vector<16xi32>
      %sign3A_381 = arith.constant -2147483648 : i32
      %sign3A_382 = vector.broadcast %sign3A_381 : i32 to vector<16xi32>
      %sign3A_383 = arith.andi %sign3A_380, %sign3A_382 : vector<16xi32>
      %sign3A_384 = arith.constant 1065353216 : i32
      %sign3A_385 = vector.broadcast %sign3A_384 : i32 to vector<16xi32>
      %sign3A_386 = arith.ori %sign3A_385, %sign3A_383 : vector<16xi32>
      %sign3A_387 = tpu.bitcast %sign3A_386 : vector<16xi32> -> vector<16xf32>
      %sign3A_388 = math.absf %get3A_379 : vector<16xf32>
      %sign3A_389 = arith.constant 0.000000e+00 : f32
      %sign3A_390 = vector.broadcast %sign3A_389 : f32 to vector<16xf32>
      %sign3A_391 = arith.cmpf ogt, %sign3A_388, %sign3A_390 : vector<16xf32>
      %sign3A_392 = arith.select %sign3A_391, %sign3A_387, %get3A_379 : vector<16xi1>, vector<16xf32>
      %mul3A_393 = arith.mulf %broadcast_in_dim3A_7, %sign3A_392 : vector<16xf32>
      %sub3A_394 = arith.subf %broadcast_in_dim3A_7, %mul3A_393 : vector<16xf32>
      %convert_element_type3A_395 = arith.fptosi %sub3A_394 : vector<16xf32> to vector<16xi32>
      %shift_left3A_396 = arith.constant 14 : i32
      %shift_left3A_397 = vector.broadcast %shift_left3A_396 : i32 to vector<16xi32>
      %shift_left3A_398 = arith.shli %convert_element_type3A_395, %shift_left3A_397 : vector<16xi32>
      %or3A_399 = arith.ori %or3A_375, %shift_left3A_398 : vector<16xi32>
      %get3A_400 = arith.index_cast %scan3A_43 : i32 to index
      %get3A_401 = arith.constant 240 : index
      %get3A_402 = tpu.vector_load %arg6[%get3A_400, %get3A_401] {strides = array<i32>} : memref<16x512xf32, #tpu.memory_space<vmem>>, vector<1x16xf32>,
      %get3A_403 = vector.shape_cast %get3A_402 : vector<1x16xf32> to vector<16xf32>
      %sign3A_404 = tpu.bitcast %get3A_403 : vector<16xf32> -> vector<16xi32>
      %sign3A_405 = arith.constant -2147483648 : i32
      %sign3A_406 = vector.broadcast %sign3A_405 : i32 to vector<16xi32>
      %sign3A_407 = arith.andi %sign3A_404, %sign3A_406 : vector<16xi32>
      %sign3A_408 = arith.constant 1065353216 : i32
      %sign3A_409 = vector.broadcast %sign3A_408 : i32 to vector<16xi32>
      %sign3A_410 = arith.ori %sign3A_409, %sign3A_407 : vector<16xi32>
      %sign3A_411 = tpu.bitcast %sign3A_410 : vector<16xi32> -> vector<16xf32>
      %sign3A_412 = math.absf %get3A_403 : vector<16xf32>
      %sign3A_413 = arith.constant 0.000000e+00 : f32
      %sign3A_414 = vector.broadcast %sign3A_413 : f32 to vector<16xf32>
      %sign3A_415 = arith.cmpf ogt, %sign3A_412, %sign3A_414 : vector<16xf32>
      %sign3A_416 = arith.select %sign3A_415, %sign3A_411, %get3A_403 : vector<16xi1>, vector<16xf32>
      %mul3A_417 = arith.mulf %broadcast_in_dim3A_7, %sign3A_416 : vector<16xf32>
      %sub3A_418 = arith.subf %broadcast_in_dim3A_7, %mul3A_417 : vector<16xf32>
      %convert_element_type3A_419 = arith.fptosi %sub3A_418 : vector<16xf32> to vector<16xi32>
      %shift_left3A_420 = arith.constant 15 : i32
      %shift_left3A_421 = vector.broadcast %shift_left3A_420 : i32 to vector<16xi32>
      %shift_left3A_422 = arith.shli %convert_element_type3A_419, %shift_left3A_421 : vector<16xi32>
      %or3A_423 = arith.ori %or3A_399, %shift_left3A_422 : vector<16xi32>
      %get3A_424 = arith.index_cast %scan3A_43 : i32 to index
      %get3A_425 = arith.constant 256 : index
      %get3A_426 = tpu.vector_load %arg6[%get3A_424, %get3A_425] {strides = array<i32>} : memref<16x512xf32, #tpu.memory_space<vmem>>, vector<1x16xf32>,
      %get3A_427 = vector.shape_cast %get3A_426 : vector<1x16xf32> to vector<16xf32>
      %sign3A_428 = tpu.bitcast %get3A_427 : vector<16xf32> -> vector<16xi32>
      %sign3A_429 = arith.constant -2147483648 : i32
      %sign3A_430 = vector.broadcast %sign3A_429 : i32 to vector<16xi32>
      %sign3A_431 = arith.andi %sign3A_428, %sign3A_430 : vector<16xi32>
      %sign3A_432 = arith.constant 1065353216 : i32
      %sign3A_433 = vector.broadcast %sign3A_432 : i32 to vector<16xi32>
      %sign3A_434 = arith.ori %sign3A_433, %sign3A_431 : vector<16xi32>
      %sign3A_435 = tpu.bitcast %sign3A_434 : vector<16xi32> -> vector<16xf32>
      %sign3A_436 = math.absf %get3A_427 : vector<16xf32>
      %sign3A_437 = arith.constant 0.000000e+00 : f32
      %sign3A_438 = vector.broadcast %sign3A_437 : f32 to vector<16xf32>
      %sign3A_439 = arith.cmpf ogt, %sign3A_436, %sign3A_438 : vector<16xf32>
      %sign3A_440 = arith.select %sign3A_439, %sign3A_435, %get3A_427 : vector<16xi1>, vector<16xf32>
      %mul3A_441 = arith.mulf %broadcast_in_dim3A_7, %sign3A_440 : vector<16xf32>
      %sub3A_442 = arith.subf %broadcast_in_dim3A_7, %mul3A_441 : vector<16xf32>
      %convert_element_type3A_443 = arith.fptosi %sub3A_442 : vector<16xf32> to vector<16xi32>
      %shift_left3A_444 = arith.constant 16 : i32
      %shift_left3A_445 = vector.broadcast %shift_left3A_444 : i32 to vector<16xi32>
      %shift_left3A_446 = arith.shli %convert_element_type3A_443, %shift_left3A_445 : vector<16xi32>
      %or3A_447 = arith.ori %or3A_423, %shift_left3A_446 : vector<16xi32>
      %get3A_448 = arith.index_cast %scan3A_43 : i32 to index
      %get3A_449 = arith.constant 272 : index
      %get3A_450 = tpu.vector_load %arg6[%get3A_448, %get3A_449] {strides = array<i32>} : memref<16x512xf32, #tpu.memory_space<vmem>>, vector<1x16xf32>,
      %get3A_451 = vector.shape_cast %get3A_450 : vector<1x16xf32> to vector<16xf32>
      %sign3A_452 = tpu.bitcast %get3A_451 : vector<16xf32> -> vector<16xi32>
      %sign3A_453 = arith.constant -2147483648 : i32
      %sign3A_454 = vector.broadcast %sign3A_453 : i32 to vector<16xi32>
      %sign3A_455 = arith.andi %sign3A_452, %sign3A_454 : vector<16xi32>
      %sign3A_456 = arith.constant 1065353216 : i32
      %sign3A_457 = vector.broadcast %sign3A_456 : i32 to vector<16xi32>
      %sign3A_458 = arith.ori %sign3A_457, %sign3A_455 : vector<16xi32>
      %sign3A_459 = tpu.bitcast %sign3A_458 : vector<16xi32> -> vector<16xf32>
      %sign3A_460 = math.absf %get3A_451 : vector<16xf32>
      %sign3A_461 = arith.constant 0.000000e+00 : f32
      %sign3A_462 = vector.broadcast %sign3A_461 : f32 to vector<16xf32>
      %sign3A_463 = arith.cmpf ogt, %sign3A_460, %sign3A_462 : vector<16xf32>
      %sign3A_464 = arith.select %sign3A_463, %sign3A_459, %get3A_451 : vector<16xi1>, vector<16xf32>
      %mul3A_465 = arith.mulf %broadcast_in_dim3A_7, %sign3A_464 : vector<16xf32>
      %sub3A_466 = arith.subf %broadcast_in_dim3A_7, %mul3A_465 : vector<16xf32>
      %convert_element_type3A_467 = arith.fptosi %sub3A_466 : vector<16xf32> to vector<16xi32>
      %shift_left3A_468 = arith.constant 17 : i32
      %shift_left3A_469 = vector.broadcast %shift_left3A_468 : i32 to vector<16xi32>
      %shift_left3A_470 = arith.shli %convert_element_type3A_467, %shift_left3A_469 : vector<16xi32>
      %or3A_471 = arith.ori %or3A_447, %shift_left3A_470 : vector<16xi32>
      %get3A_472 = arith.index_cast %scan3A_43 : i32 to index
      %get3A_473 = arith.constant 288 : index
      %get3A_474 = tpu.vector_load %arg6[%get3A_472, %get3A_473] {strides = array<i32>} : memref<16x512xf32, #tpu.memory_space<vmem>>, vector<1x16xf32>,
      %get3A_475 = vector.shape_cast %get3A_474 : vector<1x16xf32> to vector<16xf32>
      %sign3A_476 = tpu.bitcast %get3A_475 : vector<16xf32> -> vector<16xi32>
      %sign3A_477 = arith.constant -2147483648 : i32
      %sign3A_478 = vector.broadcast %sign3A_477 : i32 to vector<16xi32>
      %sign3A_479 = arith.andi %sign3A_476, %sign3A_478 : vector<16xi32>
      %sign3A_480 = arith.constant 1065353216 : i32
      %sign3A_481 = vector.broadcast %sign3A_480 : i32 to vector<16xi32>
      %sign3A_482 = arith.ori %sign3A_481, %sign3A_479 : vector<16xi32>
      %sign3A_483 = tpu.bitcast %sign3A_482 : vector<16xi32> -> vector<16xf32>
      %sign3A_484 = math.absf %get3A_475 : vector<16xf32>
      %sign3A_485 = arith.constant 0.000000e+00 : f32
      %sign3A_486 = vector.broadcast %sign3A_485 : f32 to vector<16xf32>
      %sign3A_487 = arith.cmpf ogt, %sign3A_484, %sign3A_486 : vector<16xf32>
      %sign3A_488 = arith.select %sign3A_487, %sign3A_483, %get3A_475 : vector<16xi1>, vector<16xf32>
      %mul3A_489 = arith.mulf %broadcast_in_dim3A_7, %sign3A_488 : vector<16xf32>
      %sub3A_490 = arith.subf %broadcast_in_dim3A_7, %mul3A_489 : vector<16xf32>
      %convert_element_type3A_491 = arith.fptosi %sub3A_490 : vector<16xf32> to vector<16xi32>
      %shift_left3A_492 = arith.constant 18 : i32
      %shift_left3A_493 = vector.broadcast %shift_left3A_492 : i32 to vector<16xi32>
      %shift_left3A_494 = arith.shli %convert_element_type3A_491, %shift_left3A_493 : vector<16xi32>
      %or3A_495 = arith.ori %or3A_471, %shift_left3A_494 : vector<16xi32>
      %get3A_496 = arith.index_cast %scan3A_43 : i32 to index
      %get3A_497 = arith.constant 304 : index
      %get3A_498 = tpu.vector_load %arg6[%get3A_496, %get3A_497] {strides = array<i32>} : memref<16x512xf32, #tpu.memory_space<vmem>>, vector<1x16xf32>,
      %get3A_499 = vector.shape_cast %get3A_498 : vector<1x16xf32> to vector<16xf32>
      %sign3A_500 = tpu.bitcast %get3A_499 : vector<16xf32> -> vector<16xi32>
      %sign3A_501 = arith.constant -2147483648 : i32
      %sign3A_502 = vector.broadcast %sign3A_501 : i32 to vector<16xi32>
      %sign3A_503 = arith.andi %sign3A_500, %sign3A_502 : vector<16xi32>
      %sign3A_504 = arith.constant 1065353216 : i32
      %sign3A_505 = vector.broadcast %sign3A_504 : i32 to vector<16xi32>
      %sign3A_506 = arith.ori %sign3A_505, %sign3A_503 : vector<16xi32>
      %sign3A_507 = tpu.bitcast %sign3A_506 : vector<16xi32> -> vector<16xf32>
      %sign3A_508 = math.absf %get3A_499 : vector<16xf32>
      %sign3A_509 = arith.constant 0.000000e+00 : f32
      %sign3A_510 = vector.broadcast %sign3A_509 : f32 to vector<16xf32>
      %sign3A_511 = arith.cmpf ogt, %sign3A_508, %sign3A_510 : vector<16xf32>
      %sign3A_512 = arith.select %sign3A_511, %sign3A_507, %get3A_499 : vector<16xi1>, vector<16xf32>
      %mul3A_513 = arith.mulf %broadcast_in_dim3A_7, %sign3A_512 : vector<16xf32>
      %sub3A_514 = arith.subf %broadcast_in_dim3A_7, %mul3A_513 : vector<16xf32>
      %convert_element_type3A_515 = arith.fptosi %sub3A_514 : vector<16xf32> to vector<16xi32>
      %shift_left3A_516 = arith.constant 19 : i32
      %shift_left3A_517 = vector.broadcast %shift_left3A_516 : i32 to vector<16xi32>
      %shift_left3A_518 = arith.shli %convert_element_type3A_515, %shift_left3A_517 : vector<16xi32>
      %or3A_519 = arith.ori %or3A_495, %shift_left3A_518 : vector<16xi32>
      %get3A_520 = arith.index_cast %scan3A_43 : i32 to index
      %get3A_521 = arith.constant 320 : index
      %get3A_522 = tpu.vector_load %arg6[%get3A_520, %get3A_521] {strides = array<i32>} : memref<16x512xf32, #tpu.memory_space<vmem>>, vector<1x16xf32>,
      %get3A_523 = vector.shape_cast %get3A_522 : vector<1x16xf32> to vector<16xf32>
      %sign3A_524 = tpu.bitcast %get3A_523 : vector<16xf32> -> vector<16xi32>
      %sign3A_525 = arith.constant -2147483648 : i32
      %sign3A_526 = vector.broadcast %sign3A_525 : i32 to vector<16xi32>
      %sign3A_527 = arith.andi %sign3A_524, %sign3A_526 : vector<16xi32>
      %sign3A_528 = arith.constant 1065353216 : i32
      %sign3A_529 = vector.broadcast %sign3A_528 : i32 to vector<16xi32>
      %sign3A_530 = arith.ori %sign3A_529, %sign3A_527 : vector<16xi32>
      %sign3A_531 = tpu.bitcast %sign3A_530 : vector<16xi32> -> vector<16xf32>
      %sign3A_532 = math.absf %get3A_523 : vector<16xf32>
      %sign3A_533 = arith.constant 0.000000e+00 : f32
      %sign3A_534 = vector.broadcast %sign3A_533 : f32 to vector<16xf32>
      %sign3A_535 = arith.cmpf ogt, %sign3A_532, %sign3A_534 : vector<16xf32>
      %sign3A_536 = arith.select %sign3A_535, %sign3A_531, %get3A_523 : vector<16xi1>, vector<16xf32>
      %mul3A_537 = arith.mulf %broadcast_in_dim3A_7, %sign3A_536 : vector<16xf32>
      %sub3A_538 = arith.subf %broadcast_in_dim3A_7, %mul3A_537 : vector<16xf32>
      %convert_element_type3A_539 = arith.fptosi %sub3A_538 : vector<16xf32> to vector<16xi32>
      %shift_left3A_540 = arith.constant 20 : i32
      %shift_left3A_541 = vector.broadcast %shift_left3A_540 : i32 to vector<16xi32>
      %shift_left3A_542 = arith.shli %convert_element_type3A_539, %shift_left3A_541 : vector<16xi32>
      %or3A_543 = arith.ori %or3A_519, %shift_left3A_542 : vector<16xi32>
      %get3A_544 = arith.index_cast %scan3A_43 : i32 to index
      %get3A_545 = arith.constant 336 : index
      %get3A_546 = tpu.vector_load %arg6[%get3A_544, %get3A_545] {strides = array<i32>} : memref<16x512xf32, #tpu.memory_space<vmem>>, vector<1x16xf32>,
      %get3A_547 = vector.shape_cast %get3A_546 : vector<1x16xf32> to vector<16xf32>
      %sign3A_548 = tpu.bitcast %get3A_547 : vector<16xf32> -> vector<16xi32>
      %sign3A_549 = arith.constant -2147483648 : i32
      %sign3A_550 = vector.broadcast %sign3A_549 : i32 to vector<16xi32>
      %sign3A_551 = arith.andi %sign3A_548, %sign3A_550 : vector<16xi32>
      %sign3A_552 = arith.constant 1065353216 : i32
      %sign3A_553 = vector.broadcast %sign3A_552 : i32 to vector<16xi32>
      %sign3A_554 = arith.ori %sign3A_553, %sign3A_551 : vector<16xi32>
      %sign3A_555 = tpu.bitcast %sign3A_554 : vector<16xi32> -> vector<16xf32>
      %sign3A_556 = math.absf %get3A_547 : vector<16xf32>
      %sign3A_557 = arith.constant 0.000000e+00 : f32
      %sign3A_558 = vector.broadcast %sign3A_557 : f32 to vector<16xf32>
      %sign3A_559 = arith.cmpf ogt, %sign3A_556, %sign3A_558 : vector<16xf32>
      %sign3A_560 = arith.select %sign3A_559, %sign3A_555, %get3A_547 : vector<16xi1>, vector<16xf32>
      %mul3A_561 = arith.mulf %broadcast_in_dim3A_7, %sign3A_560 : vector<16xf32>
      %sub3A_562 = arith.subf %broadcast_in_dim3A_7, %mul3A_561 : vector<16xf32>
      %convert_element_type3A_563 = arith.fptosi %sub3A_562 : vector<16xf32> to vector<16xi32>
      %shift_left3A_564 = arith.constant 21 : i32
      %shift_left3A_565 = vector.broadcast %shift_left3A_564 : i32 to vector<16xi32>
      %shift_left3A_566 = arith.shli %convert_element_type3A_563, %shift_left3A_565 : vector<16xi32>
      %or3A_567 = arith.ori %or3A_543, %shift_left3A_566 : vector<16xi32>
      %get3A_568 = arith.index_cast %scan3A_43 : i32 to index
      %get3A_569 = arith.constant 352 : index
      %get3A_570 = tpu.vector_load %arg6[%get3A_568, %get3A_569] {strides = array<i32>} : memref<16x512xf32, #tpu.memory_space<vmem>>, vector<1x16xf32>,
      %get3A_571 = vector.shape_cast %get3A_570 : vector<1x16xf32> to vector<16xf32>
      %sign3A_572 = tpu.bitcast %get3A_571 : vector<16xf32> -> vector<16xi32>
      %sign3A_573 = arith.constant -2147483648 : i32
      %sign3A_574 = vector.broadcast %sign3A_573 : i32 to vector<16xi32>
      %sign3A_575 = arith.andi %sign3A_572, %sign3A_574 : vector<16xi32>
      %sign3A_576 = arith.constant 1065353216 : i32
      %sign3A_577 = vector.broadcast %sign3A_576 : i32 to vector<16xi32>
      %sign3A_578 = arith.ori %sign3A_577, %sign3A_575 : vector<16xi32>
      %sign3A_579 = tpu.bitcast %sign3A_578 : vector<16xi32> -> vector<16xf32>
      %sign3A_580 = math.absf %get3A_571 : vector<16xf32>
      %sign3A_581 = arith.constant 0.000000e+00 : f32
      %sign3A_582 = vector.broadcast %sign3A_581 : f32 to vector<16xf32>
      %sign3A_583 = arith.cmpf ogt, %sign3A_580, %sign3A_582 : vector<16xf32>
      %sign3A_584 = arith.select %sign3A_583, %sign3A_579, %get3A_571 : vector<16xi1>, vector<16xf32>
      %mul3A_585 = arith.mulf %broadcast_in_dim3A_7, %sign3A_584 : vector<16xf32>
      %sub3A_586 = arith.subf %broadcast_in_dim3A_7, %mul3A_585 : vector<16xf32>
      %convert_element_type3A_587 = arith.fptosi %sub3A_586 : vector<16xf32> to vector<16xi32>
      %shift_left3A_588 = arith.constant 22 : i32
      %shift_left3A_589 = vector.broadcast %shift_left3A_588 : i32 to vector<16xi32>
      %shift_left3A_590 = arith.shli %convert_element_type3A_587, %shift_left3A_589 : vector<16xi32>
      %or3A_591 = arith.ori %or3A_567, %shift_left3A_590 : vector<16xi32>
      %get3A_592 = arith.index_cast %scan3A_43 : i32 to index
      %get3A_593 = arith.constant 368 : index
      %get3A_594 = tpu.vector_load %arg6[%get3A_592, %get3A_593] {strides = array<i32>} : memref<16x512xf32, #tpu.memory_space<vmem>>, vector<1x16xf32>,
      %get3A_595 = vector.shape_cast %get3A_594 : vector<1x16xf32> to vector<16xf32>
      %sign3A_596 = tpu.bitcast %get3A_595 : vector<16xf32> -> vector<16xi32>
      %sign3A_597 = arith.constant -2147483648 : i32
      %sign3A_598 = vector.broadcast %sign3A_597 : i32 to vector<16xi32>
      %sign3A_599 = arith.andi %sign3A_596, %sign3A_598 : vector<16xi32>
      %sign3A_600 = arith.constant 1065353216 : i32
      %sign3A_601 = vector.broadcast %sign3A_600 : i32 to vector<16xi32>
      %sign3A_602 = arith.ori %sign3A_601, %sign3A_599 : vector<16xi32>
      %sign3A_603 = tpu.bitcast %sign3A_602 : vector<16xi32> -> vector<16xf32>
      %sign3A_604 = math.absf %get3A_595 : vector<16xf32>
      %sign3A_605 = arith.constant 0.000000e+00 : f32
      %sign3A_606 = vector.broadcast %sign3A_605 : f32 to vector<16xf32>
      %sign3A_607 = arith.cmpf ogt, %sign3A_604, %sign3A_606 : vector<16xf32>
      %sign3A_608 = arith.select %sign3A_607, %sign3A_603, %get3A_595 : vector<16xi1>, vector<16xf32>
      %mul3A_609 = arith.mulf %broadcast_in_dim3A_7, %sign3A_608 : vector<16xf32>
      %sub3A_610 = arith.subf %broadcast_in_dim3A_7, %mul3A_609 : vector<16xf32>
      %convert_element_type3A_611 = arith.fptosi %sub3A_610 : vector<16xf32> to vector<16xi32>
      %shift_left3A_612 = arith.constant 23 : i32
      %shift_left3A_613 = vector.broadcast %shift_left3A_612 : i32 to vector<16xi32>
      %shift_left3A_614 = arith.shli %convert_element_type3A_611, %shift_left3A_613 : vector<16xi32>
      %or3A_615 = arith.ori %or3A_591, %shift_left3A_614 : vector<16xi32>
      %get3A_616 = arith.index_cast %scan3A_43 : i32 to index
      %get3A_617 = arith.constant 384 : index
      %get3A_618 = tpu.vector_load %arg6[%get3A_616, %get3A_617] {strides = array<i32>} : memref<16x512xf32, #tpu.memory_space<vmem>>, vector<1x16xf32>,
      %get3A_619 = vector.shape_cast %get3A_618 : vector<1x16xf32> to vector<16xf32>
      %sign3A_620 = tpu.bitcast %get3A_619 : vector<16xf32> -> vector<16xi32>
      %sign3A_621 = arith.constant -2147483648 : i32
      %sign3A_622 = vector.broadcast %sign3A_621 : i32 to vector<16xi32>
      %sign3A_623 = arith.andi %sign3A_620, %sign3A_622 : vector<16xi32>
      %sign3A_624 = arith.constant 1065353216 : i32
      %sign3A_625 = vector.broadcast %sign3A_624 : i32 to vector<16xi32>
      %sign3A_626 = arith.ori %sign3A_625, %sign3A_623 : vector<16xi32>
      %sign3A_627 = tpu.bitcast %sign3A_626 : vector<16xi32> -> vector<16xf32>
      %sign3A_628 = math.absf %get3A_619 : vector<16xf32>
      %sign3A_629 = arith.constant 0.000000e+00 : f32
      %sign3A_630 = vector.broadcast %sign3A_629 : f32 to vector<16xf32>
      %sign3A_631 = arith.cmpf ogt, %sign3A_628, %sign3A_630 : vector<16xf32>
      %sign3A_632 = arith.select %sign3A_631, %sign3A_627, %get3A_619 : vector<16xi1>, vector<16xf32>
      %mul3A_633 = arith.mulf %broadcast_in_dim3A_7, %sign3A_632 : vector<16xf32>
      %sub3A_634 = arith.subf %broadcast_in_dim3A_7, %mul3A_633 : vector<16xf32>
      %convert_element_type3A_635 = arith.fptosi %sub3A_634 : vector<16xf32> to vector<16xi32>
      %shift_left3A_636 = arith.constant 24 : i32
      %shift_left3A_637 = vector.broadcast %shift_left3A_636 : i32 to vector<16xi32>
      %shift_left3A_638 = arith.shli %convert_element_type3A_635, %shift_left3A_637 : vector<16xi32>
      %or3A_639 = arith.ori %or3A_615, %shift_left3A_638 : vector<16xi32>
      %get3A_640 = arith.index_cast %scan3A_43 : i32 to index
      %get3A_641 = arith.constant 400 : index
      %get3A_642 = tpu.vector_load %arg6[%get3A_640, %get3A_641] {strides = array<i32>} : memref<16x512xf32, #tpu.memory_space<vmem>>, vector<1x16xf32>,
      %get3A_643 = vector.shape_cast %get3A_642 : vector<1x16xf32> to vector<16xf32>
      %sign3A_644 = tpu.bitcast %get3A_643 : vector<16xf32> -> vector<16xi32>
      %sign3A_645 = arith.constant -2147483648 : i32
      %sign3A_646 = vector.broadcast %sign3A_645 : i32 to vector<16xi32>
      %sign3A_647 = arith.andi %sign3A_644, %sign3A_646 : vector<16xi32>
      %sign3A_648 = arith.constant 1065353216 : i32
      %sign3A_649 = vector.broadcast %sign3A_648 : i32 to vector<16xi32>
      %sign3A_650 = arith.ori %sign3A_649, %sign3A_647 : vector<16xi32>
      %sign3A_651 = tpu.bitcast %sign3A_650 : vector<16xi32> -> vector<16xf32>
      %sign3A_652 = math.absf %get3A_643 : vector<16xf32>
      %sign3A_653 = arith.constant 0.000000e+00 : f32
      %sign3A_654 = vector.broadcast %sign3A_653 : f32 to vector<16xf32>
      %sign3A_655 = arith.cmpf ogt, %sign3A_652, %sign3A_654 : vector<16xf32>
      %sign3A_656 = arith.select %sign3A_655, %sign3A_651, %get3A_643 : vector<16xi1>, vector<16xf32>
      %mul3A_657 = arith.mulf %broadcast_in_dim3A_7, %sign3A_656 : vector<16xf32>
      %sub3A_658 = arith.subf %broadcast_in_dim3A_7, %mul3A_657 : vector<16xf32>
      %convert_element_type3A_659 = arith.fptosi %sub3A_658 : vector<16xf32> to vector<16xi32>
      %shift_left3A_660 = arith.constant 25 : i32
      %shift_left3A_661 = vector.broadcast %shift_left3A_660 : i32 to vector<16xi32>
      %shift_left3A_662 = arith.shli %convert_element_type3A_659, %shift_left3A_661 : vector<16xi32>
      %or3A_663 = arith.ori %or3A_639, %shift_left3A_662 : vector<16xi32>
      %get3A_664 = arith.index_cast %scan3A_43 : i32 to index
      %get3A_665 = arith.constant 416 : index
      %get3A_666 = tpu.vector_load %arg6[%get3A_664, %get3A_665] {strides = array<i32>} : memref<16x512xf32, #tpu.memory_space<vmem>>, vector<1x16xf32>,
      %get3A_667 = vector.shape_cast %get3A_666 : vector<1x16xf32> to vector<16xf32>
      %sign3A_668 = tpu.bitcast %get3A_667 : vector<16xf32> -> vector<16xi32>
      %sign3A_669 = arith.constant -2147483648 : i32
      %sign3A_670 = vector.broadcast %sign3A_669 : i32 to vector<16xi32>
      %sign3A_671 = arith.andi %sign3A_668, %sign3A_670 : vector<16xi32>
      %sign3A_672 = arith.constant 1065353216 : i32
      %sign3A_673 = vector.broadcast %sign3A_672 : i32 to vector<16xi32>
      %sign3A_674 = arith.ori %sign3A_673, %sign3A_671 : vector<16xi32>
      %sign3A_675 = tpu.bitcast %sign3A_674 : vector<16xi32> -> vector<16xf32>
      %sign3A_676 = math.absf %get3A_667 : vector<16xf32>
      %sign3A_677 = arith.constant 0.000000e+00 : f32
      %sign3A_678 = vector.broadcast %sign3A_677 : f32 to vector<16xf32>
      %sign3A_679 = arith.cmpf ogt, %sign3A_676, %sign3A_678 : vector<16xf32>
      %sign3A_680 = arith.select %sign3A_679, %sign3A_675, %get3A_667 : vector<16xi1>, vector<16xf32>
      %mul3A_681 = arith.mulf %broadcast_in_dim3A_7, %sign3A_680 : vector<16xf32>
      %sub3A_682 = arith.subf %broadcast_in_dim3A_7, %mul3A_681 : vector<16xf32>
      %convert_element_type3A_683 = arith.fptosi %sub3A_682 : vector<16xf32> to vector<16xi32>
      %shift_left3A_684 = arith.constant 26 : i32
      %shift_left3A_685 = vector.broadcast %shift_left3A_684 : i32 to vector<16xi32>
      %shift_left3A_686 = arith.shli %convert_element_type3A_683, %shift_left3A_685 : vector<16xi32>
      %or3A_687 = arith.ori %or3A_663, %shift_left3A_686 : vector<16xi32>
      %get3A_688 = arith.index_cast %scan3A_43 : i32 to index
      %get3A_689 = arith.constant 432 : index
      %get3A_690 = tpu.vector_load %arg6[%get3A_688, %get3A_689] {strides = array<i32>} : memref<16x512xf32, #tpu.memory_space<vmem>>, vector<1x16xf32>,
      %get3A_691 = vector.shape_cast %get3A_690 : vector<1x16xf32> to vector<16xf32>
      %sign3A_692 = tpu.bitcast %get3A_691 : vector<16xf32> -> vector<16xi32>
      %sign3A_693 = arith.constant -2147483648 : i32
      %sign3A_694 = vector.broadcast %sign3A_693 : i32 to vector<16xi32>
      %sign3A_695 = arith.andi %sign3A_692, %sign3A_694 : vector<16xi32>
      %sign3A_696 = arith.constant 1065353216 : i32
      %sign3A_697 = vector.broadcast %sign3A_696 : i32 to vector<16xi32>
      %sign3A_698 = arith.ori %sign3A_697, %sign3A_695 : vector<16xi32>
      %sign3A_699 = tpu.bitcast %sign3A_698 : vector<16xi32> -> vector<16xf32>
      %sign3A_700 = math.absf %get3A_691 : vector<16xf32>
      %sign3A_701 = arith.constant 0.000000e+00 : f32
      %sign3A_702 = vector.broadcast %sign3A_701 : f32 to vector<16xf32>
      %sign3A_703 = arith.cmpf ogt, %sign3A_700, %sign3A_702 : vector<16xf32>
      %sign3A_704 = arith.select %sign3A_703, %sign3A_699, %get3A_691 : vector<16xi1>, vector<16xf32>
      %mul3A_705 = arith.mulf %broadcast_in_dim3A_7, %sign3A_704 : vector<16xf32>
      %sub3A_706 = arith.subf %broadcast_in_dim3A_7, %mul3A_705 : vector<16xf32>
      %convert_element_type3A_707 = arith.fptosi %sub3A_706 : vector<16xf32> to vector<16xi32>
      %shift_left3A_708 = arith.constant 27 : i32
      %shift_left3A_709 = vector.broadcast %shift_left3A_708 : i32 to vector<16xi32>
      %shift_left3A_710 = arith.shli %convert_element_type3A_707, %shift_left3A_709 : vector<16xi32>
      %or3A_711 = arith.ori %or3A_687, %shift_left3A_710 : vector<16xi32>
      %get3A_712 = arith.index_cast %scan3A_43 : i32 to index
      %get3A_713 = arith.constant 448 : index
      %get3A_714 = tpu.vector_load %arg6[%get3A_712, %get3A_713] {strides = array<i32>} : memref<16x512xf32, #tpu.memory_space<vmem>>, vector<1x16xf32>,
      %get3A_715 = vector.shape_cast %get3A_714 : vector<1x16xf32> to vector<16xf32>
      %sign3A_716 = tpu.bitcast %get3A_715 : vector<16xf32> -> vector<16xi32>
      %sign3A_717 = arith.constant -2147483648 : i32
      %sign3A_718 = vector.broadcast %sign3A_717 : i32 to vector<16xi32>
      %sign3A_719 = arith.andi %sign3A_716, %sign3A_718 : vector<16xi32>
      %sign3A_720 = arith.constant 1065353216 : i32
      %sign3A_721 = vector.broadcast %sign3A_720 : i32 to vector<16xi32>
      %sign3A_722 = arith.ori %sign3A_721, %sign3A_719 : vector<16xi32>
      %sign3A_723 = tpu.bitcast %sign3A_722 : vector<16xi32> -> vector<16xf32>
      %sign3A_724 = math.absf %get3A_715 : vector<16xf32>
      %sign3A_725 = arith.constant 0.000000e+00 : f32
      %sign3A_726 = vector.broadcast %sign3A_725 : f32 to vector<16xf32>
      %sign3A_727 = arith.cmpf ogt, %sign3A_724, %sign3A_726 : vector<16xf32>
      %sign3A_728 = arith.select %sign3A_727, %sign3A_723, %get3A_715 : vector<16xi1>, vector<16xf32>
      %mul3A_729 = arith.mulf %broadcast_in_dim3A_7, %sign3A_728 : vector<16xf32>
      %sub3A_730 = arith.subf %broadcast_in_dim3A_7, %mul3A_729 : vector<16xf32>
      %convert_element_type3A_731 = arith.fptosi %sub3A_730 : vector<16xf32> to vector<16xi32>
      %shift_left3A_732 = arith.constant 28 : i32
      %shift_left3A_733 = vector.broadcast %shift_left3A_732 : i32 to vector<16xi32>
      %shift_left3A_734 = arith.shli %convert_element_type3A_731, %shift_left3A_733 : vector<16xi32>
      %or3A_735 = arith.ori %or3A_711, %shift_left3A_734 : vector<16xi32>
      %get3A_736 = arith.index_cast %scan3A_43 : i32 to index
      %get3A_737 = arith.constant 464 : index
      %get3A_738 = tpu.vector_load %arg6[%get3A_736, %get3A_737] {strides = array<i32>} : memref<16x512xf32, #tpu.memory_space<vmem>>, vector<1x16xf32>,
      %get3A_739 = vector.shape_cast %get3A_738 : vector<1x16xf32> to vector<16xf32>
      %sign3A_740 = tpu.bitcast %get3A_739 : vector<16xf32> -> vector<16xi32>
      %sign3A_741 = arith.constant -2147483648 : i32
      %sign3A_742 = vector.broadcast %sign3A_741 : i32 to vector<16xi32>
      %sign3A_743 = arith.andi %sign3A_740, %sign3A_742 : vector<16xi32>
      %sign3A_744 = arith.constant 1065353216 : i32
      %sign3A_745 = vector.broadcast %sign3A_744 : i32 to vector<16xi32>
      %sign3A_746 = arith.ori %sign3A_745, %sign3A_743 : vector<16xi32>
      %sign3A_747 = tpu.bitcast %sign3A_746 : vector<16xi32> -> vector<16xf32>
      %sign3A_748 = math.absf %get3A_739 : vector<16xf32>
      %sign3A_749 = arith.constant 0.000000e+00 : f32
      %sign3A_750 = vector.broadcast %sign3A_749 : f32 to vector<16xf32>
      %sign3A_751 = arith.cmpf ogt, %sign3A_748, %sign3A_750 : vector<16xf32>
      %sign3A_752 = arith.select %sign3A_751, %sign3A_747, %get3A_739 : vector<16xi1>, vector<16xf32>
      %mul3A_753 = arith.mulf %broadcast_in_dim3A_7, %sign3A_752 : vector<16xf32>
      %sub3A_754 = arith.subf %broadcast_in_dim3A_7, %mul3A_753 : vector<16xf32>
      %convert_element_type3A_755 = arith.fptosi %sub3A_754 : vector<16xf32> to vector<16xi32>
      %shift_left3A_756 = arith.constant 29 : i32
      %shift_left3A_757 = vector.broadcast %shift_left3A_756 : i32 to vector<16xi32>
      %shift_left3A_758 = arith.shli %convert_element_type3A_755, %shift_left3A_757 : vector<16xi32>
      %or3A_759 = arith.ori %or3A_735, %shift_left3A_758 : vector<16xi32>
      %get3A_760 = arith.index_cast %scan3A_43 : i32 to index
      %get3A_761 = arith.constant 480 : index
      %get3A_762 = tpu.vector_load %arg6[%get3A_760, %get3A_761] {strides = array<i32>} : memref<16x512xf32, #tpu.memory_space<vmem>>, vector<1x16xf32>,
      %get3A_763 = vector.shape_cast %get3A_762 : vector<1x16xf32> to vector<16xf32>
      %sign3A_764 = tpu.bitcast %get3A_763 : vector<16xf32> -> vector<16xi32>
      %sign3A_765 = arith.constant -2147483648 : i32
      %sign3A_766 = vector.broadcast %sign3A_765 : i32 to vector<16xi32>
      %sign3A_767 = arith.andi %sign3A_764, %sign3A_766 : vector<16xi32>
      %sign3A_768 = arith.constant 1065353216 : i32
      %sign3A_769 = vector.broadcast %sign3A_768 : i32 to vector<16xi32>
      %sign3A_770 = arith.ori %sign3A_769, %sign3A_767 : vector<16xi32>
      %sign3A_771 = tpu.bitcast %sign3A_770 : vector<16xi32> -> vector<16xf32>
      %sign3A_772 = math.absf %get3A_763 : vector<16xf32>
      %sign3A_773 = arith.constant 0.000000e+00 : f32
      %sign3A_774 = vector.broadcast %sign3A_773 : f32 to vector<16xf32>
      %sign3A_775 = arith.cmpf ogt, %sign3A_772, %sign3A_774 : vector<16xf32>
      %sign3A_776 = arith.select %sign3A_775, %sign3A_771, %get3A_763 : vector<16xi1>, vector<16xf32>
      %mul3A_777 = arith.mulf %broadcast_in_dim3A_7, %sign3A_776 : vector<16xf32>
      %sub3A_778 = arith.subf %broadcast_in_dim3A_7, %mul3A_777 : vector<16xf32>
      %convert_element_type3A_779 = arith.fptosi %sub3A_778 : vector<16xf32> to vector<16xi32>
      %shift_left3A_780 = arith.constant 30 : i32
      %shift_left3A_781 = vector.broadcast %shift_left3A_780 : i32 to vector<16xi32>
      %shift_left3A_782 = arith.shli %convert_element_type3A_779, %shift_left3A_781 : vector<16xi32>
      %or3A_783 = arith.ori %or3A_759, %shift_left3A_782 : vector<16xi32>
      %get3A_784 = arith.index_cast %scan3A_43 : i32 to index
      %get3A_785 = arith.constant 496 : index
      %get3A_786 = tpu.vector_load %arg6[%get3A_784, %get3A_785] {strides = array<i32>} : memref<16x512xf32, #tpu.memory_space<vmem>>, vector<1x16xf32>,
      %get3A_787 = vector.shape_cast %get3A_786 : vector<1x16xf32> to vector<16xf32>
      %sign3A_788 = tpu.bitcast %get3A_787 : vector<16xf32> -> vector<16xi32>
      %sign3A_789 = arith.constant -2147483648 : i32
      %sign3A_790 = vector.broadcast %sign3A_789 : i32 to vector<16xi32>
      %sign3A_791 = arith.andi %sign3A_788, %sign3A_790 : vector<16xi32>
      %sign3A_792 = arith.constant 1065353216 : i32
      %sign3A_793 = vector.broadcast %sign3A_792 : i32 to vector<16xi32>
      %sign3A_794 = arith.ori %sign3A_793, %sign3A_791 : vector<16xi32>
      %sign3A_795 = tpu.bitcast %sign3A_794 : vector<16xi32> -> vector<16xf32>
      %sign3A_796 = math.absf %get3A_787 : vector<16xf32>
      %sign3A_797 = arith.constant 0.000000e+00 : f32
      %sign3A_798 = vector.broadcast %sign3A_797 : f32 to vector<16xf32>
      %sign3A_799 = arith.cmpf ogt, %sign3A_796, %sign3A_798 : vector<16xf32>
      %sign3A_800 = arith.select %sign3A_799, %sign3A_795, %get3A_787 : vector<16xi1>, vector<16xf32>
      %mul3A_801 = arith.mulf %broadcast_in_dim3A_7, %sign3A_800 : vector<16xf32>
      %sub3A_802 = arith.subf %broadcast_in_dim3A_7, %mul3A_801 : vector<16xf32>
      %convert_element_type3A_803 = arith.fptosi %sub3A_802 : vector<16xf32> to vector<16xi32>
      %shift_left3A_804 = arith.constant 31 : i32
      %shift_left3A_805 = vector.broadcast %shift_left3A_804 : i32 to vector<16xi32>
      %shift_left3A_806 = arith.shli %convert_element_type3A_803, %shift_left3A_805 : vector<16xi32>
      %or3A_807 = arith.ori %or3A_783, %shift_left3A_806 : vector<16xi32>
      %mul3A_808 = arith.constant 16 : i32
      %mul3A_809 = arith.muli %scan3A_43, %mul3A_808 : i32
      %multiple_of3A_810 = tpu.assume_multiple %mul3A_809, 16 : i32
      %swap3A = arith.index_cast %multiple_of3A_810 : i32 to index
      %swap3A_811 = tpu.vector_load %arg11[%swap3A] {strides = array<i32>} : memref<256xi32, #tpu.memory_space<vmem>>, vector<16xi32>,
      %swap3A_812 = vector.shape_cast %swap3A_811 : vector<16xi32> to vector<16xi32>
      %swap3A_813 = vector.shape_cast %or3A_807 : vector<16xi32> to vector<16xi32>
      tpu.vector_store %arg11[%swap3A], %swap3A_813 {strides = array<i32>} : memref<256xi32, #tpu.memory_space<vmem>>, vector<16xi32>,
    }
    %scan3A_12 = arith.constant 16 : i32
    %scan3A_13 = arith.constant 0 : i32
    %scan3A_14 = arith.constant 0 : i32
    %scan3A_15 = arith.constant 32 : i32
    %scan3A_16 = arith.addi %scan3A_14, %scan3A_15 : i32
    %scan3A_17 = arith.constant 1 : i32
    scf.for %scan3A_43 = %scan3A_14 to %scan3A_16 step %scan3A_17  : i32 {
      %broadcast_in_dim3A_44 = arith.constant 0 : i32
      %broadcast_in_dim3A_45 = vector.broadcast %broadcast_in_dim3A_44 : i32 to vector<16xi32>
      %get3A = arith.index_cast %scan3A_43 : i32 to index
      %get3A_46 = arith.constant 0 : index
      %get3A_47 = tpu.vector_load %arg7[%get3A, %get3A_46] {strides = array<i32>} : memref<32x512xf32, #tpu.memory_space<vmem>>, vector<1x16xf32>,
      %get3A_48 = vector.shape_cast %get3A_47 : vector<1x16xf32> to vector<16xf32>
      %sign3A = tpu.bitcast %get3A_48 : vector<16xf32> -> vector<16xi32>
      %sign3A_49 = arith.constant -2147483648 : i32
      %sign3A_50 = vector.broadcast %sign3A_49 : i32 to vector<16xi32>
      %sign3A_51 = arith.andi %sign3A, %sign3A_50 : vector<16xi32>
      %sign3A_52 = arith.constant 1065353216 : i32
      %sign3A_53 = vector.broadcast %sign3A_52 : i32 to vector<16xi32>
      %sign3A_54 = arith.ori %sign3A_53, %sign3A_51 : vector<16xi32>
      %sign3A_55 = tpu.bitcast %sign3A_54 : vector<16xi32> -> vector<16xf32>
      %sign3A_56 = math.absf %get3A_48 : vector<16xf32>
      %sign3A_57 = arith.constant 0.000000e+00 : f32
      %sign3A_58 = vector.broadcast %sign3A_57 : f32 to vector<16xf32>
      %sign3A_59 = arith.cmpf ogt, %sign3A_56, %sign3A_58 : vector<16xf32>
      %sign3A_60 = arith.select %sign3A_59, %sign3A_55, %get3A_48 : vector<16xi1>, vector<16xf32>
      %mul3A_61 = arith.mulf %broadcast_in_dim3A_7, %sign3A_60 : vector<16xf32>
      %add3A_62 = arith.addf %broadcast_in_dim3A_7, %mul3A_61 : vector<16xf32>
      %convert_element_type3A = arith.fptosi %add3A_62 : vector<16xf32> to vector<16xi32>
      %shift_left3A = arith.constant 0 : i32
      %shift_left3A_63 = vector.broadcast %shift_left3A : i32 to vector<16xi32>
      %shift_left3A_64 = arith.shli %convert_element_type3A, %shift_left3A_63 : vector<16xi32>
      %or3A = arith.ori %broadcast_in_dim3A_45, %shift_left3A_64 : vector<16xi32>
      %get3A_65 = arith.index_cast %scan3A_43 : i32 to index
      %get3A_66 = arith.constant 16 : index
      %get3A_67 = tpu.vector_load %arg7[%get3A_65, %get3A_66] {strides = array<i32>} : memref<32x512xf32, #tpu.memory_space<vmem>>, vector<1x16xf32>,
      %get3A_68 = vector.shape_cast %get3A_67 : vector<1x16xf32> to vector<16xf32>
      %sign3A_69 = tpu.bitcast %get3A_68 : vector<16xf32> -> vector<16xi32>
      %sign3A_70 = arith.constant -2147483648 : i32
      %sign3A_71 = vector.broadcast %sign3A_70 : i32 to vector<16xi32>
      %sign3A_72 = arith.andi %sign3A_69, %sign3A_71 : vector<16xi32>
      %sign3A_73 = arith.constant 1065353216 : i32
      %sign3A_74 = vector.broadcast %sign3A_73 : i32 to vector<16xi32>
      %sign3A_75 = arith.ori %sign3A_74, %sign3A_72 : vector<16xi32>
      %sign3A_76 = tpu.bitcast %sign3A_75 : vector<16xi32> -> vector<16xf32>
      %sign3A_77 = math.absf %get3A_68 : vector<16xf32>
      %sign3A_78 = arith.constant 0.000000e+00 : f32
      %sign3A_79 = vector.broadcast %sign3A_78 : f32 to vector<16xf32>
      %sign3A_80 = arith.cmpf ogt, %sign3A_77, %sign3A_79 : vector<16xf32>
      %sign3A_81 = arith.select %sign3A_80, %sign3A_76, %get3A_68 : vector<16xi1>, vector<16xf32>
      %mul3A_82 = arith.mulf %broadcast_in_dim3A_7, %sign3A_81 : vector<16xf32>
      %add3A_83 = arith.addf %broadcast_in_dim3A_7, %mul3A_82 : vector<16xf32>
      %convert_element_type3A_84 = arith.fptosi %add3A_83 : vector<16xf32> to vector<16xi32>
      %shift_left3A_85 = arith.constant 1 : i32
      %shift_left3A_86 = vector.broadcast %shift_left3A_85 : i32 to vector<16xi32>
      %shift_left3A_87 = arith.shli %convert_element_type3A_84, %shift_left3A_86 : vector<16xi32>
      %or3A_88 = arith.ori %or3A, %shift_left3A_87 : vector<16xi32>
      %get3A_89 = arith.index_cast %scan3A_43 : i32 to index
      %get3A_90 = arith.constant 32 : index
      %get3A_91 = tpu.vector_load %arg7[%get3A_89, %get3A_90] {strides = array<i32>} : memref<32x512xf32, #tpu.memory_space<vmem>>, vector<1x16xf32>,
      %get3A_92 = vector.shape_cast %get3A_91 : vector<1x16xf32> to vector<16xf32>
      %sign3A_93 = tpu.bitcast %get3A_92 : vector<16xf32> -> vector<16xi32>
      %sign3A_94 = arith.constant -2147483648 : i32
      %sign3A_95 = vector.broadcast %sign3A_94 : i32 to vector<16xi32>
      %sign3A_96 = arith.andi %sign3A_93, %sign3A_95 : vector<16xi32>
      %sign3A_97 = arith.constant 1065353216 : i32
      %sign3A_98 = vector.broadcast %sign3A_97 : i32 to vector<16xi32>
      %sign3A_99 = arith.ori %sign3A_98, %sign3A_96 : vector<16xi32>
      %sign3A_100 = tpu.bitcast %sign3A_99 : vector<16xi32> -> vector<16xf32>
      %sign3A_101 = math.absf %get3A_92 : vector<16xf32>
      %sign3A_102 = arith.constant 0.000000e+00 : f32
      %sign3A_103 = vector.broadcast %sign3A_102 : f32 to vector<16xf32>
      %sign3A_104 = arith.cmpf ogt, %sign3A_101, %sign3A_103 : vector<16xf32>
      %sign3A_105 = arith.select %sign3A_104, %sign3A_100, %get3A_92 : vector<16xi1>, vector<16xf32>
      %mul3A_106 = arith.mulf %broadcast_in_dim3A_7, %sign3A_105 : vector<16xf32>
      %add3A_107 = arith.addf %broadcast_in_dim3A_7, %mul3A_106 : vector<16xf32>
      %convert_element_type3A_108 = arith.fptosi %add3A_107 : vector<16xf32> to vector<16xi32>
      %shift_left3A_109 = arith.constant 2 : i32
      %shift_left3A_110 = vector.broadcast %shift_left3A_109 : i32 to vector<16xi32>
      %shift_left3A_111 = arith.shli %convert_element_type3A_108, %shift_left3A_110 : vector<16xi32>
      %or3A_112 = arith.ori %or3A_88, %shift_left3A_111 : vector<16xi32>
      %get3A_113 = arith.index_cast %scan3A_43 : i32 to index
      %get3A_114 = arith.constant 48 : index
      %get3A_115 = tpu.vector_load %arg7[%get3A_113, %get3A_114] {strides = array<i32>} : memref<32x512xf32, #tpu.memory_space<vmem>>, vector<1x16xf32>,
      %get3A_116 = vector.shape_cast %get3A_115 : vector<1x16xf32> to vector<16xf32>
      %sign3A_117 = tpu.bitcast %get3A_116 : vector<16xf32> -> vector<16xi32>
      %sign3A_118 = arith.constant -2147483648 : i32
      %sign3A_119 = vector.broadcast %sign3A_118 : i32 to vector<16xi32>
      %sign3A_120 = arith.andi %sign3A_117, %sign3A_119 : vector<16xi32>
      %sign3A_121 = arith.constant 1065353216 : i32
      %sign3A_122 = vector.broadcast %sign3A_121 : i32 to vector<16xi32>
      %sign3A_123 = arith.ori %sign3A_122, %sign3A_120 : vector<16xi32>
      %sign3A_124 = tpu.bitcast %sign3A_123 : vector<16xi32> -> vector<16xf32>
      %sign3A_125 = math.absf %get3A_116 : vector<16xf32>
      %sign3A_126 = arith.constant 0.000000e+00 : f32
      %sign3A_127 = vector.broadcast %sign3A_126 : f32 to vector<16xf32>
      %sign3A_128 = arith.cmpf ogt, %sign3A_125, %sign3A_127 : vector<16xf32>
      %sign3A_129 = arith.select %sign3A_128, %sign3A_124, %get3A_116 : vector<16xi1>, vector<16xf32>
      %mul3A_130 = arith.mulf %broadcast_in_dim3A_7, %sign3A_129 : vector<16xf32>
      %add3A_131 = arith.addf %broadcast_in_dim3A_7, %mul3A_130 : vector<16xf32>
      %convert_element_type3A_132 = arith.fptosi %add3A_131 : vector<16xf32> to vector<16xi32>
      %shift_left3A_133 = arith.constant 3 : i32
      %shift_left3A_134 = vector.broadcast %shift_left3A_133 : i32 to vector<16xi32>
      %shift_left3A_135 = arith.shli %convert_element_type3A_132, %shift_left3A_134 : vector<16xi32>
      %or3A_136 = arith.ori %or3A_112, %shift_left3A_135 : vector<16xi32>
      %get3A_137 = arith.index_cast %scan3A_43 : i32 to index
      %get3A_138 = arith.constant 64 : index
      %get3A_139 = tpu.vector_load %arg7[%get3A_137, %get3A_138] {strides = array<i32>} : memref<32x512xf32, #tpu.memory_space<vmem>>, vector<1x16xf32>,
      %get3A_140 = vector.shape_cast %get3A_139 : vector<1x16xf32> to vector<16xf32>
      %sign3A_141 = tpu.bitcast %get3A_140 : vector<16xf32> -> vector<16xi32>
      %sign3A_142 = arith.constant -2147483648 : i32
      %sign3A_143 = vector.broadcast %sign3A_142 : i32 to vector<16xi32>
      %sign3A_144 = arith.andi %sign3A_141, %sign3A_143 : vector<16xi32>
      %sign3A_145 = arith.constant 1065353216 : i32
      %sign3A_146 = vector.broadcast %sign3A_145 : i32 to vector<16xi32>
      %sign3A_147 = arith.ori %sign3A_146, %sign3A_144 : vector<16xi32>
      %sign3A_148 = tpu.bitcast %sign3A_147 : vector<16xi32> -> vector<16xf32>
      %sign3A_149 = math.absf %get3A_140 : vector<16xf32>
      %sign3A_150 = arith.constant 0.000000e+00 : f32
      %sign3A_151 = vector.broadcast %sign3A_150 : f32 to vector<16xf32>
      %sign3A_152 = arith.cmpf ogt, %sign3A_149, %sign3A_151 : vector<16xf32>
      %sign3A_153 = arith.select %sign3A_152, %sign3A_148, %get3A_140 : vector<16xi1>, vector<16xf32>
      %mul3A_154 = arith.mulf %broadcast_in_dim3A_7, %sign3A_153 : vector<16xf32>
      %add3A_155 = arith.addf %broadcast_in_dim3A_7, %mul3A_154 : vector<16xf32>
      %convert_element_type3A_156 = arith.fptosi %add3A_155 : vector<16xf32> to vector<16xi32>
      %shift_left3A_157 = arith.constant 4 : i32
      %shift_left3A_158 = vector.broadcast %shift_left3A_157 : i32 to vector<16xi32>
      %shift_left3A_159 = arith.shli %convert_element_type3A_156, %shift_left3A_158 : vector<16xi32>
      %or3A_160 = arith.ori %or3A_136, %shift_left3A_159 : vector<16xi32>
      %get3A_161 = arith.index_cast %scan3A_43 : i32 to index
      %get3A_162 = arith.constant 80 : index
      %get3A_163 = tpu.vector_load %arg7[%get3A_161, %get3A_162] {strides = array<i32>} : memref<32x512xf32, #tpu.memory_space<vmem>>, vector<1x16xf32>,
      %get3A_164 = vector.shape_cast %get3A_163 : vector<1x16xf32> to vector<16xf32>
      %sign3A_165 = tpu.bitcast %get3A_164 : vector<16xf32> -> vector<16xi32>
      %sign3A_166 = arith.constant -2147483648 : i32
      %sign3A_167 = vector.broadcast %sign3A_166 : i32 to vector<16xi32>
      %sign3A_168 = arith.andi %sign3A_165, %sign3A_167 : vector<16xi32>
      %sign3A_169 = arith.constant 1065353216 : i32
      %sign3A_170 = vector.broadcast %sign3A_169 : i32 to vector<16xi32>
      %sign3A_171 = arith.ori %sign3A_170, %sign3A_168 : vector<16xi32>
      %sign3A_172 = tpu.bitcast %sign3A_171 : vector<16xi32> -> vector<16xf32>
      %sign3A_173 = math.absf %get3A_164 : vector<16xf32>
      %sign3A_174 = arith.constant 0.000000e+00 : f32
      %sign3A_175 = vector.broadcast %sign3A_174 : f32 to vector<16xf32>
      %sign3A_176 = arith.cmpf ogt, %sign3A_173, %sign3A_175 : vector<16xf32>
      %sign3A_177 = arith.select %sign3A_176, %sign3A_172, %get3A_164 : vector<16xi1>, vector<16xf32>
      %mul3A_178 = arith.mulf %broadcast_in_dim3A_7, %sign3A_177 : vector<16xf32>
      %add3A_179 = arith.addf %broadcast_in_dim3A_7, %mul3A_178 : vector<16xf32>
      %convert_element_type3A_180 = arith.fptosi %add3A_179 : vector<16xf32> to vector<16xi32>
      %shift_left3A_181 = arith.constant 5 : i32
      %shift_left3A_182 = vector.broadcast %shift_left3A_181 : i32 to vector<16xi32>
      %shift_left3A_183 = arith.shli %convert_element_type3A_180, %shift_left3A_182 : vector<16xi32>
      %or3A_184 = arith.ori %or3A_160, %shift_left3A_183 : vector<16xi32>
      %get3A_185 = arith.index_cast %scan3A_43 : i32 to index
      %get3A_186 = arith.constant 96 : index
      %get3A_187 = tpu.vector_load %arg7[%get3A_185, %get3A_186] {strides = array<i32>} : memref<32x512xf32, #tpu.memory_space<vmem>>, vector<1x16xf32>,
      %get3A_188 = vector.shape_cast %get3A_187 : vector<1x16xf32> to vector<16xf32>
      %sign3A_189 = tpu.bitcast %get3A_188 : vector<16xf32> -> vector<16xi32>
      %sign3A_190 = arith.constant -2147483648 : i32
      %sign3A_191 = vector.broadcast %sign3A_190 : i32 to vector<16xi32>
      %sign3A_192 = arith.andi %sign3A_189, %sign3A_191 : vector<16xi32>
      %sign3A_193 = arith.constant 1065353216 : i32
      %sign3A_194 = vector.broadcast %sign3A_193 : i32 to vector<16xi32>
      %sign3A_195 = arith.ori %sign3A_194, %sign3A_192 : vector<16xi32>
      %sign3A_196 = tpu.bitcast %sign3A_195 : vector<16xi32> -> vector<16xf32>
      %sign3A_197 = math.absf %get3A_188 : vector<16xf32>
      %sign3A_198 = arith.constant 0.000000e+00 : f32
      %sign3A_199 = vector.broadcast %sign3A_198 : f32 to vector<16xf32>
      %sign3A_200 = arith.cmpf ogt, %sign3A_197, %sign3A_199 : vector<16xf32>
      %sign3A_201 = arith.select %sign3A_200, %sign3A_196, %get3A_188 : vector<16xi1>, vector<16xf32>
      %mul3A_202 = arith.mulf %broadcast_in_dim3A_7, %sign3A_201 : vector<16xf32>
      %add3A_203 = arith.addf %broadcast_in_dim3A_7, %mul3A_202 : vector<16xf32>
      %convert_element_type3A_204 = arith.fptosi %add3A_203 : vector<16xf32> to vector<16xi32>
      %shift_left3A_205 = arith.constant 6 : i32
      %shift_left3A_206 = vector.broadcast %shift_left3A_205 : i32 to vector<16xi32>
      %shift_left3A_207 = arith.shli %convert_element_type3A_204, %shift_left3A_206 : vector<16xi32>
      %or3A_208 = arith.ori %or3A_184, %shift_left3A_207 : vector<16xi32>
      %get3A_209 = arith.index_cast %scan3A_43 : i32 to index
      %get3A_210 = arith.constant 112 : index
      %get3A_211 = tpu.vector_load %arg7[%get3A_209, %get3A_210] {strides = array<i32>} : memref<32x512xf32, #tpu.memory_space<vmem>>, vector<1x16xf32>,
      %get3A_212 = vector.shape_cast %get3A_211 : vector<1x16xf32> to vector<16xf32>
      %sign3A_213 = tpu.bitcast %get3A_212 : vector<16xf32> -> vector<16xi32>
      %sign3A_214 = arith.constant -2147483648 : i32
      %sign3A_215 = vector.broadcast %sign3A_214 : i32 to vector<16xi32>
      %sign3A_216 = arith.andi %sign3A_213, %sign3A_215 : vector<16xi32>
      %sign3A_217 = arith.constant 1065353216 : i32
      %sign3A_218 = vector.broadcast %sign3A_217 : i32 to vector<16xi32>
      %sign3A_219 = arith.ori %sign3A_218, %sign3A_216 : vector<16xi32>
      %sign3A_220 = tpu.bitcast %sign3A_219 : vector<16xi32> -> vector<16xf32>
      %sign3A_221 = math.absf %get3A_212 : vector<16xf32>
      %sign3A_222 = arith.constant 0.000000e+00 : f32
      %sign3A_223 = vector.broadcast %sign3A_222 : f32 to vector<16xf32>
      %sign3A_224 = arith.cmpf ogt, %sign3A_221, %sign3A_223 : vector<16xf32>
      %sign3A_225 = arith.select %sign3A_224, %sign3A_220, %get3A_212 : vector<16xi1>, vector<16xf32>
      %mul3A_226 = arith.mulf %broadcast_in_dim3A_7, %sign3A_225 : vector<16xf32>
      %add3A_227 = arith.addf %broadcast_in_dim3A_7, %mul3A_226 : vector<16xf32>
      %convert_element_type3A_228 = arith.fptosi %add3A_227 : vector<16xf32> to vector<16xi32>
      %shift_left3A_229 = arith.constant 7 : i32
      %shift_left3A_230 = vector.broadcast %shift_left3A_229 : i32 to vector<16xi32>
      %shift_left3A_231 = arith.shli %convert_element_type3A_228, %shift_left3A_230 : vector<16xi32>
      %or3A_232 = arith.ori %or3A_208, %shift_left3A_231 : vector<16xi32>
      %get3A_233 = arith.index_cast %scan3A_43 : i32 to index
      %get3A_234 = arith.constant 128 : index
      %get3A_235 = tpu.vector_load %arg7[%get3A_233, %get3A_234] {strides = array<i32>} : memref<32x512xf32, #tpu.memory_space<vmem>>, vector<1x16xf32>,
      %get3A_236 = vector.shape_cast %get3A_235 : vector<1x16xf32> to vector<16xf32>
      %sign3A_237 = tpu.bitcast %get3A_236 : vector<16xf32> -> vector<16xi32>
      %sign3A_238 = arith.constant -2147483648 : i32
      %sign3A_239 = vector.broadcast %sign3A_238 : i32 to vector<16xi32>
      %sign3A_240 = arith.andi %sign3A_237, %sign3A_239 : vector<16xi32>
      %sign3A_241 = arith.constant 1065353216 : i32
      %sign3A_242 = vector.broadcast %sign3A_241 : i32 to vector<16xi32>
      %sign3A_243 = arith.ori %sign3A_242, %sign3A_240 : vector<16xi32>
      %sign3A_244 = tpu.bitcast %sign3A_243 : vector<16xi32> -> vector<16xf32>
      %sign3A_245 = math.absf %get3A_236 : vector<16xf32>
      %sign3A_246 = arith.constant 0.000000e+00 : f32
      %sign3A_247 = vector.broadcast %sign3A_246 : f32 to vector<16xf32>
      %sign3A_248 = arith.cmpf ogt, %sign3A_245, %sign3A_247 : vector<16xf32>
      %sign3A_249 = arith.select %sign3A_248, %sign3A_244, %get3A_236 : vector<16xi1>, vector<16xf32>
      %mul3A_250 = arith.mulf %broadcast_in_dim3A_7, %sign3A_249 : vector<16xf32>
      %add3A_251 = arith.addf %broadcast_in_dim3A_7, %mul3A_250 : vector<16xf32>
      %convert_element_type3A_252 = arith.fptosi %add3A_251 : vector<16xf32> to vector<16xi32>
      %shift_left3A_253 = arith.constant 8 : i32
      %shift_left3A_254 = vector.broadcast %shift_left3A_253 : i32 to vector<16xi32>
      %shift_left3A_255 = arith.shli %convert_element_type3A_252, %shift_left3A_254 : vector<16xi32>
      %or3A_256 = arith.ori %or3A_232, %shift_left3A_255 : vector<16xi32>
      %get3A_257 = arith.index_cast %scan3A_43 : i32 to index
      %get3A_258 = arith.constant 144 : index
      %get3A_259 = tpu.vector_load %arg7[%get3A_257, %get3A_258] {strides = array<i32>} : memref<32x512xf32, #tpu.memory_space<vmem>>, vector<1x16xf32>,
      %get3A_260 = vector.shape_cast %get3A_259 : vector<1x16xf32> to vector<16xf32>
      %sign3A_261 = tpu.bitcast %get3A_260 : vector<16xf32> -> vector<16xi32>
      %sign3A_262 = arith.constant -2147483648 : i32
      %sign3A_263 = vector.broadcast %sign3A_262 : i32 to vector<16xi32>
      %sign3A_264 = arith.andi %sign3A_261, %sign3A_263 : vector<16xi32>
      %sign3A_265 = arith.constant 1065353216 : i32
      %sign3A_266 = vector.broadcast %sign3A_265 : i32 to vector<16xi32>
      %sign3A_267 = arith.ori %sign3A_266, %sign3A_264 : vector<16xi32>
      %sign3A_268 = tpu.bitcast %sign3A_267 : vector<16xi32> -> vector<16xf32>
      %sign3A_269 = math.absf %get3A_260 : vector<16xf32>
      %sign3A_270 = arith.constant 0.000000e+00 : f32
      %sign3A_271 = vector.broadcast %sign3A_270 : f32 to vector<16xf32>
      %sign3A_272 = arith.cmpf ogt, %sign3A_269, %sign3A_271 : vector<16xf32>
      %sign3A_273 = arith.select %sign3A_272, %sign3A_268, %get3A_260 : vector<16xi1>, vector<16xf32>
      %mul3A_274 = arith.mulf %broadcast_in_dim3A_7, %sign3A_273 : vector<16xf32>
      %add3A_275 = arith.addf %broadcast_in_dim3A_7, %mul3A_274 : vector<16xf32>
      %convert_element_type3A_276 = arith.fptosi %add3A_275 : vector<16xf32> to vector<16xi32>
      %shift_left3A_277 = arith.constant 9 : i32
      %shift_left3A_278 = vector.broadcast %shift_left3A_277 : i32 to vector<16xi32>
      %shift_left3A_279 = arith.shli %convert_element_type3A_276, %shift_left3A_278 : vector<16xi32>
      %or3A_280 = arith.ori %or3A_256, %shift_left3A_279 : vector<16xi32>
      %get3A_281 = arith.index_cast %scan3A_43 : i32 to index
      %get3A_282 = arith.constant 160 : index
      %get3A_283 = tpu.vector_load %arg7[%get3A_281, %get3A_282] {strides = array<i32>} : memref<32x512xf32, #tpu.memory_space<vmem>>, vector<1x16xf32>,
      %get3A_284 = vector.shape_cast %get3A_283 : vector<1x16xf32> to vector<16xf32>
      %sign3A_285 = tpu.bitcast %get3A_284 : vector<16xf32> -> vector<16xi32>
      %sign3A_286 = arith.constant -2147483648 : i32
      %sign3A_287 = vector.broadcast %sign3A_286 : i32 to vector<16xi32>
      %sign3A_288 = arith.andi %sign3A_285, %sign3A_287 : vector<16xi32>
      %sign3A_289 = arith.constant 1065353216 : i32
      %sign3A_290 = vector.broadcast %sign3A_289 : i32 to vector<16xi32>
      %sign3A_291 = arith.ori %sign3A_290, %sign3A_288 : vector<16xi32>
      %sign3A_292 = tpu.bitcast %sign3A_291 : vector<16xi32> -> vector<16xf32>
      %sign3A_293 = math.absf %get3A_284 : vector<16xf32>
      %sign3A_294 = arith.constant 0.000000e+00 : f32
      %sign3A_295 = vector.broadcast %sign3A_294 : f32 to vector<16xf32>
      %sign3A_296 = arith.cmpf ogt, %sign3A_293, %sign3A_295 : vector<16xf32>
      %sign3A_297 = arith.select %sign3A_296, %sign3A_292, %get3A_284 : vector<16xi1>, vector<16xf32>
      %mul3A_298 = arith.mulf %broadcast_in_dim3A_7, %sign3A_297 : vector<16xf32>
      %add3A_299 = arith.addf %broadcast_in_dim3A_7, %mul3A_298 : vector<16xf32>
      %convert_element_type3A_300 = arith.fptosi %add3A_299 : vector<16xf32> to vector<16xi32>
      %shift_left3A_301 = arith.constant 10 : i32
      %shift_left3A_302 = vector.broadcast %shift_left3A_301 : i32 to vector<16xi32>
      %shift_left3A_303 = arith.shli %convert_element_type3A_300, %shift_left3A_302 : vector<16xi32>
      %or3A_304 = arith.ori %or3A_280, %shift_left3A_303 : vector<16xi32>
      %get3A_305 = arith.index_cast %scan3A_43 : i32 to index
      %get3A_306 = arith.constant 176 : index
      %get3A_307 = tpu.vector_load %arg7[%get3A_305, %get3A_306] {strides = array<i32>} : memref<32x512xf32, #tpu.memory_space<vmem>>, vector<1x16xf32>,
      %get3A_308 = vector.shape_cast %get3A_307 : vector<1x16xf32> to vector<16xf32>
      %sign3A_309 = tpu.bitcast %get3A_308 : vector<16xf32> -> vector<16xi32>
      %sign3A_310 = arith.constant -2147483648 : i32
      %sign3A_311 = vector.broadcast %sign3A_310 : i32 to vector<16xi32>
      %sign3A_312 = arith.andi %sign3A_309, %sign3A_311 : vector<16xi32>
      %sign3A_313 = arith.constant 1065353216 : i32
      %sign3A_314 = vector.broadcast %sign3A_313 : i32 to vector<16xi32>
      %sign3A_315 = arith.ori %sign3A_314, %sign3A_312 : vector<16xi32>
      %sign3A_316 = tpu.bitcast %sign3A_315 : vector<16xi32> -> vector<16xf32>
      %sign3A_317 = math.absf %get3A_308 : vector<16xf32>
      %sign3A_318 = arith.constant 0.000000e+00 : f32
      %sign3A_319 = vector.broadcast %sign3A_318 : f32 to vector<16xf32>
      %sign3A_320 = arith.cmpf ogt, %sign3A_317, %sign3A_319 : vector<16xf32>
      %sign3A_321 = arith.select %sign3A_320, %sign3A_316, %get3A_308 : vector<16xi1>, vector<16xf32>
      %mul3A_322 = arith.mulf %broadcast_in_dim3A_7, %sign3A_321 : vector<16xf32>
      %add3A_323 = arith.addf %broadcast_in_dim3A_7, %mul3A_322 : vector<16xf32>
      %convert_element_type3A_324 = arith.fptosi %add3A_323 : vector<16xf32> to vector<16xi32>
      %shift_left3A_325 = arith.constant 11 : i32
      %shift_left3A_326 = vector.broadcast %shift_left3A_325 : i32 to vector<16xi32>
      %shift_left3A_327 = arith.shli %convert_element_type3A_324, %shift_left3A_326 : vector<16xi32>
      %or3A_328 = arith.ori %or3A_304, %shift_left3A_327 : vector<16xi32>
      %get3A_329 = arith.index_cast %scan3A_43 : i32 to index
      %get3A_330 = arith.constant 192 : index
      %get3A_331 = tpu.vector_load %arg7[%get3A_329, %get3A_330] {strides = array<i32>} : memref<32x512xf32, #tpu.memory_space<vmem>>, vector<1x16xf32>,
      %get3A_332 = vector.shape_cast %get3A_331 : vector<1x16xf32> to vector<16xf32>
      %sign3A_333 = tpu.bitcast %get3A_332 : vector<16xf32> -> vector<16xi32>
      %sign3A_334 = arith.constant -2147483648 : i32
      %sign3A_335 = vector.broadcast %sign3A_334 : i32 to vector<16xi32>
      %sign3A_336 = arith.andi %sign3A_333, %sign3A_335 : vector<16xi32>
      %sign3A_337 = arith.constant 1065353216 : i32
      %sign3A_338 = vector.broadcast %sign3A_337 : i32 to vector<16xi32>
      %sign3A_339 = arith.ori %sign3A_338, %sign3A_336 : vector<16xi32>
      %sign3A_340 = tpu.bitcast %sign3A_339 : vector<16xi32> -> vector<16xf32>
      %sign3A_341 = math.absf %get3A_332 : vector<16xf32>
      %sign3A_342 = arith.constant 0.000000e+00 : f32
      %sign3A_343 = vector.broadcast %sign3A_342 : f32 to vector<16xf32>
      %sign3A_344 = arith.cmpf ogt, %sign3A_341, %sign3A_343 : vector<16xf32>
      %sign3A_345 = arith.select %sign3A_344, %sign3A_340, %get3A_332 : vector<16xi1>, vector<16xf32>
      %mul3A_346 = arith.mulf %broadcast_in_dim3A_7, %sign3A_345 : vector<16xf32>
      %add3A_347 = arith.addf %broadcast_in_dim3A_7, %mul3A_346 : vector<16xf32>
      %convert_element_type3A_348 = arith.fptosi %add3A_347 : vector<16xf32> to vector<16xi32>
      %shift_left3A_349 = arith.constant 12 : i32
      %shift_left3A_350 = vector.broadcast %shift_left3A_349 : i32 to vector<16xi32>
      %shift_left3A_351 = arith.shli %convert_element_type3A_348, %shift_left3A_350 : vector<16xi32>
      %or3A_352 = arith.ori %or3A_328, %shift_left3A_351 : vector<16xi32>
      %get3A_353 = arith.index_cast %scan3A_43 : i32 to index
      %get3A_354 = arith.constant 208 : index
      %get3A_355 = tpu.vector_load %arg7[%get3A_353, %get3A_354] {strides = array<i32>} : memref<32x512xf32, #tpu.memory_space<vmem>>, vector<1x16xf32>,
      %get3A_356 = vector.shape_cast %get3A_355 : vector<1x16xf32> to vector<16xf32>
      %sign3A_357 = tpu.bitcast %get3A_356 : vector<16xf32> -> vector<16xi32>
      %sign3A_358 = arith.constant -2147483648 : i32
      %sign3A_359 = vector.broadcast %sign3A_358 : i32 to vector<16xi32>
      %sign3A_360 = arith.andi %sign3A_357, %sign3A_359 : vector<16xi32>
      %sign3A_361 = arith.constant 1065353216 : i32
      %sign3A_362 = vector.broadcast %sign3A_361 : i32 to vector<16xi32>
      %sign3A_363 = arith.ori %sign3A_362, %sign3A_360 : vector<16xi32>
      %sign3A_364 = tpu.bitcast %sign3A_363 : vector<16xi32> -> vector<16xf32>
      %sign3A_365 = math.absf %get3A_356 : vector<16xf32>
      %sign3A_366 = arith.constant 0.000000e+00 : f32
      %sign3A_367 = vector.broadcast %sign3A_366 : f32 to vector<16xf32>
      %sign3A_368 = arith.cmpf ogt, %sign3A_365, %sign3A_367 : vector<16xf32>
      %sign3A_369 = arith.select %sign3A_368, %sign3A_364, %get3A_356 : vector<16xi1>, vector<16xf32>
      %mul3A_370 = arith.mulf %broadcast_in_dim3A_7, %sign3A_369 : vector<16xf32>
      %add3A_371 = arith.addf %broadcast_in_dim3A_7, %mul3A_370 : vector<16xf32>
      %convert_element_type3A_372 = arith.fptosi %add3A_371 : vector<16xf32> to vector<16xi32>
      %shift_left3A_373 = arith.constant 13 : i32
      %shift_left3A_374 = vector.broadcast %shift_left3A_373 : i32 to vector<16xi32>
      %shift_left3A_375 = arith.shli %convert_element_type3A_372, %shift_left3A_374 : vector<16xi32>
      %or3A_376 = arith.ori %or3A_352, %shift_left3A_375 : vector<16xi32>
      %get3A_377 = arith.index_cast %scan3A_43 : i32 to index
      %get3A_378 = arith.constant 224 : index
      %get3A_379 = tpu.vector_load %arg7[%get3A_377, %get3A_378] {strides = array<i32>} : memref<32x512xf32, #tpu.memory_space<vmem>>, vector<1x16xf32>,
      %get3A_380 = vector.shape_cast %get3A_379 : vector<1x16xf32> to vector<16xf32>
      %sign3A_381 = tpu.bitcast %get3A_380 : vector<16xf32> -> vector<16xi32>
      %sign3A_382 = arith.constant -2147483648 : i32
      %sign3A_383 = vector.broadcast %sign3A_382 : i32 to vector<16xi32>
      %sign3A_384 = arith.andi %sign3A_381, %sign3A_383 : vector<16xi32>
      %sign3A_385 = arith.constant 1065353216 : i32
      %sign3A_386 = vector.broadcast %sign3A_385 : i32 to vector<16xi32>
      %sign3A_387 = arith.ori %sign3A_386, %sign3A_384 : vector<16xi32>
      %sign3A_388 = tpu.bitcast %sign3A_387 : vector<16xi32> -> vector<16xf32>
      %sign3A_389 = math.absf %get3A_380 : vector<16xf32>
      %sign3A_390 = arith.constant 0.000000e+00 : f32
      %sign3A_391 = vector.broadcast %sign3A_390 : f32 to vector<16xf32>
      %sign3A_392 = arith.cmpf ogt, %sign3A_389, %sign3A_391 : vector<16xf32>
      %sign3A_393 = arith.select %sign3A_392, %sign3A_388, %get3A_380 : vector<16xi1>, vector<16xf32>
      %mul3A_394 = arith.mulf %broadcast_in_dim3A_7, %sign3A_393 : vector<16xf32>
      %add3A_395 = arith.addf %broadcast_in_dim3A_7, %mul3A_394 : vector<16xf32>
      %convert_element_type3A_396 = arith.fptosi %add3A_395 : vector<16xf32> to vector<16xi32>
      %shift_left3A_397 = arith.constant 14 : i32
      %shift_left3A_398 = vector.broadcast %shift_left3A_397 : i32 to vector<16xi32>
      %shift_left3A_399 = arith.shli %convert_element_type3A_396, %shift_left3A_398 : vector<16xi32>
      %or3A_400 = arith.ori %or3A_376, %shift_left3A_399 : vector<16xi32>
      %get3A_401 = arith.index_cast %scan3A_43 : i32 to index
      %get3A_402 = arith.constant 240 : index
      %get3A_403 = tpu.vector_load %arg7[%get3A_401, %get3A_402] {strides = array<i32>} : memref<32x512xf32, #tpu.memory_space<vmem>>, vector<1x16xf32>,
      %get3A_404 = vector.shape_cast %get3A_403 : vector<1x16xf32> to vector<16xf32>
      %sign3A_405 = tpu.bitcast %get3A_404 : vector<16xf32> -> vector<16xi32>
      %sign3A_406 = arith.constant -2147483648 : i32
      %sign3A_407 = vector.broadcast %sign3A_406 : i32 to vector<16xi32>
      %sign3A_408 = arith.andi %sign3A_405, %sign3A_407 : vector<16xi32>
      %sign3A_409 = arith.constant 1065353216 : i32
      %sign3A_410 = vector.broadcast %sign3A_409 : i32 to vector<16xi32>
      %sign3A_411 = arith.ori %sign3A_410, %sign3A_408 : vector<16xi32>
      %sign3A_412 = tpu.bitcast %sign3A_411 : vector<16xi32> -> vector<16xf32>
      %sign3A_413 = math.absf %get3A_404 : vector<16xf32>
      %sign3A_414 = arith.constant 0.000000e+00 : f32
      %sign3A_415 = vector.broadcast %sign3A_414 : f32 to vector<16xf32>
      %sign3A_416 = arith.cmpf ogt, %sign3A_413, %sign3A_415 : vector<16xf32>
      %sign3A_417 = arith.select %sign3A_416, %sign3A_412, %get3A_404 : vector<16xi1>, vector<16xf32>
      %mul3A_418 = arith.mulf %broadcast_in_dim3A_7, %sign3A_417 : vector<16xf32>
      %add3A_419 = arith.addf %broadcast_in_dim3A_7, %mul3A_418 : vector<16xf32>
      %convert_element_type3A_420 = arith.fptosi %add3A_419 : vector<16xf32> to vector<16xi32>
      %shift_left3A_421 = arith.constant 15 : i32
      %shift_left3A_422 = vector.broadcast %shift_left3A_421 : i32 to vector<16xi32>
      %shift_left3A_423 = arith.shli %convert_element_type3A_420, %shift_left3A_422 : vector<16xi32>
      %or3A_424 = arith.ori %or3A_400, %shift_left3A_423 : vector<16xi32>
      %get3A_425 = arith.index_cast %scan3A_43 : i32 to index
      %get3A_426 = arith.constant 256 : index
      %get3A_427 = tpu.vector_load %arg7[%get3A_425, %get3A_426] {strides = array<i32>} : memref<32x512xf32, #tpu.memory_space<vmem>>, vector<1x16xf32>,
      %get3A_428 = vector.shape_cast %get3A_427 : vector<1x16xf32> to vector<16xf32>
      %sign3A_429 = tpu.bitcast %get3A_428 : vector<16xf32> -> vector<16xi32>
      %sign3A_430 = arith.constant -2147483648 : i32
      %sign3A_431 = vector.broadcast %sign3A_430 : i32 to vector<16xi32>
      %sign3A_432 = arith.andi %sign3A_429, %sign3A_431 : vector<16xi32>
      %sign3A_433 = arith.constant 1065353216 : i32
      %sign3A_434 = vector.broadcast %sign3A_433 : i32 to vector<16xi32>
      %sign3A_435 = arith.ori %sign3A_434, %sign3A_432 : vector<16xi32>
      %sign3A_436 = tpu.bitcast %sign3A_435 : vector<16xi32> -> vector<16xf32>
      %sign3A_437 = math.absf %get3A_428 : vector<16xf32>
      %sign3A_438 = arith.constant 0.000000e+00 : f32
      %sign3A_439 = vector.broadcast %sign3A_438 : f32 to vector<16xf32>
      %sign3A_440 = arith.cmpf ogt, %sign3A_437, %sign3A_439 : vector<16xf32>
      %sign3A_441 = arith.select %sign3A_440, %sign3A_436, %get3A_428 : vector<16xi1>, vector<16xf32>
      %mul3A_442 = arith.mulf %broadcast_in_dim3A_7, %sign3A_441 : vector<16xf32>
      %add3A_443 = arith.addf %broadcast_in_dim3A_7, %mul3A_442 : vector<16xf32>
      %convert_element_type3A_444 = arith.fptosi %add3A_443 : vector<16xf32> to vector<16xi32>
      %shift_left3A_445 = arith.constant 16 : i32
      %shift_left3A_446 = vector.broadcast %shift_left3A_445 : i32 to vector<16xi32>
      %shift_left3A_447 = arith.shli %convert_element_type3A_444, %shift_left3A_446 : vector<16xi32>
      %or3A_448 = arith.ori %or3A_424, %shift_left3A_447 : vector<16xi32>
      %get3A_449 = arith.index_cast %scan3A_43 : i32 to index
      %get3A_450 = arith.constant 272 : index
      %get3A_451 = tpu.vector_load %arg7[%get3A_449, %get3A_450] {strides = array<i32>} : memref<32x512xf32, #tpu.memory_space<vmem>>, vector<1x16xf32>,
      %get3A_452 = vector.shape_cast %get3A_451 : vector<1x16xf32> to vector<16xf32>
      %sign3A_453 = tpu.bitcast %get3A_452 : vector<16xf32> -> vector<16xi32>
      %sign3A_454 = arith.constant -2147483648 : i32
      %sign3A_455 = vector.broadcast %sign3A_454 : i32 to vector<16xi32>
      %sign3A_456 = arith.andi %sign3A_453, %sign3A_455 : vector<16xi32>
      %sign3A_457 = arith.constant 1065353216 : i32
      %sign3A_458 = vector.broadcast %sign3A_457 : i32 to vector<16xi32>
      %sign3A_459 = arith.ori %sign3A_458, %sign3A_456 : vector<16xi32>
      %sign3A_460 = tpu.bitcast %sign3A_459 : vector<16xi32> -> vector<16xf32>
      %sign3A_461 = math.absf %get3A_452 : vector<16xf32>
      %sign3A_462 = arith.constant 0.000000e+00 : f32
      %sign3A_463 = vector.broadcast %sign3A_462 : f32 to vector<16xf32>
      %sign3A_464 = arith.cmpf ogt, %sign3A_461, %sign3A_463 : vector<16xf32>
      %sign3A_465 = arith.select %sign3A_464, %sign3A_460, %get3A_452 : vector<16xi1>, vector<16xf32>
      %mul3A_466 = arith.mulf %broadcast_in_dim3A_7, %sign3A_465 : vector<16xf32>
      %add3A_467 = arith.addf %broadcast_in_dim3A_7, %mul3A_466 : vector<16xf32>
      %convert_element_type3A_468 = arith.fptosi %add3A_467 : vector<16xf32> to vector<16xi32>
      %shift_left3A_469 = arith.constant 17 : i32
      %shift_left3A_470 = vector.broadcast %shift_left3A_469 : i32 to vector<16xi32>
      %shift_left3A_471 = arith.shli %convert_element_type3A_468, %shift_left3A_470 : vector<16xi32>
      %or3A_472 = arith.ori %or3A_448, %shift_left3A_471 : vector<16xi32>
      %get3A_473 = arith.index_cast %scan3A_43 : i32 to index
      %get3A_474 = arith.constant 288 : index
      %get3A_475 = tpu.vector_load %arg7[%get3A_473, %get3A_474] {strides = array<i32>} : memref<32x512xf32, #tpu.memory_space<vmem>>, vector<1x16xf32>,
      %get3A_476 = vector.shape_cast %get3A_475 : vector<1x16xf32> to vector<16xf32>
      %sign3A_477 = tpu.bitcast %get3A_476 : vector<16xf32> -> vector<16xi32>
      %sign3A_478 = arith.constant -2147483648 : i32
      %sign3A_479 = vector.broadcast %sign3A_478 : i32 to vector<16xi32>
      %sign3A_480 = arith.andi %sign3A_477, %sign3A_479 : vector<16xi32>
      %sign3A_481 = arith.constant 1065353216 : i32
      %sign3A_482 = vector.broadcast %sign3A_481 : i32 to vector<16xi32>
      %sign3A_483 = arith.ori %sign3A_482, %sign3A_480 : vector<16xi32>
      %sign3A_484 = tpu.bitcast %sign3A_483 : vector<16xi32> -> vector<16xf32>
      %sign3A_485 = math.absf %get3A_476 : vector<16xf32>
      %sign3A_486 = arith.constant 0.000000e+00 : f32
      %sign3A_487 = vector.broadcast %sign3A_486 : f32 to vector<16xf32>
      %sign3A_488 = arith.cmpf ogt, %sign3A_485, %sign3A_487 : vector<16xf32>
      %sign3A_489 = arith.select %sign3A_488, %sign3A_484, %get3A_476 : vector<16xi1>, vector<16xf32>
      %mul3A_490 = arith.mulf %broadcast_in_dim3A_7, %sign3A_489 : vector<16xf32>
      %add3A_491 = arith.addf %broadcast_in_dim3A_7, %mul3A_490 : vector<16xf32>
      %convert_element_type3A_492 = arith.fptosi %add3A_491 : vector<16xf32> to vector<16xi32>
      %shift_left3A_493 = arith.constant 18 : i32
      %shift_left3A_494 = vector.broadcast %shift_left3A_493 : i32 to vector<16xi32>
      %shift_left3A_495 = arith.shli %convert_element_type3A_492, %shift_left3A_494 : vector<16xi32>
      %or3A_496 = arith.ori %or3A_472, %shift_left3A_495 : vector<16xi32>
      %get3A_497 = arith.index_cast %scan3A_43 : i32 to index
      %get3A_498 = arith.constant 304 : index
      %get3A_499 = tpu.vector_load %arg7[%get3A_497, %get3A_498] {strides = array<i32>} : memref<32x512xf32, #tpu.memory_space<vmem>>, vector<1x16xf32>,
      %get3A_500 = vector.shape_cast %get3A_499 : vector<1x16xf32> to vector<16xf32>
      %sign3A_501 = tpu.bitcast %get3A_500 : vector<16xf32> -> vector<16xi32>
      %sign3A_502 = arith.constant -2147483648 : i32
      %sign3A_503 = vector.broadcast %sign3A_502 : i32 to vector<16xi32>
      %sign3A_504 = arith.andi %sign3A_501, %sign3A_503 : vector<16xi32>
      %sign3A_505 = arith.constant 1065353216 : i32
      %sign3A_506 = vector.broadcast %sign3A_505 : i32 to vector<16xi32>
      %sign3A_507 = arith.ori %sign3A_506, %sign3A_504 : vector<16xi32>
      %sign3A_508 = tpu.bitcast %sign3A_507 : vector<16xi32> -> vector<16xf32>
      %sign3A_509 = math.absf %get3A_500 : vector<16xf32>
      %sign3A_510 = arith.constant 0.000000e+00 : f32
      %sign3A_511 = vector.broadcast %sign3A_510 : f32 to vector<16xf32>
      %sign3A_512 = arith.cmpf ogt, %sign3A_509, %sign3A_511 : vector<16xf32>
      %sign3A_513 = arith.select %sign3A_512, %sign3A_508, %get3A_500 : vector<16xi1>, vector<16xf32>
      %mul3A_514 = arith.mulf %broadcast_in_dim3A_7, %sign3A_513 : vector<16xf32>
      %add3A_515 = arith.addf %broadcast_in_dim3A_7, %mul3A_514 : vector<16xf32>
      %convert_element_type3A_516 = arith.fptosi %add3A_515 : vector<16xf32> to vector<16xi32>
      %shift_left3A_517 = arith.constant 19 : i32
      %shift_left3A_518 = vector.broadcast %shift_left3A_517 : i32 to vector<16xi32>
      %shift_left3A_519 = arith.shli %convert_element_type3A_516, %shift_left3A_518 : vector<16xi32>
      %or3A_520 = arith.ori %or3A_496, %shift_left3A_519 : vector<16xi32>
      %get3A_521 = arith.index_cast %scan3A_43 : i32 to index
      %get3A_522 = arith.constant 320 : index
      %get3A_523 = tpu.vector_load %arg7[%get3A_521, %get3A_522] {strides = array<i32>} : memref<32x512xf32, #tpu.memory_space<vmem>>, vector<1x16xf32>,
      %get3A_524 = vector.shape_cast %get3A_523 : vector<1x16xf32> to vector<16xf32>
      %sign3A_525 = tpu.bitcast %get3A_524 : vector<16xf32> -> vector<16xi32>
      %sign3A_526 = arith.constant -2147483648 : i32
      %sign3A_527 = vector.broadcast %sign3A_526 : i32 to vector<16xi32>
      %sign3A_528 = arith.andi %sign3A_525, %sign3A_527 : vector<16xi32>
      %sign3A_529 = arith.constant 1065353216 : i32
      %sign3A_530 = vector.broadcast %sign3A_529 : i32 to vector<16xi32>
      %sign3A_531 = arith.ori %sign3A_530, %sign3A_528 : vector<16xi32>
      %sign3A_532 = tpu.bitcast %sign3A_531 : vector<16xi32> -> vector<16xf32>
      %sign3A_533 = math.absf %get3A_524 : vector<16xf32>
      %sign3A_534 = arith.constant 0.000000e+00 : f32
      %sign3A_535 = vector.broadcast %sign3A_534 : f32 to vector<16xf32>
      %sign3A_536 = arith.cmpf ogt, %sign3A_533, %sign3A_535 : vector<16xf32>
      %sign3A_537 = arith.select %sign3A_536, %sign3A_532, %get3A_524 : vector<16xi1>, vector<16xf32>
      %mul3A_538 = arith.mulf %broadcast_in_dim3A_7, %sign3A_537 : vector<16xf32>
      %add3A_539 = arith.addf %broadcast_in_dim3A_7, %mul3A_538 : vector<16xf32>
      %convert_element_type3A_540 = arith.fptosi %add3A_539 : vector<16xf32> to vector<16xi32>
      %shift_left3A_541 = arith.constant 20 : i32
      %shift_left3A_542 = vector.broadcast %shift_left3A_541 : i32 to vector<16xi32>
      %shift_left3A_543 = arith.shli %convert_element_type3A_540, %shift_left3A_542 : vector<16xi32>
      %or3A_544 = arith.ori %or3A_520, %shift_left3A_543 : vector<16xi32>
      %get3A_545 = arith.index_cast %scan3A_43 : i32 to index
      %get3A_546 = arith.constant 336 : index
      %get3A_547 = tpu.vector_load %arg7[%get3A_545, %get3A_546] {strides = array<i32>} : memref<32x512xf32, #tpu.memory_space<vmem>>, vector<1x16xf32>,
      %get3A_548 = vector.shape_cast %get3A_547 : vector<1x16xf32> to vector<16xf32>
      %sign3A_549 = tpu.bitcast %get3A_548 : vector<16xf32> -> vector<16xi32>
      %sign3A_550 = arith.constant -2147483648 : i32
      %sign3A_551 = vector.broadcast %sign3A_550 : i32 to vector<16xi32>
      %sign3A_552 = arith.andi %sign3A_549, %sign3A_551 : vector<16xi32>
      %sign3A_553 = arith.constant 1065353216 : i32
      %sign3A_554 = vector.broadcast %sign3A_553 : i32 to vector<16xi32>
      %sign3A_555 = arith.ori %sign3A_554, %sign3A_552 : vector<16xi32>
      %sign3A_556 = tpu.bitcast %sign3A_555 : vector<16xi32> -> vector<16xf32>
      %sign3A_557 = math.absf %get3A_548 : vector<16xf32>
      %sign3A_558 = arith.constant 0.000000e+00 : f32
      %sign3A_559 = vector.broadcast %sign3A_558 : f32 to vector<16xf32>
      %sign3A_560 = arith.cmpf ogt, %sign3A_557, %sign3A_559 : vector<16xf32>
      %sign3A_561 = arith.select %sign3A_560, %sign3A_556, %get3A_548 : vector<16xi1>, vector<16xf32>
      %mul3A_562 = arith.mulf %broadcast_in_dim3A_7, %sign3A_561 : vector<16xf32>
      %add3A_563 = arith.addf %broadcast_in_dim3A_7, %mul3A_562 : vector<16xf32>
      %convert_element_type3A_564 = arith.fptosi %add3A_563 : vector<16xf32> to vector<16xi32>
      %shift_left3A_565 = arith.constant 21 : i32
      %shift_left3A_566 = vector.broadcast %shift_left3A_565 : i32 to vector<16xi32>
      %shift_left3A_567 = arith.shli %convert_element_type3A_564, %shift_left3A_566 : vector<16xi32>
      %or3A_568 = arith.ori %or3A_544, %shift_left3A_567 : vector<16xi32>
      %get3A_569 = arith.index_cast %scan3A_43 : i32 to index
      %get3A_570 = arith.constant 352 : index
      %get3A_571 = tpu.vector_load %arg7[%get3A_569, %get3A_570] {strides = array<i32>} : memref<32x512xf32, #tpu.memory_space<vmem>>, vector<1x16xf32>,
      %get3A_572 = vector.shape_cast %get3A_571 : vector<1x16xf32> to vector<16xf32>
      %sign3A_573 = tpu.bitcast %get3A_572 : vector<16xf32> -> vector<16xi32>
      %sign3A_574 = arith.constant -2147483648 : i32
      %sign3A_575 = vector.broadcast %sign3A_574 : i32 to vector<16xi32>
      %sign3A_576 = arith.andi %sign3A_573, %sign3A_575 : vector<16xi32>
      %sign3A_577 = arith.constant 1065353216 : i32
      %sign3A_578 = vector.broadcast %sign3A_577 : i32 to vector<16xi32>
      %sign3A_579 = arith.ori %sign3A_578, %sign3A_576 : vector<16xi32>
      %sign3A_580 = tpu.bitcast %sign3A_579 : vector<16xi32> -> vector<16xf32>
      %sign3A_581 = math.absf %get3A_572 : vector<16xf32>
      %sign3A_582 = arith.constant 0.000000e+00 : f32
      %sign3A_583 = vector.broadcast %sign3A_582 : f32 to vector<16xf32>
      %sign3A_584 = arith.cmpf ogt, %sign3A_581, %sign3A_583 : vector<16xf32>
      %sign3A_585 = arith.select %sign3A_584, %sign3A_580, %get3A_572 : vector<16xi1>, vector<16xf32>
      %mul3A_586 = arith.mulf %broadcast_in_dim3A_7, %sign3A_585 : vector<16xf32>
      %add3A_587 = arith.addf %broadcast_in_dim3A_7, %mul3A_586 : vector<16xf32>
      %convert_element_type3A_588 = arith.fptosi %add3A_587 : vector<16xf32> to vector<16xi32>
      %shift_left3A_589 = arith.constant 22 : i32
      %shift_left3A_590 = vector.broadcast %shift_left3A_589 : i32 to vector<16xi32>
      %shift_left3A_591 = arith.shli %convert_element_type3A_588, %shift_left3A_590 : vector<16xi32>
      %or3A_592 = arith.ori %or3A_568, %shift_left3A_591 : vector<16xi32>
      %get3A_593 = arith.index_cast %scan3A_43 : i32 to index
      %get3A_594 = arith.constant 368 : index
      %get3A_595 = tpu.vector_load %arg7[%get3A_593, %get3A_594] {strides = array<i32>} : memref<32x512xf32, #tpu.memory_space<vmem>>, vector<1x16xf32>,
      %get3A_596 = vector.shape_cast %get3A_595 : vector<1x16xf32> to vector<16xf32>
      %sign3A_597 = tpu.bitcast %get3A_596 : vector<16xf32> -> vector<16xi32>
      %sign3A_598 = arith.constant -2147483648 : i32
      %sign3A_599 = vector.broadcast %sign3A_598 : i32 to vector<16xi32>
      %sign3A_600 = arith.andi %sign3A_597, %sign3A_599 : vector<16xi32>
      %sign3A_601 = arith.constant 1065353216 : i32
      %sign3A_602 = vector.broadcast %sign3A_601 : i32 to vector<16xi32>
      %sign3A_603 = arith.ori %sign3A_602, %sign3A_600 : vector<16xi32>
      %sign3A_604 = tpu.bitcast %sign3A_603 : vector<16xi32> -> vector<16xf32>
      %sign3A_605 = math.absf %get3A_596 : vector<16xf32>
      %sign3A_606 = arith.constant 0.000000e+00 : f32
      %sign3A_607 = vector.broadcast %sign3A_606 : f32 to vector<16xf32>
      %sign3A_608 = arith.cmpf ogt, %sign3A_605, %sign3A_607 : vector<16xf32>
      %sign3A_609 = arith.select %sign3A_608, %sign3A_604, %get3A_596 : vector<16xi1>, vector<16xf32>
      %mul3A_610 = arith.mulf %broadcast_in_dim3A_7, %sign3A_609 : vector<16xf32>
      %add3A_611 = arith.addf %broadcast_in_dim3A_7, %mul3A_610 : vector<16xf32>
      %convert_element_type3A_612 = arith.fptosi %add3A_611 : vector<16xf32> to vector<16xi32>
      %shift_left3A_613 = arith.constant 23 : i32
      %shift_left3A_614 = vector.broadcast %shift_left3A_613 : i32 to vector<16xi32>
      %shift_left3A_615 = arith.shli %convert_element_type3A_612, %shift_left3A_614 : vector<16xi32>
      %or3A_616 = arith.ori %or3A_592, %shift_left3A_615 : vector<16xi32>
      %get3A_617 = arith.index_cast %scan3A_43 : i32 to index
      %get3A_618 = arith.constant 384 : index
      %get3A_619 = tpu.vector_load %arg7[%get3A_617, %get3A_618] {strides = array<i32>} : memref<32x512xf32, #tpu.memory_space<vmem>>, vector<1x16xf32>,
      %get3A_620 = vector.shape_cast %get3A_619 : vector<1x16xf32> to vector<16xf32>
      %sign3A_621 = tpu.bitcast %get3A_620 : vector<16xf32> -> vector<16xi32>
      %sign3A_622 = arith.constant -2147483648 : i32
      %sign3A_623 = vector.broadcast %sign3A_622 : i32 to vector<16xi32>
      %sign3A_624 = arith.andi %sign3A_621, %sign3A_623 : vector<16xi32>
      %sign3A_625 = arith.constant 1065353216 : i32
      %sign3A_626 = vector.broadcast %sign3A_625 : i32 to vector<16xi32>
      %sign3A_627 = arith.ori %sign3A_626, %sign3A_624 : vector<16xi32>
      %sign3A_628 = tpu.bitcast %sign3A_627 : vector<16xi32> -> vector<16xf32>
      %sign3A_629 = math.absf %get3A_620 : vector<16xf32>
      %sign3A_630 = arith.constant 0.000000e+00 : f32
      %sign3A_631 = vector.broadcast %sign3A_630 : f32 to vector<16xf32>
      %sign3A_632 = arith.cmpf ogt, %sign3A_629, %sign3A_631 : vector<16xf32>
      %sign3A_633 = arith.select %sign3A_632, %sign3A_628, %get3A_620 : vector<16xi1>, vector<16xf32>
      %mul3A_634 = arith.mulf %broadcast_in_dim3A_7, %sign3A_633 : vector<16xf32>
      %add3A_635 = arith.addf %broadcast_in_dim3A_7, %mul3A_634 : vector<16xf32>
      %convert_element_type3A_636 = arith.fptosi %add3A_635 : vector<16xf32> to vector<16xi32>
      %shift_left3A_637 = arith.constant 24 : i32
      %shift_left3A_638 = vector.broadcast %shift_left3A_637 : i32 to vector<16xi32>
      %shift_left3A_639 = arith.shli %convert_element_type3A_636, %shift_left3A_638 : vector<16xi32>
      %or3A_640 = arith.ori %or3A_616, %shift_left3A_639 : vector<16xi32>
      %get3A_641 = arith.index_cast %scan3A_43 : i32 to index
      %get3A_642 = arith.constant 400 : index
      %get3A_643 = tpu.vector_load %arg7[%get3A_641, %get3A_642] {strides = array<i32>} : memref<32x512xf32, #tpu.memory_space<vmem>>, vector<1x16xf32>,
      %get3A_644 = vector.shape_cast %get3A_643 : vector<1x16xf32> to vector<16xf32>
      %sign3A_645 = tpu.bitcast %get3A_644 : vector<16xf32> -> vector<16xi32>
      %sign3A_646 = arith.constant -2147483648 : i32
      %sign3A_647 = vector.broadcast %sign3A_646 : i32 to vector<16xi32>
      %sign3A_648 = arith.andi %sign3A_645, %sign3A_647 : vector<16xi32>
      %sign3A_649 = arith.constant 1065353216 : i32
      %sign3A_650 = vector.broadcast %sign3A_649 : i32 to vector<16xi32>
      %sign3A_651 = arith.ori %sign3A_650, %sign3A_648 : vector<16xi32>
      %sign3A_652 = tpu.bitcast %sign3A_651 : vector<16xi32> -> vector<16xf32>
      %sign3A_653 = math.absf %get3A_644 : vector<16xf32>
      %sign3A_654 = arith.constant 0.000000e+00 : f32
      %sign3A_655 = vector.broadcast %sign3A_654 : f32 to vector<16xf32>
      %sign3A_656 = arith.cmpf ogt, %sign3A_653, %sign3A_655 : vector<16xf32>
      %sign3A_657 = arith.select %sign3A_656, %sign3A_652, %get3A_644 : vector<16xi1>, vector<16xf32>
      %mul3A_658 = arith.mulf %broadcast_in_dim3A_7, %sign3A_657 : vector<16xf32>
      %add3A_659 = arith.addf %broadcast_in_dim3A_7, %mul3A_658 : vector<16xf32>
      %convert_element_type3A_660 = arith.fptosi %add3A_659 : vector<16xf32> to vector<16xi32>
      %shift_left3A_661 = arith.constant 25 : i32
      %shift_left3A_662 = vector.broadcast %shift_left3A_661 : i32 to vector<16xi32>
      %shift_left3A_663 = arith.shli %convert_element_type3A_660, %shift_left3A_662 : vector<16xi32>
      %or3A_664 = arith.ori %or3A_640, %shift_left3A_663 : vector<16xi32>
      %get3A_665 = arith.index_cast %scan3A_43 : i32 to index
      %get3A_666 = arith.constant 416 : index
      %get3A_667 = tpu.vector_load %arg7[%get3A_665, %get3A_666] {strides = array<i32>} : memref<32x512xf32, #tpu.memory_space<vmem>>, vector<1x16xf32>,
      %get3A_668 = vector.shape_cast %get3A_667 : vector<1x16xf32> to vector<16xf32>
      %sign3A_669 = tpu.bitcast %get3A_668 : vector<16xf32> -> vector<16xi32>
      %sign3A_670 = arith.constant -2147483648 : i32
      %sign3A_671 = vector.broadcast %sign3A_670 : i32 to vector<16xi32>
      %sign3A_672 = arith.andi %sign3A_669, %sign3A_671 : vector<16xi32>
      %sign3A_673 = arith.constant 1065353216 : i32
      %sign3A_674 = vector.broadcast %sign3A_673 : i32 to vector<16xi32>
      %sign3A_675 = arith.ori %sign3A_674, %sign3A_672 : vector<16xi32>
      %sign3A_676 = tpu.bitcast %sign3A_675 : vector<16xi32> -> vector<16xf32>
      %sign3A_677 = math.absf %get3A_668 : vector<16xf32>
      %sign3A_678 = arith.constant 0.000000e+00 : f32
      %sign3A_679 = vector.broadcast %sign3A_678 : f32 to vector<16xf32>
      %sign3A_680 = arith.cmpf ogt, %sign3A_677, %sign3A_679 : vector<16xf32>
      %sign3A_681 = arith.select %sign3A_680, %sign3A_676, %get3A_668 : vector<16xi1>, vector<16xf32>
      %mul3A_682 = arith.mulf %broadcast_in_dim3A_7, %sign3A_681 : vector<16xf32>
      %add3A_683 = arith.addf %broadcast_in_dim3A_7, %mul3A_682 : vector<16xf32>
      %convert_element_type3A_684 = arith.fptosi %add3A_683 : vector<16xf32> to vector<16xi32>
      %shift_left3A_685 = arith.constant 26 : i32
      %shift_left3A_686 = vector.broadcast %shift_left3A_685 : i32 to vector<16xi32>
      %shift_left3A_687 = arith.shli %convert_element_type3A_684, %shift_left3A_686 : vector<16xi32>
      %or3A_688 = arith.ori %or3A_664, %shift_left3A_687 : vector<16xi32>
      %get3A_689 = arith.index_cast %scan3A_43 : i32 to index
      %get3A_690 = arith.constant 432 : index
      %get3A_691 = tpu.vector_load %arg7[%get3A_689, %get3A_690] {strides = array<i32>} : memref<32x512xf32, #tpu.memory_space<vmem>>, vector<1x16xf32>,
      %get3A_692 = vector.shape_cast %get3A_691 : vector<1x16xf32> to vector<16xf32>
      %sign3A_693 = tpu.bitcast %get3A_692 : vector<16xf32> -> vector<16xi32>
      %sign3A_694 = arith.constant -2147483648 : i32
      %sign3A_695 = vector.broadcast %sign3A_694 : i32 to vector<16xi32>
      %sign3A_696 = arith.andi %sign3A_693, %sign3A_695 : vector<16xi32>
      %sign3A_697 = arith.constant 1065353216 : i32
      %sign3A_698 = vector.broadcast %sign3A_697 : i32 to vector<16xi32>
      %sign3A_699 = arith.ori %sign3A_698, %sign3A_696 : vector<16xi32>
      %sign3A_700 = tpu.bitcast %sign3A_699 : vector<16xi32> -> vector<16xf32>
      %sign3A_701 = math.absf %get3A_692 : vector<16xf32>
      %sign3A_702 = arith.constant 0.000000e+00 : f32
      %sign3A_703 = vector.broadcast %sign3A_702 : f32 to vector<16xf32>
      %sign3A_704 = arith.cmpf ogt, %sign3A_701, %sign3A_703 : vector<16xf32>
      %sign3A_705 = arith.select %sign3A_704, %sign3A_700, %get3A_692 : vector<16xi1>, vector<16xf32>
      %mul3A_706 = arith.mulf %broadcast_in_dim3A_7, %sign3A_705 : vector<16xf32>
      %add3A_707 = arith.addf %broadcast_in_dim3A_7, %mul3A_706 : vector<16xf32>
      %convert_element_type3A_708 = arith.fptosi %add3A_707 : vector<16xf32> to vector<16xi32>
      %shift_left3A_709 = arith.constant 27 : i32
      %shift_left3A_710 = vector.broadcast %shift_left3A_709 : i32 to vector<16xi32>
      %shift_left3A_711 = arith.shli %convert_element_type3A_708, %shift_left3A_710 : vector<16xi32>
      %or3A_712 = arith.ori %or3A_688, %shift_left3A_711 : vector<16xi32>
      %get3A_713 = arith.index_cast %scan3A_43 : i32 to index
      %get3A_714 = arith.constant 448 : index
      %get3A_715 = tpu.vector_load %arg7[%get3A_713, %get3A_714] {strides = array<i32>} : memref<32x512xf32, #tpu.memory_space<vmem>>, vector<1x16xf32>,
      %get3A_716 = vector.shape_cast %get3A_715 : vector<1x16xf32> to vector<16xf32>
      %sign3A_717 = tpu.bitcast %get3A_716 : vector<16xf32> -> vector<16xi32>
      %sign3A_718 = arith.constant -2147483648 : i32
      %sign3A_719 = vector.broadcast %sign3A_718 : i32 to vector<16xi32>
      %sign3A_720 = arith.andi %sign3A_717, %sign3A_719 : vector<16xi32>
      %sign3A_721 = arith.constant 1065353216 : i32
      %sign3A_722 = vector.broadcast %sign3A_721 : i32 to vector<16xi32>
      %sign3A_723 = arith.ori %sign3A_722, %sign3A_720 : vector<16xi32>
      %sign3A_724 = tpu.bitcast %sign3A_723 : vector<16xi32> -> vector<16xf32>
      %sign3A_725 = math.absf %get3A_716 : vector<16xf32>
      %sign3A_726 = arith.constant 0.000000e+00 : f32
      %sign3A_727 = vector.broadcast %sign3A_726 : f32 to vector<16xf32>
      %sign3A_728 = arith.cmpf ogt, %sign3A_725, %sign3A_727 : vector<16xf32>
      %sign3A_729 = arith.select %sign3A_728, %sign3A_724, %get3A_716 : vector<16xi1>, vector<16xf32>
      %mul3A_730 = arith.mulf %broadcast_in_dim3A_7, %sign3A_729 : vector<16xf32>
      %add3A_731 = arith.addf %broadcast_in_dim3A_7, %mul3A_730 : vector<16xf32>
      %convert_element_type3A_732 = arith.fptosi %add3A_731 : vector<16xf32> to vector<16xi32>
      %shift_left3A_733 = arith.constant 28 : i32
      %shift_left3A_734 = vector.broadcast %shift_left3A_733 : i32 to vector<16xi32>
      %shift_left3A_735 = arith.shli %convert_element_type3A_732, %shift_left3A_734 : vector<16xi32>
      %or3A_736 = arith.ori %or3A_712, %shift_left3A_735 : vector<16xi32>
      %get3A_737 = arith.index_cast %scan3A_43 : i32 to index
      %get3A_738 = arith.constant 464 : index
      %get3A_739 = tpu.vector_load %arg7[%get3A_737, %get3A_738] {strides = array<i32>} : memref<32x512xf32, #tpu.memory_space<vmem>>, vector<1x16xf32>,
      %get3A_740 = vector.shape_cast %get3A_739 : vector<1x16xf32> to vector<16xf32>
      %sign3A_741 = tpu.bitcast %get3A_740 : vector<16xf32> -> vector<16xi32>
      %sign3A_742 = arith.constant -2147483648 : i32
      %sign3A_743 = vector.broadcast %sign3A_742 : i32 to vector<16xi32>
      %sign3A_744 = arith.andi %sign3A_741, %sign3A_743 : vector<16xi32>
      %sign3A_745 = arith.constant 1065353216 : i32
      %sign3A_746 = vector.broadcast %sign3A_745 : i32 to vector<16xi32>
      %sign3A_747 = arith.ori %sign3A_746, %sign3A_744 : vector<16xi32>
      %sign3A_748 = tpu.bitcast %sign3A_747 : vector<16xi32> -> vector<16xf32>
      %sign3A_749 = math.absf %get3A_740 : vector<16xf32>
      %sign3A_750 = arith.constant 0.000000e+00 : f32
      %sign3A_751 = vector.broadcast %sign3A_750 : f32 to vector<16xf32>
      %sign3A_752 = arith.cmpf ogt, %sign3A_749, %sign3A_751 : vector<16xf32>
      %sign3A_753 = arith.select %sign3A_752, %sign3A_748, %get3A_740 : vector<16xi1>, vector<16xf32>
      %mul3A_754 = arith.mulf %broadcast_in_dim3A_7, %sign3A_753 : vector<16xf32>
      %add3A_755 = arith.addf %broadcast_in_dim3A_7, %mul3A_754 : vector<16xf32>
      %convert_element_type3A_756 = arith.fptosi %add3A_755 : vector<16xf32> to vector<16xi32>
      %shift_left3A_757 = arith.constant 29 : i32
      %shift_left3A_758 = vector.broadcast %shift_left3A_757 : i32 to vector<16xi32>
      %shift_left3A_759 = arith.shli %convert_element_type3A_756, %shift_left3A_758 : vector<16xi32>
      %or3A_760 = arith.ori %or3A_736, %shift_left3A_759 : vector<16xi32>
      %get3A_761 = arith.index_cast %scan3A_43 : i32 to index
      %get3A_762 = arith.constant 480 : index
      %get3A_763 = tpu.vector_load %arg7[%get3A_761, %get3A_762] {strides = array<i32>} : memref<32x512xf32, #tpu.memory_space<vmem>>, vector<1x16xf32>,
      %get3A_764 = vector.shape_cast %get3A_763 : vector<1x16xf32> to vector<16xf32>
      %sign3A_765 = tpu.bitcast %get3A_764 : vector<16xf32> -> vector<16xi32>
      %sign3A_766 = arith.constant -2147483648 : i32
      %sign3A_767 = vector.broadcast %sign3A_766 : i32 to vector<16xi32>
      %sign3A_768 = arith.andi %sign3A_765, %sign3A_767 : vector<16xi32>
      %sign3A_769 = arith.constant 1065353216 : i32
      %sign3A_770 = vector.broadcast %sign3A_769 : i32 to vector<16xi32>
      %sign3A_771 = arith.ori %sign3A_770, %sign3A_768 : vector<16xi32>
      %sign3A_772 = tpu.bitcast %sign3A_771 : vector<16xi32> -> vector<16xf32>
      %sign3A_773 = math.absf %get3A_764 : vector<16xf32>
      %sign3A_774 = arith.constant 0.000000e+00 : f32
      %sign3A_775 = vector.broadcast %sign3A_774 : f32 to vector<16xf32>
      %sign3A_776 = arith.cmpf ogt, %sign3A_773, %sign3A_775 : vector<16xf32>
      %sign3A_777 = arith.select %sign3A_776, %sign3A_772, %get3A_764 : vector<16xi1>, vector<16xf32>
      %mul3A_778 = arith.mulf %broadcast_in_dim3A_7, %sign3A_777 : vector<16xf32>
      %add3A_779 = arith.addf %broadcast_in_dim3A_7, %mul3A_778 : vector<16xf32>
      %convert_element_type3A_780 = arith.fptosi %add3A_779 : vector<16xf32> to vector<16xi32>
      %shift_left3A_781 = arith.constant 30 : i32
      %shift_left3A_782 = vector.broadcast %shift_left3A_781 : i32 to vector<16xi32>
      %shift_left3A_783 = arith.shli %convert_element_type3A_780, %shift_left3A_782 : vector<16xi32>
      %or3A_784 = arith.ori %or3A_760, %shift_left3A_783 : vector<16xi32>
      %get3A_785 = arith.index_cast %scan3A_43 : i32 to index
      %get3A_786 = arith.constant 496 : index
      %get3A_787 = tpu.vector_load %arg7[%get3A_785, %get3A_786] {strides = array<i32>} : memref<32x512xf32, #tpu.memory_space<vmem>>, vector<1x16xf32>,
      %get3A_788 = vector.shape_cast %get3A_787 : vector<1x16xf32> to vector<16xf32>
      %sign3A_789 = tpu.bitcast %get3A_788 : vector<16xf32> -> vector<16xi32>
      %sign3A_790 = arith.constant -2147483648 : i32
      %sign3A_791 = vector.broadcast %sign3A_790 : i32 to vector<16xi32>
      %sign3A_792 = arith.andi %sign3A_789, %sign3A_791 : vector<16xi32>
      %sign3A_793 = arith.constant 1065353216 : i32
      %sign3A_794 = vector.broadcast %sign3A_793 : i32 to vector<16xi32>
      %sign3A_795 = arith.ori %sign3A_794, %sign3A_792 : vector<16xi32>
      %sign3A_796 = tpu.bitcast %sign3A_795 : vector<16xi32> -> vector<16xf32>
      %sign3A_797 = math.absf %get3A_788 : vector<16xf32>
      %sign3A_798 = arith.constant 0.000000e+00 : f32
      %sign3A_799 = vector.broadcast %sign3A_798 : f32 to vector<16xf32>
      %sign3A_800 = arith.cmpf ogt, %sign3A_797, %sign3A_799 : vector<16xf32>
      %sign3A_801 = arith.select %sign3A_800, %sign3A_796, %get3A_788 : vector<16xi1>, vector<16xf32>
      %mul3A_802 = arith.mulf %broadcast_in_dim3A_7, %sign3A_801 : vector<16xf32>
      %add3A_803 = arith.addf %broadcast_in_dim3A_7, %mul3A_802 : vector<16xf32>
      %convert_element_type3A_804 = arith.fptosi %add3A_803 : vector<16xf32> to vector<16xi32>
      %shift_left3A_805 = arith.constant 31 : i32
      %shift_left3A_806 = vector.broadcast %shift_left3A_805 : i32 to vector<16xi32>
      %shift_left3A_807 = arith.shli %convert_element_type3A_804, %shift_left3A_806 : vector<16xi32>
      %or3A_808 = arith.ori %or3A_784, %shift_left3A_807 : vector<16xi32>
      %mul3A_809 = arith.constant 16 : i32
      %mul3A_810 = arith.muli %scan3A_43, %mul3A_809 : i32
      %multiple_of3A_811 = tpu.assume_multiple %mul3A_810, 16 : i32
      %swap3A = arith.index_cast %multiple_of3A_811 : i32 to index
      %swap3A_812 = tpu.vector_load %arg12[%swap3A] {strides = array<i32>} : memref<512xi32, #tpu.memory_space<vmem>>, vector<16xi32>,
      %swap3A_813 = vector.shape_cast %swap3A_812 : vector<16xi32> to vector<16xi32>
      %swap3A_814 = vector.shape_cast %or3A_808 : vector<16xi32> to vector<16xi32>
      tpu.vector_store %arg12[%swap3A], %swap3A_814 {strides = array<i32>} : memref<512xi32, #tpu.memory_space<vmem>>, vector<16xi32>,
    }
    %scan3A_18 = arith.constant 32 : i32
    %mul3A_19 = arith.constant 256 : i32
    %mul3A_20 = arith.muli %arg1, %mul3A_19 : i32
    %multiple_of3A_21 = tpu.assume_multiple %mul3A_20, 256 : i32
    "tpu.region"() ({
      %run_scoped3A = tpu.sem_alloc : memref<!tpu.dma_semaphore, #tpu.memory_space<semaphore_mem>>
      %dma_start3A = tpu.memref_slice %arg14[%multiple_of3A_21] : memref<12288xi32, #tpu.memory_space<vmem_shared>> -> memref<256xi32, #tpu.memory_space<vmem_shared>>
      %dma_start3A_43 = tpu.memref_slice %arg14[%multiple_of3A_21] : memref<12288xi32, #tpu.memory_space<vmem_shared>> -> memref<256xi32, #tpu.memory_space<vmem_shared>>
      tpu.enqueue_dma source(%arg11 : memref<256xi32, #tpu.memory_space<vmem>>) target(%dma_start3A_43 : memref<256xi32, #tpu.memory_space<vmem_shared>>) target_semaphore(%run_scoped3A : memref<!tpu.dma_semaphore, #tpu.memory_space<semaphore_mem>>)
      %dma_wait3A = tpu.memref_slice %arg14[%multiple_of3A_21] : memref<12288xi32, #tpu.memory_space<vmem_shared>> -> memref<256xi32, #tpu.memory_space<vmem_shared>>
      %dma_wait3A_44 = tpu.memref_slice %arg14[%multiple_of3A_21] : memref<12288xi32, #tpu.memory_space<vmem_shared>> -> memref<256xi32, #tpu.memory_space<vmem_shared>>
      tpu.wait_dma2 semaphore(%run_scoped3A : memref<!tpu.dma_semaphore, #tpu.memory_space<semaphore_mem>>) src(%arg11 : memref<256xi32, #tpu.memory_space<vmem>>) dst(%dma_wait3A_44 : memref<256xi32, #tpu.memory_space<vmem_shared>>)
      tpu.yield
    }) : () -> ()
    %mul3A_22 = arith.constant 512 : i32
    %mul3A_23 = arith.muli %arg1, %mul3A_22 : i32
    %add3A = arith.constant 4096 : i32
    %add3A_24 = arith.addi %add3A, %mul3A_23 : i32
    %multiple_of3A_25 = tpu.assume_multiple %add3A_24, 512 : i32
    "tpu.region"() ({
      %run_scoped3A = tpu.sem_alloc : memref<!tpu.dma_semaphore, #tpu.memory_space<semaphore_mem>>
      %dma_start3A = tpu.memref_slice %arg14[%multiple_of3A_25] : memref<12288xi32, #tpu.memory_space<vmem_shared>> -> memref<512xi32, #tpu.memory_space<vmem_shared>>
      %dma_start3A_43 = tpu.memref_slice %arg14[%multiple_of3A_25] : memref<12288xi32, #tpu.memory_space<vmem_shared>> -> memref<512xi32, #tpu.memory_space<vmem_shared>>
      tpu.enqueue_dma source(%arg12 : memref<512xi32, #tpu.memory_space<vmem>>) target(%dma_start3A_43 : memref<512xi32, #tpu.memory_space<vmem_shared>>) target_semaphore(%run_scoped3A : memref<!tpu.dma_semaphore, #tpu.memory_space<semaphore_mem>>)
      %dma_wait3A = tpu.memref_slice %arg14[%multiple_of3A_25] : memref<12288xi32, #tpu.memory_space<vmem_shared>> -> memref<512xi32, #tpu.memory_space<vmem_shared>>
      %dma_wait3A_44 = tpu.memref_slice %arg14[%multiple_of3A_25] : memref<12288xi32, #tpu.memory_space<vmem_shared>> -> memref<512xi32, #tpu.memory_space<vmem_shared>>
      tpu.wait_dma2 semaphore(%run_scoped3A : memref<!tpu.dma_semaphore, #tpu.memory_space<semaphore_mem>>) src(%arg12 : memref<512xi32, #tpu.memory_space<vmem>>) dst(%dma_wait3A_44 : memref<512xi32, #tpu.memory_space<vmem_shared>>)
      tpu.yield
    }) : () -> ()
    %barrier3A = arith.constant 0 : index
    tpu.barrier barrier_id(%barrier3A)
    "tpu.region"() ({
      %run_scoped3A = tpu.sem_alloc : memref<!tpu.dma_semaphore, #tpu.memory_space<semaphore_mem>>
      %dma_start3A = arith.constant 0 : i32
      %dma_start3A_43 = tpu.memref_slice %arg14[%dma_start3A] : memref<12288xi32, #tpu.memory_space<vmem_shared>> -> memref<4096xi32, #tpu.memory_space<vmem_shared>>
      %dma_start3A_44 = arith.constant 0 : i32
      %dma_start3A_45 = tpu.memref_slice %arg14[%dma_start3A_44] : memref<12288xi32, #tpu.memory_space<vmem_shared>> -> memref<4096xi32, #tpu.memory_space<vmem_shared>>
      tpu.enqueue_dma source(%dma_start3A_45 : memref<4096xi32, #tpu.memory_space<vmem_shared>>) target(%arg9 : memref<4096xi32, #tpu.memory_space<vmem>>) target_semaphore(%run_scoped3A : memref<!tpu.dma_semaphore, #tpu.memory_space<semaphore_mem>>)
      %dma_wait3A = arith.constant 0 : i32
      %dma_wait3A_46 = tpu.memref_slice %arg14[%dma_wait3A] : memref<12288xi32, #tpu.memory_space<vmem_shared>> -> memref<4096xi32, #tpu.memory_space<vmem_shared>>
      %dma_wait3A_47 = arith.constant 0 : i32
      %dma_wait3A_48 = tpu.memref_slice %arg14[%dma_wait3A_47] : memref<12288xi32, #tpu.memory_space<vmem_shared>> -> memref<4096xi32, #tpu.memory_space<vmem_shared>>
      tpu.wait_dma2 semaphore(%run_scoped3A : memref<!tpu.dma_semaphore, #tpu.memory_space<semaphore_mem>>) src(%dma_wait3A_48 : memref<4096xi32, #tpu.memory_space<vmem_shared>>) dst(%arg9 : memref<4096xi32, #tpu.memory_space<vmem>>)
      tpu.yield
    }) : () -> ()
    "tpu.region"() ({
      %run_scoped3A = tpu.sem_alloc : memref<!tpu.dma_semaphore, #tpu.memory_space<semaphore_mem>>
      %dma_start3A = arith.constant 4096 : i32
      %dma_start3A_43 = tpu.memref_slice %arg14[%dma_start3A] : memref<12288xi32, #tpu.memory_space<vmem_shared>> -> memref<8192xi32, #tpu.memory_space<vmem_shared>>
      %dma_start3A_44 = arith.constant 4096 : i32
      %dma_start3A_45 = tpu.memref_slice %arg14[%dma_start3A_44] : memref<12288xi32, #tpu.memory_space<vmem_shared>> -> memref<8192xi32, #tpu.memory_space<vmem_shared>>
      tpu.enqueue_dma source(%dma_start3A_45 : memref<8192xi32, #tpu.memory_space<vmem_shared>>) target(%arg10 : memref<8192xi32, #tpu.memory_space<vmem>>) target_semaphore(%run_scoped3A : memref<!tpu.dma_semaphore, #tpu.memory_space<semaphore_mem>>)
      %dma_wait3A = arith.constant 4096 : i32
      %dma_wait3A_46 = tpu.memref_slice %arg14[%dma_wait3A] : memref<12288xi32, #tpu.memory_space<vmem_shared>> -> memref<8192xi32, #tpu.memory_space<vmem_shared>>
      %dma_wait3A_47 = arith.constant 4096 : i32
      %dma_wait3A_48 = tpu.memref_slice %arg14[%dma_wait3A_47] : memref<12288xi32, #tpu.memory_space<vmem_shared>> -> memref<8192xi32, #tpu.memory_space<vmem_shared>>
      tpu.wait_dma2 semaphore(%run_scoped3A : memref<!tpu.dma_semaphore, #tpu.memory_space<semaphore_mem>>) src(%dma_wait3A_48 : memref<8192xi32, #tpu.memory_space<vmem_shared>>) dst(%arg10 : memref<8192xi32, #tpu.memory_space<vmem>>)
      tpu.yield
    }) : () -> ()
    %mul3A_26 = arith.constant 8 : i32
    %mul3A_27 = arith.muli %arg1, %mul3A_26 : i32
    %mul3A_28 = arith.constant 512 : i32
    %mul3A_29 = arith.muli %mul3A_27, %mul3A_28 : i32
    %multiple_of3A_30 = tpu.assume_multiple %mul3A_29, 512 : i32
    "tpu.region"() ({
      %run_scoped3A = tpu.sem_alloc : memref<!tpu.dma_semaphore, #tpu.memory_space<semaphore_mem>>
      %dma_start3A = tpu.memref_slice %arg2[%multiple_of3A_30] : memref<65536xf32, #tpu.memory_space<hbm>> -> memref<4096xf32, #tpu.memory_space<hbm>>
      %dma_start3A_43 = tpu.memref_slice %arg2[%multiple_of3A_30] : memref<65536xf32, #tpu.memory_space<hbm>> -> memref<4096xf32, #tpu.memory_space<hbm>>
      tpu.enqueue_dma source(%dma_start3A_43 : memref<4096xf32, #tpu.memory_space<hbm>>) target(%arg8 : memref<4096xf32, #tpu.memory_space<vmem>>) target_semaphore(%run_scoped3A : memref<!tpu.dma_semaphore, #tpu.memory_space<semaphore_mem>>)
      %dma_wait3A = tpu.memref_slice %arg2[%multiple_of3A_30] : memref<65536xf32, #tpu.memory_space<hbm>> -> memref<4096xf32, #tpu.memory_space<hbm>>
      %dma_wait3A_44 = tpu.memref_slice %arg2[%multiple_of3A_30] : memref<65536xf32, #tpu.memory_space<hbm>> -> memref<4096xf32, #tpu.memory_space<hbm>>
      tpu.wait_dma2 semaphore(%run_scoped3A : memref<!tpu.dma_semaphore, #tpu.memory_space<semaphore_mem>>) src(%dma_wait3A_44 : memref<4096xf32, #tpu.memory_space<hbm>>) dst(%arg8 : memref<4096xf32, #tpu.memory_space<vmem>>)
      tpu.yield
    }) : () -> ()
    %scan3A_31 = arith.constant 0 : i32
    %scan3A_32 = arith.constant 0 : i32
    %scan3A_33 = arith.constant 8 : i32
    %scan3A_34 = arith.addi %scan3A_32, %scan3A_33 : i32
    %scan3A_35 = arith.constant 1 : i32
    scf.for %scan3A_43 = %scan3A_32 to %scan3A_34 step %scan3A_35  : i32 {
      %broadcast_in_dim3A_44 = arith.constant 0 : i32
      %broadcast_in_dim3A_45 = vector.broadcast %broadcast_in_dim3A_44 : i32 to vector<16xi32>
      %parallel_loop3A = arith.constant 0 : i32
      %parallel_loop3A_46 = arith.constant 32 : i32
      %parallel_loop3A_47 = arith.constant 1 : i32
      %parallel_loop3A_48:10 = scf.for %parallel_loop3A_787 = %parallel_loop3A to %parallel_loop3A_46 step %parallel_loop3A_47 iter_args(%parallel_loop3A_788 = %broadcast_in_dim3A_45, %parallel_loop3A_789 = %broadcast_in_dim3A_45, %parallel_loop3A_790 = %broadcast_in_dim3A_45, %parallel_loop3A_791 = %broadcast_in_dim3A_45, %parallel_loop3A_792 = %broadcast_in_dim3A_45, %parallel_loop3A_793 = %broadcast_in_dim3A_45, %parallel_loop3A_794 = %broadcast_in_dim3A_45, %parallel_loop3A_795 = %broadcast_in_dim3A_45, %parallel_loop3A_796 = %broadcast_in_dim3A_45, %parallel_loop3A_797 = %broadcast_in_dim3A_45) -> (vector<16xi32>, vector<16xi32>, vector<16xi32>, vector<16xi32>, vector<16xi32>, vector<16xi32>, vector<16xi32>, vector<16xi32>, vector<16xi32>, vector<16xi32>)  : i32 {
        %parallel_loop3A_798 = arith.constant 16 : i32
        %parallel_loop3A_799 = arith.muli %parallel_loop3A_787, %parallel_loop3A_798 : i32
        %parallel_loop3A_800 = arith.constant 512 : i32
        %parallel_loop3A_801 = arith.muli %scan3A_43, %parallel_loop3A_800 : i32
        %parallel_loop3A_802 = arith.addi %parallel_loop3A_801, %parallel_loop3A_799 : i32
        %parallel_loop3A_803 = tpu.assume_multiple %parallel_loop3A_802, 16 : i32
        %parallel_loop3A_804 = arith.index_cast %parallel_loop3A_803 : i32 to index
        %parallel_loop3A_805 = tpu.vector_load %arg8[%parallel_loop3A_804] {strides = array<i32>} : memref<4096xf32, #tpu.memory_space<vmem>>, vector<16xf32>,
        %parallel_loop3A_806 = vector.shape_cast %parallel_loop3A_805 : vector<16xf32> to vector<16xf32>
        %parallel_loop3A_807 = arith.constant 2.550000e+02 : f32
        %parallel_loop3A_808 = vector.broadcast %parallel_loop3A_807 : f32 to vector<16xf32>
        %parallel_loop3A_809 = arith.mulf %parallel_loop3A_806, %parallel_loop3A_808 : vector<16xf32>
        %parallel_loop3A_810 = arith.constant 5.000000e-01 : f32
        %parallel_loop3A_811 = vector.broadcast %parallel_loop3A_810 : f32 to vector<16xf32>
        %parallel_loop3A_812 = arith.addf %parallel_loop3A_809, %parallel_loop3A_811 : vector<16xf32>
        %parallel_loop3A_813 = arith.fptosi %parallel_loop3A_812 : vector<16xf32> to vector<16xi32>
        %parallel_loop3A_814 = arith.constant 0 : i32
        %parallel_loop3A_815 = arith.constant 255 : i32
        %parallel_loop3A_816 = vector.broadcast %parallel_loop3A_814 : i32 to vector<16xi32>
        %parallel_loop3A_817 = arith.maxsi %parallel_loop3A_816, %parallel_loop3A_813 : vector<16xi32>
        %parallel_loop3A_818 = vector.broadcast %parallel_loop3A_815 : i32 to vector<16xi32>
        %parallel_loop3A_819 = arith.minsi %parallel_loop3A_818, %parallel_loop3A_817 : vector<16xi32>
        %parallel_loop3A_820 = arith.constant 16 : i32
        %parallel_loop3A_821 = vector.broadcast %parallel_loop3A_820 : i32 to vector<16xi32>
        %parallel_loop3A_822 = arith.muli %parallel_loop3A_819, %parallel_loop3A_821 : vector<16xi32>
        %parallel_loop3A_823 = vector.extract_strided_slice %parallel_loop3A_822 {offsets = [0], sizes = [1], strides = [1]} : vector<16xi32> to vector<1xi32>
        %parallel_loop3A_824 = vector.extract %parallel_loop3A_823[0] : i32 from vector<1xi32>
        %parallel_loop3A_825 = tpu.assume_multiple %parallel_loop3A_824, 16 : i32
        %parallel_loop3A_826 = arith.constant 0 : i32
        %parallel_loop3A_827 = arith.addi %parallel_loop3A_799, %parallel_loop3A_826 : i32
        %parallel_loop3A_828 = arith.constant 16 : i32
        %parallel_loop3A_829 = arith.muli %parallel_loop3A_827, %parallel_loop3A_828 : i32
        %parallel_loop3A_830 = tpu.assume_multiple %parallel_loop3A_829, 16 : i32
        %parallel_loop3A_831 = arith.index_cast %parallel_loop3A_825 : i32 to index
        %parallel_loop3A_832 = tpu.vector_load %arg9[%parallel_loop3A_831] {strides = array<i32>} : memref<4096xi32, #tpu.memory_space<vmem>>, vector<16xi32>,
        %parallel_loop3A_833 = vector.shape_cast %parallel_loop3A_832 : vector<16xi32> to vector<16xi32>
        %parallel_loop3A_834 = arith.index_cast %parallel_loop3A_830 : i32 to index
        %parallel_loop3A_835 = tpu.vector_load %arg10[%parallel_loop3A_834] {strides = array<i32>} : memref<8192xi32, #tpu.memory_space<vmem>>, vector<16xi32>,
        %parallel_loop3A_836 = vector.shape_cast %parallel_loop3A_835 : vector<16xi32> to vector<16xi32>
        %parallel_loop3A_837 = arith.xori %parallel_loop3A_833, %parallel_loop3A_836 : vector<16xi32>
        %parallel_loop3A_838 = vector.extract_strided_slice %parallel_loop3A_822 {offsets = [1], sizes = [1], strides = [1]} : vector<16xi32> to vector<1xi32>
        %parallel_loop3A_839 = vector.extract %parallel_loop3A_838[0] : i32 from vector<1xi32>
        %parallel_loop3A_840 = tpu.assume_multiple %parallel_loop3A_839, 16 : i32
        %parallel_loop3A_841 = arith.constant 1 : i32
        %parallel_loop3A_842 = arith.addi %parallel_loop3A_799, %parallel_loop3A_841 : i32
        %parallel_loop3A_843 = arith.constant 16 : i32
        %parallel_loop3A_844 = arith.muli %parallel_loop3A_842, %parallel_loop3A_843 : i32
        %parallel_loop3A_845 = tpu.assume_multiple %parallel_loop3A_844, 16 : i32
        %parallel_loop3A_846 = arith.index_cast %parallel_loop3A_840 : i32 to index
        %parallel_loop3A_847 = tpu.vector_load %arg9[%parallel_loop3A_846] {strides = array<i32>} : memref<4096xi32, #tpu.memory_space<vmem>>, vector<16xi32>,
        %parallel_loop3A_848 = vector.shape_cast %parallel_loop3A_847 : vector<16xi32> to vector<16xi32>
        %parallel_loop3A_849 = arith.index_cast %parallel_loop3A_845 : i32 to index
        %parallel_loop3A_850 = tpu.vector_load %arg10[%parallel_loop3A_849] {strides = array<i32>} : memref<8192xi32, #tpu.memory_space<vmem>>, vector<16xi32>,
        %parallel_loop3A_851 = vector.shape_cast %parallel_loop3A_850 : vector<16xi32> to vector<16xi32>
        %parallel_loop3A_852 = arith.xori %parallel_loop3A_848, %parallel_loop3A_851 : vector<16xi32>
        %parallel_loop3A_853 = vector.extract_strided_slice %parallel_loop3A_822 {offsets = [2], sizes = [1], strides = [1]} : vector<16xi32> to vector<1xi32>
        %parallel_loop3A_854 = vector.extract %parallel_loop3A_853[0] : i32 from vector<1xi32>
        %parallel_loop3A_855 = tpu.assume_multiple %parallel_loop3A_854, 16 : i32
        %parallel_loop3A_856 = arith.constant 2 : i32
        %parallel_loop3A_857 = arith.addi %parallel_loop3A_799, %parallel_loop3A_856 : i32
        %parallel_loop3A_858 = arith.constant 16 : i32
        %parallel_loop3A_859 = arith.muli %parallel_loop3A_857, %parallel_loop3A_858 : i32
        %parallel_loop3A_860 = tpu.assume_multiple %parallel_loop3A_859, 16 : i32
        %parallel_loop3A_861 = arith.index_cast %parallel_loop3A_855 : i32 to index
        %parallel_loop3A_862 = tpu.vector_load %arg9[%parallel_loop3A_861] {strides = array<i32>} : memref<4096xi32, #tpu.memory_space<vmem>>, vector<16xi32>,
        %parallel_loop3A_863 = vector.shape_cast %parallel_loop3A_862 : vector<16xi32> to vector<16xi32>
        %parallel_loop3A_864 = arith.index_cast %parallel_loop3A_860 : i32 to index
        %parallel_loop3A_865 = tpu.vector_load %arg10[%parallel_loop3A_864] {strides = array<i32>} : memref<8192xi32, #tpu.memory_space<vmem>>, vector<16xi32>,
        %parallel_loop3A_866 = vector.shape_cast %parallel_loop3A_865 : vector<16xi32> to vector<16xi32>
        %parallel_loop3A_867 = arith.xori %parallel_loop3A_863, %parallel_loop3A_866 : vector<16xi32>
        %parallel_loop3A_868 = vector.extract_strided_slice %parallel_loop3A_822 {offsets = [3], sizes = [1], strides = [1]} : vector<16xi32> to vector<1xi32>
        %parallel_loop3A_869 = vector.extract %parallel_loop3A_868[0] : i32 from vector<1xi32>
        %parallel_loop3A_870 = tpu.assume_multiple %parallel_loop3A_869, 16 : i32
        %parallel_loop3A_871 = arith.constant 3 : i32
        %parallel_loop3A_872 = arith.addi %parallel_loop3A_799, %parallel_loop3A_871 : i32
        %parallel_loop3A_873 = arith.constant 16 : i32
        %parallel_loop3A_874 = arith.muli %parallel_loop3A_872, %parallel_loop3A_873 : i32
        %parallel_loop3A_875 = tpu.assume_multiple %parallel_loop3A_874, 16 : i32
        %parallel_loop3A_876 = arith.index_cast %parallel_loop3A_870 : i32 to index
        %parallel_loop3A_877 = tpu.vector_load %arg9[%parallel_loop3A_876] {strides = array<i32>} : memref<4096xi32, #tpu.memory_space<vmem>>, vector<16xi32>,
        %parallel_loop3A_878 = vector.shape_cast %parallel_loop3A_877 : vector<16xi32> to vector<16xi32>
        %parallel_loop3A_879 = arith.index_cast %parallel_loop3A_875 : i32 to index
        %parallel_loop3A_880 = tpu.vector_load %arg10[%parallel_loop3A_879] {strides = array<i32>} : memref<8192xi32, #tpu.memory_space<vmem>>, vector<16xi32>,
        %parallel_loop3A_881 = vector.shape_cast %parallel_loop3A_880 : vector<16xi32> to vector<16xi32>
        %parallel_loop3A_882 = arith.xori %parallel_loop3A_878, %parallel_loop3A_881 : vector<16xi32>
        %parallel_loop3A_883 = vector.extract_strided_slice %parallel_loop3A_822 {offsets = [4], sizes = [1], strides = [1]} : vector<16xi32> to vector<1xi32>
        %parallel_loop3A_884 = vector.extract %parallel_loop3A_883[0] : i32 from vector<1xi32>
        %parallel_loop3A_885 = tpu.assume_multiple %parallel_loop3A_884, 16 : i32
        %parallel_loop3A_886 = arith.constant 4 : i32
        %parallel_loop3A_887 = arith.addi %parallel_loop3A_799, %parallel_loop3A_886 : i32
        %parallel_loop3A_888 = arith.constant 16 : i32
        %parallel_loop3A_889 = arith.muli %parallel_loop3A_887, %parallel_loop3A_888 : i32
        %parallel_loop3A_890 = tpu.assume_multiple %parallel_loop3A_889, 16 : i32
        %parallel_loop3A_891 = arith.index_cast %parallel_loop3A_885 : i32 to index
        %parallel_loop3A_892 = tpu.vector_load %arg9[%parallel_loop3A_891] {strides = array<i32>} : memref<4096xi32, #tpu.memory_space<vmem>>, vector<16xi32>,
        %parallel_loop3A_893 = vector.shape_cast %parallel_loop3A_892 : vector<16xi32> to vector<16xi32>
        %parallel_loop3A_894 = arith.index_cast %parallel_loop3A_890 : i32 to index
        %parallel_loop3A_895 = tpu.vector_load %arg10[%parallel_loop3A_894] {strides = array<i32>} : memref<8192xi32, #tpu.memory_space<vmem>>, vector<16xi32>,
        %parallel_loop3A_896 = vector.shape_cast %parallel_loop3A_895 : vector<16xi32> to vector<16xi32>
        %parallel_loop3A_897 = arith.xori %parallel_loop3A_893, %parallel_loop3A_896 : vector<16xi32>
        %parallel_loop3A_898 = vector.extract_strided_slice %parallel_loop3A_822 {offsets = [5], sizes = [1], strides = [1]} : vector<16xi32> to vector<1xi32>
        %parallel_loop3A_899 = vector.extract %parallel_loop3A_898[0] : i32 from vector<1xi32>
        %parallel_loop3A_900 = tpu.assume_multiple %parallel_loop3A_899, 16 : i32
        %parallel_loop3A_901 = arith.constant 5 : i32
        %parallel_loop3A_902 = arith.addi %parallel_loop3A_799, %parallel_loop3A_901 : i32
        %parallel_loop3A_903 = arith.constant 16 : i32
        %parallel_loop3A_904 = arith.muli %parallel_loop3A_902, %parallel_loop3A_903 : i32
        %parallel_loop3A_905 = tpu.assume_multiple %parallel_loop3A_904, 16 : i32
        %parallel_loop3A_906 = arith.index_cast %parallel_loop3A_900 : i32 to index
        %parallel_loop3A_907 = tpu.vector_load %arg9[%parallel_loop3A_906] {strides = array<i32>} : memref<4096xi32, #tpu.memory_space<vmem>>, vector<16xi32>,
        %parallel_loop3A_908 = vector.shape_cast %parallel_loop3A_907 : vector<16xi32> to vector<16xi32>
        %parallel_loop3A_909 = arith.index_cast %parallel_loop3A_905 : i32 to index
        %parallel_loop3A_910 = tpu.vector_load %arg10[%parallel_loop3A_909] {strides = array<i32>} : memref<8192xi32, #tpu.memory_space<vmem>>, vector<16xi32>,
        %parallel_loop3A_911 = vector.shape_cast %parallel_loop3A_910 : vector<16xi32> to vector<16xi32>
        %parallel_loop3A_912 = arith.xori %parallel_loop3A_908, %parallel_loop3A_911 : vector<16xi32>
        %parallel_loop3A_913 = vector.extract_strided_slice %parallel_loop3A_822 {offsets = [6], sizes = [1], strides = [1]} : vector<16xi32> to vector<1xi32>
        %parallel_loop3A_914 = vector.extract %parallel_loop3A_913[0] : i32 from vector<1xi32>
        %parallel_loop3A_915 = tpu.assume_multiple %parallel_loop3A_914, 16 : i32
        %parallel_loop3A_916 = arith.constant 6 : i32
        %parallel_loop3A_917 = arith.addi %parallel_loop3A_799, %parallel_loop3A_916 : i32
        %parallel_loop3A_918 = arith.constant 16 : i32
        %parallel_loop3A_919 = arith.muli %parallel_loop3A_917, %parallel_loop3A_918 : i32
        %parallel_loop3A_920 = tpu.assume_multiple %parallel_loop3A_919, 16 : i32
        %parallel_loop3A_921 = arith.index_cast %parallel_loop3A_915 : i32 to index
        %parallel_loop3A_922 = tpu.vector_load %arg9[%parallel_loop3A_921] {strides = array<i32>} : memref<4096xi32, #tpu.memory_space<vmem>>, vector<16xi32>,
        %parallel_loop3A_923 = vector.shape_cast %parallel_loop3A_922 : vector<16xi32> to vector<16xi32>
        %parallel_loop3A_924 = arith.index_cast %parallel_loop3A_920 : i32 to index
        %parallel_loop3A_925 = tpu.vector_load %arg10[%parallel_loop3A_924] {strides = array<i32>} : memref<8192xi32, #tpu.memory_space<vmem>>, vector<16xi32>,
        %parallel_loop3A_926 = vector.shape_cast %parallel_loop3A_925 : vector<16xi32> to vector<16xi32>
        %parallel_loop3A_927 = arith.xori %parallel_loop3A_923, %parallel_loop3A_926 : vector<16xi32>
        %parallel_loop3A_928 = vector.extract_strided_slice %parallel_loop3A_822 {offsets = [7], sizes = [1], strides = [1]} : vector<16xi32> to vector<1xi32>
        %parallel_loop3A_929 = vector.extract %parallel_loop3A_928[0] : i32 from vector<1xi32>
        %parallel_loop3A_930 = tpu.assume_multiple %parallel_loop3A_929, 16 : i32
        %parallel_loop3A_931 = arith.constant 7 : i32
        %parallel_loop3A_932 = arith.addi %parallel_loop3A_799, %parallel_loop3A_931 : i32
        %parallel_loop3A_933 = arith.constant 16 : i32
        %parallel_loop3A_934 = arith.muli %parallel_loop3A_932, %parallel_loop3A_933 : i32
        %parallel_loop3A_935 = tpu.assume_multiple %parallel_loop3A_934, 16 : i32
        %parallel_loop3A_936 = arith.index_cast %parallel_loop3A_930 : i32 to index
        %parallel_loop3A_937 = tpu.vector_load %arg9[%parallel_loop3A_936] {strides = array<i32>} : memref<4096xi32, #tpu.memory_space<vmem>>, vector<16xi32>,
        %parallel_loop3A_938 = vector.shape_cast %parallel_loop3A_937 : vector<16xi32> to vector<16xi32>
        %parallel_loop3A_939 = arith.index_cast %parallel_loop3A_935 : i32 to index
        %parallel_loop3A_940 = tpu.vector_load %arg10[%parallel_loop3A_939] {strides = array<i32>} : memref<8192xi32, #tpu.memory_space<vmem>>, vector<16xi32>,
        %parallel_loop3A_941 = vector.shape_cast %parallel_loop3A_940 : vector<16xi32> to vector<16xi32>
        %parallel_loop3A_942 = arith.xori %parallel_loop3A_938, %parallel_loop3A_941 : vector<16xi32>
        %parallel_loop3A_943 = vector.extract_strided_slice %parallel_loop3A_822 {offsets = [8], sizes = [1], strides = [1]} : vector<16xi32> to vector<1xi32>
        %parallel_loop3A_944 = vector.extract %parallel_loop3A_943[0] : i32 from vector<1xi32>
        %parallel_loop3A_945 = tpu.assume_multiple %parallel_loop3A_944, 16 : i32
        %parallel_loop3A_946 = arith.constant 8 : i32
        %parallel_loop3A_947 = arith.addi %parallel_loop3A_799, %parallel_loop3A_946 : i32
        %parallel_loop3A_948 = arith.constant 16 : i32
        %parallel_loop3A_949 = arith.muli %parallel_loop3A_947, %parallel_loop3A_948 : i32
        %parallel_loop3A_950 = tpu.assume_multiple %parallel_loop3A_949, 16 : i32
        %parallel_loop3A_951 = arith.index_cast %parallel_loop3A_945 : i32 to index
        %parallel_loop3A_952 = tpu.vector_load %arg9[%parallel_loop3A_951] {strides = array<i32>} : memref<4096xi32, #tpu.memory_space<vmem>>, vector<16xi32>,
        %parallel_loop3A_953 = vector.shape_cast %parallel_loop3A_952 : vector<16xi32> to vector<16xi32>
        %parallel_loop3A_954 = arith.index_cast %parallel_loop3A_950 : i32 to index
        %parallel_loop3A_955 = tpu.vector_load %arg10[%parallel_loop3A_954] {strides = array<i32>} : memref<8192xi32, #tpu.memory_space<vmem>>, vector<16xi32>,
        %parallel_loop3A_956 = vector.shape_cast %parallel_loop3A_955 : vector<16xi32> to vector<16xi32>
        %parallel_loop3A_957 = arith.xori %parallel_loop3A_953, %parallel_loop3A_956 : vector<16xi32>
        %parallel_loop3A_958 = vector.extract_strided_slice %parallel_loop3A_822 {offsets = [9], sizes = [1], strides = [1]} : vector<16xi32> to vector<1xi32>
        %parallel_loop3A_959 = vector.extract %parallel_loop3A_958[0] : i32 from vector<1xi32>
        %parallel_loop3A_960 = tpu.assume_multiple %parallel_loop3A_959, 16 : i32
        %parallel_loop3A_961 = arith.constant 9 : i32
        %parallel_loop3A_962 = arith.addi %parallel_loop3A_799, %parallel_loop3A_961 : i32
        %parallel_loop3A_963 = arith.constant 16 : i32
        %parallel_loop3A_964 = arith.muli %parallel_loop3A_962, %parallel_loop3A_963 : i32
        %parallel_loop3A_965 = tpu.assume_multiple %parallel_loop3A_964, 16 : i32
        %parallel_loop3A_966 = arith.index_cast %parallel_loop3A_960 : i32 to index
        %parallel_loop3A_967 = tpu.vector_load %arg9[%parallel_loop3A_966] {strides = array<i32>} : memref<4096xi32, #tpu.memory_space<vmem>>, vector<16xi32>,
        %parallel_loop3A_968 = vector.shape_cast %parallel_loop3A_967 : vector<16xi32> to vector<16xi32>
        %parallel_loop3A_969 = arith.index_cast %parallel_loop3A_965 : i32 to index
        %parallel_loop3A_970 = tpu.vector_load %arg10[%parallel_loop3A_969] {strides = array<i32>} : memref<8192xi32, #tpu.memory_space<vmem>>, vector<16xi32>,
        %parallel_loop3A_971 = vector.shape_cast %parallel_loop3A_970 : vector<16xi32> to vector<16xi32>
        %parallel_loop3A_972 = arith.xori %parallel_loop3A_968, %parallel_loop3A_971 : vector<16xi32>
        %parallel_loop3A_973 = vector.extract_strided_slice %parallel_loop3A_822 {offsets = [10], sizes = [1], strides = [1]} : vector<16xi32> to vector<1xi32>
        %parallel_loop3A_974 = vector.extract %parallel_loop3A_973[0] : i32 from vector<1xi32>
        %parallel_loop3A_975 = tpu.assume_multiple %parallel_loop3A_974, 16 : i32
        %parallel_loop3A_976 = arith.constant 10 : i32
        %parallel_loop3A_977 = arith.addi %parallel_loop3A_799, %parallel_loop3A_976 : i32
        %parallel_loop3A_978 = arith.constant 16 : i32
        %parallel_loop3A_979 = arith.muli %parallel_loop3A_977, %parallel_loop3A_978 : i32
        %parallel_loop3A_980 = tpu.assume_multiple %parallel_loop3A_979, 16 : i32
        %parallel_loop3A_981 = arith.index_cast %parallel_loop3A_975 : i32 to index
        %parallel_loop3A_982 = tpu.vector_load %arg9[%parallel_loop3A_981] {strides = array<i32>} : memref<4096xi32, #tpu.memory_space<vmem>>, vector<16xi32>,
        %parallel_loop3A_983 = vector.shape_cast %parallel_loop3A_982 : vector<16xi32> to vector<16xi32>
        %parallel_loop3A_984 = arith.index_cast %parallel_loop3A_980 : i32 to index
        %parallel_loop3A_985 = tpu.vector_load %arg10[%parallel_loop3A_984] {strides = array<i32>} : memref<8192xi32, #tpu.memory_space<vmem>>, vector<16xi32>,
        %parallel_loop3A_986 = vector.shape_cast %parallel_loop3A_985 : vector<16xi32> to vector<16xi32>
        %parallel_loop3A_987 = arith.xori %parallel_loop3A_983, %parallel_loop3A_986 : vector<16xi32>
        %parallel_loop3A_988 = vector.extract_strided_slice %parallel_loop3A_822 {offsets = [11], sizes = [1], strides = [1]} : vector<16xi32> to vector<1xi32>
        %parallel_loop3A_989 = vector.extract %parallel_loop3A_988[0] : i32 from vector<1xi32>
        %parallel_loop3A_990 = tpu.assume_multiple %parallel_loop3A_989, 16 : i32
        %parallel_loop3A_991 = arith.constant 11 : i32
        %parallel_loop3A_992 = arith.addi %parallel_loop3A_799, %parallel_loop3A_991 : i32
        %parallel_loop3A_993 = arith.constant 16 : i32
        %parallel_loop3A_994 = arith.muli %parallel_loop3A_992, %parallel_loop3A_993 : i32
        %parallel_loop3A_995 = tpu.assume_multiple %parallel_loop3A_994, 16 : i32
        %parallel_loop3A_996 = arith.index_cast %parallel_loop3A_990 : i32 to index
        %parallel_loop3A_997 = tpu.vector_load %arg9[%parallel_loop3A_996] {strides = array<i32>} : memref<4096xi32, #tpu.memory_space<vmem>>, vector<16xi32>,
        %parallel_loop3A_998 = vector.shape_cast %parallel_loop3A_997 : vector<16xi32> to vector<16xi32>
        %parallel_loop3A_999 = arith.index_cast %parallel_loop3A_995 : i32 to index
        %parallel_loop3A_1000 = tpu.vector_load %arg10[%parallel_loop3A_999] {strides = array<i32>} : memref<8192xi32, #tpu.memory_space<vmem>>, vector<16xi32>,
        %parallel_loop3A_1001 = vector.shape_cast %parallel_loop3A_1000 : vector<16xi32> to vector<16xi32>
        %parallel_loop3A_1002 = arith.xori %parallel_loop3A_998, %parallel_loop3A_1001 : vector<16xi32>
        %parallel_loop3A_1003 = vector.extract_strided_slice %parallel_loop3A_822 {offsets = [12], sizes = [1], strides = [1]} : vector<16xi32> to vector<1xi32>
        %parallel_loop3A_1004 = vector.extract %parallel_loop3A_1003[0] : i32 from vector<1xi32>
        %parallel_loop3A_1005 = tpu.assume_multiple %parallel_loop3A_1004, 16 : i32
        %parallel_loop3A_1006 = arith.constant 12 : i32
        %parallel_loop3A_1007 = arith.addi %parallel_loop3A_799, %parallel_loop3A_1006 : i32
        %parallel_loop3A_1008 = arith.constant 16 : i32
        %parallel_loop3A_1009 = arith.muli %parallel_loop3A_1007, %parallel_loop3A_1008 : i32
        %parallel_loop3A_1010 = tpu.assume_multiple %parallel_loop3A_1009, 16 : i32
        %parallel_loop3A_1011 = arith.index_cast %parallel_loop3A_1005 : i32 to index
        %parallel_loop3A_1012 = tpu.vector_load %arg9[%parallel_loop3A_1011] {strides = array<i32>} : memref<4096xi32, #tpu.memory_space<vmem>>, vector<16xi32>,
        %parallel_loop3A_1013 = vector.shape_cast %parallel_loop3A_1012 : vector<16xi32> to vector<16xi32>
        %parallel_loop3A_1014 = arith.index_cast %parallel_loop3A_1010 : i32 to index
        %parallel_loop3A_1015 = tpu.vector_load %arg10[%parallel_loop3A_1014] {strides = array<i32>} : memref<8192xi32, #tpu.memory_space<vmem>>, vector<16xi32>,
        %parallel_loop3A_1016 = vector.shape_cast %parallel_loop3A_1015 : vector<16xi32> to vector<16xi32>
        %parallel_loop3A_1017 = arith.xori %parallel_loop3A_1013, %parallel_loop3A_1016 : vector<16xi32>
        %parallel_loop3A_1018 = vector.extract_strided_slice %parallel_loop3A_822 {offsets = [13], sizes = [1], strides = [1]} : vector<16xi32> to vector<1xi32>
        %parallel_loop3A_1019 = vector.extract %parallel_loop3A_1018[0] : i32 from vector<1xi32>
        %parallel_loop3A_1020 = tpu.assume_multiple %parallel_loop3A_1019, 16 : i32
        %parallel_loop3A_1021 = arith.constant 13 : i32
        %parallel_loop3A_1022 = arith.addi %parallel_loop3A_799, %parallel_loop3A_1021 : i32
        %parallel_loop3A_1023 = arith.constant 16 : i32
        %parallel_loop3A_1024 = arith.muli %parallel_loop3A_1022, %parallel_loop3A_1023 : i32
        %parallel_loop3A_1025 = tpu.assume_multiple %parallel_loop3A_1024, 16 : i32
        %parallel_loop3A_1026 = arith.index_cast %parallel_loop3A_1020 : i32 to index
        %parallel_loop3A_1027 = tpu.vector_load %arg9[%parallel_loop3A_1026] {strides = array<i32>} : memref<4096xi32, #tpu.memory_space<vmem>>, vector<16xi32>,
        %parallel_loop3A_1028 = vector.shape_cast %parallel_loop3A_1027 : vector<16xi32> to vector<16xi32>
        %parallel_loop3A_1029 = arith.index_cast %parallel_loop3A_1025 : i32 to index
        %parallel_loop3A_1030 = tpu.vector_load %arg10[%parallel_loop3A_1029] {strides = array<i32>} : memref<8192xi32, #tpu.memory_space<vmem>>, vector<16xi32>,
        %parallel_loop3A_1031 = vector.shape_cast %parallel_loop3A_1030 : vector<16xi32> to vector<16xi32>
        %parallel_loop3A_1032 = arith.xori %parallel_loop3A_1028, %parallel_loop3A_1031 : vector<16xi32>
        %parallel_loop3A_1033 = vector.extract_strided_slice %parallel_loop3A_822 {offsets = [14], sizes = [1], strides = [1]} : vector<16xi32> to vector<1xi32>
        %parallel_loop3A_1034 = vector.extract %parallel_loop3A_1033[0] : i32 from vector<1xi32>
        %parallel_loop3A_1035 = tpu.assume_multiple %parallel_loop3A_1034, 16 : i32
        %parallel_loop3A_1036 = arith.constant 14 : i32
        %parallel_loop3A_1037 = arith.addi %parallel_loop3A_799, %parallel_loop3A_1036 : i32
        %parallel_loop3A_1038 = arith.constant 16 : i32
        %parallel_loop3A_1039 = arith.muli %parallel_loop3A_1037, %parallel_loop3A_1038 : i32
        %parallel_loop3A_1040 = tpu.assume_multiple %parallel_loop3A_1039, 16 : i32
        %parallel_loop3A_1041 = arith.index_cast %parallel_loop3A_1035 : i32 to index
        %parallel_loop3A_1042 = tpu.vector_load %arg9[%parallel_loop3A_1041] {strides = array<i32>} : memref<4096xi32, #tpu.memory_space<vmem>>, vector<16xi32>,
        %parallel_loop3A_1043 = vector.shape_cast %parallel_loop3A_1042 : vector<16xi32> to vector<16xi32>
        %parallel_loop3A_1044 = arith.index_cast %parallel_loop3A_1040 : i32 to index
        %parallel_loop3A_1045 = tpu.vector_load %arg10[%parallel_loop3A_1044] {strides = array<i32>} : memref<8192xi32, #tpu.memory_space<vmem>>, vector<16xi32>,
        %parallel_loop3A_1046 = vector.shape_cast %parallel_loop3A_1045 : vector<16xi32> to vector<16xi32>
        %parallel_loop3A_1047 = arith.xori %parallel_loop3A_1043, %parallel_loop3A_1046 : vector<16xi32>
        %parallel_loop3A_1048 = vector.extract_strided_slice %parallel_loop3A_822 {offsets = [15], sizes = [1], strides = [1]} : vector<16xi32> to vector<1xi32>
        %parallel_loop3A_1049 = vector.extract %parallel_loop3A_1048[0] : i32 from vector<1xi32>
        %parallel_loop3A_1050 = tpu.assume_multiple %parallel_loop3A_1049, 16 : i32
        %parallel_loop3A_1051 = arith.constant 15 : i32
        %parallel_loop3A_1052 = arith.addi %parallel_loop3A_799, %parallel_loop3A_1051 : i32
        %parallel_loop3A_1053 = arith.constant 16 : i32
        %parallel_loop3A_1054 = arith.muli %parallel_loop3A_1052, %parallel_loop3A_1053 : i32
        %parallel_loop3A_1055 = tpu.assume_multiple %parallel_loop3A_1054, 16 : i32
        %parallel_loop3A_1056 = arith.index_cast %parallel_loop3A_1050 : i32 to index
        %parallel_loop3A_1057 = tpu.vector_load %arg9[%parallel_loop3A_1056] {strides = array<i32>} : memref<4096xi32, #tpu.memory_space<vmem>>, vector<16xi32>,
        %parallel_loop3A_1058 = vector.shape_cast %parallel_loop3A_1057 : vector<16xi32> to vector<16xi32>
        %parallel_loop3A_1059 = arith.index_cast %parallel_loop3A_1055 : i32 to index
        %parallel_loop3A_1060 = tpu.vector_load %arg10[%parallel_loop3A_1059] {strides = array<i32>} : memref<8192xi32, #tpu.memory_space<vmem>>, vector<16xi32>,
        %parallel_loop3A_1061 = vector.shape_cast %parallel_loop3A_1060 : vector<16xi32> to vector<16xi32>
        %parallel_loop3A_1062 = arith.xori %parallel_loop3A_1058, %parallel_loop3A_1061 : vector<16xi32>
        %parallel_loop3A_1063 = arith.xori %parallel_loop3A_837, %parallel_loop3A_852 : vector<16xi32>
        %parallel_loop3A_1064 = arith.xori %parallel_loop3A_1063, %parallel_loop3A_867 : vector<16xi32>
        %parallel_loop3A_1065 = arith.andi %parallel_loop3A_837, %parallel_loop3A_852 : vector<16xi32>
        %parallel_loop3A_1066 = arith.andi %parallel_loop3A_867, %parallel_loop3A_1063 : vector<16xi32>
        %parallel_loop3A_1067 = arith.ori %parallel_loop3A_1065, %parallel_loop3A_1066 : vector<16xi32>
        %parallel_loop3A_1068 = arith.xori %parallel_loop3A_882, %parallel_loop3A_897 : vector<16xi32>
        %parallel_loop3A_1069 = arith.xori %parallel_loop3A_1068, %parallel_loop3A_912 : vector<16xi32>
        %parallel_loop3A_1070 = arith.andi %parallel_loop3A_882, %parallel_loop3A_897 : vector<16xi32>
        %parallel_loop3A_1071 = arith.andi %parallel_loop3A_912, %parallel_loop3A_1068 : vector<16xi32>
        %parallel_loop3A_1072 = arith.ori %parallel_loop3A_1070, %parallel_loop3A_1071 : vector<16xi32>
        %parallel_loop3A_1073 = arith.xori %parallel_loop3A_927, %parallel_loop3A_942 : vector<16xi32>
        %parallel_loop3A_1074 = arith.xori %parallel_loop3A_1073, %parallel_loop3A_957 : vector<16xi32>
        %parallel_loop3A_1075 = arith.andi %parallel_loop3A_927, %parallel_loop3A_942 : vector<16xi32>
        %parallel_loop3A_1076 = arith.andi %parallel_loop3A_957, %parallel_loop3A_1073 : vector<16xi32>
        %parallel_loop3A_1077 = arith.ori %parallel_loop3A_1075, %parallel_loop3A_1076 : vector<16xi32>
        %parallel_loop3A_1078 = arith.xori %parallel_loop3A_972, %parallel_loop3A_987 : vector<16xi32>
        %parallel_loop3A_1079 = arith.xori %parallel_loop3A_1078, %parallel_loop3A_1002 : vector<16xi32>
        %parallel_loop3A_1080 = arith.andi %parallel_loop3A_972, %parallel_loop3A_987 : vector<16xi32>
        %parallel_loop3A_1081 = arith.andi %parallel_loop3A_1002, %parallel_loop3A_1078 : vector<16xi32>
        %parallel_loop3A_1082 = arith.ori %parallel_loop3A_1080, %parallel_loop3A_1081 : vector<16xi32>
        %parallel_loop3A_1083 = arith.xori %parallel_loop3A_1017, %parallel_loop3A_1032 : vector<16xi32>
        %parallel_loop3A_1084 = arith.xori %parallel_loop3A_1083, %parallel_loop3A_1047 : vector<16xi32>
        %parallel_loop3A_1085 = arith.andi %parallel_loop3A_1017, %parallel_loop3A_1032 : vector<16xi32>
        %parallel_loop3A_1086 = arith.andi %parallel_loop3A_1047, %parallel_loop3A_1083 : vector<16xi32>
        %parallel_loop3A_1087 = arith.ori %parallel_loop3A_1085, %parallel_loop3A_1086 : vector<16xi32>
        %parallel_loop3A_1088 = arith.xori %parallel_loop3A_1064, %parallel_loop3A_1069 : vector<16xi32>
        %parallel_loop3A_1089 = arith.xori %parallel_loop3A_1088, %parallel_loop3A_1074 : vector<16xi32>
        %parallel_loop3A_1090 = arith.andi %parallel_loop3A_1064, %parallel_loop3A_1069 : vector<16xi32>
        %parallel_loop3A_1091 = arith.andi %parallel_loop3A_1074, %parallel_loop3A_1088 : vector<16xi32>
        %parallel_loop3A_1092 = arith.ori %parallel_loop3A_1090, %parallel_loop3A_1091 : vector<16xi32>
        %parallel_loop3A_1093 = arith.xori %parallel_loop3A_1079, %parallel_loop3A_1084 : vector<16xi32>
        %parallel_loop3A_1094 = arith.xori %parallel_loop3A_1093, %parallel_loop3A_1062 : vector<16xi32>
        %parallel_loop3A_1095 = arith.andi %parallel_loop3A_1079, %parallel_loop3A_1084 : vector<16xi32>
        %parallel_loop3A_1096 = arith.andi %parallel_loop3A_1062, %parallel_loop3A_1093 : vector<16xi32>
        %parallel_loop3A_1097 = arith.ori %parallel_loop3A_1095, %parallel_loop3A_1096 : vector<16xi32>
        %parallel_loop3A_1098 = arith.xori %parallel_loop3A_1089, %parallel_loop3A_1094 : vector<16xi32>
        %parallel_loop3A_1099 = arith.andi %parallel_loop3A_1089, %parallel_loop3A_1094 : vector<16xi32>
        %parallel_loop3A_1100 = arith.xori %parallel_loop3A_1067, %parallel_loop3A_1072 : vector<16xi32>
        %parallel_loop3A_1101 = arith.xori %parallel_loop3A_1100, %parallel_loop3A_1077 : vector<16xi32>
        %parallel_loop3A_1102 = arith.andi %parallel_loop3A_1067, %parallel_loop3A_1072 : vector<16xi32>
        %parallel_loop3A_1103 = arith.andi %parallel_loop3A_1077, %parallel_loop3A_1100 : vector<16xi32>
        %parallel_loop3A_1104 = arith.ori %parallel_loop3A_1102, %parallel_loop3A_1103 : vector<16xi32>
        %parallel_loop3A_1105 = arith.xori %parallel_loop3A_1082, %parallel_loop3A_1087 : vector<16xi32>
        %parallel_loop3A_1106 = arith.xori %parallel_loop3A_1105, %parallel_loop3A_1092 : vector<16xi32>
        %parallel_loop3A_1107 = arith.andi %parallel_loop3A_1082, %parallel_loop3A_1087 : vector<16xi32>
        %parallel_loop3A_1108 = arith.andi %parallel_loop3A_1092, %parallel_loop3A_1105 : vector<16xi32>
        %parallel_loop3A_1109 = arith.ori %parallel_loop3A_1107, %parallel_loop3A_1108 : vector<16xi32>
        %parallel_loop3A_1110 = arith.xori %parallel_loop3A_1101, %parallel_loop3A_1106 : vector<16xi32>
        %parallel_loop3A_1111 = arith.xori %parallel_loop3A_1110, %parallel_loop3A_1097 : vector<16xi32>
        %parallel_loop3A_1112 = arith.andi %parallel_loop3A_1101, %parallel_loop3A_1106 : vector<16xi32>
        %parallel_loop3A_1113 = arith.andi %parallel_loop3A_1097, %parallel_loop3A_1110 : vector<16xi32>
        %parallel_loop3A_1114 = arith.ori %parallel_loop3A_1112, %parallel_loop3A_1113 : vector<16xi32>
        %parallel_loop3A_1115 = arith.xori %parallel_loop3A_1111, %parallel_loop3A_1099 : vector<16xi32>
        %parallel_loop3A_1116 = arith.andi %parallel_loop3A_1111, %parallel_loop3A_1099 : vector<16xi32>
        %parallel_loop3A_1117 = arith.xori %parallel_loop3A_1104, %parallel_loop3A_1109 : vector<16xi32>
        %parallel_loop3A_1118 = arith.xori %parallel_loop3A_1117, %parallel_loop3A_1114 : vector<16xi32>
        %parallel_loop3A_1119 = arith.andi %parallel_loop3A_1104, %parallel_loop3A_1109 : vector<16xi32>
        %parallel_loop3A_1120 = arith.andi %parallel_loop3A_1114, %parallel_loop3A_1117 : vector<16xi32>
        %parallel_loop3A_1121 = arith.ori %parallel_loop3A_1119, %parallel_loop3A_1120 : vector<16xi32>
        %parallel_loop3A_1122 = arith.xori %parallel_loop3A_1118, %parallel_loop3A_1116 : vector<16xi32>
        %parallel_loop3A_1123 = arith.andi %parallel_loop3A_1118, %parallel_loop3A_1116 : vector<16xi32>
        %parallel_loop3A_1124 = arith.xori %parallel_loop3A_1121, %parallel_loop3A_1123 : vector<16xi32>
        %parallel_loop3A_1125 = arith.andi %parallel_loop3A_1121, %parallel_loop3A_1123 : vector<16xi32>
        %parallel_loop3A_1126 = arith.xori %parallel_loop3A_788, %parallel_loop3A_1098 : vector<16xi32>
        %parallel_loop3A_1127 = arith.andi %parallel_loop3A_788, %parallel_loop3A_1098 : vector<16xi32>
        %parallel_loop3A_1128 = arith.xori %parallel_loop3A_789, %parallel_loop3A_1115 : vector<16xi32>
        %parallel_loop3A_1129 = arith.xori %parallel_loop3A_1128, %parallel_loop3A_1127 : vector<16xi32>
        %parallel_loop3A_1130 = arith.andi %parallel_loop3A_789, %parallel_loop3A_1115 : vector<16xi32>
        %parallel_loop3A_1131 = arith.andi %parallel_loop3A_1127, %parallel_loop3A_1128 : vector<16xi32>
        %parallel_loop3A_1132 = arith.ori %parallel_loop3A_1130, %parallel_loop3A_1131 : vector<16xi32>
        %parallel_loop3A_1133 = arith.xori %parallel_loop3A_790, %parallel_loop3A_1122 : vector<16xi32>
        %parallel_loop3A_1134 = arith.xori %parallel_loop3A_1133, %parallel_loop3A_1132 : vector<16xi32>
        %parallel_loop3A_1135 = arith.andi %parallel_loop3A_790, %parallel_loop3A_1122 : vector<16xi32>
        %parallel_loop3A_1136 = arith.andi %parallel_loop3A_1132, %parallel_loop3A_1133 : vector<16xi32>
        %parallel_loop3A_1137 = arith.ori %parallel_loop3A_1135, %parallel_loop3A_1136 : vector<16xi32>
        %parallel_loop3A_1138 = arith.xori %parallel_loop3A_791, %parallel_loop3A_1124 : vector<16xi32>
        %parallel_loop3A_1139 = arith.xori %parallel_loop3A_1138, %parallel_loop3A_1137 : vector<16xi32>
        %parallel_loop3A_1140 = arith.andi %parallel_loop3A_791, %parallel_loop3A_1124 : vector<16xi32>
        %parallel_loop3A_1141 = arith.andi %parallel_loop3A_1137, %parallel_loop3A_1138 : vector<16xi32>
        %parallel_loop3A_1142 = arith.ori %parallel_loop3A_1140, %parallel_loop3A_1141 : vector<16xi32>
        %parallel_loop3A_1143 = arith.xori %parallel_loop3A_792, %parallel_loop3A_1125 : vector<16xi32>
        %parallel_loop3A_1144 = arith.xori %parallel_loop3A_1143, %parallel_loop3A_1142 : vector<16xi32>
        %parallel_loop3A_1145 = arith.andi %parallel_loop3A_792, %parallel_loop3A_1125 : vector<16xi32>
        %parallel_loop3A_1146 = arith.andi %parallel_loop3A_1142, %parallel_loop3A_1143 : vector<16xi32>
        %parallel_loop3A_1147 = arith.ori %parallel_loop3A_1145, %parallel_loop3A_1146 : vector<16xi32>
        %parallel_loop3A_1148 = arith.xori %parallel_loop3A_793, %parallel_loop3A_1147 : vector<16xi32>
        %parallel_loop3A_1149 = arith.andi %parallel_loop3A_793, %parallel_loop3A_1147 : vector<16xi32>
        %parallel_loop3A_1150 = arith.xori %parallel_loop3A_794, %parallel_loop3A_1149 : vector<16xi32>
        %parallel_loop3A_1151 = arith.andi %parallel_loop3A_794, %parallel_loop3A_1149 : vector<16xi32>
        %parallel_loop3A_1152 = arith.xori %parallel_loop3A_795, %parallel_loop3A_1151 : vector<16xi32>
        %parallel_loop3A_1153 = arith.andi %parallel_loop3A_795, %parallel_loop3A_1151 : vector<16xi32>
        %parallel_loop3A_1154 = arith.xori %parallel_loop3A_796, %parallel_loop3A_1153 : vector<16xi32>
        %parallel_loop3A_1155 = arith.andi %parallel_loop3A_796, %parallel_loop3A_1153 : vector<16xi32>
        %parallel_loop3A_1156 = arith.xori %parallel_loop3A_797, %parallel_loop3A_1155 : vector<16xi32>
        %parallel_loop3A_1157 = arith.andi %parallel_loop3A_797, %parallel_loop3A_1155 : vector<16xi32>
        scf.yield %parallel_loop3A_1126, %parallel_loop3A_1129, %parallel_loop3A_1134, %parallel_loop3A_1139, %parallel_loop3A_1144, %parallel_loop3A_1148, %parallel_loop3A_1150, %parallel_loop3A_1152, %parallel_loop3A_1154, %parallel_loop3A_1156 : vector<16xi32>, vector<16xi32>, vector<16xi32>, vector<16xi32>, vector<16xi32>, vector<16xi32>, vector<16xi32>, vector<16xi32>, vector<16xi32>, vector<16xi32>
      } {sc.loop_unroll_factor = 2 : i64, sc.parallel_access}
      %or3A = arith.ori %parallel_loop3A_48#0, %parallel_loop3A_48#1 : vector<16xi32>
      %or3A_49 = arith.ori %or3A, %parallel_loop3A_48#2 : vector<16xi32>
      %or3A_50 = arith.ori %or3A_49, %parallel_loop3A_48#3 : vector<16xi32>
      %or3A_51 = arith.ori %or3A_50, %parallel_loop3A_48#4 : vector<16xi32>
      %or3A_52 = arith.ori %or3A_51, %parallel_loop3A_48#5 : vector<16xi32>
      %or3A_53 = arith.ori %or3A_52, %parallel_loop3A_48#6 : vector<16xi32>
      %or3A_54 = arith.ori %or3A_53, %parallel_loop3A_48#7 : vector<16xi32>
      %and3A = arith.andi %parallel_loop3A_48#8, %or3A_54 : vector<16xi32>
      %or3A_55 = arith.ori %parallel_loop3A_48#9, %and3A : vector<16xi32>
      %shift_right_logical3A = arith.constant 0 : i32
      %shift_right_logical3A_56 = vector.broadcast %shift_right_logical3A : i32 to vector<16xi32>
      %shift_right_logical3A_57 = arith.shrui %or3A_55, %shift_right_logical3A_56 : vector<16xi32>
      %and3A_58 = arith.constant 1 : i32
      %and3A_59 = vector.broadcast %and3A_58 : i32 to vector<16xi32>
      %and3A_60 = arith.andi %shift_right_logical3A_57, %and3A_59 : vector<16xi32>
      %eq3A = arith.constant 1 : i32
      %eq3A_61 = vector.broadcast %eq3A : i32 to vector<16xi32>
      %eq3A_62 = arith.cmpi eq, %and3A_60, %eq3A_61 : vector<16xi32>
      %jit3A = arith.constant 1.000000e+00 : f32
      %jit3A_63 = arith.constant -1.000000e+00 : f32
      %broadcast_in_dim3A_64 = vector.broadcast %jit3A : f32 to vector<16xf32>
      %broadcast_in_dim3A_65 = vector.broadcast %jit3A_63 : f32 to vector<16xf32>
      %select_n3A = arith.select %eq3A_62, %broadcast_in_dim3A_64, %broadcast_in_dim3A_65 : vector<16xi1>, vector<16xf32>
      %mul3A_66 = arith.constant 512 : i32
      %mul3A_67 = arith.muli %scan3A_43, %mul3A_66 : i32
      %add3A_68 = arith.constant 0 : i32
      %add3A_69 = arith.addi %mul3A_67, %add3A_68 : i32
      %multiple_of3A_70 = tpu.assume_multiple %add3A_69, 16 : i32
      %swap3A = arith.index_cast %multiple_of3A_70 : i32 to index
      %swap3A_71 = tpu.vector_load %arg13[%swap3A] {strides = array<i32>} : memref<4096xf32, #tpu.memory_space<vmem>>, vector<16xf32>,
      %swap3A_72 = vector.shape_cast %swap3A_71 : vector<16xf32> to vector<16xf32>
      %swap3A_73 = vector.shape_cast %select_n3A : vector<16xf32> to vector<16xf32>
      tpu.vector_store %arg13[%swap3A], %swap3A_73 {strides = array<i32>} : memref<4096xf32, #tpu.memory_space<vmem>>, vector<16xf32>,
      %shift_right_logical3A_74 = arith.constant 1 : i32
      %shift_right_logical3A_75 = vector.broadcast %shift_right_logical3A_74 : i32 to vector<16xi32>
      %shift_right_logical3A_76 = arith.shrui %or3A_55, %shift_right_logical3A_75 : vector<16xi32>
      %and3A_77 = arith.constant 1 : i32
      %and3A_78 = vector.broadcast %and3A_77 : i32 to vector<16xi32>
      %and3A_79 = arith.andi %shift_right_logical3A_76, %and3A_78 : vector<16xi32>
      %eq3A_80 = arith.constant 1 : i32
      %eq3A_81 = vector.broadcast %eq3A_80 : i32 to vector<16xi32>
      %eq3A_82 = arith.cmpi eq, %and3A_79, %eq3A_81 : vector<16xi32>
      %jit3A_83 = arith.constant 1.000000e+00 : f32
      %jit3A_84 = arith.constant -1.000000e+00 : f32
      %broadcast_in_dim3A_85 = vector.broadcast %jit3A_83 : f32 to vector<16xf32>
      %broadcast_in_dim3A_86 = vector.broadcast %jit3A_84 : f32 to vector<16xf32>
      %select_n3A_87 = arith.select %eq3A_82, %broadcast_in_dim3A_85, %broadcast_in_dim3A_86 : vector<16xi1>, vector<16xf32>
      %mul3A_88 = arith.constant 512 : i32
      %mul3A_89 = arith.muli %scan3A_43, %mul3A_88 : i32
      %add3A_90 = arith.constant 16 : i32
      %add3A_91 = arith.addi %mul3A_89, %add3A_90 : i32
      %multiple_of3A_92 = tpu.assume_multiple %add3A_91, 16 : i32
      %swap3A_93 = arith.index_cast %multiple_of3A_92 : i32 to index
      %swap3A_94 = tpu.vector_load %arg13[%swap3A_93] {strides = array<i32>} : memref<4096xf32, #tpu.memory_space<vmem>>, vector<16xf32>,
      %swap3A_95 = vector.shape_cast %swap3A_94 : vector<16xf32> to vector<16xf32>
      %swap3A_96 = vector.shape_cast %select_n3A_87 : vector<16xf32> to vector<16xf32>
      tpu.vector_store %arg13[%swap3A_93], %swap3A_96 {strides = array<i32>} : memref<4096xf32, #tpu.memory_space<vmem>>, vector<16xf32>,
      %shift_right_logical3A_97 = arith.constant 2 : i32
      %shift_right_logical3A_98 = vector.broadcast %shift_right_logical3A_97 : i32 to vector<16xi32>
      %shift_right_logical3A_99 = arith.shrui %or3A_55, %shift_right_logical3A_98 : vector<16xi32>
      %and3A_100 = arith.constant 1 : i32
      %and3A_101 = vector.broadcast %and3A_100 : i32 to vector<16xi32>
      %and3A_102 = arith.andi %shift_right_logical3A_99, %and3A_101 : vector<16xi32>
      %eq3A_103 = arith.constant 1 : i32
      %eq3A_104 = vector.broadcast %eq3A_103 : i32 to vector<16xi32>
      %eq3A_105 = arith.cmpi eq, %and3A_102, %eq3A_104 : vector<16xi32>
      %jit3A_106 = arith.constant 1.000000e+00 : f32
      %jit3A_107 = arith.constant -1.000000e+00 : f32
      %broadcast_in_dim3A_108 = vector.broadcast %jit3A_106 : f32 to vector<16xf32>
      %broadcast_in_dim3A_109 = vector.broadcast %jit3A_107 : f32 to vector<16xf32>
      %select_n3A_110 = arith.select %eq3A_105, %broadcast_in_dim3A_108, %broadcast_in_dim3A_109 : vector<16xi1>, vector<16xf32>
      %mul3A_111 = arith.constant 512 : i32
      %mul3A_112 = arith.muli %scan3A_43, %mul3A_111 : i32
      %add3A_113 = arith.constant 32 : i32
      %add3A_114 = arith.addi %mul3A_112, %add3A_113 : i32
      %multiple_of3A_115 = tpu.assume_multiple %add3A_114, 16 : i32
      %swap3A_116 = arith.index_cast %multiple_of3A_115 : i32 to index
      %swap3A_117 = tpu.vector_load %arg13[%swap3A_116] {strides = array<i32>} : memref<4096xf32, #tpu.memory_space<vmem>>, vector<16xf32>,
      %swap3A_118 = vector.shape_cast %swap3A_117 : vector<16xf32> to vector<16xf32>
      %swap3A_119 = vector.shape_cast %select_n3A_110 : vector<16xf32> to vector<16xf32>
      tpu.vector_store %arg13[%swap3A_116], %swap3A_119 {strides = array<i32>} : memref<4096xf32, #tpu.memory_space<vmem>>, vector<16xf32>,
      %shift_right_logical3A_120 = arith.constant 3 : i32
      %shift_right_logical3A_121 = vector.broadcast %shift_right_logical3A_120 : i32 to vector<16xi32>
      %shift_right_logical3A_122 = arith.shrui %or3A_55, %shift_right_logical3A_121 : vector<16xi32>
      %and3A_123 = arith.constant 1 : i32
      %and3A_124 = vector.broadcast %and3A_123 : i32 to vector<16xi32>
      %and3A_125 = arith.andi %shift_right_logical3A_122, %and3A_124 : vector<16xi32>
      %eq3A_126 = arith.constant 1 : i32
      %eq3A_127 = vector.broadcast %eq3A_126 : i32 to vector<16xi32>
      %eq3A_128 = arith.cmpi eq, %and3A_125, %eq3A_127 : vector<16xi32>
      %jit3A_129 = arith.constant 1.000000e+00 : f32
      %jit3A_130 = arith.constant -1.000000e+00 : f32
      %broadcast_in_dim3A_131 = vector.broadcast %jit3A_129 : f32 to vector<16xf32>
      %broadcast_in_dim3A_132 = vector.broadcast %jit3A_130 : f32 to vector<16xf32>
      %select_n3A_133 = arith.select %eq3A_128, %broadcast_in_dim3A_131, %broadcast_in_dim3A_132 : vector<16xi1>, vector<16xf32>
      %mul3A_134 = arith.constant 512 : i32
      %mul3A_135 = arith.muli %scan3A_43, %mul3A_134 : i32
      %add3A_136 = arith.constant 48 : i32
      %add3A_137 = arith.addi %mul3A_135, %add3A_136 : i32
      %multiple_of3A_138 = tpu.assume_multiple %add3A_137, 16 : i32
      %swap3A_139 = arith.index_cast %multiple_of3A_138 : i32 to index
      %swap3A_140 = tpu.vector_load %arg13[%swap3A_139] {strides = array<i32>} : memref<4096xf32, #tpu.memory_space<vmem>>, vector<16xf32>,
      %swap3A_141 = vector.shape_cast %swap3A_140 : vector<16xf32> to vector<16xf32>
      %swap3A_142 = vector.shape_cast %select_n3A_133 : vector<16xf32> to vector<16xf32>
      tpu.vector_store %arg13[%swap3A_139], %swap3A_142 {strides = array<i32>} : memref<4096xf32, #tpu.memory_space<vmem>>, vector<16xf32>,
      %shift_right_logical3A_143 = arith.constant 4 : i32
      %shift_right_logical3A_144 = vector.broadcast %shift_right_logical3A_143 : i32 to vector<16xi32>
      %shift_right_logical3A_145 = arith.shrui %or3A_55, %shift_right_logical3A_144 : vector<16xi32>
      %and3A_146 = arith.constant 1 : i32
      %and3A_147 = vector.broadcast %and3A_146 : i32 to vector<16xi32>
      %and3A_148 = arith.andi %shift_right_logical3A_145, %and3A_147 : vector<16xi32>
      %eq3A_149 = arith.constant 1 : i32
      %eq3A_150 = vector.broadcast %eq3A_149 : i32 to vector<16xi32>
      %eq3A_151 = arith.cmpi eq, %and3A_148, %eq3A_150 : vector<16xi32>
      %jit3A_152 = arith.constant 1.000000e+00 : f32
      %jit3A_153 = arith.constant -1.000000e+00 : f32
      %broadcast_in_dim3A_154 = vector.broadcast %jit3A_152 : f32 to vector<16xf32>
      %broadcast_in_dim3A_155 = vector.broadcast %jit3A_153 : f32 to vector<16xf32>
      %select_n3A_156 = arith.select %eq3A_151, %broadcast_in_dim3A_154, %broadcast_in_dim3A_155 : vector<16xi1>, vector<16xf32>
      %mul3A_157 = arith.constant 512 : i32
      %mul3A_158 = arith.muli %scan3A_43, %mul3A_157 : i32
      %add3A_159 = arith.constant 64 : i32
      %add3A_160 = arith.addi %mul3A_158, %add3A_159 : i32
      %multiple_of3A_161 = tpu.assume_multiple %add3A_160, 16 : i32
      %swap3A_162 = arith.index_cast %multiple_of3A_161 : i32 to index
      %swap3A_163 = tpu.vector_load %arg13[%swap3A_162] {strides = array<i32>} : memref<4096xf32, #tpu.memory_space<vmem>>, vector<16xf32>,
      %swap3A_164 = vector.shape_cast %swap3A_163 : vector<16xf32> to vector<16xf32>
      %swap3A_165 = vector.shape_cast %select_n3A_156 : vector<16xf32> to vector<16xf32>
      tpu.vector_store %arg13[%swap3A_162], %swap3A_165 {strides = array<i32>} : memref<4096xf32, #tpu.memory_space<vmem>>, vector<16xf32>,
      %shift_right_logical3A_166 = arith.constant 5 : i32
      %shift_right_logical3A_167 = vector.broadcast %shift_right_logical3A_166 : i32 to vector<16xi32>
      %shift_right_logical3A_168 = arith.shrui %or3A_55, %shift_right_logical3A_167 : vector<16xi32>
      %and3A_169 = arith.constant 1 : i32
      %and3A_170 = vector.broadcast %and3A_169 : i32 to vector<16xi32>
      %and3A_171 = arith.andi %shift_right_logical3A_168, %and3A_170 : vector<16xi32>
      %eq3A_172 = arith.constant 1 : i32
      %eq3A_173 = vector.broadcast %eq3A_172 : i32 to vector<16xi32>
      %eq3A_174 = arith.cmpi eq, %and3A_171, %eq3A_173 : vector<16xi32>
      %jit3A_175 = arith.constant 1.000000e+00 : f32
      %jit3A_176 = arith.constant -1.000000e+00 : f32
      %broadcast_in_dim3A_177 = vector.broadcast %jit3A_175 : f32 to vector<16xf32>
      %broadcast_in_dim3A_178 = vector.broadcast %jit3A_176 : f32 to vector<16xf32>
      %select_n3A_179 = arith.select %eq3A_174, %broadcast_in_dim3A_177, %broadcast_in_dim3A_178 : vector<16xi1>, vector<16xf32>
      %mul3A_180 = arith.constant 512 : i32
      %mul3A_181 = arith.muli %scan3A_43, %mul3A_180 : i32
      %add3A_182 = arith.constant 80 : i32
      %add3A_183 = arith.addi %mul3A_181, %add3A_182 : i32
      %multiple_of3A_184 = tpu.assume_multiple %add3A_183, 16 : i32
      %swap3A_185 = arith.index_cast %multiple_of3A_184 : i32 to index
      %swap3A_186 = tpu.vector_load %arg13[%swap3A_185] {strides = array<i32>} : memref<4096xf32, #tpu.memory_space<vmem>>, vector<16xf32>,
      %swap3A_187 = vector.shape_cast %swap3A_186 : vector<16xf32> to vector<16xf32>
      %swap3A_188 = vector.shape_cast %select_n3A_179 : vector<16xf32> to vector<16xf32>
      tpu.vector_store %arg13[%swap3A_185], %swap3A_188 {strides = array<i32>} : memref<4096xf32, #tpu.memory_space<vmem>>, vector<16xf32>,
      %shift_right_logical3A_189 = arith.constant 6 : i32
      %shift_right_logical3A_190 = vector.broadcast %shift_right_logical3A_189 : i32 to vector<16xi32>
      %shift_right_logical3A_191 = arith.shrui %or3A_55, %shift_right_logical3A_190 : vector<16xi32>
      %and3A_192 = arith.constant 1 : i32
      %and3A_193 = vector.broadcast %and3A_192 : i32 to vector<16xi32>
      %and3A_194 = arith.andi %shift_right_logical3A_191, %and3A_193 : vector<16xi32>
      %eq3A_195 = arith.constant 1 : i32
      %eq3A_196 = vector.broadcast %eq3A_195 : i32 to vector<16xi32>
      %eq3A_197 = arith.cmpi eq, %and3A_194, %eq3A_196 : vector<16xi32>
      %jit3A_198 = arith.constant 1.000000e+00 : f32
      %jit3A_199 = arith.constant -1.000000e+00 : f32
      %broadcast_in_dim3A_200 = vector.broadcast %jit3A_198 : f32 to vector<16xf32>
      %broadcast_in_dim3A_201 = vector.broadcast %jit3A_199 : f32 to vector<16xf32>
      %select_n3A_202 = arith.select %eq3A_197, %broadcast_in_dim3A_200, %broadcast_in_dim3A_201 : vector<16xi1>, vector<16xf32>
      %mul3A_203 = arith.constant 512 : i32
      %mul3A_204 = arith.muli %scan3A_43, %mul3A_203 : i32
      %add3A_205 = arith.constant 96 : i32
      %add3A_206 = arith.addi %mul3A_204, %add3A_205 : i32
      %multiple_of3A_207 = tpu.assume_multiple %add3A_206, 16 : i32
      %swap3A_208 = arith.index_cast %multiple_of3A_207 : i32 to index
      %swap3A_209 = tpu.vector_load %arg13[%swap3A_208] {strides = array<i32>} : memref<4096xf32, #tpu.memory_space<vmem>>, vector<16xf32>,
      %swap3A_210 = vector.shape_cast %swap3A_209 : vector<16xf32> to vector<16xf32>
      %swap3A_211 = vector.shape_cast %select_n3A_202 : vector<16xf32> to vector<16xf32>
      tpu.vector_store %arg13[%swap3A_208], %swap3A_211 {strides = array<i32>} : memref<4096xf32, #tpu.memory_space<vmem>>, vector<16xf32>,
      %shift_right_logical3A_212 = arith.constant 7 : i32
      %shift_right_logical3A_213 = vector.broadcast %shift_right_logical3A_212 : i32 to vector<16xi32>
      %shift_right_logical3A_214 = arith.shrui %or3A_55, %shift_right_logical3A_213 : vector<16xi32>
      %and3A_215 = arith.constant 1 : i32
      %and3A_216 = vector.broadcast %and3A_215 : i32 to vector<16xi32>
      %and3A_217 = arith.andi %shift_right_logical3A_214, %and3A_216 : vector<16xi32>
      %eq3A_218 = arith.constant 1 : i32
      %eq3A_219 = vector.broadcast %eq3A_218 : i32 to vector<16xi32>
      %eq3A_220 = arith.cmpi eq, %and3A_217, %eq3A_219 : vector<16xi32>
      %jit3A_221 = arith.constant 1.000000e+00 : f32
      %jit3A_222 = arith.constant -1.000000e+00 : f32
      %broadcast_in_dim3A_223 = vector.broadcast %jit3A_221 : f32 to vector<16xf32>
      %broadcast_in_dim3A_224 = vector.broadcast %jit3A_222 : f32 to vector<16xf32>
      %select_n3A_225 = arith.select %eq3A_220, %broadcast_in_dim3A_223, %broadcast_in_dim3A_224 : vector<16xi1>, vector<16xf32>
      %mul3A_226 = arith.constant 512 : i32
      %mul3A_227 = arith.muli %scan3A_43, %mul3A_226 : i32
      %add3A_228 = arith.constant 112 : i32
      %add3A_229 = arith.addi %mul3A_227, %add3A_228 : i32
      %multiple_of3A_230 = tpu.assume_multiple %add3A_229, 16 : i32
      %swap3A_231 = arith.index_cast %multiple_of3A_230 : i32 to index
      %swap3A_232 = tpu.vector_load %arg13[%swap3A_231] {strides = array<i32>} : memref<4096xf32, #tpu.memory_space<vmem>>, vector<16xf32>,
      %swap3A_233 = vector.shape_cast %swap3A_232 : vector<16xf32> to vector<16xf32>
      %swap3A_234 = vector.shape_cast %select_n3A_225 : vector<16xf32> to vector<16xf32>
      tpu.vector_store %arg13[%swap3A_231], %swap3A_234 {strides = array<i32>} : memref<4096xf32, #tpu.memory_space<vmem>>, vector<16xf32>,
      %shift_right_logical3A_235 = arith.constant 8 : i32
      %shift_right_logical3A_236 = vector.broadcast %shift_right_logical3A_235 : i32 to vector<16xi32>
      %shift_right_logical3A_237 = arith.shrui %or3A_55, %shift_right_logical3A_236 : vector<16xi32>
      %and3A_238 = arith.constant 1 : i32
      %and3A_239 = vector.broadcast %and3A_238 : i32 to vector<16xi32>
      %and3A_240 = arith.andi %shift_right_logical3A_237, %and3A_239 : vector<16xi32>
      %eq3A_241 = arith.constant 1 : i32
      %eq3A_242 = vector.broadcast %eq3A_241 : i32 to vector<16xi32>
      %eq3A_243 = arith.cmpi eq, %and3A_240, %eq3A_242 : vector<16xi32>
      %jit3A_244 = arith.constant 1.000000e+00 : f32
      %jit3A_245 = arith.constant -1.000000e+00 : f32
      %broadcast_in_dim3A_246 = vector.broadcast %jit3A_244 : f32 to vector<16xf32>
      %broadcast_in_dim3A_247 = vector.broadcast %jit3A_245 : f32 to vector<16xf32>
      %select_n3A_248 = arith.select %eq3A_243, %broadcast_in_dim3A_246, %broadcast_in_dim3A_247 : vector<16xi1>, vector<16xf32>
      %mul3A_249 = arith.constant 512 : i32
      %mul3A_250 = arith.muli %scan3A_43, %mul3A_249 : i32
      %add3A_251 = arith.constant 128 : i32
      %add3A_252 = arith.addi %mul3A_250, %add3A_251 : i32
      %multiple_of3A_253 = tpu.assume_multiple %add3A_252, 16 : i32
      %swap3A_254 = arith.index_cast %multiple_of3A_253 : i32 to index
      %swap3A_255 = tpu.vector_load %arg13[%swap3A_254] {strides = array<i32>} : memref<4096xf32, #tpu.memory_space<vmem>>, vector<16xf32>,
      %swap3A_256 = vector.shape_cast %swap3A_255 : vector<16xf32> to vector<16xf32>
      %swap3A_257 = vector.shape_cast %select_n3A_248 : vector<16xf32> to vector<16xf32>
      tpu.vector_store %arg13[%swap3A_254], %swap3A_257 {strides = array<i32>} : memref<4096xf32, #tpu.memory_space<vmem>>, vector<16xf32>,
      %shift_right_logical3A_258 = arith.constant 9 : i32
      %shift_right_logical3A_259 = vector.broadcast %shift_right_logical3A_258 : i32 to vector<16xi32>
      %shift_right_logical3A_260 = arith.shrui %or3A_55, %shift_right_logical3A_259 : vector<16xi32>
      %and3A_261 = arith.constant 1 : i32
      %and3A_262 = vector.broadcast %and3A_261 : i32 to vector<16xi32>
      %and3A_263 = arith.andi %shift_right_logical3A_260, %and3A_262 : vector<16xi32>
      %eq3A_264 = arith.constant 1 : i32
      %eq3A_265 = vector.broadcast %eq3A_264 : i32 to vector<16xi32>
      %eq3A_266 = arith.cmpi eq, %and3A_263, %eq3A_265 : vector<16xi32>
      %jit3A_267 = arith.constant 1.000000e+00 : f32
      %jit3A_268 = arith.constant -1.000000e+00 : f32
      %broadcast_in_dim3A_269 = vector.broadcast %jit3A_267 : f32 to vector<16xf32>
      %broadcast_in_dim3A_270 = vector.broadcast %jit3A_268 : f32 to vector<16xf32>
      %select_n3A_271 = arith.select %eq3A_266, %broadcast_in_dim3A_269, %broadcast_in_dim3A_270 : vector<16xi1>, vector<16xf32>
      %mul3A_272 = arith.constant 512 : i32
      %mul3A_273 = arith.muli %scan3A_43, %mul3A_272 : i32
      %add3A_274 = arith.constant 144 : i32
      %add3A_275 = arith.addi %mul3A_273, %add3A_274 : i32
      %multiple_of3A_276 = tpu.assume_multiple %add3A_275, 16 : i32
      %swap3A_277 = arith.index_cast %multiple_of3A_276 : i32 to index
      %swap3A_278 = tpu.vector_load %arg13[%swap3A_277] {strides = array<i32>} : memref<4096xf32, #tpu.memory_space<vmem>>, vector<16xf32>,
      %swap3A_279 = vector.shape_cast %swap3A_278 : vector<16xf32> to vector<16xf32>
      %swap3A_280 = vector.shape_cast %select_n3A_271 : vector<16xf32> to vector<16xf32>
      tpu.vector_store %arg13[%swap3A_277], %swap3A_280 {strides = array<i32>} : memref<4096xf32, #tpu.memory_space<vmem>>, vector<16xf32>,
      %shift_right_logical3A_281 = arith.constant 10 : i32
      %shift_right_logical3A_282 = vector.broadcast %shift_right_logical3A_281 : i32 to vector<16xi32>
      %shift_right_logical3A_283 = arith.shrui %or3A_55, %shift_right_logical3A_282 : vector<16xi32>
      %and3A_284 = arith.constant 1 : i32
      %and3A_285 = vector.broadcast %and3A_284 : i32 to vector<16xi32>
      %and3A_286 = arith.andi %shift_right_logical3A_283, %and3A_285 : vector<16xi32>
      %eq3A_287 = arith.constant 1 : i32
      %eq3A_288 = vector.broadcast %eq3A_287 : i32 to vector<16xi32>
      %eq3A_289 = arith.cmpi eq, %and3A_286, %eq3A_288 : vector<16xi32>
      %jit3A_290 = arith.constant 1.000000e+00 : f32
      %jit3A_291 = arith.constant -1.000000e+00 : f32
      %broadcast_in_dim3A_292 = vector.broadcast %jit3A_290 : f32 to vector<16xf32>
      %broadcast_in_dim3A_293 = vector.broadcast %jit3A_291 : f32 to vector<16xf32>
      %select_n3A_294 = arith.select %eq3A_289, %broadcast_in_dim3A_292, %broadcast_in_dim3A_293 : vector<16xi1>, vector<16xf32>
      %mul3A_295 = arith.constant 512 : i32
      %mul3A_296 = arith.muli %scan3A_43, %mul3A_295 : i32
      %add3A_297 = arith.constant 160 : i32
      %add3A_298 = arith.addi %mul3A_296, %add3A_297 : i32
      %multiple_of3A_299 = tpu.assume_multiple %add3A_298, 16 : i32
      %swap3A_300 = arith.index_cast %multiple_of3A_299 : i32 to index
      %swap3A_301 = tpu.vector_load %arg13[%swap3A_300] {strides = array<i32>} : memref<4096xf32, #tpu.memory_space<vmem>>, vector<16xf32>,
      %swap3A_302 = vector.shape_cast %swap3A_301 : vector<16xf32> to vector<16xf32>
      %swap3A_303 = vector.shape_cast %select_n3A_294 : vector<16xf32> to vector<16xf32>
      tpu.vector_store %arg13[%swap3A_300], %swap3A_303 {strides = array<i32>} : memref<4096xf32, #tpu.memory_space<vmem>>, vector<16xf32>,
      %shift_right_logical3A_304 = arith.constant 11 : i32
      %shift_right_logical3A_305 = vector.broadcast %shift_right_logical3A_304 : i32 to vector<16xi32>
      %shift_right_logical3A_306 = arith.shrui %or3A_55, %shift_right_logical3A_305 : vector<16xi32>
      %and3A_307 = arith.constant 1 : i32
      %and3A_308 = vector.broadcast %and3A_307 : i32 to vector<16xi32>
      %and3A_309 = arith.andi %shift_right_logical3A_306, %and3A_308 : vector<16xi32>
      %eq3A_310 = arith.constant 1 : i32
      %eq3A_311 = vector.broadcast %eq3A_310 : i32 to vector<16xi32>
      %eq3A_312 = arith.cmpi eq, %and3A_309, %eq3A_311 : vector<16xi32>
      %jit3A_313 = arith.constant 1.000000e+00 : f32
      %jit3A_314 = arith.constant -1.000000e+00 : f32
      %broadcast_in_dim3A_315 = vector.broadcast %jit3A_313 : f32 to vector<16xf32>
      %broadcast_in_dim3A_316 = vector.broadcast %jit3A_314 : f32 to vector<16xf32>
      %select_n3A_317 = arith.select %eq3A_312, %broadcast_in_dim3A_315, %broadcast_in_dim3A_316 : vector<16xi1>, vector<16xf32>
      %mul3A_318 = arith.constant 512 : i32
      %mul3A_319 = arith.muli %scan3A_43, %mul3A_318 : i32
      %add3A_320 = arith.constant 176 : i32
      %add3A_321 = arith.addi %mul3A_319, %add3A_320 : i32
      %multiple_of3A_322 = tpu.assume_multiple %add3A_321, 16 : i32
      %swap3A_323 = arith.index_cast %multiple_of3A_322 : i32 to index
      %swap3A_324 = tpu.vector_load %arg13[%swap3A_323] {strides = array<i32>} : memref<4096xf32, #tpu.memory_space<vmem>>, vector<16xf32>,
      %swap3A_325 = vector.shape_cast %swap3A_324 : vector<16xf32> to vector<16xf32>
      %swap3A_326 = vector.shape_cast %select_n3A_317 : vector<16xf32> to vector<16xf32>
      tpu.vector_store %arg13[%swap3A_323], %swap3A_326 {strides = array<i32>} : memref<4096xf32, #tpu.memory_space<vmem>>, vector<16xf32>,
      %shift_right_logical3A_327 = arith.constant 12 : i32
      %shift_right_logical3A_328 = vector.broadcast %shift_right_logical3A_327 : i32 to vector<16xi32>
      %shift_right_logical3A_329 = arith.shrui %or3A_55, %shift_right_logical3A_328 : vector<16xi32>
      %and3A_330 = arith.constant 1 : i32
      %and3A_331 = vector.broadcast %and3A_330 : i32 to vector<16xi32>
      %and3A_332 = arith.andi %shift_right_logical3A_329, %and3A_331 : vector<16xi32>
      %eq3A_333 = arith.constant 1 : i32
      %eq3A_334 = vector.broadcast %eq3A_333 : i32 to vector<16xi32>
      %eq3A_335 = arith.cmpi eq, %and3A_332, %eq3A_334 : vector<16xi32>
      %jit3A_336 = arith.constant 1.000000e+00 : f32
      %jit3A_337 = arith.constant -1.000000e+00 : f32
      %broadcast_in_dim3A_338 = vector.broadcast %jit3A_336 : f32 to vector<16xf32>
      %broadcast_in_dim3A_339 = vector.broadcast %jit3A_337 : f32 to vector<16xf32>
      %select_n3A_340 = arith.select %eq3A_335, %broadcast_in_dim3A_338, %broadcast_in_dim3A_339 : vector<16xi1>, vector<16xf32>
      %mul3A_341 = arith.constant 512 : i32
      %mul3A_342 = arith.muli %scan3A_43, %mul3A_341 : i32
      %add3A_343 = arith.constant 192 : i32
      %add3A_344 = arith.addi %mul3A_342, %add3A_343 : i32
      %multiple_of3A_345 = tpu.assume_multiple %add3A_344, 16 : i32
      %swap3A_346 = arith.index_cast %multiple_of3A_345 : i32 to index
      %swap3A_347 = tpu.vector_load %arg13[%swap3A_346] {strides = array<i32>} : memref<4096xf32, #tpu.memory_space<vmem>>, vector<16xf32>,
      %swap3A_348 = vector.shape_cast %swap3A_347 : vector<16xf32> to vector<16xf32>
      %swap3A_349 = vector.shape_cast %select_n3A_340 : vector<16xf32> to vector<16xf32>
      tpu.vector_store %arg13[%swap3A_346], %swap3A_349 {strides = array<i32>} : memref<4096xf32, #tpu.memory_space<vmem>>, vector<16xf32>,
      %shift_right_logical3A_350 = arith.constant 13 : i32
      %shift_right_logical3A_351 = vector.broadcast %shift_right_logical3A_350 : i32 to vector<16xi32>
      %shift_right_logical3A_352 = arith.shrui %or3A_55, %shift_right_logical3A_351 : vector<16xi32>
      %and3A_353 = arith.constant 1 : i32
      %and3A_354 = vector.broadcast %and3A_353 : i32 to vector<16xi32>
      %and3A_355 = arith.andi %shift_right_logical3A_352, %and3A_354 : vector<16xi32>
      %eq3A_356 = arith.constant 1 : i32
      %eq3A_357 = vector.broadcast %eq3A_356 : i32 to vector<16xi32>
      %eq3A_358 = arith.cmpi eq, %and3A_355, %eq3A_357 : vector<16xi32>
      %jit3A_359 = arith.constant 1.000000e+00 : f32
      %jit3A_360 = arith.constant -1.000000e+00 : f32
      %broadcast_in_dim3A_361 = vector.broadcast %jit3A_359 : f32 to vector<16xf32>
      %broadcast_in_dim3A_362 = vector.broadcast %jit3A_360 : f32 to vector<16xf32>
      %select_n3A_363 = arith.select %eq3A_358, %broadcast_in_dim3A_361, %broadcast_in_dim3A_362 : vector<16xi1>, vector<16xf32>
      %mul3A_364 = arith.constant 512 : i32
      %mul3A_365 = arith.muli %scan3A_43, %mul3A_364 : i32
      %add3A_366 = arith.constant 208 : i32
      %add3A_367 = arith.addi %mul3A_365, %add3A_366 : i32
      %multiple_of3A_368 = tpu.assume_multiple %add3A_367, 16 : i32
      %swap3A_369 = arith.index_cast %multiple_of3A_368 : i32 to index
      %swap3A_370 = tpu.vector_load %arg13[%swap3A_369] {strides = array<i32>} : memref<4096xf32, #tpu.memory_space<vmem>>, vector<16xf32>,
      %swap3A_371 = vector.shape_cast %swap3A_370 : vector<16xf32> to vector<16xf32>
      %swap3A_372 = vector.shape_cast %select_n3A_363 : vector<16xf32> to vector<16xf32>
      tpu.vector_store %arg13[%swap3A_369], %swap3A_372 {strides = array<i32>} : memref<4096xf32, #tpu.memory_space<vmem>>, vector<16xf32>,
      %shift_right_logical3A_373 = arith.constant 14 : i32
      %shift_right_logical3A_374 = vector.broadcast %shift_right_logical3A_373 : i32 to vector<16xi32>
      %shift_right_logical3A_375 = arith.shrui %or3A_55, %shift_right_logical3A_374 : vector<16xi32>
      %and3A_376 = arith.constant 1 : i32
      %and3A_377 = vector.broadcast %and3A_376 : i32 to vector<16xi32>
      %and3A_378 = arith.andi %shift_right_logical3A_375, %and3A_377 : vector<16xi32>
      %eq3A_379 = arith.constant 1 : i32
      %eq3A_380 = vector.broadcast %eq3A_379 : i32 to vector<16xi32>
      %eq3A_381 = arith.cmpi eq, %and3A_378, %eq3A_380 : vector<16xi32>
      %jit3A_382 = arith.constant 1.000000e+00 : f32
      %jit3A_383 = arith.constant -1.000000e+00 : f32
      %broadcast_in_dim3A_384 = vector.broadcast %jit3A_382 : f32 to vector<16xf32>
      %broadcast_in_dim3A_385 = vector.broadcast %jit3A_383 : f32 to vector<16xf32>
      %select_n3A_386 = arith.select %eq3A_381, %broadcast_in_dim3A_384, %broadcast_in_dim3A_385 : vector<16xi1>, vector<16xf32>
      %mul3A_387 = arith.constant 512 : i32
      %mul3A_388 = arith.muli %scan3A_43, %mul3A_387 : i32
      %add3A_389 = arith.constant 224 : i32
      %add3A_390 = arith.addi %mul3A_388, %add3A_389 : i32
      %multiple_of3A_391 = tpu.assume_multiple %add3A_390, 16 : i32
      %swap3A_392 = arith.index_cast %multiple_of3A_391 : i32 to index
      %swap3A_393 = tpu.vector_load %arg13[%swap3A_392] {strides = array<i32>} : memref<4096xf32, #tpu.memory_space<vmem>>, vector<16xf32>,
      %swap3A_394 = vector.shape_cast %swap3A_393 : vector<16xf32> to vector<16xf32>
      %swap3A_395 = vector.shape_cast %select_n3A_386 : vector<16xf32> to vector<16xf32>
      tpu.vector_store %arg13[%swap3A_392], %swap3A_395 {strides = array<i32>} : memref<4096xf32, #tpu.memory_space<vmem>>, vector<16xf32>,
      %shift_right_logical3A_396 = arith.constant 15 : i32
      %shift_right_logical3A_397 = vector.broadcast %shift_right_logical3A_396 : i32 to vector<16xi32>
      %shift_right_logical3A_398 = arith.shrui %or3A_55, %shift_right_logical3A_397 : vector<16xi32>
      %and3A_399 = arith.constant 1 : i32
      %and3A_400 = vector.broadcast %and3A_399 : i32 to vector<16xi32>
      %and3A_401 = arith.andi %shift_right_logical3A_398, %and3A_400 : vector<16xi32>
      %eq3A_402 = arith.constant 1 : i32
      %eq3A_403 = vector.broadcast %eq3A_402 : i32 to vector<16xi32>
      %eq3A_404 = arith.cmpi eq, %and3A_401, %eq3A_403 : vector<16xi32>
      %jit3A_405 = arith.constant 1.000000e+00 : f32
      %jit3A_406 = arith.constant -1.000000e+00 : f32
      %broadcast_in_dim3A_407 = vector.broadcast %jit3A_405 : f32 to vector<16xf32>
      %broadcast_in_dim3A_408 = vector.broadcast %jit3A_406 : f32 to vector<16xf32>
      %select_n3A_409 = arith.select %eq3A_404, %broadcast_in_dim3A_407, %broadcast_in_dim3A_408 : vector<16xi1>, vector<16xf32>
      %mul3A_410 = arith.constant 512 : i32
      %mul3A_411 = arith.muli %scan3A_43, %mul3A_410 : i32
      %add3A_412 = arith.constant 240 : i32
      %add3A_413 = arith.addi %mul3A_411, %add3A_412 : i32
      %multiple_of3A_414 = tpu.assume_multiple %add3A_413, 16 : i32
      %swap3A_415 = arith.index_cast %multiple_of3A_414 : i32 to index
      %swap3A_416 = tpu.vector_load %arg13[%swap3A_415] {strides = array<i32>} : memref<4096xf32, #tpu.memory_space<vmem>>, vector<16xf32>,
      %swap3A_417 = vector.shape_cast %swap3A_416 : vector<16xf32> to vector<16xf32>
      %swap3A_418 = vector.shape_cast %select_n3A_409 : vector<16xf32> to vector<16xf32>
      tpu.vector_store %arg13[%swap3A_415], %swap3A_418 {strides = array<i32>} : memref<4096xf32, #tpu.memory_space<vmem>>, vector<16xf32>,
      %shift_right_logical3A_419 = arith.constant 16 : i32
      %shift_right_logical3A_420 = vector.broadcast %shift_right_logical3A_419 : i32 to vector<16xi32>
      %shift_right_logical3A_421 = arith.shrui %or3A_55, %shift_right_logical3A_420 : vector<16xi32>
      %and3A_422 = arith.constant 1 : i32
      %and3A_423 = vector.broadcast %and3A_422 : i32 to vector<16xi32>
      %and3A_424 = arith.andi %shift_right_logical3A_421, %and3A_423 : vector<16xi32>
      %eq3A_425 = arith.constant 1 : i32
      %eq3A_426 = vector.broadcast %eq3A_425 : i32 to vector<16xi32>
      %eq3A_427 = arith.cmpi eq, %and3A_424, %eq3A_426 : vector<16xi32>
      %jit3A_428 = arith.constant 1.000000e+00 : f32
      %jit3A_429 = arith.constant -1.000000e+00 : f32
      %broadcast_in_dim3A_430 = vector.broadcast %jit3A_428 : f32 to vector<16xf32>
      %broadcast_in_dim3A_431 = vector.broadcast %jit3A_429 : f32 to vector<16xf32>
      %select_n3A_432 = arith.select %eq3A_427, %broadcast_in_dim3A_430, %broadcast_in_dim3A_431 : vector<16xi1>, vector<16xf32>
      %mul3A_433 = arith.constant 512 : i32
      %mul3A_434 = arith.muli %scan3A_43, %mul3A_433 : i32
      %add3A_435 = arith.constant 256 : i32
      %add3A_436 = arith.addi %mul3A_434, %add3A_435 : i32
      %multiple_of3A_437 = tpu.assume_multiple %add3A_436, 16 : i32
      %swap3A_438 = arith.index_cast %multiple_of3A_437 : i32 to index
      %swap3A_439 = tpu.vector_load %arg13[%swap3A_438] {strides = array<i32>} : memref<4096xf32, #tpu.memory_space<vmem>>, vector<16xf32>,
      %swap3A_440 = vector.shape_cast %swap3A_439 : vector<16xf32> to vector<16xf32>
      %swap3A_441 = vector.shape_cast %select_n3A_432 : vector<16xf32> to vector<16xf32>
      tpu.vector_store %arg13[%swap3A_438], %swap3A_441 {strides = array<i32>} : memref<4096xf32, #tpu.memory_space<vmem>>, vector<16xf32>,
      %shift_right_logical3A_442 = arith.constant 17 : i32
      %shift_right_logical3A_443 = vector.broadcast %shift_right_logical3A_442 : i32 to vector<16xi32>
      %shift_right_logical3A_444 = arith.shrui %or3A_55, %shift_right_logical3A_443 : vector<16xi32>
      %and3A_445 = arith.constant 1 : i32
      %and3A_446 = vector.broadcast %and3A_445 : i32 to vector<16xi32>
      %and3A_447 = arith.andi %shift_right_logical3A_444, %and3A_446 : vector<16xi32>
      %eq3A_448 = arith.constant 1 : i32
      %eq3A_449 = vector.broadcast %eq3A_448 : i32 to vector<16xi32>
      %eq3A_450 = arith.cmpi eq, %and3A_447, %eq3A_449 : vector<16xi32>
      %jit3A_451 = arith.constant 1.000000e+00 : f32
      %jit3A_452 = arith.constant -1.000000e+00 : f32
      %broadcast_in_dim3A_453 = vector.broadcast %jit3A_451 : f32 to vector<16xf32>
      %broadcast_in_dim3A_454 = vector.broadcast %jit3A_452 : f32 to vector<16xf32>
      %select_n3A_455 = arith.select %eq3A_450, %broadcast_in_dim3A_453, %broadcast_in_dim3A_454 : vector<16xi1>, vector<16xf32>
      %mul3A_456 = arith.constant 512 : i32
      %mul3A_457 = arith.muli %scan3A_43, %mul3A_456 : i32
      %add3A_458 = arith.constant 272 : i32
      %add3A_459 = arith.addi %mul3A_457, %add3A_458 : i32
      %multiple_of3A_460 = tpu.assume_multiple %add3A_459, 16 : i32
      %swap3A_461 = arith.index_cast %multiple_of3A_460 : i32 to index
      %swap3A_462 = tpu.vector_load %arg13[%swap3A_461] {strides = array<i32>} : memref<4096xf32, #tpu.memory_space<vmem>>, vector<16xf32>,
      %swap3A_463 = vector.shape_cast %swap3A_462 : vector<16xf32> to vector<16xf32>
      %swap3A_464 = vector.shape_cast %select_n3A_455 : vector<16xf32> to vector<16xf32>
      tpu.vector_store %arg13[%swap3A_461], %swap3A_464 {strides = array<i32>} : memref<4096xf32, #tpu.memory_space<vmem>>, vector<16xf32>,
      %shift_right_logical3A_465 = arith.constant 18 : i32
      %shift_right_logical3A_466 = vector.broadcast %shift_right_logical3A_465 : i32 to vector<16xi32>
      %shift_right_logical3A_467 = arith.shrui %or3A_55, %shift_right_logical3A_466 : vector<16xi32>
      %and3A_468 = arith.constant 1 : i32
      %and3A_469 = vector.broadcast %and3A_468 : i32 to vector<16xi32>
      %and3A_470 = arith.andi %shift_right_logical3A_467, %and3A_469 : vector<16xi32>
      %eq3A_471 = arith.constant 1 : i32
      %eq3A_472 = vector.broadcast %eq3A_471 : i32 to vector<16xi32>
      %eq3A_473 = arith.cmpi eq, %and3A_470, %eq3A_472 : vector<16xi32>
      %jit3A_474 = arith.constant 1.000000e+00 : f32
      %jit3A_475 = arith.constant -1.000000e+00 : f32
      %broadcast_in_dim3A_476 = vector.broadcast %jit3A_474 : f32 to vector<16xf32>
      %broadcast_in_dim3A_477 = vector.broadcast %jit3A_475 : f32 to vector<16xf32>
      %select_n3A_478 = arith.select %eq3A_473, %broadcast_in_dim3A_476, %broadcast_in_dim3A_477 : vector<16xi1>, vector<16xf32>
      %mul3A_479 = arith.constant 512 : i32
      %mul3A_480 = arith.muli %scan3A_43, %mul3A_479 : i32
      %add3A_481 = arith.constant 288 : i32
      %add3A_482 = arith.addi %mul3A_480, %add3A_481 : i32
      %multiple_of3A_483 = tpu.assume_multiple %add3A_482, 16 : i32
      %swap3A_484 = arith.index_cast %multiple_of3A_483 : i32 to index
      %swap3A_485 = tpu.vector_load %arg13[%swap3A_484] {strides = array<i32>} : memref<4096xf32, #tpu.memory_space<vmem>>, vector<16xf32>,
      %swap3A_486 = vector.shape_cast %swap3A_485 : vector<16xf32> to vector<16xf32>
      %swap3A_487 = vector.shape_cast %select_n3A_478 : vector<16xf32> to vector<16xf32>
      tpu.vector_store %arg13[%swap3A_484], %swap3A_487 {strides = array<i32>} : memref<4096xf32, #tpu.memory_space<vmem>>, vector<16xf32>,
      %shift_right_logical3A_488 = arith.constant 19 : i32
      %shift_right_logical3A_489 = vector.broadcast %shift_right_logical3A_488 : i32 to vector<16xi32>
      %shift_right_logical3A_490 = arith.shrui %or3A_55, %shift_right_logical3A_489 : vector<16xi32>
      %and3A_491 = arith.constant 1 : i32
      %and3A_492 = vector.broadcast %and3A_491 : i32 to vector<16xi32>
      %and3A_493 = arith.andi %shift_right_logical3A_490, %and3A_492 : vector<16xi32>
      %eq3A_494 = arith.constant 1 : i32
      %eq3A_495 = vector.broadcast %eq3A_494 : i32 to vector<16xi32>
      %eq3A_496 = arith.cmpi eq, %and3A_493, %eq3A_495 : vector<16xi32>
      %jit3A_497 = arith.constant 1.000000e+00 : f32
      %jit3A_498 = arith.constant -1.000000e+00 : f32
      %broadcast_in_dim3A_499 = vector.broadcast %jit3A_497 : f32 to vector<16xf32>
      %broadcast_in_dim3A_500 = vector.broadcast %jit3A_498 : f32 to vector<16xf32>
      %select_n3A_501 = arith.select %eq3A_496, %broadcast_in_dim3A_499, %broadcast_in_dim3A_500 : vector<16xi1>, vector<16xf32>
      %mul3A_502 = arith.constant 512 : i32
      %mul3A_503 = arith.muli %scan3A_43, %mul3A_502 : i32
      %add3A_504 = arith.constant 304 : i32
      %add3A_505 = arith.addi %mul3A_503, %add3A_504 : i32
      %multiple_of3A_506 = tpu.assume_multiple %add3A_505, 16 : i32
      %swap3A_507 = arith.index_cast %multiple_of3A_506 : i32 to index
      %swap3A_508 = tpu.vector_load %arg13[%swap3A_507] {strides = array<i32>} : memref<4096xf32, #tpu.memory_space<vmem>>, vector<16xf32>,
      %swap3A_509 = vector.shape_cast %swap3A_508 : vector<16xf32> to vector<16xf32>
      %swap3A_510 = vector.shape_cast %select_n3A_501 : vector<16xf32> to vector<16xf32>
      tpu.vector_store %arg13[%swap3A_507], %swap3A_510 {strides = array<i32>} : memref<4096xf32, #tpu.memory_space<vmem>>, vector<16xf32>,
      %shift_right_logical3A_511 = arith.constant 20 : i32
      %shift_right_logical3A_512 = vector.broadcast %shift_right_logical3A_511 : i32 to vector<16xi32>
      %shift_right_logical3A_513 = arith.shrui %or3A_55, %shift_right_logical3A_512 : vector<16xi32>
      %and3A_514 = arith.constant 1 : i32
      %and3A_515 = vector.broadcast %and3A_514 : i32 to vector<16xi32>
      %and3A_516 = arith.andi %shift_right_logical3A_513, %and3A_515 : vector<16xi32>
      %eq3A_517 = arith.constant 1 : i32
      %eq3A_518 = vector.broadcast %eq3A_517 : i32 to vector<16xi32>
      %eq3A_519 = arith.cmpi eq, %and3A_516, %eq3A_518 : vector<16xi32>
      %jit3A_520 = arith.constant 1.000000e+00 : f32
      %jit3A_521 = arith.constant -1.000000e+00 : f32
      %broadcast_in_dim3A_522 = vector.broadcast %jit3A_520 : f32 to vector<16xf32>
      %broadcast_in_dim3A_523 = vector.broadcast %jit3A_521 : f32 to vector<16xf32>
      %select_n3A_524 = arith.select %eq3A_519, %broadcast_in_dim3A_522, %broadcast_in_dim3A_523 : vector<16xi1>, vector<16xf32>
      %mul3A_525 = arith.constant 512 : i32
      %mul3A_526 = arith.muli %scan3A_43, %mul3A_525 : i32
      %add3A_527 = arith.constant 320 : i32
      %add3A_528 = arith.addi %mul3A_526, %add3A_527 : i32
      %multiple_of3A_529 = tpu.assume_multiple %add3A_528, 16 : i32
      %swap3A_530 = arith.index_cast %multiple_of3A_529 : i32 to index
      %swap3A_531 = tpu.vector_load %arg13[%swap3A_530] {strides = array<i32>} : memref<4096xf32, #tpu.memory_space<vmem>>, vector<16xf32>,
      %swap3A_532 = vector.shape_cast %swap3A_531 : vector<16xf32> to vector<16xf32>
      %swap3A_533 = vector.shape_cast %select_n3A_524 : vector<16xf32> to vector<16xf32>
      tpu.vector_store %arg13[%swap3A_530], %swap3A_533 {strides = array<i32>} : memref<4096xf32, #tpu.memory_space<vmem>>, vector<16xf32>,
      %shift_right_logical3A_534 = arith.constant 21 : i32
      %shift_right_logical3A_535 = vector.broadcast %shift_right_logical3A_534 : i32 to vector<16xi32>
      %shift_right_logical3A_536 = arith.shrui %or3A_55, %shift_right_logical3A_535 : vector<16xi32>
      %and3A_537 = arith.constant 1 : i32
      %and3A_538 = vector.broadcast %and3A_537 : i32 to vector<16xi32>
      %and3A_539 = arith.andi %shift_right_logical3A_536, %and3A_538 : vector<16xi32>
      %eq3A_540 = arith.constant 1 : i32
      %eq3A_541 = vector.broadcast %eq3A_540 : i32 to vector<16xi32>
      %eq3A_542 = arith.cmpi eq, %and3A_539, %eq3A_541 : vector<16xi32>
      %jit3A_543 = arith.constant 1.000000e+00 : f32
      %jit3A_544 = arith.constant -1.000000e+00 : f32
      %broadcast_in_dim3A_545 = vector.broadcast %jit3A_543 : f32 to vector<16xf32>
      %broadcast_in_dim3A_546 = vector.broadcast %jit3A_544 : f32 to vector<16xf32>
      %select_n3A_547 = arith.select %eq3A_542, %broadcast_in_dim3A_545, %broadcast_in_dim3A_546 : vector<16xi1>, vector<16xf32>
      %mul3A_548 = arith.constant 512 : i32
      %mul3A_549 = arith.muli %scan3A_43, %mul3A_548 : i32
      %add3A_550 = arith.constant 336 : i32
      %add3A_551 = arith.addi %mul3A_549, %add3A_550 : i32
      %multiple_of3A_552 = tpu.assume_multiple %add3A_551, 16 : i32
      %swap3A_553 = arith.index_cast %multiple_of3A_552 : i32 to index
      %swap3A_554 = tpu.vector_load %arg13[%swap3A_553] {strides = array<i32>} : memref<4096xf32, #tpu.memory_space<vmem>>, vector<16xf32>,
      %swap3A_555 = vector.shape_cast %swap3A_554 : vector<16xf32> to vector<16xf32>
      %swap3A_556 = vector.shape_cast %select_n3A_547 : vector<16xf32> to vector<16xf32>
      tpu.vector_store %arg13[%swap3A_553], %swap3A_556 {strides = array<i32>} : memref<4096xf32, #tpu.memory_space<vmem>>, vector<16xf32>,
      %shift_right_logical3A_557 = arith.constant 22 : i32
      %shift_right_logical3A_558 = vector.broadcast %shift_right_logical3A_557 : i32 to vector<16xi32>
      %shift_right_logical3A_559 = arith.shrui %or3A_55, %shift_right_logical3A_558 : vector<16xi32>
      %and3A_560 = arith.constant 1 : i32
      %and3A_561 = vector.broadcast %and3A_560 : i32 to vector<16xi32>
      %and3A_562 = arith.andi %shift_right_logical3A_559, %and3A_561 : vector<16xi32>
      %eq3A_563 = arith.constant 1 : i32
      %eq3A_564 = vector.broadcast %eq3A_563 : i32 to vector<16xi32>
      %eq3A_565 = arith.cmpi eq, %and3A_562, %eq3A_564 : vector<16xi32>
      %jit3A_566 = arith.constant 1.000000e+00 : f32
      %jit3A_567 = arith.constant -1.000000e+00 : f32
      %broadcast_in_dim3A_568 = vector.broadcast %jit3A_566 : f32 to vector<16xf32>
      %broadcast_in_dim3A_569 = vector.broadcast %jit3A_567 : f32 to vector<16xf32>
      %select_n3A_570 = arith.select %eq3A_565, %broadcast_in_dim3A_568, %broadcast_in_dim3A_569 : vector<16xi1>, vector<16xf32>
      %mul3A_571 = arith.constant 512 : i32
      %mul3A_572 = arith.muli %scan3A_43, %mul3A_571 : i32
      %add3A_573 = arith.constant 352 : i32
      %add3A_574 = arith.addi %mul3A_572, %add3A_573 : i32
      %multiple_of3A_575 = tpu.assume_multiple %add3A_574, 16 : i32
      %swap3A_576 = arith.index_cast %multiple_of3A_575 : i32 to index
      %swap3A_577 = tpu.vector_load %arg13[%swap3A_576] {strides = array<i32>} : memref<4096xf32, #tpu.memory_space<vmem>>, vector<16xf32>,
      %swap3A_578 = vector.shape_cast %swap3A_577 : vector<16xf32> to vector<16xf32>
      %swap3A_579 = vector.shape_cast %select_n3A_570 : vector<16xf32> to vector<16xf32>
      tpu.vector_store %arg13[%swap3A_576], %swap3A_579 {strides = array<i32>} : memref<4096xf32, #tpu.memory_space<vmem>>, vector<16xf32>,
      %shift_right_logical3A_580 = arith.constant 23 : i32
      %shift_right_logical3A_581 = vector.broadcast %shift_right_logical3A_580 : i32 to vector<16xi32>
      %shift_right_logical3A_582 = arith.shrui %or3A_55, %shift_right_logical3A_581 : vector<16xi32>
      %and3A_583 = arith.constant 1 : i32
      %and3A_584 = vector.broadcast %and3A_583 : i32 to vector<16xi32>
      %and3A_585 = arith.andi %shift_right_logical3A_582, %and3A_584 : vector<16xi32>
      %eq3A_586 = arith.constant 1 : i32
      %eq3A_587 = vector.broadcast %eq3A_586 : i32 to vector<16xi32>
      %eq3A_588 = arith.cmpi eq, %and3A_585, %eq3A_587 : vector<16xi32>
      %jit3A_589 = arith.constant 1.000000e+00 : f32
      %jit3A_590 = arith.constant -1.000000e+00 : f32
      %broadcast_in_dim3A_591 = vector.broadcast %jit3A_589 : f32 to vector<16xf32>
      %broadcast_in_dim3A_592 = vector.broadcast %jit3A_590 : f32 to vector<16xf32>
      %select_n3A_593 = arith.select %eq3A_588, %broadcast_in_dim3A_591, %broadcast_in_dim3A_592 : vector<16xi1>, vector<16xf32>
      %mul3A_594 = arith.constant 512 : i32
      %mul3A_595 = arith.muli %scan3A_43, %mul3A_594 : i32
      %add3A_596 = arith.constant 368 : i32
      %add3A_597 = arith.addi %mul3A_595, %add3A_596 : i32
      %multiple_of3A_598 = tpu.assume_multiple %add3A_597, 16 : i32
      %swap3A_599 = arith.index_cast %multiple_of3A_598 : i32 to index
      %swap3A_600 = tpu.vector_load %arg13[%swap3A_599] {strides = array<i32>} : memref<4096xf32, #tpu.memory_space<vmem>>, vector<16xf32>,
      %swap3A_601 = vector.shape_cast %swap3A_600 : vector<16xf32> to vector<16xf32>
      %swap3A_602 = vector.shape_cast %select_n3A_593 : vector<16xf32> to vector<16xf32>
      tpu.vector_store %arg13[%swap3A_599], %swap3A_602 {strides = array<i32>} : memref<4096xf32, #tpu.memory_space<vmem>>, vector<16xf32>,
      %shift_right_logical3A_603 = arith.constant 24 : i32
      %shift_right_logical3A_604 = vector.broadcast %shift_right_logical3A_603 : i32 to vector<16xi32>
      %shift_right_logical3A_605 = arith.shrui %or3A_55, %shift_right_logical3A_604 : vector<16xi32>
      %and3A_606 = arith.constant 1 : i32
      %and3A_607 = vector.broadcast %and3A_606 : i32 to vector<16xi32>
      %and3A_608 = arith.andi %shift_right_logical3A_605, %and3A_607 : vector<16xi32>
      %eq3A_609 = arith.constant 1 : i32
      %eq3A_610 = vector.broadcast %eq3A_609 : i32 to vector<16xi32>
      %eq3A_611 = arith.cmpi eq, %and3A_608, %eq3A_610 : vector<16xi32>
      %jit3A_612 = arith.constant 1.000000e+00 : f32
      %jit3A_613 = arith.constant -1.000000e+00 : f32
      %broadcast_in_dim3A_614 = vector.broadcast %jit3A_612 : f32 to vector<16xf32>
      %broadcast_in_dim3A_615 = vector.broadcast %jit3A_613 : f32 to vector<16xf32>
      %select_n3A_616 = arith.select %eq3A_611, %broadcast_in_dim3A_614, %broadcast_in_dim3A_615 : vector<16xi1>, vector<16xf32>
      %mul3A_617 = arith.constant 512 : i32
      %mul3A_618 = arith.muli %scan3A_43, %mul3A_617 : i32
      %add3A_619 = arith.constant 384 : i32
      %add3A_620 = arith.addi %mul3A_618, %add3A_619 : i32
      %multiple_of3A_621 = tpu.assume_multiple %add3A_620, 16 : i32
      %swap3A_622 = arith.index_cast %multiple_of3A_621 : i32 to index
      %swap3A_623 = tpu.vector_load %arg13[%swap3A_622] {strides = array<i32>} : memref<4096xf32, #tpu.memory_space<vmem>>, vector<16xf32>,
      %swap3A_624 = vector.shape_cast %swap3A_623 : vector<16xf32> to vector<16xf32>
      %swap3A_625 = vector.shape_cast %select_n3A_616 : vector<16xf32> to vector<16xf32>
      tpu.vector_store %arg13[%swap3A_622], %swap3A_625 {strides = array<i32>} : memref<4096xf32, #tpu.memory_space<vmem>>, vector<16xf32>,
      %shift_right_logical3A_626 = arith.constant 25 : i32
      %shift_right_logical3A_627 = vector.broadcast %shift_right_logical3A_626 : i32 to vector<16xi32>
      %shift_right_logical3A_628 = arith.shrui %or3A_55, %shift_right_logical3A_627 : vector<16xi32>
      %and3A_629 = arith.constant 1 : i32
      %and3A_630 = vector.broadcast %and3A_629 : i32 to vector<16xi32>
      %and3A_631 = arith.andi %shift_right_logical3A_628, %and3A_630 : vector<16xi32>
      %eq3A_632 = arith.constant 1 : i32
      %eq3A_633 = vector.broadcast %eq3A_632 : i32 to vector<16xi32>
      %eq3A_634 = arith.cmpi eq, %and3A_631, %eq3A_633 : vector<16xi32>
      %jit3A_635 = arith.constant 1.000000e+00 : f32
      %jit3A_636 = arith.constant -1.000000e+00 : f32
      %broadcast_in_dim3A_637 = vector.broadcast %jit3A_635 : f32 to vector<16xf32>
      %broadcast_in_dim3A_638 = vector.broadcast %jit3A_636 : f32 to vector<16xf32>
      %select_n3A_639 = arith.select %eq3A_634, %broadcast_in_dim3A_637, %broadcast_in_dim3A_638 : vector<16xi1>, vector<16xf32>
      %mul3A_640 = arith.constant 512 : i32
      %mul3A_641 = arith.muli %scan3A_43, %mul3A_640 : i32
      %add3A_642 = arith.constant 400 : i32
      %add3A_643 = arith.addi %mul3A_641, %add3A_642 : i32
      %multiple_of3A_644 = tpu.assume_multiple %add3A_643, 16 : i32
      %swap3A_645 = arith.index_cast %multiple_of3A_644 : i32 to index
      %swap3A_646 = tpu.vector_load %arg13[%swap3A_645] {strides = array<i32>} : memref<4096xf32, #tpu.memory_space<vmem>>, vector<16xf32>,
      %swap3A_647 = vector.shape_cast %swap3A_646 : vector<16xf32> to vector<16xf32>
      %swap3A_648 = vector.shape_cast %select_n3A_639 : vector<16xf32> to vector<16xf32>
      tpu.vector_store %arg13[%swap3A_645], %swap3A_648 {strides = array<i32>} : memref<4096xf32, #tpu.memory_space<vmem>>, vector<16xf32>,
      %shift_right_logical3A_649 = arith.constant 26 : i32
      %shift_right_logical3A_650 = vector.broadcast %shift_right_logical3A_649 : i32 to vector<16xi32>
      %shift_right_logical3A_651 = arith.shrui %or3A_55, %shift_right_logical3A_650 : vector<16xi32>
      %and3A_652 = arith.constant 1 : i32
      %and3A_653 = vector.broadcast %and3A_652 : i32 to vector<16xi32>
      %and3A_654 = arith.andi %shift_right_logical3A_651, %and3A_653 : vector<16xi32>
      %eq3A_655 = arith.constant 1 : i32
      %eq3A_656 = vector.broadcast %eq3A_655 : i32 to vector<16xi32>
      %eq3A_657 = arith.cmpi eq, %and3A_654, %eq3A_656 : vector<16xi32>
      %jit3A_658 = arith.constant 1.000000e+00 : f32
      %jit3A_659 = arith.constant -1.000000e+00 : f32
      %broadcast_in_dim3A_660 = vector.broadcast %jit3A_658 : f32 to vector<16xf32>
      %broadcast_in_dim3A_661 = vector.broadcast %jit3A_659 : f32 to vector<16xf32>
      %select_n3A_662 = arith.select %eq3A_657, %broadcast_in_dim3A_660, %broadcast_in_dim3A_661 : vector<16xi1>, vector<16xf32>
      %mul3A_663 = arith.constant 512 : i32
      %mul3A_664 = arith.muli %scan3A_43, %mul3A_663 : i32
      %add3A_665 = arith.constant 416 : i32
      %add3A_666 = arith.addi %mul3A_664, %add3A_665 : i32
      %multiple_of3A_667 = tpu.assume_multiple %add3A_666, 16 : i32
      %swap3A_668 = arith.index_cast %multiple_of3A_667 : i32 to index
      %swap3A_669 = tpu.vector_load %arg13[%swap3A_668] {strides = array<i32>} : memref<4096xf32, #tpu.memory_space<vmem>>, vector<16xf32>,
      %swap3A_670 = vector.shape_cast %swap3A_669 : vector<16xf32> to vector<16xf32>
      %swap3A_671 = vector.shape_cast %select_n3A_662 : vector<16xf32> to vector<16xf32>
      tpu.vector_store %arg13[%swap3A_668], %swap3A_671 {strides = array<i32>} : memref<4096xf32, #tpu.memory_space<vmem>>, vector<16xf32>,
      %shift_right_logical3A_672 = arith.constant 27 : i32
      %shift_right_logical3A_673 = vector.broadcast %shift_right_logical3A_672 : i32 to vector<16xi32>
      %shift_right_logical3A_674 = arith.shrui %or3A_55, %shift_right_logical3A_673 : vector<16xi32>
      %and3A_675 = arith.constant 1 : i32
      %and3A_676 = vector.broadcast %and3A_675 : i32 to vector<16xi32>
      %and3A_677 = arith.andi %shift_right_logical3A_674, %and3A_676 : vector<16xi32>
      %eq3A_678 = arith.constant 1 : i32
      %eq3A_679 = vector.broadcast %eq3A_678 : i32 to vector<16xi32>
      %eq3A_680 = arith.cmpi eq, %and3A_677, %eq3A_679 : vector<16xi32>
      %jit3A_681 = arith.constant 1.000000e+00 : f32
      %jit3A_682 = arith.constant -1.000000e+00 : f32
      %broadcast_in_dim3A_683 = vector.broadcast %jit3A_681 : f32 to vector<16xf32>
      %broadcast_in_dim3A_684 = vector.broadcast %jit3A_682 : f32 to vector<16xf32>
      %select_n3A_685 = arith.select %eq3A_680, %broadcast_in_dim3A_683, %broadcast_in_dim3A_684 : vector<16xi1>, vector<16xf32>
      %mul3A_686 = arith.constant 512 : i32
      %mul3A_687 = arith.muli %scan3A_43, %mul3A_686 : i32
      %add3A_688 = arith.constant 432 : i32
      %add3A_689 = arith.addi %mul3A_687, %add3A_688 : i32
      %multiple_of3A_690 = tpu.assume_multiple %add3A_689, 16 : i32
      %swap3A_691 = arith.index_cast %multiple_of3A_690 : i32 to index
      %swap3A_692 = tpu.vector_load %arg13[%swap3A_691] {strides = array<i32>} : memref<4096xf32, #tpu.memory_space<vmem>>, vector<16xf32>,
      %swap3A_693 = vector.shape_cast %swap3A_692 : vector<16xf32> to vector<16xf32>
      %swap3A_694 = vector.shape_cast %select_n3A_685 : vector<16xf32> to vector<16xf32>
      tpu.vector_store %arg13[%swap3A_691], %swap3A_694 {strides = array<i32>} : memref<4096xf32, #tpu.memory_space<vmem>>, vector<16xf32>,
      %shift_right_logical3A_695 = arith.constant 28 : i32
      %shift_right_logical3A_696 = vector.broadcast %shift_right_logical3A_695 : i32 to vector<16xi32>
      %shift_right_logical3A_697 = arith.shrui %or3A_55, %shift_right_logical3A_696 : vector<16xi32>
      %and3A_698 = arith.constant 1 : i32
      %and3A_699 = vector.broadcast %and3A_698 : i32 to vector<16xi32>
      %and3A_700 = arith.andi %shift_right_logical3A_697, %and3A_699 : vector<16xi32>
      %eq3A_701 = arith.constant 1 : i32
      %eq3A_702 = vector.broadcast %eq3A_701 : i32 to vector<16xi32>
      %eq3A_703 = arith.cmpi eq, %and3A_700, %eq3A_702 : vector<16xi32>
      %jit3A_704 = arith.constant 1.000000e+00 : f32
      %jit3A_705 = arith.constant -1.000000e+00 : f32
      %broadcast_in_dim3A_706 = vector.broadcast %jit3A_704 : f32 to vector<16xf32>
      %broadcast_in_dim3A_707 = vector.broadcast %jit3A_705 : f32 to vector<16xf32>
      %select_n3A_708 = arith.select %eq3A_703, %broadcast_in_dim3A_706, %broadcast_in_dim3A_707 : vector<16xi1>, vector<16xf32>
      %mul3A_709 = arith.constant 512 : i32
      %mul3A_710 = arith.muli %scan3A_43, %mul3A_709 : i32
      %add3A_711 = arith.constant 448 : i32
      %add3A_712 = arith.addi %mul3A_710, %add3A_711 : i32
      %multiple_of3A_713 = tpu.assume_multiple %add3A_712, 16 : i32
      %swap3A_714 = arith.index_cast %multiple_of3A_713 : i32 to index
      %swap3A_715 = tpu.vector_load %arg13[%swap3A_714] {strides = array<i32>} : memref<4096xf32, #tpu.memory_space<vmem>>, vector<16xf32>,
      %swap3A_716 = vector.shape_cast %swap3A_715 : vector<16xf32> to vector<16xf32>
      %swap3A_717 = vector.shape_cast %select_n3A_708 : vector<16xf32> to vector<16xf32>
      tpu.vector_store %arg13[%swap3A_714], %swap3A_717 {strides = array<i32>} : memref<4096xf32, #tpu.memory_space<vmem>>, vector<16xf32>,
      %shift_right_logical3A_718 = arith.constant 29 : i32
      %shift_right_logical3A_719 = vector.broadcast %shift_right_logical3A_718 : i32 to vector<16xi32>
      %shift_right_logical3A_720 = arith.shrui %or3A_55, %shift_right_logical3A_719 : vector<16xi32>
      %and3A_721 = arith.constant 1 : i32
      %and3A_722 = vector.broadcast %and3A_721 : i32 to vector<16xi32>
      %and3A_723 = arith.andi %shift_right_logical3A_720, %and3A_722 : vector<16xi32>
      %eq3A_724 = arith.constant 1 : i32
      %eq3A_725 = vector.broadcast %eq3A_724 : i32 to vector<16xi32>
      %eq3A_726 = arith.cmpi eq, %and3A_723, %eq3A_725 : vector<16xi32>
      %jit3A_727 = arith.constant 1.000000e+00 : f32
      %jit3A_728 = arith.constant -1.000000e+00 : f32
      %broadcast_in_dim3A_729 = vector.broadcast %jit3A_727 : f32 to vector<16xf32>
      %broadcast_in_dim3A_730 = vector.broadcast %jit3A_728 : f32 to vector<16xf32>
      %select_n3A_731 = arith.select %eq3A_726, %broadcast_in_dim3A_729, %broadcast_in_dim3A_730 : vector<16xi1>, vector<16xf32>
      %mul3A_732 = arith.constant 512 : i32
      %mul3A_733 = arith.muli %scan3A_43, %mul3A_732 : i32
      %add3A_734 = arith.constant 464 : i32
      %add3A_735 = arith.addi %mul3A_733, %add3A_734 : i32
      %multiple_of3A_736 = tpu.assume_multiple %add3A_735, 16 : i32
      %swap3A_737 = arith.index_cast %multiple_of3A_736 : i32 to index
      %swap3A_738 = tpu.vector_load %arg13[%swap3A_737] {strides = array<i32>} : memref<4096xf32, #tpu.memory_space<vmem>>, vector<16xf32>,
      %swap3A_739 = vector.shape_cast %swap3A_738 : vector<16xf32> to vector<16xf32>
      %swap3A_740 = vector.shape_cast %select_n3A_731 : vector<16xf32> to vector<16xf32>
      tpu.vector_store %arg13[%swap3A_737], %swap3A_740 {strides = array<i32>} : memref<4096xf32, #tpu.memory_space<vmem>>, vector<16xf32>,
      %shift_right_logical3A_741 = arith.constant 30 : i32
      %shift_right_logical3A_742 = vector.broadcast %shift_right_logical3A_741 : i32 to vector<16xi32>
      %shift_right_logical3A_743 = arith.shrui %or3A_55, %shift_right_logical3A_742 : vector<16xi32>
      %and3A_744 = arith.constant 1 : i32
      %and3A_745 = vector.broadcast %and3A_744 : i32 to vector<16xi32>
      %and3A_746 = arith.andi %shift_right_logical3A_743, %and3A_745 : vector<16xi32>
      %eq3A_747 = arith.constant 1 : i32
      %eq3A_748 = vector.broadcast %eq3A_747 : i32 to vector<16xi32>
      %eq3A_749 = arith.cmpi eq, %and3A_746, %eq3A_748 : vector<16xi32>
      %jit3A_750 = arith.constant 1.000000e+00 : f32
      %jit3A_751 = arith.constant -1.000000e+00 : f32
      %broadcast_in_dim3A_752 = vector.broadcast %jit3A_750 : f32 to vector<16xf32>
      %broadcast_in_dim3A_753 = vector.broadcast %jit3A_751 : f32 to vector<16xf32>
      %select_n3A_754 = arith.select %eq3A_749, %broadcast_in_dim3A_752, %broadcast_in_dim3A_753 : vector<16xi1>, vector<16xf32>
      %mul3A_755 = arith.constant 512 : i32
      %mul3A_756 = arith.muli %scan3A_43, %mul3A_755 : i32
      %add3A_757 = arith.constant 480 : i32
      %add3A_758 = arith.addi %mul3A_756, %add3A_757 : i32
      %multiple_of3A_759 = tpu.assume_multiple %add3A_758, 16 : i32
      %swap3A_760 = arith.index_cast %multiple_of3A_759 : i32 to index
      %swap3A_761 = tpu.vector_load %arg13[%swap3A_760] {strides = array<i32>} : memref<4096xf32, #tpu.memory_space<vmem>>, vector<16xf32>,
      %swap3A_762 = vector.shape_cast %swap3A_761 : vector<16xf32> to vector<16xf32>
      %swap3A_763 = vector.shape_cast %select_n3A_754 : vector<16xf32> to vector<16xf32>
      tpu.vector_store %arg13[%swap3A_760], %swap3A_763 {strides = array<i32>} : memref<4096xf32, #tpu.memory_space<vmem>>, vector<16xf32>,
      %shift_right_logical3A_764 = arith.constant 31 : i32
      %shift_right_logical3A_765 = vector.broadcast %shift_right_logical3A_764 : i32 to vector<16xi32>
      %shift_right_logical3A_766 = arith.shrui %or3A_55, %shift_right_logical3A_765 : vector<16xi32>
      %and3A_767 = arith.constant 1 : i32
      %and3A_768 = vector.broadcast %and3A_767 : i32 to vector<16xi32>
      %and3A_769 = arith.andi %shift_right_logical3A_766, %and3A_768 : vector<16xi32>
      %eq3A_770 = arith.constant 1 : i32
      %eq3A_771 = vector.broadcast %eq3A_770 : i32 to vector<16xi32>
      %eq3A_772 = arith.cmpi eq, %and3A_769, %eq3A_771 : vector<16xi32>
      %jit3A_773 = arith.constant 1.000000e+00 : f32
      %jit3A_774 = arith.constant -1.000000e+00 : f32
      %broadcast_in_dim3A_775 = vector.broadcast %jit3A_773 : f32 to vector<16xf32>
      %broadcast_in_dim3A_776 = vector.broadcast %jit3A_774 : f32 to vector<16xf32>
      %select_n3A_777 = arith.select %eq3A_772, %broadcast_in_dim3A_775, %broadcast_in_dim3A_776 : vector<16xi1>, vector<16xf32>
      %mul3A_778 = arith.constant 512 : i32
      %mul3A_779 = arith.muli %scan3A_43, %mul3A_778 : i32
      %add3A_780 = arith.constant 496 : i32
      %add3A_781 = arith.addi %mul3A_779, %add3A_780 : i32
      %multiple_of3A_782 = tpu.assume_multiple %add3A_781, 16 : i32
      %swap3A_783 = arith.index_cast %multiple_of3A_782 : i32 to index
      %swap3A_784 = tpu.vector_load %arg13[%swap3A_783] {strides = array<i32>} : memref<4096xf32, #tpu.memory_space<vmem>>, vector<16xf32>,
      %swap3A_785 = vector.shape_cast %swap3A_784 : vector<16xf32> to vector<16xf32>
      %swap3A_786 = vector.shape_cast %select_n3A_777 : vector<16xf32> to vector<16xf32>
      tpu.vector_store %arg13[%swap3A_783], %swap3A_786 {strides = array<i32>} : memref<4096xf32, #tpu.memory_space<vmem>>, vector<16xf32>,
    }
    %scan3A_36 = arith.constant 8 : i32
    %mul3A_37 = arith.constant 16 : i32
    %mul3A_38 = arith.muli %arg0, %mul3A_37 : i32
    %add3A_39 = arith.addi %mul3A_38, %arg1 : i32
    %mul3A_40 = arith.constant 4096 : i32
    %mul3A_41 = arith.muli %add3A_39, %mul3A_40 : i32
    %multiple_of3A_42 = tpu.assume_multiple %mul3A_41, 512 : i32
    "tpu.region"() ({
      %run_scoped3A = tpu.sem_alloc : memref<!tpu.dma_semaphore, #tpu.memory_space<semaphore_mem>>
      %dma_start3A = tpu.memref_slice %arg5[%multiple_of3A_42] : memref<131072xf32, #tpu.memory_space<hbm>> -> memref<4096xf32, #tpu.memory_space<hbm>>
      %dma_start3A_43 = tpu.memref_slice %arg5[%multiple_of3A_42] : memref<131072xf32, #tpu.memory_space<hbm>> -> memref<4096xf32, #tpu.memory_space<hbm>>
      tpu.enqueue_dma source(%arg13 : memref<4096xf32, #tpu.memory_space<vmem>>) target(%dma_start3A_43 : memref<4096xf32, #tpu.memory_space<hbm>>) target_semaphore(%run_scoped3A : memref<!tpu.dma_semaphore, #tpu.memory_space<semaphore_mem>>)
      %dma_wait3A = tpu.memref_slice %arg5[%multiple_of3A_42] : memref<131072xf32, #tpu.memory_space<hbm>> -> memref<4096xf32, #tpu.memory_space<hbm>>
      %dma_wait3A_44 = tpu.memref_slice %arg5[%multiple_of3A_42] : memref<131072xf32, #tpu.memory_space<hbm>> -> memref<4096xf32, #tpu.memory_space<hbm>>
      tpu.wait_dma2 semaphore(%run_scoped3A : memref<!tpu.dma_semaphore, #tpu.memory_space<semaphore_mem>>) src(%arg13 : memref<4096xf32, #tpu.memory_space<vmem>>) dst(%dma_wait3A_44 : memref<4096xf32, #tpu.memory_space<hbm>>)
      tpu.yield
    }) : () -> ()
    return
  }
}

</mosaic_0001>

<sc_bundles>
// kernel: kernel.3.cloned.1.call-start
scs
__scs_entry_jumppad:
0x0: {  	(pc) =	sbr.rel $0x88, $3  }
0x1: {  	(tag) =	ssettag $0x0;
	lr =	simm.s32 $0x1  }
0x2: {  	[smem:$0x3F9E] =	sst lr;
	_ =	strace $0xD0000000  }
0x3: {  	_ = 	snop  }
0x4: {  	_ = 	snop  }
0x5: {  	_ = 	snop  }
0x6: {  	_ = 	snop  }
0x7: {  	_ = 	snop  }
__scs_overlays_trampoline_lowered:
0x8: {  	[smem:$0x3FAD] =	sst s0  }
0x9: {  	[smem:$0x3FAE] =	sst s1  }
0xa: {  	[smem:$0x3FAF] =	sst s2  }
0xb: {  	[smem:$0x3FB0] =	sst s3  }
0xc: {  	[smem:$0x3FB1] =	sst s4  }
0xd: {  	[smem:$0x3FB2] =	sst s5  }
0xe: {  	[smem:$0x3FB3] =	sst s6  }
0xf: {  	[smem:$0x3FB4] =	sst s7  }
0x10: {  	[smem:$0x3FB5] =	sst s8  }
0x11: {  	[smem:$0x3FB6] =	sst s9;
	s0 =	simm.s32 @!p0 $0x0  }
0x12: {  	s1 =	sld [smem:$0x3F9C];
	s0 =	simm.s32 @p0 $0x1  }
0x13: {  	[smem:$0x3FB7] =	sst s0;
	s0 =	simm.s32 @!p1 $0x0  }
0x14: {  	s2 =	sld [smem:$0x3F9B];
	s0 =	simm.s32 @p1 $0x1  }
0x15: {  	[smem:$0x3FB8] =	sst s0;
	s0 =	simm.s32 @!p2 $0x0  }
0x16: {  	s3 =	sld [smem:$0x3FDB];
	s0 =	simm.s32 @p2 $0x1  }
0x17: {  	s4 =	simm.s32 $0x1BF5;
	[smem:$0x3FBA] =	sst s0  }
0x18: {  	s0 =	sld [smem:$0x3F9D];
	_ =	swait.ge [sflag:s4], $0x0  }
0x19: {  	s7 =	sld [smem:$0x3F9E]  }
0x1a: {  	s8 =	sadd.s32 $0xFFFFE003, lr  }
0x1b: {  	s9 =	sadd.s32 $0xFFFFFEF7, lr;
	s5 =	simm.s32 $0xFFFFFFFF;
	p2 =	slt.u32 s8, $0xFFFFF086  }
0x1c: {  	p1 =	slt.u32 s9, $0xF7A;
	s5 =	simm.s32 @!p2 $0x0  }
0x1d: {  	s5 =	simm.s32 @p1 $0x1;
	p0 =	seq.s32 s7, s2  }
0x1e: {  	s7 =	smul.u32 @!p0 $0xF7A, s2;
	p2 =	seq.s32 @!p0 s5, $0x0  }
0x1f: {  	s9 =	smul.u32 $0xF7A, s1;
	s8 =	simm.s32 @!p0 $0x1BF5;
	p2 =	por !p2, p0  }
0x20: {  	[sflag:s8] =	ssyncset.s32 @!p0 $0xFFFFF086;
	s6 =	sadd.s32 @!p0 s3, s7;
	s7 =	simm.s32 @!p0 $0x108  }
0x21: {  	s3 =	sadd.s32 s3, s9;
	s6 =	sadd.s32 @!p0 $0x88, s6;
	s7 =	simm.s32 @p2 $0x1082  }
0x22: {  	[simem:s7], [sflag:s8] =	dma.local @!p0 [hbm:s6], $0xF7A  }
0x23: {  	s9 =	sor.u32 $0xD0000000, s2;
	s6 =	simm.s32 $0x108;
	_ =	swait.ge @!p0 [sflag:s8], $0x0  }
0x24: {  	s3 =	sadd.s32 $0x88, s3;
	s6 =	simm.s32 @!p1 $0x1082;
	[sflag:s4] =	ssyncset.s32 $0xFFFFF086  }
0x25: {  	[simem:s6], [sflag:s4] =	dma.local [hbm:s3], $0xF7A  }
0x26: {  	[smem:$0x3F9E] =	sst s1;
	(tag) =	ssettag s2;
	_ =	strace s9  }
0x27: {  	s1 =	sld [smem:$0x3FAE]  }
0x28: {  	s2 =	sld [smem:$0x3FAF]  }
0x29: {  	s4 =	sld [smem:$0x3FB1]  }
0x2a: {  	p0 =	seq.s32 s5, $0x0;
	s5 =	sld [smem:$0x3FB2]  }
0x2b: {  	s6 =	sld [smem:$0x3FB3]  }
0x2c: {  	s7 =	sld [smem:$0x3FB4]  }
0x2d: {  	s3 =	simm.s32 $0x108;
	s8 =	sld [smem:$0x3FB5]  }
0x2e: {  	s3 =	simm.s32 @!p0 $0x1082;
	s9 =	sld [smem:$0x3FB6]  }
0x2f: {  	lr =	sadd.s32 s0, s3;
	s0 =	sld [smem:$0x3FAD]  }
0x30: {  	s3 =	sld [smem:$0x3FB0]  }
0x31: {  	[smem:$0x3FB9] =	sst s10  }
0x32: {  	s10 =	sld [smem:$0x3FB7];
	_ =	sdelay $0x3  }
0x33: {  	p0 =	seq.s32 s10, $0x1;
	s10 =	sld [smem:$0x3FB9];
	_ =	sdelay $0x3  }
0x34: {  	[smem:$0x3FB9] =	sst s10  }
0x35: {  	s10 =	sld [smem:$0x3FB8];
	_ =	sdelay $0x3  }
0x36: {  	p1 =	seq.s32 s10, $0x1;
	s10 =	sld [smem:$0x3FB9];
	_ =	sdelay $0x3  }
0x37: {  	[smem:$0x3FB9] =	sst s10  }
0x38: {  	s10 =	sld [smem:$0x3FBA]  }
0x39: {  	_ = 	snop;
	(pc) =	sbr.ind lr, $3  }
0x3a: {  	_ = 	snop  }
0x3b: {  	_ = 	snop  }
0x3c: {  	p2 =	seq.s32 s10, $0x1;
	s10 =	sld [smem:$0x3FB9]  }
0x3d: {  	_ =	shalt  }
0x3e: {  	_ =	shalt  }
0x3f: {  	_ =	shalt  }
0x40: {  	_ =	shalt  }
0x41: {  	_ =	shalt  }
0x42: {  	_ =	shalt  }
0x43: {  	_ =	shalt  }
0x44: {  	_ =	shalt  }
0x45: {  	_ =	shalt  }
0x46: {  	_ =	shalt  }
0x47: {  	_ =	shalt  }
0x48: {  	_ =	shalt  }
0x49: {  	_ =	shalt  }
0x4a: {  	_ =	shalt  }
0x4b: {  	_ =	shalt  }
0x4c: {  	_ =	shalt  }
0x4d: {  	_ =	shalt  }
0x4e: {  	_ =	shalt  }
0x4f: {  	_ =	shalt  }
0x50: {  	_ =	shalt  }
0x51: {  	_ =	shalt  }
0x52: {  	_ =	shalt  }
0x53: {  	_ =	shalt  }
0x54: {  	_ =	shalt  }
0x55: {  	_ =	shalt  }
0x56: {  	_ =	shalt  }
0x57: {  	_ =	shalt  }
0x58: {  	_ =	shalt  }
0x59: {  	_ =	shalt  }
0x5a: {  	_ =	shalt  }
0x5b: {  	_ =	shalt  }
0x5c: {  	_ =	shalt  }
0x5d: {  	_ =	shalt  }
0x5e: {  	_ =	shalt  }
0x5f: {  	_ =	shalt  }
0x60: {  	_ =	shalt  }
0x61: {  	_ =	shalt  }
0x62: {  	_ =	shalt  }
0x63: {  	_ =	shalt  }
0x64: {  	_ =	shalt  }
0x65: {  	_ =	shalt  }
0x66: {  	_ =	shalt  }
0x67: {  	_ =	shalt  }
0x68: {  	_ =	shalt  }
0x69: {  	_ =	shalt  }
0x6a: {  	_ =	shalt  }
0x6b: {  	_ =	shalt  }
0x6c: {  	_ =	shalt  }
0x6d: {  	_ =	shalt  }
0x6e: {  	_ =	shalt  }
0x6f: {  	_ =	shalt  }
0x70: {  	_ =	shalt  }
0x71: {  	_ =	shalt  }
0x72: {  	_ =	shalt  }
0x73: {  	_ =	shalt  }
0x74: {  	_ =	shalt  }
0x75: {  	_ =	shalt  }
0x76: {  	_ =	shalt  }
0x77: {  	_ =	shalt  }
0x78: {  	_ =	shalt  }
0x79: {  	_ =	shalt  }
0x7a: {  	_ =	shalt  }
0x7b: {  	_ =	shalt  }
0x7c: {  	_ =	shalt  }
0x7d: {  	_ =	shalt  }
0x7e: {  	_ =	shalt  }
0x7f: {  	_ =	shalt  }
0x80: {  	_ =	shalt  }
0x81: {  	_ =	shalt  }
0x82: {  	_ =	shalt  }
0x83: {  	_ =	shalt  }
0x84: {  	_ =	shalt  }
0x85: {  	_ =	shalt  }
0x86: {  	_ =	shalt  }
0x87: {  	_ =	shalt  }
.Lfunc_end0:
.L_simem_size_0:
called_computation_lowered:
.L_overlay_start_0:
0x88: {  	s2 =	sld [smem:$0x3FD9]  }
0x89: {  	s3 =	sld [smem:$0x3FFE];
	_ =	sdelay $0x1  }
0x8a: {  	s1 =	srdreg.scid  }
0x8b: {  	s0 =	sand.u32 $0x1, s1  }
0x8c: {  	s17 =	sshll.u32 s0, $0xA;
	s2 =	sadd.s32 s3, s2  }
0x8d: {  	s2 =	sadd.s32 s2, s17  }
0x8e: {  	[smem:$0x3FC5] =	sst s2  }
0x8f: {  	_ = 	snop  }
0x90: {  	s2 =	sld [smem:$0x3FC8]  }
0x91: {  	s18 =	sld [smem:$0x3FC7]  }
0x92: {  	s4 =	sld [smem:$0x3FD0];
	(tm) =	ssettm $0x1  }
0x93: {  	s5 =	sld [smem:$0x3FFB];
	_ =	sdelay $0x3  }
0x94: {  	_ =	strace s5  }
0x95: {  	s5 =	sld [smem:$0x3FFC];
	_ =	sdelay $0x3  }
0x96: {  	_ =	strace s5  }
0x97: {  	s5 =	sld [smem:$0x3FFD];
	_ =	sdelay $0x3  }
0x98: {  	_ =	strace s5  }
0x99: {  	_ =	strace $0x8FFFFFFF  }
0x9a: {  	s19 =	sld [smem:$0x3FDB];
	_ =	sdelay $0x1  }
0x9b: {  	s6 =	simm.s32 $_scs_section_size  }
0x9c: {  	s7 =	simm.s32 $_size__tile_overlayer_lowered;
	s8 =	simm.s32 $_tile_overlayer_lowered  }
0x9d: {  	s22 =	simm.s32 $0x1BFF;
	s21 =	sshll.u32 s8, $0x1;
	s5 =	sadd.s32 s6, s19  }
0x9e: {  	s9 =	simm.s32 $0x0;
	s20 =	sshll.u32 s7, $0x1;
	s7 =	sadd.s32 s21, s5  }
0x9f: {  	[timem:s9], [sflag:s22] =	dma.local [hbm:s7], s20  }
0xa0: {  	_ =	swait.ge [sflag:s22], s20  }
0xa1: {  	s6 =	ssub.s32 $0x0, s20;
	[sflag:s22] =	ssyncset.done $0x0  }
0xa2: {  	[sflag:s22] =	ssyncadd.s32 s6;
	_ =	sdelay $0x1  }
0xa3: {  	s23 =	simm.s32 $0x1B8B  }
0xa4: {  	_ =	swait.ge [sflag:s23], $0x1  }
0xa5: {  	[sflag:s23] =	ssyncset.done $0x0  }
0xa6: {  	s25 =	simm.s32 $0x1B8E;
	s24 =	sld [smem:$0x3FFE];
	[sflag:s23] =	ssyncadd.s32 $0xFFFFFFFF  }
0xa7: {  	s26 =	simm.s32 $execute0_lowered;
	[smem:$0x3FD2] =	sst s25  }
0xa8: {  	s7 =	sshll.u32 s26, $0x1;
	_ =	strace $0x80000046;
	[dreg:$0x1] =	wrdreg $0xFFFFFFFF  }
0xa9: {  	s28 =	simm.s32 $_size_execute0_lowered;
	s5 =	sadd.s32 s5, s7;
	[dreg:$0x0] =	wrdreg $0x0  }
0xaa: {  	s7 =	sshll.u32 s28, $0x1;
	[dreg:$0x2] =	wrdreg s5  }
0xab: {  	[dreg:$0x3] =	wrdreg s7  }
0xac: {  	[dreg:$0x4] =	wrdreg $0xC0  }
0xad: {  	_ =	task [dreg:s9], $0x5FFFF  }
0xae: {  	[dreg:$0x1] =	wrdreg $0xFFFFFFFF  }
0xaf: {  	[dreg:$0x0] =	wrdreg $0x60  }
0xb0: {  	[dreg:$0x2] =	wrdreg s24  }
0xb1: {  	[dreg:$0x3] =	wrdreg s2  }
0xb2: {  	[dreg:$0x4] =	wrdreg s18  }
0xb3: {  	[dreg:$0x5] =	wrdreg s4  }
0xb4: {  	[dreg:$0x6] =	wrdreg $0xB3000  }
0xb5: {  	[dreg:$0x7] =	wrdreg $0x9  }
0xb6: {  	_ =	task.clear_ibuf [dreg:s9], $0x8FFFF;
	_ =	strace $0x90000046  }
0xb7: {  	s29 =	simm.s32 $0x9;
	_ =	strace $0x80000048  }
0xb8: {  	_ =	swait.ge [sflag:s29], $0x1  }
0xb9: {  	[sflag:s29] =	ssyncadd.s32 $0xFFFFFFFF  }
0xba: {  	_ =	strace $0x90000048  }
0xbb: {  	_ =	sfence  }
0xbc: {  	s30 =	sld [smem:$0x0];
	_ =	sdelay $0x2  }
0xbd: {  	s31 =	sshll.u32 s1, $0xD;
	s1 =	sshrl.u32 s1, $0x2  }
0xbe: {  	s3 =	sand.u32 $0x4000, s31;
	s1 =	sadd.s32 s1, s30  }
0xbf: {  	s0 =	sor.u32 s3, s0;
	s1 =	sshll.u32 s1, $0x11  }
0xc0: {  	s0 =	sor.u32 s1, s0  }
0xc1: {  	s0 =	sadd.s32 $0x8F2B, s0  }
0xc2: {  	[sflag:s0] =	ssyncadd.remote.s32 $0x1  }
0xc3: {  	_ =	sfence.sel $0xFFFF  }
0xc4: {  	[dreg:$0x0] =	wrdreg $0xFFFFFFFF;
	(pc) =	sbr.abs _section_cstart, $3  }
0xc5: {  	[dreg:$0x1] =	wrdreg $0xFFFFFFFF  }
0xc6: {  	_ =	task.clear_ibuf [dreg:s9], $0x2FFFF;
	_ =	strace $0x9FFFFFFF  }
0xc7: {  	(tm) =	ssettm $0x7FFFFFFF  }
tec
execute0_lowered:
.L_overlay_start_1:
0x0: {  	(tag) =	ssettag $0x1  }
0x1: {  	s0 =	rddreg [dreg:$0x0]  }
0x2: {  	s2 =	rddreg [dreg:$0x1]  }
0x3: {  	s4 =	rddreg [dreg:$0x2]  }
0x4: {  	s10 =	rddreg [dreg:$0x3]  }
0x5: {  	s1 =	rddreg [dreg:$0x4]  }
0x6: {  	s3 =	simm.s32 $0x0;
	s5 =	srdreg.scid;
	s14 =	stileid.u32  }
0x7: {  	s15 =	simm.s32 $0xA000;
	s19 =	simm.s32 $0x6000;
	s20 =	simm.s32 $0xA300  }
0x8: {  	s21 =	simm.s32 $0x0;
	[smem:$0x7FF] =	sst s3;
	s11 =	sand.u32 $0x1, s5  }
0x9: {  	s12 =	sshll.u32 s14, $0x9;
	s26 =	sshll.u32 s14, $0xE;
	s9 =	sshll.u32 s14, $0xF  }
0xa: {  	s29 =	sshll.u32 s14, $0x8;
	s14 =	simm.s32 $0x1;
	_ =	strace $0x80000047  }
0xb: {  	s6 =	sshll.u32 s11, $0xC;
	s0 =	sadd.s32 s12, s0;
	s7 =	ssub.s32 $0x2, s11  }
0xc: {  	s30 =	sshll.u32 s11, $0xD;
	s31 =	sadd.s32 s10, s12;
	s5 =	sor.u32 s6, s26  }
0xd: {  	s8 =	sshrl.u32 s7, $0x1;
	s28 =	sor.u32 s6, s9;
	s9 =	sadd.s32 $0x400, s0  }
0xe: {  	s10 =	sadd.s32 s30, s31;
	s5 =	sshrl.u32 s5, $0x3;
	s13 =	ssub.s32 s7, s8  }
0xf: {  	s6 =	sshrl.u32 s28, $0x3;
	s7 =	sadd.s32 s29, s1;
	s4 =	sadd.s32 s4, s5  }
0x10: {  	v0 =	vimm.f32 $1.000000000e+00;
	s5 =	sadd.s32 $0x1000, s1;
	s6 =	sadd.s32 s2, s6;
	s11 =	smax.u32 s13, $0x1  }
0x11: {  	v1 =	vand.u32 $0x7FFFFFFF, v0;
	s13 =	simm.s32 $0x2000;
	s8 =	sadd.s32 s12, s5;
	s12 =	simm.s32 $0x1000  }
.LBB2_1:
0x12: {  	[tilespmem:s3], [sflag:$0x1] =	stream.strided.gather [hbm4b:s4+s12], $0x2000, s13, s12, $0x38;
	[tilespmem:$0xB600] =	vst v63  }
0x13: {  	_ =	swait.ge [sflag:s14], $0x2000  }
0x14: {  	[sflag:s14] =	ssyncset.done $0x0  }
0x15: {  	[sflag:s14] =	ssyncadd.s32 $0xFFFFE000  }
0x16: {  	[tilespmem:s13], [sflag:$0x1] =	stream.strided.gather [hbm4b:s6+s12], $0x4000, s13, s12, $0x38;
	[tilespmem:$0xB600] =	vst v63  }
0x17: {  	_ =	swait.ge [sflag:s14], $0x4000  }
0x18: {  	s0 =	sand.u32 $0x1000, s3;
	s2 =	sand.u32 $0x380, s3;
	[sflag:s14] =	ssyncset.done $0x0  }
0x19: {  	s22 =	sor.u32 s2, s0;
	[sflag:s14] =	ssyncadd.s32 $0xFFFFC000  }
0x1a: {  	v2 =	vld [tilespmem:s22+$0xC70]  }
0x1b: {  	v3 =	vld [tilespmem:s22+$0xC60]  }
0x1c: {  	v5 =	vld [tilespmem:s22+$0xC50]  }
0x1d: {  	v6 =	vld [tilespmem:s22+$0xC40]  }
0x1e: {  	v11 =	vld [tilespmem:s22+$0xC00]  }
0x1f: {  	v14 =	vld [tilespmem:s22+$0x840]  }
0x20: {  	v19 =	vld [tilespmem:s22+$0x800]  }
0x21: {  	v22 =	vld [tilespmem:s22+$0x440]  }
0x22: {  	v29 =	vld [tilespmem:s22+$0x50]  }
0x23: {  	v31 =	vld [tilespmem:s22+$0x40];
	v4 =	vand.u32 $0x80000000, v2  }
0x24: {  	v33 =	vld [tilespmem:s22+$0x20];
	vm0 =	vlt.f32 v2, $0.0e+00;
	vm1 =	vgt.f32 v2, $0.0e+00;
	vm7 =	vlt.f32 v3, $0.0e+00  }
0x25: {  	v35 =	vld [tilespmem:s22+$0x10];
	vm8 =	vgt.f32 v3, $0.0e+00;
	v7 =	vand.u32 $0x80000000, v5;
	vm9 =	vlt.f32 v5, $0.0e+00  }
0x26: {  	vm10 =	vgt.f32 v5, $0.0e+00;
	v8 =	vand.u32 $0x80000000, v6;
	vm11 =	vlt.f32 v6, $0.0e+00  }
0x27: {  	vm12 =	vgt.f32 v6, $0.0e+00;
	v12 =	vand.u32 $0x80000000, v11;
	vm6 =	vlt.f32 v11, $0.0e+00  }
0x28: {  	v16 =	vand.u32 $0x80000000, v14;
	v20 =	vand.u32 $0x80000000, v19;
	v24 =	vand.u32 $0x80000000, v22  }
0x29: {  	vm3 =	vgt.f32 v29, $0.0e+00;
	v32 =	vand.u32 $0x80000000, v31;
	v60 =	vand.u32 $0x80000000, v33  }
0x2a: {  	v36 =	vand.u32 $0x80000000, v35;
	v4 =	vor.u32 v4, v1;
	vm0 =	vmor vm1, vm0  }
0x2b: {  	v7 =	vor.u32 v7, v1;
	v8 =	vor.u32 v8, v1;
	v12 =	vor.u32 v12, v1  }
0x2c: {  	v16 =	vor.u32 v16, v1;
	v2 =	vsel vm0, v4, v2;
	v4 =	vand.u32 $0x80000000, v3  }
0x2d: {  	v20 =	vor.u32 v20, v1;
	vm0 =	vmor vm8, vm7;
	v4 =	vor.u32 v4, v1  }
0x2e: {  	v24 =	vor.u32 v24, v1;
	v2 =	vmul.f32 $5.000000000e-01, v2;
	v3 =	vsel vm0, v4, v3;
	v4 =	vld [tilespmem:s22+$0xC30]  }
0x2f: {  	v32 =	vor.u32 v32, v1;
	v36 =	vor.u32 v36, v1;
	vm0 =	vmor vm10, vm9  }
0x30: {  	v3 =	vmul.f32 $5.000000000e-01, v3;
	v2 =	vsub.f32 $5.000000000e-01, v2;
	v5 =	vsel vm0, v7, v5;
	v7 =	vld [tilespmem:s22+$0xC20]  }
0x31: {  	vm7 =	vgt.f32 v11, $0.0e+00;
	vm0 =	vmor vm12, vm11;
	v5 =	vmul.f32 $5.000000000e-01, v5  }
0x32: {  	v6 =	vsel vm0, v8, v6;
	v8 =	vld [tilespmem:s22+$0xC10];
	v3 =	vsub.f32 $5.000000000e-01, v3;
	v2 =	vtrunc.f32 v2  }
0x33: {  	v6 =	vmul.f32 $5.000000000e-01, v6;
	v5 =	vsub.f32 $5.000000000e-01, v5;
	v9 =	vand.u32 $0x80000000, v4  }
0x34: {  	vm13 =	vlt.f32 v4, $0.0e+00;
	vm2 =	vgt.f32 v4, $0.0e+00;
	v3 =	vtrunc.f32 v3  }
0x35: {  	v9 =	vor.u32 v9, v1;
	vm1 =	vmor vm2, vm13;
	vm14 =	vlt.f32 v7, $0.0e+00  }
0x36: {  	vm15 =	vgt.f32 v7, $0.0e+00;
	v4 =	vsel vm1, v9, v4;
	v9 =	vand.u32 $0x80000000, v7  }
0x37: {  	vm0 =	vmor vm15, vm14;
	vm4 =	vlt.f32 v8, $0.0e+00;
	vm5 =	vgt.f32 v8, $0.0e+00  }
0x38: {  	v9 =	vor.u32 v9, v1;
	v10 =	vmul.f32 $5.000000000e-01, v4;
	v4 =	vtrunc.f32 v5  }
0x39: {  	v5 =	vsub.f32 $5.000000000e-01, v6;
	v6 =	vand.u32 $0x80000000, v8;
	v7 =	vsel vm0, v9, v7  }
0x3a: {  	v6 =	vor.u32 v6, v1;
	vm0 =	vmor vm5, vm4;
	v9 =	vsub.f32 $5.000000000e-01, v10;
	v10 =	vld [tilespmem:s22+$0x870]  }
0x3b: {  	vm14 =	vlt.f32 v14, $0.0e+00;
	v8 =	vsel vm0, v6, v8;
	vm0 =	vmor vm7, vm6  }
0x3c: {  	v7 =	vmul.f32 $5.000000000e-01, v7;
	v8 =	vmul.f32 $5.000000000e-01, v8;
	v11 =	vsel vm0, v12, v11;
	v12 =	vld [tilespmem:s22+$0x850]  }
0x3d: {  	vm15 =	vgt.f32 v14, $0.0e+00;
	v5 =	vtrunc.f32 v5;
	v6 =	vtrunc.f32 v9;
	v9 =	vld [tilespmem:s22+$0x860]  }
0x3e: {  	v7 =	vsub.f32 $5.000000000e-01, v7;
	v11 =	vmul.f32 $5.000000000e-01, v11;
	v8 =	vsub.f32 $5.000000000e-01, v8  }
0x3f: {  	v13 =	vand.u32 $0x80000000, v10;
	vm8 =	vlt.f32 v10, $0.0e+00;
	vm9 =	vgt.f32 v10, $0.0e+00  }
0x40: {  	v7 =	vtrunc.f32 v7;
	v13 =	vor.u32 v13, v1;
	vm1 =	vmor vm9, vm8  }
0x41: {  	v15 =	vand.u32 $0x80000000, v12;
	vm12 =	vlt.f32 v12, $0.0e+00;
	v10 =	vsel vm1, v13, v10  }
0x42: {  	v13 =	vand.u32 $0x80000000, v9;
	vm10 =	vlt.f32 v9, $0.0e+00;
	vm11 =	vgt.f32 v9, $0.0e+00  }
0x43: {  	vm13 =	vgt.f32 v12, $0.0e+00;
	v13 =	vor.u32 v13, v1;
	vm0 =	vmor vm11, vm10  }
0x44: {  	v15 =	vor.u32 v15, v1;
	v10 =	vmul.f32 $5.000000000e-01, v10;
	v9 =	vsel vm0, v13, v9  }
0x45: {  	vm0 =	vmor vm13, vm12;
	v13 =	vmul.f32 $5.000000000e-01, v9;
	v9 =	vsub.f32 $5.000000000e-01, v11;
	v11 =	vld [tilespmem:s22+$0x830]  }
0x46: {  	v8 =	vtrunc.f32 v8;
	vm10 =	vlt.f32 v19, $0.0e+00;
	v12 =	vsel vm0, v15, v12;
	v15 =	vld [tilespmem:s22+$0x820]  }
0x47: {  	vm11 =	vgt.f32 v19, $0.0e+00;
	v10 =	vsub.f32 $5.000000000e-01, v10;
	vm0 =	vmor vm15, vm14  }
0x48: {  	v12 =	vmul.f32 $5.000000000e-01, v12;
	v14 =	vsel vm0, v16, v14;
	v9 =	vtrunc.f32 v9  }
0x49: {  	v16 =	vld [tilespmem:s22+$0x810];
	v13 =	vsub.f32 $5.000000000e-01, v13;
	v10 =	vtrunc.f32 v10;
	v14 =	vmul.f32 $5.000000000e-01, v14  }
0x4a: {  	v12 =	vsub.f32 $5.000000000e-01, v12;
	v17 =	vand.u32 $0x80000000, v11;
	vm4 =	vlt.f32 v11, $0.0e+00  }
0x4b: {  	vm5 =	vgt.f32 v11, $0.0e+00;
	vm6 =	vlt.f32 v15, $0.0e+00;
	vm7 =	vgt.f32 v15, $0.0e+00  }
0x4c: {  	v12 =	vtrunc.f32 v12;
	v17 =	vor.u32 v17, v1;
	vm1 =	vmor vm5, vm4  }
0x4d: {  	vm0 =	vmor vm7, vm6;
	v11 =	vsel vm1, v17, v11;
	v17 =	vand.u32 $0x80000000, v15  }
0x4e: {  	vm8 =	vlt.f32 v16, $0.0e+00;
	v17 =	vor.u32 v17, v1;
	v18 =	vmul.f32 $5.000000000e-01, v11  }
0x4f: {  	v11 =	vtrunc.f32 v13;
	v13 =	vsub.f32 $5.000000000e-01, v14;
	v14 =	vand.u32 $0x80000000, v16  }
0x50: {  	vm9 =	vgt.f32 v16, $0.0e+00;
	v15 =	vsel vm0, v17, v15;
	v14 =	vor.u32 v14, v1  }
0x51: {  	vm0 =	vmor vm9, vm8;
	v15 =	vmul.f32 $5.000000000e-01, v15;
	v17 =	vsub.f32 $5.000000000e-01, v18;
	v18 =	vld [tilespmem:s22+$0x470]  }
0x52: {  	vm6 =	vlt.f32 v22, $0.0e+00;
	v16 =	vsel vm0, v14, v16;
	vm0 =	vmor vm11, vm10  }
0x53: {  	v16 =	vmul.f32 $5.000000000e-01, v16;
	v19 =	vsel vm0, v20, v19;
	v20 =	vld [tilespmem:s22+$0x450];
	v15 =	vsub.f32 $5.000000000e-01, v15  }
0x54: {  	vm7 =	vgt.f32 v22, $0.0e+00;
	v13 =	vtrunc.f32 v13;
	v14 =	vtrunc.f32 v17;
	v17 =	vld [tilespmem:s22+$0x460]  }
0x55: {  	v19 =	vmul.f32 $5.000000000e-01, v19;
	v16 =	vsub.f32 $5.000000000e-01, v16;
	v15 =	vtrunc.f32 v15  }
0x56: {  	v21 =	vand.u32 $0x80000000, v18;
	vm12 =	vlt.f32 v18, $0.0e+00;
	vm13 =	vgt.f32 v18, $0.0e+00  }
0x57: {  	v27 =	vld [tilespmem:s22+$0x400];
	v16 =	vtrunc.f32 v16;
	v21 =	vor.u32 v21, v1;
	vm1 =	vmor vm13, vm12  }
0x58: {  	v23 =	vand.u32 $0x80000000, v20;
	vm4 =	vlt.f32 v20, $0.0e+00;
	v18 =	vsel vm1, v21, v18  }
0x59: {  	v21 =	vand.u32 $0x80000000, v17;
	vm14 =	vlt.f32 v17, $0.0e+00;
	vm15 =	vgt.f32 v17, $0.0e+00  }
0x5a: {  	v28 =	vld [tilespmem:s22+$0x60];
	vm5 =	vgt.f32 v20, $0.0e+00;
	v21 =	vor.u32 v21, v1;
	vm0 =	vmor vm15, vm14  }
0x5b: {  	v23 =	vor.u32 v23, v1;
	v18 =	vmul.f32 $5.000000000e-01, v18;
	v17 =	vsel vm0, v21, v17  }
0x5c: {  	vm14 =	vlt.f32 v27, $0.0e+00;
	vm0 =	vmor vm5, vm4;
	v21 =	vmul.f32 $5.000000000e-01, v17  }
0x5d: {  	v17 =	vsub.f32 $5.000000000e-01, v19;
	v19 =	vld [tilespmem:s22+$0x430];
	v20 =	vsel vm0, v23, v20;
	vm0 =	vmor vm7, vm6  }
0x5e: {  	vm15 =	vgt.f32 v27, $0.0e+00;
	v18 =	vsub.f32 $5.000000000e-01, v18;
	v23 =	vld [tilespmem:s22+$0x420];
	v22 =	vsel vm0, v24, v22  }
0x5f: {  	vm6 =	vlt.f32 v28, $0.0e+00;
	v20 =	vmul.f32 $5.000000000e-01, v20;
	v22 =	vmul.f32 $5.000000000e-01, v22  }
0x60: {  	vm7 =	vgt.f32 v28, $0.0e+00;
	v24 =	vld [tilespmem:s22+$0x410];
	v17 =	vtrunc.f32 v17;
	v21 =	vsub.f32 $5.000000000e-01, v21  }
0x61: {  	v18 =	vtrunc.f32 v18;
	v20 =	vsub.f32 $5.000000000e-01, v20;
	v22 =	vsub.f32 $5.000000000e-01, v22  }
0x62: {  	v25 =	vand.u32 $0x80000000, v19;
	vm8 =	vlt.f32 v19, $0.0e+00;
	vm9 =	vgt.f32 v19, $0.0e+00  }
0x63: {  	vm10 =	vlt.f32 v23, $0.0e+00;
	vm11 =	vgt.f32 v23, $0.0e+00;
	v20 =	vtrunc.f32 v20  }
0x64: {  	v25 =	vor.u32 v25, v1;
	vm1 =	vmor vm9, vm8;
	vm0 =	vmor vm11, vm10  }
0x65: {  	vm12 =	vlt.f32 v24, $0.0e+00;
	vm13 =	vgt.f32 v24, $0.0e+00;
	v22 =	vtrunc.f32 v22  }
0x66: {  	vm8 =	vlt.f32 v29, $0.0e+00;
	v19 =	vsel vm1, v25, v19;
	v25 =	vand.u32 $0x80000000, v23  }
0x67: {  	vm11 =	vlt.f32 v31, $0.0e+00;
	v25 =	vor.u32 v25, v1;
	v26 =	vmul.f32 $5.000000000e-01, v19  }
0x68: {  	vm2 =	vmor vm3, vm8;
	v19 =	vtrunc.f32 v21;
	v23 =	vsel vm0, v25, v23  }
0x69: {  	v25 =	vld [tilespmem:s22+$0x70];
	v21 =	vmul.f32 $5.000000000e-01, v23;
	v23 =	vsub.f32 $5.000000000e-01, v26;
	v26 =	vand.u32 $0x80000000, v24  }
0x6a: {  	vm8 =	vlt.f32 v35, $0.0e+00;
	vm0 =	vmor vm13, vm12;
	v26 =	vor.u32 v26, v1  }
0x6b: {  	vm12 =	vgt.f32 v31, $0.0e+00;
	v24 =	vsel vm0, v26, v24;
	v21 =	vsub.f32 $5.000000000e-01, v21  }
0x6c: {  	v23 =	vtrunc.f32 v23;
	v26 =	vand.u32 $0x80000000, v27;
	vm0 =	vmor vm15, vm14  }
0x6d: {  	vm15 =	vlt.f32 v33, $0.0e+00;
	v26 =	vor.u32 v26, v1;
	v24 =	vmul.f32 $5.000000000e-01, v24  }
0x6e: {  	v30 =	vand.u32 $0x80000000, v25;
	vm4 =	vlt.f32 v25, $0.0e+00;
	vm5 =	vgt.f32 v25, $0.0e+00  }
0x6f: {  	v26 =	vsel vm0, v26, v27;
	v27 =	vand.u32 $0x80000000, v28;
	vm0 =	vmor vm7, vm6  }
0x70: {  	v21 =	vtrunc.f32 v21;
	v30 =	vor.u32 v30, v1;
	vm1 =	vmor vm5, vm4  }
0x71: {  	v26 =	vmul.f32 $5.000000000e-01, v26;
	v27 =	vor.u32 v27, v1;
	v24 =	vsub.f32 $5.000000000e-01, v24  }
0x72: {  	vm4 =	vgt.f32 v35, $0.0e+00;
	v25 =	vsel vm1, v30, v25;
	v30 =	vand.u32 $0x80000000, v29  }
0x73: {  	v27 =	vsel vm0, v27, v28;
	vm3 =	vmor vm4, vm8;
	v30 =	vor.u32 v30, v1  }
0x74: {  	v28 =	vld [tilespmem:s22+$0x30];
	v25 =	vmul.f32 $5.000000000e-01, v25;
	v27 =	vmul.f32 $5.000000000e-01, v27;
	v35 =	vsel vm3, v36, v35  }
0x75: {  	v26 =	vsub.f32 $5.000000000e-01, v26;
	v29 =	vsel vm2, v30, v29;
	v35 =	vmul.f32 $5.000000000e-01, v35  }
0x76: {  	v30 =	vld [tilespmem:s22+$0x0];
	v29 =	vmul.f32 $5.000000000e-01, v29;
	v25 =	vsub.f32 $5.000000000e-01, v25;
	v27 =	vsub.f32 $5.000000000e-01, v27  }
0x77: {  	v24 =	vtrunc.f32 v24;
	v26 =	vtrunc.f32 v26;
	v61 =	vsub.f32 $5.000000000e-01, v35  }
0x78: {  	v29 =	vsub.f32 $5.000000000e-01, v29;
	v25 =	vtrunc.f32 v25;
	v27 =	vtrunc.f32 v27  }
0x79: {  	v34 =	vand.u32 $0x80000000, v28;
	vm9 =	vlt.f32 v28, $0.0e+00;
	vm10 =	vgt.f32 v28, $0.0e+00  }
0x7a: {  	v34 =	vor.u32 v34, v1;
	vm0 =	vmor vm10, vm9;
	vm9 =	vgt.f32 v33, $0.0e+00  }
0x7b: {  	v59 =	vand.u32 $0x80000000, v30;
	vm13 =	vlt.f32 v30, $0.0e+00;
	vm14 =	vgt.f32 v30, $0.0e+00  }
0x7c: {  	v28 =	vsel vm0, v34, v28;
	v34 =	vor.u32 v59, v1;
	vm2 =	vmor vm14, vm13  }
0x7d: {  	v30 =	vsel vm2, v34, v30;
	v34 =	vor.u32 v60, v1;
	vm2 =	vmor vm9, vm15  }
0x7e: {  	v63 =	vtrunc.f32 v61;
	v28 =	vmul.f32 $5.000000000e-01, v28;
	v33 =	vsel vm2, v34, v33  }
0x7f: {  	vm0 =	vmor vm12, vm11;
	v30 =	vmul.f32 $5.000000000e-01, v30;
	v33 =	vmul.f32 $5.000000000e-01, v33  }
0x80: {  	v29 =	vtrunc.f32 v29;
	v31 =	vsel vm0, v32, v31;
	v28 =	vsub.f32 $5.000000000e-01, v28  }
0x81: {  	v31 =	vmul.f32 $5.000000000e-01, v31;
	v30 =	vsub.f32 $5.000000000e-01, v30;
	v62 =	vsub.f32 $5.000000000e-01, v33  }
0x82: {  	v28 =	vtrunc.f32 v28;
	v33 =	vcvt.f32.s32 v63  }
0x83: {  	v31 =	vsub.f32 $5.000000000e-01, v31;
	v30 =	vtrunc.f32 v30;
	v32 =	vtrunc.f32 v62  }
0x84: {  	v30 =	vcvt.f32.s32 v30;
	v32 =	vcvt.f32.s32 v32  }
0x85: {  	v28 =	vcvt.f32.s32 v28;
	v31 =	vtrunc.f32 v31;
	v33 =	vshll.u32 v33, $0x1  }
0x86: {  	v31 =	vcvt.f32.s32 v31;
	v30 =	vor.u32 v30, v33;
	v32 =	vshll.u32 v32, $0x2  }
0x87: {  	v29 =	vcvt.f32.s32 v29;
	v28 =	vshll.u32 v28, $0x3;
	v30 =	vor.u32 v32, v30  }
0x88: {  	v27 =	vcvt.f32.s32 v27;
	v28 =	vor.u32 v28, v30;
	v30 =	vshll.u32 v31, $0x4  }
0x89: {  	v25 =	vcvt.f32.s32 v25;
	v29 =	vshll.u32 v29, $0x5;
	v28 =	vor.u32 v30, v28  }
0x8a: {  	v26 =	vcvt.f32.s32 v26;
	v27 =	vshll.u32 v27, $0x6;
	v28 =	vor.u32 v29, v28  }
0x8b: {  	v24 =	vcvt.f32.s32 v24;
	v25 =	vshll.u32 v25, $0x7;
	v27 =	vor.u32 v27, v28  }
0x8c: {  	v21 =	vcvt.f32.s32 v21;
	v26 =	vshll.u32 v26, $0x8;
	v25 =	vor.u32 v25, v27  }
0x8d: {  	v23 =	vcvt.f32.s32 v23;
	v24 =	vshll.u32 v24, $0x9;
	v25 =	vor.u32 v26, v25  }
0x8e: {  	v22 =	vcvt.f32.s32 v22;
	v21 =	vshll.u32 v21, $0xA;
	v24 =	vor.u32 v24, v25  }
0x8f: {  	v20 =	vcvt.f32.s32 v20;
	v23 =	vshll.u32 v23, $0xB;
	v21 =	vor.u32 v21, v24  }
0x90: {  	v22 =	vshll.u32 v22, $0xC;
	v19 =	vcvt.f32.s32 v19;
	v21 =	vor.u32 v23, v21  }
0x91: {  	v18 =	vcvt.f32.s32 v18;
	v20 =	vshll.u32 v20, $0xD;
	v21 =	vor.u32 v22, v21  }
0x92: {  	v17 =	vcvt.f32.s32 v17;
	v19 =	vshll.u32 v19, $0xE;
	v20 =	vor.u32 v20, v21  }
0x93: {  	v16 =	vcvt.f32.s32 v16;
	v18 =	vshll.u32 v18, $0xF;
	v19 =	vor.u32 v19, v20  }
0x94: {  	v15 =	vcvt.f32.s32 v15;
	v17 =	vshll.u32 v17, $0x10;
	v18 =	vor.u32 v18, v19  }
0x95: {  	v14 =	vcvt.f32.s32 v14;
	v16 =	vshll.u32 v16, $0x11;
	v17 =	vor.u32 v17, v18  }
0x96: {  	v13 =	vcvt.f32.s32 v13;
	v15 =	vshll.u32 v15, $0x12;
	v16 =	vor.u32 v16, v17  }
0x97: {  	v12 =	vcvt.f32.s32 v12;
	v14 =	vshll.u32 v14, $0x13;
	v15 =	vor.u32 v15, v16  }
0x98: {  	v11 =	vcvt.f32.s32 v11;
	v13 =	vshll.u32 v13, $0x14;
	v14 =	vor.u32 v14, v15  }
0x99: {  	v10 =	vcvt.f32.s32 v10;
	v12 =	vshll.u32 v12, $0x15;
	v13 =	vor.u32 v13, v14  }
0x9a: {  	v9 =	vcvt.f32.s32 v9;
	v11 =	vshll.u32 v11, $0x16;
	v12 =	vor.u32 v12, v13  }
0x9b: {  	v8 =	vcvt.f32.s32 v8;
	v10 =	vshll.u32 v10, $0x17;
	v11 =	vor.u32 v11, v12  }
0x9c: {  	v7 =	vcvt.f32.s32 v7;
	v9 =	vshll.u32 v9, $0x18;
	v10 =	vor.u32 v10, v11  }
0x9d: {  	v6 =	vcvt.f32.s32 v6;
	v8 =	vshll.u32 v8, $0x19;
	v9 =	vor.u32 v9, v10  }
0x9e: {  	v5 =	vcvt.f32.s32 v5;
	v7 =	vshll.u32 v7, $0x1A;
	v8 =	vor.u32 v8, v9  }
0x9f: {  	v4 =	vcvt.f32.s32 v4;
	v6 =	vshll.u32 v6, $0x1B;
	v7 =	vor.u32 v7, v8  }
0xa0: {  	v3 =	vcvt.f32.s32 v3;
	v5 =	vshll.u32 v5, $0x1C;
	v6 =	vor.u32 v6, v7  }
0xa1: {  	v2 =	vcvt.f32.s32 v2;
	v4 =	vshll.u32 v4, $0x1D;
	v5 =	vor.u32 v5, v6  }
0xa2: {  	v3 =	vshll.u32 v3, $0x1E;
	v4 =	vor.u32 v4, v5  }
0xa3: {  	s30 =	simm.s32 $0x200;
	v2 =	vshll.u32 v2, $0x1F;
	s22 =	simm.s32 $0x80;
	v3 =	vor.u32 v3, v4  }
0xa4: {  	s0 =	sand.u32 $0x1000, s30;
	s31 =	sand.u32 $0x380, s22;
	v2 =	vor.u32 v2, v3  }
0xa5: {  	s24 =	sor.u32 s31, s0;
	[tilespmem:s15+$0x0] =	vst v2  }
0xa6: {  	v2 =	vld [tilespmem:s24+$0xC70]  }
0xa7: {  	v3 =	vld [tilespmem:s24+$0xC60]  }
0xa8: {  	v5 =	vld [tilespmem:s24+$0xC50]  }
0xa9: {  	v6 =	vld [tilespmem:s24+$0xC40]  }
0xaa: {  	v11 =	vld [tilespmem:s24+$0xC00]  }
0xab: {  	v14 =	vld [tilespmem:s24+$0x840]  }
0xac: {  	v19 =	vld [tilespmem:s24+$0x800]  }
0xad: {  	v22 =	vld [tilespmem:s24+$0x440];
	v4 =	vand.u32 $0x80000000, v2;
	vm10 =	vlt.f32 v2, $0.0e+00  }
0xae: {  	vm11 =	vgt.f32 v2, $0.0e+00;
	vm12 =	vlt.f32 v3, $0.0e+00;
	vm13 =	vgt.f32 v3, $0.0e+00  }
0xaf: {  	v7 =	vand.u32 $0x80000000, v5;
	vm14 =	vlt.f32 v5, $0.0e+00;
	vm15 =	vgt.f32 v5, $0.0e+00  }
0xb0: {  	v8 =	vand.u32 $0x80000000, v6;
	vm4 =	vlt.f32 v6, $0.0e+00;
	vm5 =	vgt.f32 v6, $0.0e+00  }
0xb1: {  	v12 =	vand.u32 $0x80000000, v11;
	v16 =	vand.u32 $0x80000000, v14;
	v20 =	vand.u32 $0x80000000, v19  }
0xb2: {  	v24 =	vand.u32 $0x80000000, v22;
	v4 =	vor.u32 v4, v1;
	vm0 =	vmor vm11, vm10  }
0xb3: {  	v7 =	vor.u32 v7, v1;
	v8 =	vor.u32 v8, v1;
	v12 =	vor.u32 v12, v1  }
0xb4: {  	v16 =	vor.u32 v16, v1;
	v2 =	vsel vm0, v4, v2;
	v4 =	vand.u32 $0x80000000, v3  }
0xb5: {  	v20 =	vor.u32 v20, v1;
	vm0 =	vmor vm13, vm12;
	v4 =	vor.u32 v4, v1  }
0xb6: {  	v24 =	vor.u32 v24, v1;
	v2 =	vmul.f32 $5.000000000e-01, v2;
	v3 =	vsel vm0, v4, v3;
	v4 =	vld [tilespmem:s24+$0xC30]  }
0xb7: {  	vm12 =	vlt.f32 v11, $0.0e+00;
	vm0 =	vmor vm15, vm14;
	v3 =	vmul.f32 $5.000000000e-01, v3  }
0xb8: {  	v2 =	vsub.f32 $5.000000000e-01, v2;
	v5 =	vsel vm0, v7, v5;
	v7 =	vld [tilespmem:s24+$0xC20];
	vm0 =	vmor vm5, vm4  }
0xb9: {  	vm13 =	vgt.f32 v11, $0.0e+00;
	v5 =	vmul.f32 $5.000000000e-01, v5;
	v6 =	vsel vm0, v8, v6  }
0xba: {  	v8 =	vld [tilespmem:s24+$0xC10];
	v3 =	vsub.f32 $5.000000000e-01, v3;
	v2 =	vtrunc.f32 v2;
	v6 =	vmul.f32 $5.000000000e-01, v6  }
0xbb: {  	v5 =	vsub.f32 $5.000000000e-01, v5;
	v9 =	vand.u32 $0x80000000, v4;
	vm6 =	vlt.f32 v4, $0.0e+00  }
0xbc: {  	vm7 =	vgt.f32 v4, $0.0e+00;
	v3 =	vtrunc.f32 v3;
	v9 =	vor.u32 v9, v1  }
0xbd: {  	vm1 =	vmor vm7, vm6;
	vm8 =	vlt.f32 v7, $0.0e+00;
	vm9 =	vgt.f32 v7, $0.0e+00  }
0xbe: {  	v4 =	vsel vm1, v9, v4;
	v9 =	vand.u32 $0x80000000, v7;
	vm0 =	vmor vm9, vm8  }
0xbf: {  	vm10 =	vlt.f32 v8, $0.0e+00;
	v9 =	vor.u32 v9, v1;
	v10 =	vmul.f32 $5.000000000e-01, v4  }
0xc0: {  	v4 =	vtrunc.f32 v5;
	v5 =	vsub.f32 $5.000000000e-01, v6;
	v6 =	vand.u32 $0x80000000, v8  }
0xc1: {  	vm11 =	vgt.f32 v8, $0.0e+00;
	v7 =	vsel vm0, v9, v7;
	v6 =	vor.u32 v6, v1  }
0xc2: {  	vm0 =	vmor vm11, vm10;
	v7 =	vmul.f32 $5.000000000e-01, v7;
	v9 =	vsub.f32 $5.000000000e-01, v10;
	v10 =	vld [tilespmem:s24+$0x870]  }
0xc3: {  	vm8 =	vlt.f32 v14, $0.0e+00;
	v8 =	vsel vm0, v6, v8;
	vm0 =	vmor vm13, vm12  }
0xc4: {  	v8 =	vmul.f32 $5.000000000e-01, v8;
	v11 =	vsel vm0, v12, v11;
	v12 =	vld [tilespmem:s24+$0x850];
	v7 =	vsub.f32 $5.000000000e-01, v7  }
0xc5: {  	vm9 =	vgt.f32 v14, $0.0e+00;
	v5 =	vtrunc.f32 v5;
	v6 =	vtrunc.f32 v9;
	v9 =	vld [tilespmem:s24+$0x860]  }
0xc6: {  	v11 =	vmul.f32 $5.000000000e-01, v11;
	v8 =	vsub.f32 $5.000000000e-01, v8;
	v7 =	vtrunc.f32 v7  }
0xc7: {  	v13 =	vand.u32 $0x80000000, v10;
	vm14 =	vlt.f32 v10, $0.0e+00;
	vm15 =	vgt.f32 v10, $0.0e+00  }
0xc8: {  	v8 =	vtrunc.f32 v8;
	v13 =	vor.u32 v13, v1;
	vm1 =	vmor vm15, vm14  }
0xc9: {  	v15 =	vand.u32 $0x80000000, v12;
	vm6 =	vlt.f32 v12, $0.0e+00;
	v10 =	vsel vm1, v13, v10  }
0xca: {  	v13 =	vand.u32 $0x80000000, v9;
	vm4 =	vlt.f32 v9, $0.0e+00;
	vm5 =	vgt.f32 v9, $0.0e+00  }
0xcb: {  	vm7 =	vgt.f32 v12, $0.0e+00;
	v13 =	vor.u32 v13, v1;
	vm0 =	vmor vm5, vm4  }
0xcc: {  	v15 =	vor.u32 v15, v1;
	v10 =	vmul.f32 $5.000000000e-01, v10;
	v9 =	vsel vm0, v13, v9  }
0xcd: {  	vm0 =	vmor vm7, vm6;
	v13 =	vmul.f32 $5.000000000e-01, v9;
	v9 =	vsub.f32 $5.000000000e-01, v11;
	v11 =	vld [tilespmem:s24+$0x830]  }
0xce: {  	vm4 =	vlt.f32 v19, $0.0e+00;
	v12 =	vsel vm0, v15, v12;
	v15 =	vld [tilespmem:s24+$0x820];
	vm0 =	vmor vm9, vm8  }
0xcf: {  	v10 =	vsub.f32 $5.000000000e-01, v10;
	v12 =	vmul.f32 $5.000000000e-01, v12;
	v14 =	vsel vm0, v16, v14;
	v16 =	vld [tilespmem:s24+$0x810]  }
0xd0: {  	vm5 =	vgt.f32 v19, $0.0e+00;
	v9 =	vtrunc.f32 v9;
	v13 =	vsub.f32 $5.000000000e-01, v13  }
0xd1: {  	v10 =	vtrunc.f32 v10;
	v14 =	vmul.f32 $5.000000000e-01, v14;
	v12 =	vsub.f32 $5.000000000e-01, v12  }
0xd2: {  	v17 =	vand.u32 $0x80000000, v11;
	vm10 =	vlt.f32 v11, $0.0e+00;
	vm11 =	vgt.f32 v11, $0.0e+00  }
0xd3: {  	vm12 =	vlt.f32 v15, $0.0e+00;
	vm13 =	vgt.f32 v15, $0.0e+00;
	v17 =	vor.u32 v17, v1  }
0xd4: {  	vm1 =	vmor vm11, vm10;
	vm0 =	vmor vm13, vm12;
	vm14 =	vlt.f32 v16, $0.0e+00  }
0xd5: {  	vm15 =	vgt.f32 v16, $0.0e+00;
	v11 =	vsel vm1, v17, v11;
	v17 =	vand.u32 $0x80000000, v15  }
0xd6: {  	v17 =	vor.u32 v17, v1;
	v18 =	vmul.f32 $5.000000000e-01, v11;
	v11 =	vtrunc.f32 v13  }
0xd7: {  	v13 =	vsub.f32 $5.000000000e-01, v14;
	v14 =	vand.u32 $0x80000000, v16;
	v15 =	vsel vm0, v17, v15  }
0xd8: {  	v14 =	vor.u32 v14, v1;
	vm0 =	vmor vm15, vm14;
	v17 =	vsub.f32 $5.000000000e-01, v18;
	v18 =	vld [tilespmem:s24+$0x470]  }
0xd9: {  	v15 =	vmul.f32 $5.000000000e-01, v15;
	v16 =	vsel vm0, v14, v16;
	vm0 =	vmor vm5, vm4  }
0xda: {  	v12 =	vtrunc.f32 v12;
	v16 =	vmul.f32 $5.000000000e-01, v16;
	v19 =	vsel vm0, v20, v19;
	v20 =	vld [tilespmem:s24+$0x450]  }
0xdb: {  	vm12 =	vlt.f32 v22, $0.0e+00;
	vm13 =	vgt.f32 v22, $0.0e+00;
	v15 =	vsub.f32 $5.000000000e-01, v15  }
0xdc: {  	v13 =	vtrunc.f32 v13;
	v14 =	vtrunc.f32 v17;
	v17 =	vld [tilespmem:s24+$0x460];
	v16 =	vsub.f32 $5.000000000e-01, v16  }
0xdd: {  	v19 =	vmul.f32 $5.000000000e-01, v19;
	v15 =	vtrunc.f32 v15;
	v21 =	vand.u32 $0x80000000, v18  }
0xde: {  	v27 =	vld [tilespmem:s24+$0x400];
	vm6 =	vlt.f32 v18, $0.0e+00;
	vm7 =	vgt.f32 v18, $0.0e+00;
	v16 =	vtrunc.f32 v16  }
0xdf: {  	v21 =	vor.u32 v21, v1;
	vm1 =	vmor vm7, vm6;
	v23 =	vand.u32 $0x80000000, v20  }
0xe0: {  	vm10 =	vlt.f32 v20, $0.0e+00;
	vm11 =	vgt.f32 v20, $0.0e+00;
	v18 =	vsel vm1, v21, v18  }
0xe1: {  	v28 =	vld [tilespmem:s24+$0x60];
	v21 =	vand.u32 $0x80000000, v17;
	vm8 =	vlt.f32 v17, $0.0e+00;
	vm9 =	vgt.f32 v17, $0.0e+00  }
0xe2: {  	v23 =	vor.u32 v23, v1;
	v21 =	vor.u32 v21, v1;
	vm0 =	vmor vm9, vm8  }
0xe3: {  	v18 =	vmul.f32 $5.000000000e-01, v18;
	vm8 =	vlt.f32 v27, $0.0e+00;
	v17 =	vsel vm0, v21, v17  }
0xe4: {  	vm0 =	vmor vm11, vm10;
	v21 =	vmul.f32 $5.000000000e-01, v17;
	v17 =	vsub.f32 $5.000000000e-01, v19;
	v19 =	vld [tilespmem:s24+$0x430]  }
0xe5: {  	vm9 =	vgt.f32 v27, $0.0e+00;
	v18 =	vsub.f32 $5.000000000e-01, v18;
	v20 =	vsel vm0, v23, v20;
	v23 =	vld [tilespmem:s24+$0x420]  }
0xe6: {  	vm0 =	vmor vm13, vm12;
	vm12 =	vlt.f32 v28, $0.0e+00;
	vm13 =	vgt.f32 v28, $0.0e+00  }
0xe7: {  	v20 =	vmul.f32 $5.000000000e-01, v20;
	v22 =	vsel vm0, v24, v22;
	v24 =	vld [tilespmem:s24+$0x410];
	v17 =	vtrunc.f32 v17  }
0xe8: {  	v30 =	vld [tilespmem:s24+$0x50];
	v21 =	vsub.f32 $5.000000000e-01, v21;
	v18 =	vtrunc.f32 v18;
	v22 =	vmul.f32 $5.000000000e-01, v22  }
0xe9: {  	v20 =	vsub.f32 $5.000000000e-01, v20;
	v25 =	vand.u32 $0x80000000, v19;
	vm14 =	vlt.f32 v19, $0.0e+00  }
0xea: {  	vm15 =	vgt.f32 v19, $0.0e+00;
	vm4 =	vlt.f32 v23, $0.0e+00;
	vm5 =	vgt.f32 v23, $0.0e+00  }
0xeb: {  	v20 =	vtrunc.f32 v20;
	v25 =	vor.u32 v25, v1;
	vm1 =	vmor vm15, vm14  }
0xec: {  	vm0 =	vmor vm5, vm4;
	vm6 =	vlt.f32 v24, $0.0e+00;
	vm7 =	vgt.f32 v24, $0.0e+00  }
0xed: {  	vm14 =	vlt.f32 v30, $0.0e+00;
	vm15 =	vgt.f32 v30, $0.0e+00;
	v19 =	vsel vm1, v25, v19  }
0xee: {  	v25 =	vand.u32 $0x80000000, v23;
	vm2 =	vmor vm15, vm14;
	v26 =	vmul.f32 $5.000000000e-01, v19  }
0xef: {  	v25 =	vor.u32 v25, v1;
	v19 =	vtrunc.f32 v21;
	v21 =	vsub.f32 $5.000000000e-01, v22  }
0xf0: {  	v22 =	vand.u32 $0x80000000, v24;
	v23 =	vsel vm0, v25, v23;
	v25 =	vsub.f32 $5.000000000e-01, v26;
	v26 =	vld [tilespmem:s24+$0x70]  }
0xf1: {  	v22 =	vor.u32 v22, v1;
	vm0 =	vmor vm7, vm6;
	v23 =	vmul.f32 $5.000000000e-01, v23  }
0xf2: {  	v24 =	vsel vm0, v22, v24;
	v22 =	vtrunc.f32 v25;
	v25 =	vand.u32 $0x80000000, v27  }
0xf3: {  	v21 =	vtrunc.f32 v21;
	vm0 =	vmor vm9, vm8;
	v25 =	vor.u32 v25, v1  }
0xf4: {  	v24 =	vmul.f32 $5.000000000e-01, v24;
	v25 =	vsel vm0, v25, v27;
	v27 =	vand.u32 $0x80000000, v28  }
0xf5: {  	v29 =	vand.u32 $0x80000000, v26;
	vm10 =	vlt.f32 v26, $0.0e+00;
	vm11 =	vgt.f32 v26, $0.0e+00  }
0xf6: {  	vm0 =	vmor vm13, vm12;
	v29 =	vor.u32 v29, v1;
	vm1 =	vmor vm11, vm10  }
0xf7: {  	v27 =	vor.u32 v27, v1;
	v26 =	vsel vm1, v29, v26;
	v29 =	vand.u32 $0x80000000, v30  }
0xf8: {  	v23 =	vsub.f32 $5.000000000e-01, v23;
	v27 =	vsel vm0, v27, v28;
	v31 =	vor.u32 v29, v1  }
0xf9: {  	v25 =	vmul.f32 $5.000000000e-01, v25;
	v27 =	vmul.f32 $5.000000000e-01, v27;
	v29 =	vld [tilespmem:s24+$0x40];
	v30 =	vsel vm2, v31, v30  }
0xfa: {  	v24 =	vsub.f32 $5.000000000e-01, v24;
	v26 =	vmul.f32 $5.000000000e-01, v26;
	v31 =	vld [tilespmem:s24+$0x30];
	v28 =	vmul.f32 $5.000000000e-01, v30  }
0xfb: {  	v23 =	vtrunc.f32 v23;
	v25 =	vsub.f32 $5.000000000e-01, v25;
	v27 =	vsub.f32 $5.000000000e-01, v27  }
0xfc: {  	v24 =	vtrunc.f32 v24;
	v26 =	vsub.f32 $5.000000000e-01, v26;
	v28 =	vsub.f32 $5.000000000e-01, v28  }
0xfd: {  	v25 =	vtrunc.f32 v25;
	v30 =	vld [tilespmem:s24+$0x0];
	v27 =	vtrunc.f32 v27  }
0xfe: {  	s25 =	simm.s32 $0x400;
	s23 =	simm.s32 $0xA000;
	v26 =	vtrunc.f32 v26;
	v32 =	vand.u32 $0x80000000, v29;
	v28 =	vtrunc.f32 v28  }
.LBB2_2:
0xff: {  	p0 =	sne.s32 s25, $0x1E00;
	v33 =	vld [tilespmem:s24+$0x20];
	v34 =	vand.u32 $0x80000000, v31;
	vm0 =	vlt.f32 v31, $0.0e+00;
	vm1 =	vgt.f32 v31, $0.0e+00  }
0x100: {  	v35 =	vld [tilespmem:s24+$0x10];
	v34 =	vor.u32 v34, v1;
	vm1 =	vmor vm1, vm0;
	vm0 =	vlt.f32 v29, $0.0e+00  }
0x101: {  	v32 =	vor.u32 v32, v1;
	v31 =	vsel vm1, v34, v31;
	vm1 =	vgt.f32 v29, $0.0e+00  }
0x102: {  	v34 =	vand.u32 $0x80000000, v30;
	vm2 =	vlt.f32 v30, $0.0e+00;
	vm3 =	vgt.f32 v30, $0.0e+00  }
0x103: {  	v31 =	vmul.f32 $5.000000000e-01, v31;
	v34 =	vor.u32 v34, v1;
	vm2 =	vmor vm3, vm2  }
0x104: {  	v30 =	vsel vm2, v34, v30;
	v34 =	vand.u32 $0x80000000, v33;
	vm2 =	vlt.f32 v33, $0.0e+00  }
0x105: {  	v36 =	vand.u32 $0x80000000, v35;
	vm3 =	vlt.f32 v35, $0.0e+00;
	vm4 =	vgt.f32 v35, $0.0e+00  }
0x106: {  	v36 =	vor.u32 v36, v1;
	vm3 =	vmor vm4, vm3;
	vm4 =	vgt.f32 v33, $0.0e+00  }
0x107: {  	v34 =	vor.u32 v34, v1;
	v35 =	vsel vm3, v36, v35;
	vm2 =	vmor vm4, vm2  }
0x108: {  	v30 =	vmul.f32 $5.000000000e-01, v30;
	v35 =	vmul.f32 $5.000000000e-01, v35;
	v33 =	vsel vm2, v34, v33  }
0x109: {  	vm0 =	vmor vm1, vm0;
	v31 =	vsub.f32 $5.000000000e-01, v31;
	v33 =	vmul.f32 $5.000000000e-01, v33  }
0x10a: {  	v29 =	vsel vm0, v32, v29;
	v30 =	vsub.f32 $5.000000000e-01, v30;
	v34 =	vsub.f32 $5.000000000e-01, v35  }
0x10b: {  	v29 =	vmul.f32 $5.000000000e-01, v29;
	v31 =	vtrunc.f32 v31;
	v32 =	vsub.f32 $5.000000000e-01, v33  }
0x10c: {  	v30 =	vtrunc.f32 v30;
	v33 =	vtrunc.f32 v34  }
0x10d: {  	v29 =	vsub.f32 $5.000000000e-01, v29;
	v33 =	vcvt.f32.s32 v33;
	v32 =	vtrunc.f32 v32  }
0x10e: {  	v30 =	vcvt.f32.s32 v30;
	v32 =	vcvt.f32.s32 v32  }
0x10f: {  	v31 =	vcvt.f32.s32 v31;
	v29 =	vtrunc.f32 v29;
	v33 =	vshll.u32 v33, $0x1  }
0x110: {  	v29 =	vcvt.f32.s32 v29;
	v30 =	vor.u32 v30, v33;
	v32 =	vshll.u32 v32, $0x2  }
0x111: {  	v28 =	vcvt.f32.s32 v28;
	v31 =	vshll.u32 v31, $0x3;
	v30 =	vor.u32 v32, v30  }
0x112: {  	v27 =	vcvt.f32.s32 v27;
	v29 =	vshll.u32 v29, $0x4;
	v30 =	vor.u32 v31, v30  }
0x113: {  	v26 =	vcvt.f32.s32 v26;
	v28 =	vshll.u32 v28, $0x5;
	v29 =	vor.u32 v29, v30  }
0x114: {  	v25 =	vcvt.f32.s32 v25;
	v27 =	vshll.u32 v27, $0x6;
	v28 =	vor.u32 v28, v29  }
0x115: {  	v24 =	vcvt.f32.s32 v24;
	v26 =	vshll.u32 v26, $0x7;
	v27 =	vor.u32 v27, v28  }
0x116: {  	v23 =	vcvt.f32.s32 v23;
	v25 =	vshll.u32 v25, $0x8;
	v26 =	vor.u32 v26, v27  }
0x117: {  	v22 =	vcvt.f32.s32 v22;
	v24 =	vshll.u32 v24, $0x9;
	v25 =	vor.u32 v25, v26  }
0x118: {  	v21 =	vcvt.f32.s32 v21;
	v23 =	vshll.u32 v23, $0xA;
	v24 =	vor.u32 v24, v25  }
0x119: {  	v20 =	vcvt.f32.s32 v20;
	v22 =	vshll.u32 v22, $0xB;
	v23 =	vor.u32 v23, v24  }
0x11a: {  	v19 =	vcvt.f32.s32 v19;
	v21 =	vshll.u32 v21, $0xC;
	v22 =	vor.u32 v22, v23  }
0x11b: {  	v18 =	vcvt.f32.s32 v18;
	v20 =	vshll.u32 v20, $0xD;
	v21 =	vor.u32 v21, v22  }
0x11c: {  	v17 =	vcvt.f32.s32 v17;
	v19 =	vshll.u32 v19, $0xE;
	v20 =	vor.u32 v20, v21  }
0x11d: {  	v16 =	vcvt.f32.s32 v16;
	v18 =	vshll.u32 v18, $0xF;
	v19 =	vor.u32 v19, v20  }
0x11e: {  	v15 =	vcvt.f32.s32 v15;
	v17 =	vshll.u32 v17, $0x10;
	v18 =	vor.u32 v18, v19  }
0x11f: {  	v14 =	vcvt.f32.s32 v14;
	v16 =	vshll.u32 v16, $0x11;
	v17 =	vor.u32 v17, v18  }
0x120: {  	v13 =	vcvt.f32.s32 v13;
	v15 =	vshll.u32 v15, $0x12;
	v16 =	vor.u32 v16, v17  }
0x121: {  	v12 =	vcvt.f32.s32 v12;
	v14 =	vshll.u32 v14, $0x13;
	v15 =	vor.u32 v15, v16  }
0x122: {  	v11 =	vcvt.f32.s32 v11;
	v13 =	vshll.u32 v13, $0x14;
	v14 =	vor.u32 v14, v15  }
0x123: {  	v10 =	vcvt.f32.s32 v10;
	v12 =	vshll.u32 v12, $0x15;
	v13 =	vor.u32 v13, v14  }
0x124: {  	v9 =	vcvt.f32.s32 v9;
	v11 =	vshll.u32 v11, $0x16;
	v12 =	vor.u32 v12, v13  }
0x125: {  	v8 =	vcvt.f32.s32 v8;
	v10 =	vshll.u32 v10, $0x17;
	v11 =	vor.u32 v11, v12  }
0x126: {  	v7 =	vcvt.f32.s32 v7;
	v9 =	vshll.u32 v9, $0x18;
	v10 =	vor.u32 v10, v11  }
0x127: {  	v6 =	vcvt.f32.s32 v6;
	v8 =	vshll.u32 v8, $0x19;
	v9 =	vor.u32 v9, v10  }
0x128: {  	v5 =	vcvt.f32.s32 v5;
	v7 =	vshll.u32 v7, $0x1A;
	v8 =	vor.u32 v8, v9  }
0x129: {  	v4 =	vcvt.f32.s32 v4;
	v6 =	vshll.u32 v6, $0x1B;
	v7 =	vor.u32 v7, v8  }
0x12a: {  	v3 =	vcvt.f32.s32 v3;
	v5 =	vshll.u32 v5, $0x1C;
	v6 =	vor.u32 v6, v7  }
0x12b: {  	v2 =	vcvt.f32.s32 v2;
	v4 =	vshll.u32 v4, $0x1D;
	v5 =	vor.u32 v5, v6  }
0x12c: {  	v3 =	vshll.u32 v3, $0x1E;
	v4 =	vor.u32 v4, v5  }
0x12d: {  	s22 =	sadd.s32 $0x80, s22;
	v2 =	vshll.u32 v2, $0x1F;
	v3 =	vor.u32 v3, v4  }
0x12e: {  	s0 =	sand.u32 $0x1000, s25;
	s23 =	sadd.s32 $0x10, s23;
	s2 =	sand.u32 $0x380, s22;
	v2 =	vor.u32 v2, v3  }
0x12f: {  	s24 =	sor.u32 s2, s0;
	[tilespmem:s23+$0x0] =	vst v2  }
0x130: {  	v2 =	vld [tilespmem:s24+$0xC70];
	_ =	sdelay $0x2  }
0x131: {  	v3 =	vld [tilespmem:s24+$0xC60];
	_ =	sdelay $0x1  }
0x132: {  	v4 =	vand.u32 $0x80000000, v2;
	vm0 =	vlt.f32 v2, $0.0e+00;
	vm1 =	vgt.f32 v2, $0.0e+00  }
0x133: {  	v4 =	vor.u32 v4, v1;
	vm0 =	vmor vm1, vm0  }
0x134: {  	v5 =	vld [tilespmem:s24+$0xC50];
	v2 =	vsel vm0, v4, v2  }
0x135: {  	v4 =	vand.u32 $0x80000000, v3;
	vm0 =	vlt.f32 v3, $0.0e+00;
	vm1 =	vgt.f32 v3, $0.0e+00  }
0x136: {  	v2 =	vmul.f32 $5.000000000e-01, v2;
	v4 =	vor.u32 v4, v1;
	vm0 =	vmor vm1, vm0  }
0x137: {  	v6 =	vld [tilespmem:s24+$0xC40];
	v3 =	vsel vm0, v4, v3  }
0x138: {  	v2 =	vsub.f32 $5.000000000e-01, v2;
	v3 =	vmul.f32 $5.000000000e-01, v3  }
0x139: {  	v4 =	vld [tilespmem:s24+$0xC30];
	v7 =	vand.u32 $0x80000000, v5;
	vm0 =	vlt.f32 v5, $0.0e+00;
	vm1 =	vgt.f32 v5, $0.0e+00  }
0x13a: {  	v7 =	vor.u32 v7, v1;
	vm0 =	vmor vm1, vm0  }
0x13b: {  	v2 =	vtrunc.f32 v2;
	v3 =	vsub.f32 $5.000000000e-01, v3;
	v5 =	vsel vm0, v7, v5  }
0x13c: {  	v7 =	vld [tilespmem:s24+$0xC20];
	v8 =	vand.u32 $0x80000000, v6;
	vm0 =	vlt.f32 v6, $0.0e+00;
	vm1 =	vgt.f32 v6, $0.0e+00  }
0x13d: {  	v5 =	vmul.f32 $5.000000000e-01, v5;
	v8 =	vor.u32 v8, v1;
	vm0 =	vmor vm1, vm0  }
0x13e: {  	v9 =	vand.u32 $0x80000000, v4;
	vm1 =	vlt.f32 v4, $0.0e+00;
	vm2 =	vgt.f32 v4, $0.0e+00  }
0x13f: {  	v6 =	vsel vm0, v8, v6;
	v9 =	vor.u32 v9, v1;
	vm1 =	vmor vm2, vm1  }
0x140: {  	v5 =	vsub.f32 $5.000000000e-01, v5;
	v6 =	vmul.f32 $5.000000000e-01, v6;
	v8 =	vld [tilespmem:s24+$0xC10];
	v4 =	vsel vm1, v9, v4  }
0x141: {  	v9 =	vand.u32 $0x80000000, v7;
	vm0 =	vlt.f32 v7, $0.0e+00;
	vm1 =	vgt.f32 v7, $0.0e+00  }
0x142: {  	v10 =	vmul.f32 $5.000000000e-01, v4;
	v9 =	vor.u32 v9, v1;
	vm0 =	vmor vm1, vm0  }
0x143: {  	v3 =	vtrunc.f32 v3;
	v4 =	vtrunc.f32 v5;
	v11 =	vld [tilespmem:s24+$0xC00];
	v7 =	vsel vm0, v9, v7  }
0x144: {  	v5 =	vsub.f32 $5.000000000e-01, v6;
	v9 =	vsub.f32 $5.000000000e-01, v10;
	v7 =	vmul.f32 $5.000000000e-01, v7  }
0x145: {  	v10 =	vld [tilespmem:s24+$0x870];
	v6 =	vand.u32 $0x80000000, v8;
	vm0 =	vlt.f32 v8, $0.0e+00;
	vm1 =	vgt.f32 v8, $0.0e+00  }
0x146: {  	v5 =	vtrunc.f32 v5;
	v6 =	vor.u32 v6, v1;
	vm0 =	vmor vm1, vm0  }
0x147: {  	v7 =	vsub.f32 $5.000000000e-01, v7;
	v8 =	vsel vm0, v6, v8;
	v6 =	vtrunc.f32 v9  }
0x148: {  	v9 =	vld [tilespmem:s24+$0x860];
	v12 =	vand.u32 $0x80000000, v11;
	vm0 =	vlt.f32 v11, $0.0e+00;
	vm1 =	vgt.f32 v11, $0.0e+00  }
0x149: {  	v8 =	vmul.f32 $5.000000000e-01, v8;
	v12 =	vor.u32 v12, v1;
	vm0 =	vmor vm1, vm0  }
0x14a: {  	v13 =	vand.u32 $0x80000000, v10;
	vm1 =	vlt.f32 v10, $0.0e+00;
	vm2 =	vgt.f32 v10, $0.0e+00  }
0x14b: {  	v11 =	vsel vm0, v12, v11;
	v13 =	vor.u32 v13, v1;
	vm1 =	vmor vm2, vm1  }
0x14c: {  	v8 =	vsub.f32 $5.000000000e-01, v8;
	v11 =	vmul.f32 $5.000000000e-01, v11;
	v12 =	vld [tilespmem:s24+$0x850];
	v10 =	vsel vm1, v13, v10  }
0x14d: {  	v13 =	vand.u32 $0x80000000, v9;
	vm0 =	vlt.f32 v9, $0.0e+00;
	vm1 =	vgt.f32 v9, $0.0e+00  }
0x14e: {  	v10 =	vmul.f32 $5.000000000e-01, v10;
	v13 =	vor.u32 v13, v1;
	vm0 =	vmor vm1, vm0  }
0x14f: {  	v7 =	vtrunc.f32 v7;
	v8 =	vtrunc.f32 v8;
	v14 =	vld [tilespmem:s24+$0x840];
	v9 =	vsel vm0, v13, v9  }
0x150: {  	v10 =	vsub.f32 $5.000000000e-01, v10;
	v13 =	vmul.f32 $5.000000000e-01, v9;
	v9 =	vsub.f32 $5.000000000e-01, v11  }
0x151: {  	v11 =	vld [tilespmem:s24+$0x830];
	v15 =	vand.u32 $0x80000000, v12;
	vm0 =	vlt.f32 v12, $0.0e+00;
	vm1 =	vgt.f32 v12, $0.0e+00  }
0x152: {  	v15 =	vor.u32 v15, v1;
	vm0 =	vmor vm1, vm0;
	v9 =	vtrunc.f32 v9  }
0x153: {  	v10 =	vtrunc.f32 v10;
	v13 =	vsub.f32 $5.000000000e-01, v13;
	v12 =	vsel vm0, v15, v12  }
0x154: {  	v15 =	vld [tilespmem:s24+$0x820];
	v16 =	vand.u32 $0x80000000, v14;
	vm0 =	vlt.f32 v14, $0.0e+00;
	vm1 =	vgt.f32 v14, $0.0e+00  }
0x155: {  	v12 =	vmul.f32 $5.000000000e-01, v12;
	v16 =	vor.u32 v16, v1;
	vm0 =	vmor vm1, vm0  }
0x156: {  	v17 =	vand.u32 $0x80000000, v11;
	vm1 =	vlt.f32 v11, $0.0e+00;
	vm2 =	vgt.f32 v11, $0.0e+00  }
0x157: {  	v14 =	vsel vm0, v16, v14;
	v17 =	vor.u32 v17, v1;
	vm1 =	vmor vm2, vm1  }
0x158: {  	v12 =	vsub.f32 $5.000000000e-01, v12;
	v14 =	vmul.f32 $5.000000000e-01, v14;
	v16 =	vld [tilespmem:s24+$0x810];
	v11 =	vsel vm1, v17, v11  }
0x159: {  	v17 =	vand.u32 $0x80000000, v15;
	vm0 =	vlt.f32 v15, $0.0e+00;
	vm1 =	vgt.f32 v15, $0.0e+00  }
0x15a: {  	v18 =	vmul.f32 $5.000000000e-01, v11;
	v17 =	vor.u32 v17, v1;
	vm0 =	vmor vm1, vm0  }
0x15b: {  	v12 =	vtrunc.f32 v12;
	v11 =	vtrunc.f32 v13;
	v19 =	vld [tilespmem:s24+$0x800];
	v15 =	vsel vm0, v17, v15  }
0x15c: {  	v13 =	vsub.f32 $5.000000000e-01, v14;
	v17 =	vsub.f32 $5.000000000e-01, v18;
	v15 =	vmul.f32 $5.000000000e-01, v15  }
0x15d: {  	v18 =	vld [tilespmem:s24+$0x470];
	v14 =	vand.u32 $0x80000000, v16;
	vm0 =	vlt.f32 v16, $0.0e+00;
	vm1 =	vgt.f32 v16, $0.0e+00  }
0x15e: {  	v13 =	vtrunc.f32 v13;
	v14 =	vor.u32 v14, v1;
	vm0 =	vmor vm1, vm0  }
0x15f: {  	v15 =	vsub.f32 $5.000000000e-01, v15;
	v16 =	vsel vm0, v14, v16;
	v14 =	vtrunc.f32 v17  }
0x160: {  	v17 =	vld [tilespmem:s24+$0x460];
	v20 =	vand.u32 $0x80000000, v19;
	vm0 =	vlt.f32 v19, $0.0e+00;
	vm1 =	vgt.f32 v19, $0.0e+00  }
0x161: {  	v16 =	vmul.f32 $5.000000000e-01, v16;
	v20 =	vor.u32 v20, v1;
	vm0 =	vmor vm1, vm0  }
0x162: {  	v21 =	vand.u32 $0x80000000, v18;
	vm1 =	vlt.f32 v18, $0.0e+00;
	vm2 =	vgt.f32 v18, $0.0e+00  }
0x163: {  	v19 =	vsel vm0, v20, v19;
	v21 =	vor.u32 v21, v1;
	vm1 =	vmor vm2, vm1  }
0x164: {  	v16 =	vsub.f32 $5.000000000e-01, v16;
	v19 =	vmul.f32 $5.000000000e-01, v19;
	v20 =	vld [tilespmem:s24+$0x450];
	v18 =	vsel vm1, v21, v18  }
0x165: {  	v21 =	vand.u32 $0x80000000, v17;
	vm0 =	vlt.f32 v17, $0.0e+00;
	vm1 =	vgt.f32 v17, $0.0e+00  }
0x166: {  	v18 =	vmul.f32 $5.000000000e-01, v18;
	v21 =	vor.u32 v21, v1;
	vm0 =	vmor vm1, vm0  }
0x167: {  	v15 =	vtrunc.f32 v15;
	v16 =	vtrunc.f32 v16;
	v22 =	vld [tilespmem:s24+$0x440];
	v17 =	vsel vm0, v21, v17  }
0x168: {  	v18 =	vsub.f32 $5.000000000e-01, v18;
	v21 =	vmul.f32 $5.000000000e-01, v17;
	v17 =	vsub.f32 $5.000000000e-01, v19  }
0x169: {  	v19 =	vld [tilespmem:s24+$0x430];
	v23 =	vand.u32 $0x80000000, v20;
	vm0 =	vlt.f32 v20, $0.0e+00;
	vm1 =	vgt.f32 v20, $0.0e+00  }
0x16a: {  	v23 =	vor.u32 v23, v1;
	vm0 =	vmor vm1, vm0;
	v17 =	vtrunc.f32 v17  }
0x16b: {  	v18 =	vtrunc.f32 v18;
	v21 =	vsub.f32 $5.000000000e-01, v21;
	v20 =	vsel vm0, v23, v20  }
0x16c: {  	v23 =	vld [tilespmem:s24+$0x420];
	v24 =	vand.u32 $0x80000000, v22;
	vm0 =	vlt.f32 v22, $0.0e+00;
	vm1 =	vgt.f32 v22, $0.0e+00  }
0x16d: {  	v20 =	vmul.f32 $5.000000000e-01, v20;
	v24 =	vor.u32 v24, v1;
	vm0 =	vmor vm1, vm0  }
0x16e: {  	v25 =	vand.u32 $0x80000000, v19;
	vm1 =	vlt.f32 v19, $0.0e+00;
	vm2 =	vgt.f32 v19, $0.0e+00  }
0x16f: {  	v22 =	vsel vm0, v24, v22;
	v25 =	vor.u32 v25, v1;
	vm1 =	vmor vm2, vm1  }
0x170: {  	v20 =	vsub.f32 $5.000000000e-01, v20;
	v22 =	vmul.f32 $5.000000000e-01, v22;
	v24 =	vld [tilespmem:s24+$0x410];
	v19 =	vsel vm1, v25, v19  }
0x171: {  	v25 =	vand.u32 $0x80000000, v23;
	vm0 =	vlt.f32 v23, $0.0e+00;
	vm1 =	vgt.f32 v23, $0.0e+00  }
0x172: {  	v26 =	vmul.f32 $5.000000000e-01, v19;
	v25 =	vor.u32 v25, v1;
	vm0 =	vmor vm1, vm0  }
0x173: {  	v20 =	vtrunc.f32 v20;
	v19 =	vtrunc.f32 v21;
	v27 =	vld [tilespmem:s24+$0x400];
	v23 =	vsel vm0, v25, v23  }
0x174: {  	v21 =	vsub.f32 $5.000000000e-01, v22;
	v25 =	vsub.f32 $5.000000000e-01, v26;
	v23 =	vmul.f32 $5.000000000e-01, v23  }
0x175: {  	v26 =	vld [tilespmem:s24+$0x70];
	v22 =	vand.u32 $0x80000000, v24;
	vm0 =	vlt.f32 v24, $0.0e+00;
	vm1 =	vgt.f32 v24, $0.0e+00  }
0x176: {  	v21 =	vtrunc.f32 v21;
	v22 =	vor.u32 v22, v1;
	vm0 =	vmor vm1, vm0  }
0x177: {  	v23 =	vsub.f32 $5.000000000e-01, v23;
	v28 =	vld [tilespmem:s24+$0x60];
	v24 =	vsel vm0, v22, v24;
	v22 =	vtrunc.f32 v25  }
0x178: {  	v25 =	vand.u32 $0x80000000, v27;
	vm0 =	vlt.f32 v27, $0.0e+00;
	vm1 =	vgt.f32 v27, $0.0e+00  }
0x179: {  	v24 =	vmul.f32 $5.000000000e-01, v24;
	v30 =	vld [tilespmem:s24+$0x50];
	v25 =	vor.u32 v25, v1;
	vm0 =	vmor vm1, vm0  }
0x17a: {  	v29 =	vand.u32 $0x80000000, v26;
	vm1 =	vlt.f32 v26, $0.0e+00;
	vm2 =	vgt.f32 v26, $0.0e+00  }
0x17b: {  	v25 =	vsel vm0, v25, v27;
	v29 =	vor.u32 v29, v1;
	vm1 =	vmor vm2, vm1  }
0x17c: {  	v25 =	vmul.f32 $5.000000000e-01, v25;
	v27 =	vand.u32 $0x80000000, v28;
	v26 =	vsel vm1, v29, v26  }
0x17d: {  	vm0 =	vlt.f32 v28, $0.0e+00;
	vm1 =	vgt.f32 v28, $0.0e+00;
	v27 =	vor.u32 v27, v1  }
0x17e: {  	v29 =	vand.u32 $0x80000000, v30;
	vm2 =	vlt.f32 v30, $0.0e+00;
	vm3 =	vgt.f32 v30, $0.0e+00  }
0x17f: {  	vm0 =	vmor vm1, vm0;
	v31 =	vor.u32 v29, v1;
	vm2 =	vmor vm3, vm2  }
0x180: {  	v26 =	vmul.f32 $5.000000000e-01, v26;
	v27 =	vsel vm0, v27, v28;
	v29 =	vld [tilespmem:s24+$0x40];
	v30 =	vsel vm2, v31, v30  }
.Ltmp0:
0x181: {  	v24 =	vsub.f32 $5.000000000e-01, v24;
	v27 =	vmul.f32 $5.000000000e-01, v27;
	v31 =	vld [tilespmem:s24+$0x30];
	v28 =	vmul.f32 $5.000000000e-01, v30;
	(pc) =	sbr.rel @p0 .LBB2_2-.Ltmp0, $4  }
0x182: {  	v23 =	vtrunc.f32 v23;
	v25 =	vsub.f32 $5.000000000e-01, v25;
	v26 =	vsub.f32 $5.000000000e-01, v26  }
0x183: {  	v24 =	vtrunc.f32 v24;
	v27 =	vsub.f32 $5.000000000e-01, v27;
	v28 =	vsub.f32 $5.000000000e-01, v28  }
0x184: {  	v25 =	vtrunc.f32 v25;
	v26 =	vtrunc.f32 v26;
	v30 =	vld [tilespmem:s24+$0x0]  }
0x185: {  	s25 =	sadd.s32 $0x200, s25;
	v27 =	vtrunc.f32 v27;
	v32 =	vand.u32 $0x80000000, v29;
	v28 =	vtrunc.f32 v28  }
0x186: {  	v33 =	vld [tilespmem:s24+$0x20];
	v34 =	vand.u32 $0x80000000, v31;
	vm0 =	vlt.f32 v31, $0.0e+00;
	vm1 =	vgt.f32 v31, $0.0e+00  }
0x187: {  	v35 =	vld [tilespmem:s24+$0x10];
	vm15 =	vlt.f32 v29, $0.0e+00;
	v34 =	vor.u32 v34, v1;
	vm0 =	vmor vm1, vm0  }
0x188: {  	v32 =	vor.u32 v32, v1;
	vm8 =	vgt.f32 v29, $0.0e+00;
	v31 =	vsel vm0, v34, v31  }
0x189: {  	v49 =	vand.u32 $0x80000000, v30;
	vm2 =	vlt.f32 v30, $0.0e+00;
	vm3 =	vgt.f32 v30, $0.0e+00  }
0x18a: {  	v31 =	vmul.f32 $5.000000000e-01, v31;
	v34 =	vor.u32 v49, v1;
	vm2 =	vmor vm3, vm2  }
0x18b: {  	v30 =	vsel vm2, v34, v30;
	v50 =	vand.u32 $0x80000000, v33;
	vm9 =	vlt.f32 v33, $0.0e+00  }
0x18c: {  	v36 =	vand.u32 $0x80000000, v35;
	vm10 =	vlt.f32 v35, $0.0e+00;
	vm4 =	vgt.f32 v35, $0.0e+00  }
0x18d: {  	vm11 =	vgt.f32 v33, $0.0e+00;
	v36 =	vor.u32 v36, v1;
	vm3 =	vmor vm4, vm10  }
0x18e: {  	v34 =	vor.u32 v50, v1;
	vm2 =	vmor vm11, vm9;
	v35 =	vsel vm3, v36, v35  }
0x18f: {  	v30 =	vmul.f32 $5.000000000e-01, v30;
	v33 =	vsel vm2, v34, v33;
	v35 =	vmul.f32 $5.000000000e-01, v35  }
0x190: {  	vm0 =	vmor vm8, vm15;
	v31 =	vsub.f32 $5.000000000e-01, v31;
	v33 =	vmul.f32 $5.000000000e-01, v33  }
0x191: {  	v29 =	vsel vm0, v32, v29;
	v30 =	vsub.f32 $5.000000000e-01, v30;
	v51 =	vsub.f32 $5.000000000e-01, v35  }
0x192: {  	v29 =	vmul.f32 $5.000000000e-01, v29;
	v31 =	vtrunc.f32 v31;
	v52 =	vsub.f32 $5.000000000e-01, v33  }
0x193: {  	v30 =	vtrunc.f32 v30;
	v53 =	vtrunc.f32 v51  }
0x194: {  	v29 =	vsub.f32 $5.000000000e-01, v29;
	v32 =	vtrunc.f32 v52;
	v33 =	vcvt.f32.s32 v53  }
0x195: {  	v30 =	vcvt.f32.s32 v30;
	v32 =	vcvt.f32.s32 v32  }
0x196: {  	v31 =	vcvt.f32.s32 v31;
	v29 =	vtrunc.f32 v29;
	v33 =	vshll.u32 v33, $0x1  }
0x197: {  	v29 =	vcvt.f32.s32 v29;
	v32 =	vshll.u32 v32, $0x2;
	v30 =	vor.u32 v30, v33  }
0x198: {  	v28 =	vcvt.f32.s32 v28;
	v31 =	vshll.u32 v31, $0x3;
	v30 =	vor.u32 v32, v30  }
0x199: {  	v27 =	vcvt.f32.s32 v27;
	v29 =	vshll.u32 v29, $0x4;
	v30 =	vor.u32 v31, v30  }
0x19a: {  	v26 =	vcvt.f32.s32 v26;
	v28 =	vshll.u32 v28, $0x5;
	v29 =	vor.u32 v29, v30  }
0x19b: {  	v25 =	vcvt.f32.s32 v25;
	v27 =	vshll.u32 v27, $0x6;
	v28 =	vor.u32 v28, v29  }
0x19c: {  	v24 =	vcvt.f32.s32 v24;
	v26 =	vshll.u32 v26, $0x7;
	v27 =	vor.u32 v27, v28  }
0x19d: {  	v23 =	vcvt.f32.s32 v23;
	v25 =	vshll.u32 v25, $0x8;
	v26 =	vor.u32 v26, v27  }
0x19e: {  	v22 =	vcvt.f32.s32 v22;
	v24 =	vshll.u32 v24, $0x9;
	v25 =	vor.u32 v25, v26  }
0x19f: {  	v21 =	vcvt.f32.s32 v21;
	v23 =	vshll.u32 v23, $0xA;
	v24 =	vor.u32 v24, v25  }
0x1a0: {  	v20 =	vcvt.f32.s32 v20;
	v22 =	vshll.u32 v22, $0xB;
	v23 =	vor.u32 v23, v24  }
0x1a1: {  	v19 =	vcvt.f32.s32 v19;
	v21 =	vshll.u32 v21, $0xC;
	v22 =	vor.u32 v22, v23  }
0x1a2: {  	v18 =	vcvt.f32.s32 v18;
	v20 =	vshll.u32 v20, $0xD;
	v21 =	vor.u32 v21, v22  }
0x1a3: {  	v17 =	vcvt.f32.s32 v17;
	v19 =	vshll.u32 v19, $0xE;
	v20 =	vor.u32 v20, v21  }
0x1a4: {  	v16 =	vcvt.f32.s32 v16;
	v18 =	vshll.u32 v18, $0xF;
	v19 =	vor.u32 v19, v20  }
0x1a5: {  	v15 =	vcvt.f32.s32 v15;
	v17 =	vshll.u32 v17, $0x10;
	v18 =	vor.u32 v18, v19  }
0x1a6: {  	v14 =	vcvt.f32.s32 v14;
	v16 =	vshll.u32 v16, $0x11;
	v17 =	vor.u32 v17, v18  }
0x1a7: {  	v13 =	vcvt.f32.s32 v13;
	v15 =	vshll.u32 v15, $0x12;
	v16 =	vor.u32 v16, v17  }
0x1a8: {  	v12 =	vcvt.f32.s32 v12;
	v14 =	vshll.u32 v14, $0x13;
	v15 =	vor.u32 v15, v16  }
0x1a9: {  	v11 =	vcvt.f32.s32 v11;
	v13 =	vshll.u32 v13, $0x14;
	v14 =	vor.u32 v14, v15  }
0x1aa: {  	v10 =	vcvt.f32.s32 v10;
	v12 =	vshll.u32 v12, $0x15;
	v13 =	vor.u32 v13, v14  }
0x1ab: {  	v9 =	vcvt.f32.s32 v9;
	v11 =	vshll.u32 v11, $0x16;
	v12 =	vor.u32 v12, v13  }
0x1ac: {  	v8 =	vcvt.f32.s32 v8;
	v10 =	vshll.u32 v10, $0x17;
	v11 =	vor.u32 v11, v12  }
0x1ad: {  	v7 =	vcvt.f32.s32 v7;
	v9 =	vshll.u32 v9, $0x18;
	v10 =	vor.u32 v10, v11  }
0x1ae: {  	v6 =	vcvt.f32.s32 v6;
	v8 =	vshll.u32 v8, $0x19;
	v9 =	vor.u32 v9, v10  }
0x1af: {  	v5 =	vcvt.f32.s32 v5;
	v7 =	vshll.u32 v7, $0x1A;
	v8 =	vor.u32 v8, v9  }
0x1b0: {  	v4 =	vcvt.f32.s32 v4;
	v6 =	vshll.u32 v6, $0x1B;
	v7 =	vor.u32 v7, v8  }
0x1b1: {  	v3 =	vcvt.f32.s32 v3;
	v5 =	vshll.u32 v5, $0x1C;
	v6 =	vor.u32 v6, v7  }
0x1b2: {  	v2 =	vcvt.f32.s32 v2;
	v4 =	vshll.u32 v4, $0x1D;
	v5 =	vor.u32 v5, v6  }
0x1b3: {  	v3 =	vshll.u32 v3, $0x1E;
	v4 =	vor.u32 v4, v5  }
0x1b4: {  	s0 =	simm.s32 $0x0;
	v2 =	vshll.u32 v2, $0x1F;
	v3 =	vor.u32 v3, v4  }
0x1b5: {  	s2 =	sadd.s32 $0x10, s23;
	s22 =	sand.u32 $0x3000, s0;
	s0 =	sand.u32 $0x380, s0;
	v2 =	vor.u32 v2, v3  }
0x1b6: {  	s22 =	sor.u32 s0, s22;
	[tilespmem:s2+$0x0] =	vst v2  }
0x1b7: {  	v2 =	vld [tilespmem:s22+$0x2C70]  }
0x1b8: {  	v3 =	vld [tilespmem:s22+$0x2C60]  }
0x1b9: {  	v5 =	vld [tilespmem:s22+$0x2C50]  }
0x1ba: {  	v6 =	vld [tilespmem:s22+$0x2C40]  }
0x1bb: {  	v11 =	vld [tilespmem:s22+$0x2C00]  }
0x1bc: {  	v14 =	vld [tilespmem:s22+$0x2840]  }
0x1bd: {  	v19 =	vld [tilespmem:s22+$0x2800]  }
0x1be: {  	v22 =	vld [tilespmem:s22+$0x2440]  }
0x1bf: {  	v31 =	vld [tilespmem:s22+$0x2040]  }
0x1c0: {  	v55 =	vld [tilespmem:s22+$0x2020];
	v4 =	vand.u32 $0x80000000, v2  }
0x1c1: {  	v57 =	vld [tilespmem:s22+$0x2010];
	vm12 =	vlt.f32 v2, $0.0e+00;
	vm13 =	vgt.f32 v2, $0.0e+00;
	vm14 =	vlt.f32 v3, $0.0e+00  }
0x1c2: {  	vm15 =	vgt.f32 v3, $0.0e+00;
	v7 =	vand.u32 $0x80000000, v5;
	vm4 =	vlt.f32 v5, $0.0e+00  }
0x1c3: {  	vm5 =	vgt.f32 v5, $0.0e+00;
	v8 =	vand.u32 $0x80000000, v6;
	vm6 =	vlt.f32 v6, $0.0e+00  }
0x1c4: {  	vm7 =	vgt.f32 v6, $0.0e+00;
	v12 =	vand.u32 $0x80000000, v11;
	v16 =	vand.u32 $0x80000000, v14  }
0x1c5: {  	v20 =	vand.u32 $0x80000000, v19;
	v24 =	vand.u32 $0x80000000, v22;
	v54 =	vand.u32 $0x80000000, v31  }
0x1c6: {  	v59 =	vand.u32 $0x80000000, v55;
	v60 =	vand.u32 $0x80000000, v57;
	v4 =	vor.u32 v4, v1  }
0x1c7: {  	vm0 =	vmor vm13, vm12;
	v7 =	vor.u32 v7, v1;
	v8 =	vor.u32 v8, v1  }
0x1c8: {  	v12 =	vor.u32 v12, v1;
	v16 =	vor.u32 v16, v1;
	v20 =	vor.u32 v20, v1  }
0x1c9: {  	v24 =	vor.u32 v24, v1;
	v2 =	vsel vm0, v4, v2;
	v4 =	vand.u32 $0x80000000, v3  }
0x1ca: {  	v32 =	vor.u32 v54, v1;
	vm0 =	vmor vm15, vm14;
	v4 =	vor.u32 v4, v1  }
0x1cb: {  	v36 =	vor.u32 v60, v1;
	v2 =	vmul.f32 $5.000000000e-01, v2;
	v3 =	vsel vm0, v4, v3;
	v4 =	vld [tilespmem:s22+$0x2C30]  }
0x1cc: {  	vm14 =	vlt.f32 v11, $0.0e+00;
	vm0 =	vmor vm5, vm4;
	v3 =	vmul.f32 $5.000000000e-01, v3  }
0x1cd: {  	v2 =	vadd.f32 $5.000000000e-01, v2;
	v5 =	vsel vm0, v7, v5;
	v7 =	vld [tilespmem:s22+$0x2C20];
	vm0 =	vmor vm7, vm6  }
0x1ce: {  	vm15 =	vgt.f32 v11, $0.0e+00;
	v5 =	vmul.f32 $5.000000000e-01, v5;
	v6 =	vsel vm0, v8, v6  }
0x1cf: {  	v8 =	vld [tilespmem:s22+$0x2C10];
	v3 =	vadd.f32 $5.000000000e-01, v3;
	v2 =	vtrunc.f32 v2;
	v6 =	vmul.f32 $5.000000000e-01, v6  }
0x1d0: {  	v5 =	vadd.f32 $5.000000000e-01, v5;
	v9 =	vand.u32 $0x80000000, v4;
	vm8 =	vlt.f32 v4, $0.0e+00  }
0x1d1: {  	vm9 =	vgt.f32 v4, $0.0e+00;
	v3 =	vtrunc.f32 v3;
	v9 =	vor.u32 v9, v1  }
0x1d2: {  	vm1 =	vmor vm9, vm8;
	vm10 =	vlt.f32 v7, $0.0e+00;
	vm11 =	vgt.f32 v7, $0.0e+00  }
0x1d3: {  	v4 =	vsel vm1, v9, v4;
	v9 =	vand.u32 $0x80000000, v7;
	vm0 =	vmor vm11, vm10  }
0x1d4: {  	vm12 =	vlt.f32 v8, $0.0e+00;
	v9 =	vor.u32 v9, v1;
	v10 =	vmul.f32 $5.000000000e-01, v4  }
0x1d5: {  	v4 =	vtrunc.f32 v5;
	v5 =	vadd.f32 $5.000000000e-01, v6;
	v6 =	vand.u32 $0x80000000, v8  }
0x1d6: {  	vm13 =	vgt.f32 v8, $0.0e+00;
	v7 =	vsel vm0, v9, v7;
	v6 =	vor.u32 v6, v1  }
0x1d7: {  	vm0 =	vmor vm13, vm12;
	v7 =	vmul.f32 $5.000000000e-01, v7;
	v9 =	vadd.f32 $5.000000000e-01, v10;
	v10 =	vld [tilespmem:s22+$0x2870]  }
0x1d8: {  	vm10 =	vlt.f32 v14, $0.0e+00;
	v8 =	vsel vm0, v6, v8;
	vm0 =	vmor vm15, vm14  }
0x1d9: {  	v8 =	vmul.f32 $5.000000000e-01, v8;
	v11 =	vsel vm0, v12, v11;
	v12 =	vld [tilespmem:s22+$0x2850];
	v7 =	vadd.f32 $5.000000000e-01, v7  }
0x1da: {  	vm11 =	vgt.f32 v14, $0.0e+00;
	v5 =	vtrunc.f32 v5;
	v6 =	vtrunc.f32 v9;
	v9 =	vld [tilespmem:s22+$0x2860]  }
0x1db: {  	v11 =	vmul.f32 $5.000000000e-01, v11;
	v8 =	vadd.f32 $5.000000000e-01, v8;
	v7 =	vtrunc.f32 v7  }
0x1dc: {  	v13 =	vand.u32 $0x80000000, v10;
	vm4 =	vlt.f32 v10, $0.0e+00;
	vm5 =	vgt.f32 v10, $0.0e+00  }
0x1dd: {  	v8 =	vtrunc.f32 v8;
	v13 =	vor.u32 v13, v1;
	vm1 =	vmor vm5, vm4  }
0x1de: {  	v15 =	vand.u32 $0x80000000, v12;
	vm8 =	vlt.f32 v12, $0.0e+00;
	v10 =	vsel vm1, v13, v10  }
0x1df: {  	v13 =	vand.u32 $0x80000000, v9;
	vm6 =	vlt.f32 v9, $0.0e+00;
	vm7 =	vgt.f32 v9, $0.0e+00  }
0x1e0: {  	vm9 =	vgt.f32 v12, $0.0e+00;
	v13 =	vor.u32 v13, v1;
	vm0 =	vmor vm7, vm6  }
0x1e1: {  	v15 =	vor.u32 v15, v1;
	v10 =	vmul.f32 $5.000000000e-01, v10;
	v9 =	vsel vm0, v13, v9  }
0x1e2: {  	vm0 =	vmor vm9, vm8;
	v13 =	vmul.f32 $5.000000000e-01, v9;
	v9 =	vadd.f32 $5.000000000e-01, v11;
	v11 =	vld [tilespmem:s22+$0x2830]  }
0x1e3: {  	vm6 =	vlt.f32 v19, $0.0e+00;
	v12 =	vsel vm0, v15, v12;
	v15 =	vld [tilespmem:s22+$0x2820];
	vm0 =	vmor vm11, vm10  }
0x1e4: {  	v10 =	vadd.f32 $5.000000000e-01, v10;
	v12 =	vmul.f32 $5.000000000e-01, v12;
	v14 =	vsel vm0, v16, v14;
	v16 =	vld [tilespmem:s22+$0x2810]  }
0x1e5: {  	vm7 =	vgt.f32 v19, $0.0e+00;
	v9 =	vtrunc.f32 v9;
	v13 =	vadd.f32 $5.000000000e-01, v13  }
0x1e6: {  	v10 =	vtrunc.f32 v10;
	v14 =	vmul.f32 $5.000000000e-01, v14;
	v12 =	vadd.f32 $5.000000000e-01, v12  }
0x1e7: {  	v17 =	vand.u32 $0x80000000, v11;
	vm12 =	vlt.f32 v11, $0.0e+00;
	vm13 =	vgt.f32 v11, $0.0e+00  }
0x1e8: {  	vm14 =	vlt.f32 v15, $0.0e+00;
	vm15 =	vgt.f32 v15, $0.0e+00;
	v17 =	vor.u32 v17, v1  }
0x1e9: {  	vm1 =	vmor vm13, vm12;
	vm0 =	vmor vm15, vm14;
	vm4 =	vlt.f32 v16, $0.0e+00  }
0x1ea: {  	vm5 =	vgt.f32 v16, $0.0e+00;
	v11 =	vsel vm1, v17, v11;
	v17 =	vand.u32 $0x80000000, v15  }
0x1eb: {  	v17 =	vor.u32 v17, v1;
	v18 =	vmul.f32 $5.000000000e-01, v11;
	v11 =	vtrunc.f32 v13  }
0x1ec: {  	v13 =	vadd.f32 $5.000000000e-01, v14;
	v14 =	vand.u32 $0x80000000, v16;
	v15 =	vsel vm0, v17, v15  }
0x1ed: {  	v14 =	vor.u32 v14, v1;
	vm0 =	vmor vm5, vm4;
	v17 =	vadd.f32 $5.000000000e-01, v18;
	v18 =	vld [tilespmem:s22+$0x2470]  }
0x1ee: {  	v15 =	vmul.f32 $5.000000000e-01, v15;
	v16 =	vsel vm0, v14, v16;
	vm0 =	vmor vm7, vm6  }
0x1ef: {  	v12 =	vtrunc.f32 v12;
	v16 =	vmul.f32 $5.000000000e-01, v16;
	v19 =	vsel vm0, v20, v19;
	v20 =	vld [tilespmem:s22+$0x2450]  }
0x1f0: {  	vm14 =	vlt.f32 v22, $0.0e+00;
	vm15 =	vgt.f32 v22, $0.0e+00;
	v15 =	vadd.f32 $5.000000000e-01, v15  }
0x1f1: {  	v13 =	vtrunc.f32 v13;
	v14 =	vtrunc.f32 v17;
	v17 =	vld [tilespmem:s22+$0x2460];
	v16 =	vadd.f32 $5.000000000e-01, v16  }
0x1f2: {  	v19 =	vmul.f32 $5.000000000e-01, v19;
	v15 =	vtrunc.f32 v15;
	v21 =	vand.u32 $0x80000000, v18  }
0x1f3: {  	v27 =	vld [tilespmem:s22+$0x2400];
	vm8 =	vlt.f32 v18, $0.0e+00;
	vm9 =	vgt.f32 v18, $0.0e+00;
	v16 =	vtrunc.f32 v16  }
0x1f4: {  	v21 =	vor.u32 v21, v1;
	vm1 =	vmor vm9, vm8;
	v23 =	vand.u32 $0x80000000, v20  }
0x1f5: {  	vm12 =	vlt.f32 v20, $0.0e+00;
	vm13 =	vgt.f32 v20, $0.0e+00;
	v18 =	vsel vm1, v21, v18  }
0x1f6: {  	v28 =	vld [tilespmem:s22+$0x2060];
	v21 =	vand.u32 $0x80000000, v17;
	vm10 =	vlt.f32 v17, $0.0e+00;
	vm11 =	vgt.f32 v17, $0.0e+00  }
0x1f7: {  	v23 =	vor.u32 v23, v1;
	v21 =	vor.u32 v21, v1;
	vm0 =	vmor vm11, vm10  }
0x1f8: {  	v18 =	vmul.f32 $5.000000000e-01, v18;
	vm10 =	vlt.f32 v27, $0.0e+00;
	v17 =	vsel vm0, v21, v17  }
0x1f9: {  	vm0 =	vmor vm13, vm12;
	v21 =	vmul.f32 $5.000000000e-01, v17;
	v17 =	vadd.f32 $5.000000000e-01, v19;
	v19 =	vld [tilespmem:s22+$0x2430]  }
0x1fa: {  	vm11 =	vgt.f32 v27, $0.0e+00;
	v20 =	vsel vm0, v23, v20;
	v23 =	vld [tilespmem:s22+$0x2420];
	vm0 =	vmor vm15, vm14  }
0x1fb: {  	v18 =	vadd.f32 $5.000000000e-01, v18;
	vm14 =	vlt.f32 v28, $0.0e+00;
	v22 =	vsel vm0, v24, v22  }
0x1fc: {  	vm15 =	vgt.f32 v28, $0.0e+00;
	v20 =	vmul.f32 $5.000000000e-01, v20;
	v24 =	vld [tilespmem:s22+$0x2410];
	v22 =	vmul.f32 $5.000000000e-01, v22  }
0x1fd: {  	v17 =	vtrunc.f32 v17;
	v21 =	vadd.f32 $5.000000000e-01, v21;
	v18 =	vtrunc.f32 v18  }
0x1fe: {  	v20 =	vadd.f32 $5.000000000e-01, v20;
	v22 =	vadd.f32 $5.000000000e-01, v22;
	v25 =	vand.u32 $0x80000000, v19  }
0x1ff: {  	v29 =	vld [tilespmem:s22+$0x2050];
	vm4 =	vlt.f32 v19, $0.0e+00;
	vm5 =	vgt.f32 v19, $0.0e+00;
	vm6 =	vlt.f32 v23, $0.0e+00  }
0x200: {  	vm7 =	vgt.f32 v23, $0.0e+00;
	v20 =	vtrunc.f32 v20;
	v25 =	vor.u32 v25, v1  }
0x201: {  	vm1 =	vmor vm5, vm4;
	vm0 =	vmor vm7, vm6;
	vm8 =	vlt.f32 v24, $0.0e+00  }
0x202: {  	vm9 =	vgt.f32 v24, $0.0e+00;
	v19 =	vsel vm1, v25, v19;
	v25 =	vand.u32 $0x80000000, v23  }
0x203: {  	v22 =	vtrunc.f32 v22;
	v25 =	vor.u32 v25, v1;
	v26 =	vmul.f32 $5.000000000e-01, v19  }
0x204: {  	vm6 =	vlt.f32 v29, $0.0e+00;
	v19 =	vtrunc.f32 v21;
	v23 =	vsel vm0, v25, v23  }
0x205: {  	v25 =	vld [tilespmem:s22+$0x2070];
	v21 =	vmul.f32 $5.000000000e-01, v23;
	v23 =	vadd.f32 $5.000000000e-01, v26;
	v26 =	vand.u32 $0x80000000, v24  }
0x206: {  	vm7 =	vgt.f32 v29, $0.0e+00;
	vm0 =	vmor vm9, vm8;
	v26 =	vor.u32 v26, v1  }
0x207: {  	vm2 =	vmor vm7, vm6;
	v24 =	vsel vm0, v26, v24;
	v21 =	vadd.f32 $5.000000000e-01, v21  }
0x208: {  	v23 =	vtrunc.f32 v23;
	v26 =	vand.u32 $0x80000000, v27;
	vm0 =	vmor vm11, vm10  }
0x209: {  	vm10 =	vlt.f32 v31, $0.0e+00;
	vm11 =	vgt.f32 v31, $0.0e+00;
	v26 =	vor.u32 v26, v1  }
0x20a: {  	v24 =	vmul.f32 $5.000000000e-01, v24;
	v30 =	vand.u32 $0x80000000, v25;
	vm12 =	vlt.f32 v25, $0.0e+00  }
0x20b: {  	vm13 =	vgt.f32 v25, $0.0e+00;
	v26 =	vsel vm0, v26, v27;
	v27 =	vand.u32 $0x80000000, v28  }
0x20c: {  	vm0 =	vmor vm15, vm14;
	v21 =	vtrunc.f32 v21;
	vm14 =	vlt.f32 v55, $0.0e+00  }
0x20d: {  	v30 =	vor.u32 v30, v1;
	vm1 =	vmor vm13, vm12;
	v26 =	vmul.f32 $5.000000000e-01, v26  }
0x20e: {  	v27 =	vor.u32 v27, v1;
	v25 =	vsel vm1, v30, v25;
	v30 =	vand.u32 $0x80000000, v29  }
0x20f: {  	v27 =	vsel vm0, v27, v28;
	v28 =	vld [tilespmem:s22+$0x2030];
	v30 =	vor.u32 v30, v1;
	v25 =	vmul.f32 $5.000000000e-01, v25  }
0x210: {  	v24 =	vadd.f32 $5.000000000e-01, v24;
	v27 =	vmul.f32 $5.000000000e-01, v27;
	v29 =	vsel vm2, v30, v29  }
0x211: {  	v26 =	vadd.f32 $5.000000000e-01, v26;
	v29 =	vmul.f32 $5.000000000e-01, v29;
	v25 =	vadd.f32 $5.000000000e-01, v25  }
0x212: {  	vm15 =	vlt.f32 v57, $0.0e+00;
	v24 =	vtrunc.f32 v24;
	v30 =	vld [tilespmem:s22+$0x2000];
	v27 =	vadd.f32 $5.000000000e-01, v27  }
0x213: {  	v26 =	vtrunc.f32 v26;
	v29 =	vadd.f32 $5.000000000e-01, v29;
	v25 =	vtrunc.f32 v25  }
0x214: {  	v56 =	vand.u32 $0x80000000, v28;
	vm8 =	vlt.f32 v28, $0.0e+00;
	vm9 =	vgt.f32 v28, $0.0e+00  }
0x215: {  	v27 =	vtrunc.f32 v27;
	v34 =	vor.u32 v56, v1;
	vm0 =	vmor vm9, vm8  }
0x216: {  	vm8 =	vgt.f32 v57, $0.0e+00;
	vm9 =	vgt.f32 v55, $0.0e+00;
	v29 =	vtrunc.f32 v29  }
0x217: {  	v28 =	vsel vm0, v34, v28;
	v58 =	vand.u32 $0x80000000, v30;
	vm12 =	vlt.f32 v30, $0.0e+00  }
0x218: {  	vm13 =	vgt.f32 v30, $0.0e+00;
	vm3 =	vmor vm8, vm15;
	v34 =	vor.u32 v58, v1  }
0x219: {  	vm2 =	vmor vm13, vm12;
	v28 =	vmul.f32 $5.000000000e-01, v28;
	v35 =	vsel vm3, v36, v57  }
0x21a: {  	v30 =	vsel vm2, v34, v30;
	v34 =	vor.u32 v59, v1;
	vm2 =	vmor vm9, vm14  }
0x21b: {  	v35 =	vmul.f32 $5.000000000e-01, v35;
	v30 =	vmul.f32 $5.000000000e-01, v30;
	v33 =	vsel vm2, v34, v55  }
0x21c: {  	vm0 =	vmor vm11, vm10;
	v28 =	vadd.f32 $5.000000000e-01, v28;
	v33 =	vmul.f32 $5.000000000e-01, v33  }
0x21d: {  	v31 =	vsel vm0, v32, v31;
	v61 =	vadd.f32 $5.000000000e-01, v35;
	v30 =	vadd.f32 $5.000000000e-01, v30  }
0x21e: {  	v31 =	vmul.f32 $5.000000000e-01, v31;
	v28 =	vtrunc.f32 v28;
	v62 =	vadd.f32 $5.000000000e-01, v33  }
0x21f: {  	v63 =	vtrunc.f32 v61;
	v30 =	vtrunc.f32 v30  }
0x220: {  	v31 =	vadd.f32 $5.000000000e-01, v31;
	v33 =	vcvt.f32.s32 v63;
	v32 =	vtrunc.f32 v62  }
0x221: {  	v30 =	vcvt.f32.s32 v30;
	v32 =	vcvt.f32.s32 v32  }
0x222: {  	v28 =	vcvt.f32.s32 v28;
	v31 =	vtrunc.f32 v31;
	v33 =	vshll.u32 v33, $0x1  }
0x223: {  	v31 =	vcvt.f32.s32 v31;
	v30 =	vor.u32 v30, v33;
	v32 =	vshll.u32 v32, $0x2  }
0x224: {  	v29 =	vcvt.f32.s32 v29;
	v28 =	vshll.u32 v28, $0x3;
	v30 =	vor.u32 v32, v30  }
0x225: {  	v27 =	vcvt.f32.s32 v27;
	v28 =	vor.u32 v28, v30;
	v30 =	vshll.u32 v31, $0x4  }
0x226: {  	v25 =	vcvt.f32.s32 v25;
	v29 =	vshll.u32 v29, $0x5;
	v28 =	vor.u32 v30, v28  }
0x227: {  	v26 =	vcvt.f32.s32 v26;
	v27 =	vshll.u32 v27, $0x6;
	v28 =	vor.u32 v29, v28  }
0x228: {  	v24 =	vcvt.f32.s32 v24;
	v25 =	vshll.u32 v25, $0x7;
	v27 =	vor.u32 v27, v28  }
0x229: {  	v21 =	vcvt.f32.s32 v21;
	v26 =	vshll.u32 v26, $0x8;
	v25 =	vor.u32 v25, v27  }
0x22a: {  	v23 =	vcvt.f32.s32 v23;
	v24 =	vshll.u32 v24, $0x9;
	v25 =	vor.u32 v26, v25  }
0x22b: {  	v22 =	vcvt.f32.s32 v22;
	v21 =	vshll.u32 v21, $0xA;
	v24 =	vor.u32 v24, v25  }
0x22c: {  	v20 =	vcvt.f32.s32 v20;
	v23 =	vshll.u32 v23, $0xB;
	v21 =	vor.u32 v21, v24  }
0x22d: {  	v22 =	vshll.u32 v22, $0xC;
	v19 =	vcvt.f32.s32 v19;
	v21 =	vor.u32 v23, v21  }
0x22e: {  	v18 =	vcvt.f32.s32 v18;
	v20 =	vshll.u32 v20, $0xD;
	v21 =	vor.u32 v22, v21  }
0x22f: {  	v17 =	vcvt.f32.s32 v17;
	v19 =	vshll.u32 v19, $0xE;
	v20 =	vor.u32 v20, v21  }
0x230: {  	v16 =	vcvt.f32.s32 v16;
	v18 =	vshll.u32 v18, $0xF;
	v19 =	vor.u32 v19, v20  }
0x231: {  	v15 =	vcvt.f32.s32 v15;
	v17 =	vshll.u32 v17, $0x10;
	v18 =	vor.u32 v18, v19  }
0x232: {  	v14 =	vcvt.f32.s32 v14;
	v16 =	vshll.u32 v16, $0x11;
	v17 =	vor.u32 v17, v18  }
0x233: {  	v13 =	vcvt.f32.s32 v13;
	v15 =	vshll.u32 v15, $0x12;
	v16 =	vor.u32 v16, v17  }
0x234: {  	v12 =	vcvt.f32.s32 v12;
	v14 =	vshll.u32 v14, $0x13;
	v15 =	vor.u32 v15, v16  }
0x235: {  	v11 =	vcvt.f32.s32 v11;
	v13 =	vshll.u32 v13, $0x14;
	v14 =	vor.u32 v14, v15  }
0x236: {  	v10 =	vcvt.f32.s32 v10;
	v12 =	vshll.u32 v12, $0x15;
	v13 =	vor.u32 v13, v14  }
0x237: {  	v9 =	vcvt.f32.s32 v9;
	v11 =	vshll.u32 v11, $0x16;
	v12 =	vor.u32 v12, v13  }
0x238: {  	v8 =	vcvt.f32.s32 v8;
	v10 =	vshll.u32 v10, $0x17;
	v11 =	vor.u32 v11, v12  }
0x239: {  	v7 =	vcvt.f32.s32 v7;
	v9 =	vshll.u32 v9, $0x18;
	v10 =	vor.u32 v10, v11  }
0x23a: {  	v6 =	vcvt.f32.s32 v6;
	v8 =	vshll.u32 v8, $0x19;
	v9 =	vor.u32 v9, v10  }
0x23b: {  	v5 =	vcvt.f32.s32 v5;
	v7 =	vshll.u32 v7, $0x1A;
	v8 =	vor.u32 v8, v9  }
0x23c: {  	v4 =	vcvt.f32.s32 v4;
	v6 =	vshll.u32 v6, $0x1B;
	v7 =	vor.u32 v7, v8  }
0x23d: {  	v3 =	vcvt.f32.s32 v3;
	v5 =	vshll.u32 v5, $0x1C;
	v6 =	vor.u32 v6, v7  }
0x23e: {  	v2 =	vcvt.f32.s32 v2;
	v4 =	vshll.u32 v4, $0x1D;
	v5 =	vor.u32 v5, v6  }
0x23f: {  	v3 =	vshll.u32 v3, $0x1E;
	v4 =	vor.u32 v4, v5  }
0x240: {  	s30 =	simm.s32 $0x200;
	s23 =	simm.s32 $0x80;
	v2 =	vshll.u32 v2, $0x1F;
	v3 =	vor.u32 v3, v4  }
0x241: {  	s31 =	sand.u32 $0x380, s23;
	s0 =	sand.u32 $0x3000, s30;
	s22 =	simm.s32 $0xA100;
	v2 =	vor.u32 v2, v3  }
0x242: {  	s24 =	sor.u32 s31, s0;
	[tilespmem:s22+$0x0] =	vst v2  }
0x243: {  	v2 =	vld [tilespmem:s24+$0x2C70]  }
0x244: {  	v3 =	vld [tilespmem:s24+$0x2C60]  }
0x245: {  	v5 =	vld [tilespmem:s24+$0x2C50]  }
0x246: {  	v6 =	vld [tilespmem:s24+$0x2C40]  }
0x247: {  	v11 =	vld [tilespmem:s24+$0x2C00]  }
0x248: {  	v14 =	vld [tilespmem:s24+$0x2840]  }
0x249: {  	v19 =	vld [tilespmem:s24+$0x2800]  }
0x24a: {  	v22 =	vld [tilespmem:s24+$0x2440];
	v4 =	vand.u32 $0x80000000, v2;
	vm10 =	vlt.f32 v2, $0.0e+00  }
0x24b: {  	vm11 =	vgt.f32 v2, $0.0e+00;
	vm12 =	vlt.f32 v3, $0.0e+00;
	vm13 =	vgt.f32 v3, $0.0e+00  }
0x24c: {  	v7 =	vand.u32 $0x80000000, v5;
	vm14 =	vlt.f32 v5, $0.0e+00;
	vm15 =	vgt.f32 v5, $0.0e+00  }
0x24d: {  	v8 =	vand.u32 $0x80000000, v6;
	vm4 =	vlt.f32 v6, $0.0e+00;
	vm5 =	vgt.f32 v6, $0.0e+00  }
0x24e: {  	v12 =	vand.u32 $0x80000000, v11;
	v16 =	vand.u32 $0x80000000, v14;
	v20 =	vand.u32 $0x80000000, v19  }
0x24f: {  	v24 =	vand.u32 $0x80000000, v22;
	v4 =	vor.u32 v4, v1;
	vm0 =	vmor vm11, vm10  }
0x250: {  	v7 =	vor.u32 v7, v1;
	v8 =	vor.u32 v8, v1;
	v12 =	vor.u32 v12, v1  }
0x251: {  	v16 =	vor.u32 v16, v1;
	v2 =	vsel vm0, v4, v2;
	v4 =	vand.u32 $0x80000000, v3  }
0x252: {  	v20 =	vor.u32 v20, v1;
	vm0 =	vmor vm13, vm12;
	v4 =	vor.u32 v4, v1  }
0x253: {  	v24 =	vor.u32 v24, v1;
	v2 =	vmul.f32 $5.000000000e-01, v2;
	v3 =	vsel vm0, v4, v3;
	v4 =	vld [tilespmem:s24+$0x2C30]  }
0x254: {  	vm12 =	vlt.f32 v11, $0.0e+00;
	vm0 =	vmor vm15, vm14;
	v3 =	vmul.f32 $5.000000000e-01, v3  }
0x255: {  	v2 =	vadd.f32 $5.000000000e-01, v2;
	v5 =	vsel vm0, v7, v5;
	v7 =	vld [tilespmem:s24+$0x2C20];
	vm0 =	vmor vm5, vm4  }
0x256: {  	vm13 =	vgt.f32 v11, $0.0e+00;
	v5 =	vmul.f32 $5.000000000e-01, v5;
	v6 =	vsel vm0, v8, v6  }
0x257: {  	v8 =	vld [tilespmem:s24+$0x2C10];
	v3 =	vadd.f32 $5.000000000e-01, v3;
	v2 =	vtrunc.f32 v2;
	v6 =	vmul.f32 $5.000000000e-01, v6  }
0x258: {  	v5 =	vadd.f32 $5.000000000e-01, v5;
	v9 =	vand.u32 $0x80000000, v4;
	vm6 =	vlt.f32 v4, $0.0e+00  }
0x259: {  	vm7 =	vgt.f32 v4, $0.0e+00;
	v3 =	vtrunc.f32 v3;
	v9 =	vor.u32 v9, v1  }
0x25a: {  	vm1 =	vmor vm7, vm6;
	vm8 =	vlt.f32 v7, $0.0e+00;
	vm9 =	vgt.f32 v7, $0.0e+00  }
0x25b: {  	v4 =	vsel vm1, v9, v4;
	v9 =	vand.u32 $0x80000000, v7;
	vm0 =	vmor vm9, vm8  }
0x25c: {  	vm10 =	vlt.f32 v8, $0.0e+00;
	v9 =	vor.u32 v9, v1;
	v10 =	vmul.f32 $5.000000000e-01, v4  }
0x25d: {  	v4 =	vtrunc.f32 v5;
	v5 =	vadd.f32 $5.000000000e-01, v6;
	v6 =	vand.u32 $0x80000000, v8  }
0x25e: {  	vm11 =	vgt.f32 v8, $0.0e+00;
	v7 =	vsel vm0, v9, v7;
	v6 =	vor.u32 v6, v1  }
0x25f: {  	vm0 =	vmor vm11, vm10;
	v7 =	vmul.f32 $5.000000000e-01, v7;
	v9 =	vadd.f32 $5.000000000e-01, v10;
	v10 =	vld [tilespmem:s24+$0x2870]  }
0x260: {  	vm8 =	vlt.f32 v14, $0.0e+00;
	v8 =	vsel vm0, v6, v8;
	vm0 =	vmor vm13, vm12  }
0x261: {  	v8 =	vmul.f32 $5.000000000e-01, v8;
	v11 =	vsel vm0, v12, v11;
	v12 =	vld [tilespmem:s24+$0x2850];
	v7 =	vadd.f32 $5.000000000e-01, v7  }
0x262: {  	vm9 =	vgt.f32 v14, $0.0e+00;
	v5 =	vtrunc.f32 v5;
	v6 =	vtrunc.f32 v9;
	v9 =	vld [tilespmem:s24+$0x2860]  }
0x263: {  	v11 =	vmul.f32 $5.000000000e-01, v11;
	v8 =	vadd.f32 $5.000000000e-01, v8;
	v7 =	vtrunc.f32 v7  }
0x264: {  	v13 =	vand.u32 $0x80000000, v10;
	vm14 =	vlt.f32 v10, $0.0e+00;
	vm15 =	vgt.f32 v10, $0.0e+00  }
0x265: {  	v8 =	vtrunc.f32 v8;
	v13 =	vor.u32 v13, v1;
	vm1 =	vmor vm15, vm14  }
0x266: {  	v15 =	vand.u32 $0x80000000, v12;
	vm6 =	vlt.f32 v12, $0.0e+00;
	v10 =	vsel vm1, v13, v10  }
0x267: {  	v13 =	vand.u32 $0x80000000, v9;
	vm4 =	vlt.f32 v9, $0.0e+00;
	vm5 =	vgt.f32 v9, $0.0e+00  }
0x268: {  	vm7 =	vgt.f32 v12, $0.0e+00;
	v13 =	vor.u32 v13, v1;
	vm0 =	vmor vm5, vm4  }
0x269: {  	v15 =	vor.u32 v15, v1;
	v10 =	vmul.f32 $5.000000000e-01, v10;
	v9 =	vsel vm0, v13, v9  }
0x26a: {  	vm0 =	vmor vm7, vm6;
	v13 =	vmul.f32 $5.000000000e-01, v9;
	v9 =	vadd.f32 $5.000000000e-01, v11;
	v11 =	vld [tilespmem:s24+$0x2830]  }
0x26b: {  	vm4 =	vlt.f32 v19, $0.0e+00;
	v12 =	vsel vm0, v15, v12;
	v15 =	vld [tilespmem:s24+$0x2820];
	vm0 =	vmor vm9, vm8  }
0x26c: {  	v10 =	vadd.f32 $5.000000000e-01, v10;
	v12 =	vmul.f32 $5.000000000e-01, v12;
	v14 =	vsel vm0, v16, v14;
	v16 =	vld [tilespmem:s24+$0x2810]  }
0x26d: {  	vm5 =	vgt.f32 v19, $0.0e+00;
	v9 =	vtrunc.f32 v9;
	v13 =	vadd.f32 $5.000000000e-01, v13  }
0x26e: {  	v10 =	vtrunc.f32 v10;
	v14 =	vmul.f32 $5.000000000e-01, v14;
	v12 =	vadd.f32 $5.000000000e-01, v12  }
0x26f: {  	v17 =	vand.u32 $0x80000000, v11;
	vm10 =	vlt.f32 v11, $0.0e+00;
	vm11 =	vgt.f32 v11, $0.0e+00  }
0x270: {  	vm12 =	vlt.f32 v15, $0.0e+00;
	vm13 =	vgt.f32 v15, $0.0e+00;
	v17 =	vor.u32 v17, v1  }
0x271: {  	vm1 =	vmor vm11, vm10;
	vm0 =	vmor vm13, vm12;
	vm14 =	vlt.f32 v16, $0.0e+00  }
0x272: {  	vm15 =	vgt.f32 v16, $0.0e+00;
	v11 =	vsel vm1, v17, v11;
	v17 =	vand.u32 $0x80000000, v15  }
0x273: {  	v17 =	vor.u32 v17, v1;
	v18 =	vmul.f32 $5.000000000e-01, v11;
	v11 =	vtrunc.f32 v13  }
0x274: {  	v13 =	vadd.f32 $5.000000000e-01, v14;
	v14 =	vand.u32 $0x80000000, v16;
	v15 =	vsel vm0, v17, v15  }
0x275: {  	v14 =	vor.u32 v14, v1;
	vm0 =	vmor vm15, vm14;
	v17 =	vadd.f32 $5.000000000e-01, v18;
	v18 =	vld [tilespmem:s24+$0x2470]  }
0x276: {  	v15 =	vmul.f32 $5.000000000e-01, v15;
	v16 =	vsel vm0, v14, v16;
	vm0 =	vmor vm5, vm4  }
0x277: {  	v12 =	vtrunc.f32 v12;
	v16 =	vmul.f32 $5.000000000e-01, v16;
	v19 =	vsel vm0, v20, v19;
	v20 =	vld [tilespmem:s24+$0x2450]  }
0x278: {  	vm12 =	vlt.f32 v22, $0.0e+00;
	vm13 =	vgt.f32 v22, $0.0e+00;
	v15 =	vadd.f32 $5.000000000e-01, v15  }
0x279: {  	v13 =	vtrunc.f32 v13;
	v14 =	vtrunc.f32 v17;
	v17 =	vld [tilespmem:s24+$0x2460];
	v16 =	vadd.f32 $5.000000000e-01, v16  }
0x27a: {  	v19 =	vmul.f32 $5.000000000e-01, v19;
	v15 =	vtrunc.f32 v15;
	v21 =	vand.u32 $0x80000000, v18  }
0x27b: {  	v27 =	vld [tilespmem:s24+$0x2400];
	vm6 =	vlt.f32 v18, $0.0e+00;
	vm7 =	vgt.f32 v18, $0.0e+00;
	v16 =	vtrunc.f32 v16  }
0x27c: {  	v21 =	vor.u32 v21, v1;
	vm1 =	vmor vm7, vm6;
	v23 =	vand.u32 $0x80000000, v20  }
0x27d: {  	vm10 =	vlt.f32 v20, $0.0e+00;
	vm11 =	vgt.f32 v20, $0.0e+00;
	v18 =	vsel vm1, v21, v18  }
0x27e: {  	v28 =	vld [tilespmem:s24+$0x2060];
	v21 =	vand.u32 $0x80000000, v17;
	vm8 =	vlt.f32 v17, $0.0e+00;
	vm9 =	vgt.f32 v17, $0.0e+00  }
0x27f: {  	v23 =	vor.u32 v23, v1;
	v21 =	vor.u32 v21, v1;
	vm0 =	vmor vm9, vm8  }
0x280: {  	v18 =	vmul.f32 $5.000000000e-01, v18;
	vm8 =	vlt.f32 v27, $0.0e+00;
	v17 =	vsel vm0, v21, v17  }
0x281: {  	vm0 =	vmor vm11, vm10;
	v21 =	vmul.f32 $5.000000000e-01, v17;
	v17 =	vadd.f32 $5.000000000e-01, v19;
	v19 =	vld [tilespmem:s24+$0x2430]  }
0x282: {  	vm9 =	vgt.f32 v27, $0.0e+00;
	v18 =	vadd.f32 $5.000000000e-01, v18;
	v20 =	vsel vm0, v23, v20;
	v23 =	vld [tilespmem:s24+$0x2420]  }
0x283: {  	vm0 =	vmor vm13, vm12;
	vm12 =	vlt.f32 v28, $0.0e+00;
	vm13 =	vgt.f32 v28, $0.0e+00  }
0x284: {  	v20 =	vmul.f32 $5.000000000e-01, v20;
	v22 =	vsel vm0, v24, v22;
	v24 =	vld [tilespmem:s24+$0x2410];
	v17 =	vtrunc.f32 v17  }
0x285: {  	v30 =	vld [tilespmem:s24+$0x2050];
	v21 =	vadd.f32 $5.000000000e-01, v21;
	v18 =	vtrunc.f32 v18;
	v22 =	vmul.f32 $5.000000000e-01, v22  }
0x286: {  	v20 =	vadd.f32 $5.000000000e-01, v20;
	v25 =	vand.u32 $0x80000000, v19;
	vm14 =	vlt.f32 v19, $0.0e+00  }
0x287: {  	vm15 =	vgt.f32 v19, $0.0e+00;
	vm4 =	vlt.f32 v23, $0.0e+00;
	vm5 =	vgt.f32 v23, $0.0e+00  }
0x288: {  	v20 =	vtrunc.f32 v20;
	v25 =	vor.u32 v25, v1;
	vm1 =	vmor vm15, vm14  }
0x289: {  	vm0 =	vmor vm5, vm4;
	vm6 =	vlt.f32 v24, $0.0e+00;
	vm7 =	vgt.f32 v24, $0.0e+00  }
0x28a: {  	vm14 =	vlt.f32 v30, $0.0e+00;
	vm15 =	vgt.f32 v30, $0.0e+00;
	v19 =	vsel vm1, v25, v19  }
0x28b: {  	v25 =	vand.u32 $0x80000000, v23;
	vm2 =	vmor vm15, vm14;
	v26 =	vmul.f32 $5.000000000e-01, v19  }
0x28c: {  	v25 =	vor.u32 v25, v1;
	v19 =	vtrunc.f32 v21;
	v21 =	vadd.f32 $5.000000000e-01, v22  }
0x28d: {  	v22 =	vand.u32 $0x80000000, v24;
	v23 =	vsel vm0, v25, v23;
	v25 =	vadd.f32 $5.000000000e-01, v26;
	v26 =	vld [tilespmem:s24+$0x2070]  }
0x28e: {  	v22 =	vor.u32 v22, v1;
	vm0 =	vmor vm7, vm6;
	v23 =	vmul.f32 $5.000000000e-01, v23  }
0x28f: {  	v24 =	vsel vm0, v22, v24;
	v22 =	vtrunc.f32 v25;
	v25 =	vand.u32 $0x80000000, v27  }
0x290: {  	v21 =	vtrunc.f32 v21;
	vm0 =	vmor vm9, vm8;
	v25 =	vor.u32 v25, v1  }
0x291: {  	v24 =	vmul.f32 $5.000000000e-01, v24;
	v25 =	vsel vm0, v25, v27;
	v27 =	vand.u32 $0x80000000, v28  }
0x292: {  	v29 =	vand.u32 $0x80000000, v26;
	vm10 =	vlt.f32 v26, $0.0e+00;
	vm11 =	vgt.f32 v26, $0.0e+00  }
0x293: {  	vm0 =	vmor vm13, vm12;
	v29 =	vor.u32 v29, v1;
	vm1 =	vmor vm11, vm10  }
0x294: {  	v27 =	vor.u32 v27, v1;
	v26 =	vsel vm1, v29, v26;
	v29 =	vand.u32 $0x80000000, v30  }
0x295: {  	v23 =	vadd.f32 $5.000000000e-01, v23;
	v27 =	vsel vm0, v27, v28;
	v31 =	vor.u32 v29, v1  }
0x296: {  	v25 =	vmul.f32 $5.000000000e-01, v25;
	v27 =	vmul.f32 $5.000000000e-01, v27;
	v29 =	vld [tilespmem:s24+$0x2040];
	v30 =	vsel vm2, v31, v30  }
0x297: {  	v24 =	vadd.f32 $5.000000000e-01, v24;
	v26 =	vmul.f32 $5.000000000e-01, v26;
	v31 =	vld [tilespmem:s24+$0x2030];
	v28 =	vmul.f32 $5.000000000e-01, v30  }
0x298: {  	v23 =	vtrunc.f32 v23;
	v25 =	vadd.f32 $5.000000000e-01, v25;
	v27 =	vadd.f32 $5.000000000e-01, v27  }
0x299: {  	v24 =	vtrunc.f32 v24;
	v26 =	vadd.f32 $5.000000000e-01, v26;
	v28 =	vadd.f32 $5.000000000e-01, v28  }
0x29a: {  	v25 =	vtrunc.f32 v25;
	v30 =	vld [tilespmem:s24+$0x2000];
	v27 =	vtrunc.f32 v27  }
0x29b: {  	s25 =	simm.s32 $0x400;
	v26 =	vtrunc.f32 v26;
	v32 =	vand.u32 $0x80000000, v29;
	v28 =	vtrunc.f32 v28  }
.LBB2_4:
0x29c: {  	p0 =	sne.s32 s25, $0x3E00;
	v33 =	vld [tilespmem:s24+$0x2020];
	v34 =	vand.u32 $0x80000000, v31;
	vm0 =	vlt.f32 v31, $0.0e+00;
	vm1 =	vgt.f32 v31, $0.0e+00  }
0x29d: {  	v35 =	vld [tilespmem:s24+$0x2010];
	v34 =	vor.u32 v34, v1;
	vm1 =	vmor vm1, vm0;
	vm0 =	vlt.f32 v29, $0.0e+00  }
0x29e: {  	v32 =	vor.u32 v32, v1;
	v31 =	vsel vm1, v34, v31;
	vm1 =	vgt.f32 v29, $0.0e+00  }
0x29f: {  	v34 =	vand.u32 $0x80000000, v30;
	vm2 =	vlt.f32 v30, $0.0e+00;
	vm3 =	vgt.f32 v30, $0.0e+00  }
0x2a0: {  	v31 =	vmul.f32 $5.000000000e-01, v31;
	v34 =	vor.u32 v34, v1;
	vm2 =	vmor vm3, vm2  }
0x2a1: {  	v30 =	vsel vm2, v34, v30;
	v34 =	vand.u32 $0x80000000, v33;
	vm2 =	vlt.f32 v33, $0.0e+00  }
0x2a2: {  	v36 =	vand.u32 $0x80000000, v35;
	vm3 =	vlt.f32 v35, $0.0e+00;
	vm4 =	vgt.f32 v35, $0.0e+00  }
0x2a3: {  	v36 =	vor.u32 v36, v1;
	vm3 =	vmor vm4, vm3;
	vm4 =	vgt.f32 v33, $0.0e+00  }
0x2a4: {  	v34 =	vor.u32 v34, v1;
	v35 =	vsel vm3, v36, v35;
	vm2 =	vmor vm4, vm2  }
0x2a5: {  	v30 =	vmul.f32 $5.000000000e-01, v30;
	v35 =	vmul.f32 $5.000000000e-01, v35;
	v33 =	vsel vm2, v34, v33  }
0x2a6: {  	vm0 =	vmor vm1, vm0;
	v31 =	vadd.f32 $5.000000000e-01, v31;
	v33 =	vmul.f32 $5.000000000e-01, v33  }
0x2a7: {  	v29 =	vsel vm0, v32, v29;
	v30 =	vadd.f32 $5.000000000e-01, v30;
	v34 =	vadd.f32 $5.000000000e-01, v35  }
0x2a8: {  	v29 =	vmul.f32 $5.000000000e-01, v29;
	v31 =	vtrunc.f32 v31;
	v32 =	vadd.f32 $5.000000000e-01, v33  }
0x2a9: {  	v30 =	vtrunc.f32 v30;
	v33 =	vtrunc.f32 v34  }
0x2aa: {  	v29 =	vadd.f32 $5.000000000e-01, v29;
	v33 =	vcvt.f32.s32 v33;
	v32 =	vtrunc.f32 v32  }
0x2ab: {  	v30 =	vcvt.f32.s32 v30;
	v32 =	vcvt.f32.s32 v32  }
0x2ac: {  	v31 =	vcvt.f32.s32 v31;
	v29 =	vtrunc.f32 v29;
	v33 =	vshll.u32 v33, $0x1  }
0x2ad: {  	v29 =	vcvt.f32.s32 v29;
	v30 =	vor.u32 v30, v33;
	v32 =	vshll.u32 v32, $0x2  }
0x2ae: {  	v28 =	vcvt.f32.s32 v28;
	v31 =	vshll.u32 v31, $0x3;
	v30 =	vor.u32 v32, v30  }
0x2af: {  	v27 =	vcvt.f32.s32 v27;
	v29 =	vshll.u32 v29, $0x4;
	v30 =	vor.u32 v31, v30  }
0x2b0: {  	v26 =	vcvt.f32.s32 v26;
	v28 =	vshll.u32 v28, $0x5;
	v29 =	vor.u32 v29, v30  }
0x2b1: {  	v25 =	vcvt.f32.s32 v25;
	v27 =	vshll.u32 v27, $0x6;
	v28 =	vor.u32 v28, v29  }
0x2b2: {  	v24 =	vcvt.f32.s32 v24;
	v26 =	vshll.u32 v26, $0x7;
	v27 =	vor.u32 v27, v28  }
0x2b3: {  	v23 =	vcvt.f32.s32 v23;
	v25 =	vshll.u32 v25, $0x8;
	v26 =	vor.u32 v26, v27  }
0x2b4: {  	v22 =	vcvt.f32.s32 v22;
	v24 =	vshll.u32 v24, $0x9;
	v25 =	vor.u32 v25, v26  }
0x2b5: {  	v21 =	vcvt.f32.s32 v21;
	v23 =	vshll.u32 v23, $0xA;
	v24 =	vor.u32 v24, v25  }
0x2b6: {  	v20 =	vcvt.f32.s32 v20;
	v22 =	vshll.u32 v22, $0xB;
	v23 =	vor.u32 v23, v24  }
0x2b7: {  	v19 =	vcvt.f32.s32 v19;
	v21 =	vshll.u32 v21, $0xC;
	v22 =	vor.u32 v22, v23  }
0x2b8: {  	v18 =	vcvt.f32.s32 v18;
	v20 =	vshll.u32 v20, $0xD;
	v21 =	vor.u32 v21, v22  }
0x2b9: {  	v17 =	vcvt.f32.s32 v17;
	v19 =	vshll.u32 v19, $0xE;
	v20 =	vor.u32 v20, v21  }
0x2ba: {  	v16 =	vcvt.f32.s32 v16;
	v18 =	vshll.u32 v18, $0xF;
	v19 =	vor.u32 v19, v20  }
0x2bb: {  	v15 =	vcvt.f32.s32 v15;
	v17 =	vshll.u32 v17, $0x10;
	v18 =	vor.u32 v18, v19  }
0x2bc: {  	v14 =	vcvt.f32.s32 v14;
	v16 =	vshll.u32 v16, $0x11;
	v17 =	vor.u32 v17, v18  }
0x2bd: {  	v13 =	vcvt.f32.s32 v13;
	v15 =	vshll.u32 v15, $0x12;
	v16 =	vor.u32 v16, v17  }
0x2be: {  	v12 =	vcvt.f32.s32 v12;
	v14 =	vshll.u32 v14, $0x13;
	v15 =	vor.u32 v15, v16  }
0x2bf: {  	v11 =	vcvt.f32.s32 v11;
	v13 =	vshll.u32 v13, $0x14;
	v14 =	vor.u32 v14, v15  }
0x2c0: {  	v10 =	vcvt.f32.s32 v10;
	v12 =	vshll.u32 v12, $0x15;
	v13 =	vor.u32 v13, v14  }
0x2c1: {  	v9 =	vcvt.f32.s32 v9;
	v11 =	vshll.u32 v11, $0x16;
	v12 =	vor.u32 v12, v13  }
0x2c2: {  	v8 =	vcvt.f32.s32 v8;
	v10 =	vshll.u32 v10, $0x17;
	v11 =	vor.u32 v11, v12  }
0x2c3: {  	v7 =	vcvt.f32.s32 v7;
	v9 =	vshll.u32 v9, $0x18;
	v10 =	vor.u32 v10, v11  }
0x2c4: {  	v6 =	vcvt.f32.s32 v6;
	v8 =	vshll.u32 v8, $0x19;
	v9 =	vor.u32 v9, v10  }
0x2c5: {  	v5 =	vcvt.f32.s32 v5;
	v7 =	vshll.u32 v7, $0x1A;
	v8 =	vor.u32 v8, v9  }
0x2c6: {  	v4 =	vcvt.f32.s32 v4;
	v6 =	vshll.u32 v6, $0x1B;
	v7 =	vor.u32 v7, v8  }
0x2c7: {  	v3 =	vcvt.f32.s32 v3;
	v5 =	vshll.u32 v5, $0x1C;
	v6 =	vor.u32 v6, v7  }
0x2c8: {  	v2 =	vcvt.f32.s32 v2;
	v4 =	vshll.u32 v4, $0x1D;
	v5 =	vor.u32 v5, v6  }
0x2c9: {  	v3 =	vshll.u32 v3, $0x1E;
	v4 =	vor.u32 v4, v5  }
0x2ca: {  	s23 =	sadd.s32 $0x80, s23;
	v2 =	vshll.u32 v2, $0x1F;
	v3 =	vor.u32 v3, v4  }
0x2cb: {  	s0 =	sand.u32 $0x3000, s25;
	s22 =	sadd.s32 $0x10, s22;
	s2 =	sand.u32 $0x380, s23;
	v2 =	vor.u32 v2, v3  }
0x2cc: {  	s24 =	sor.u32 s2, s0;
	[tilespmem:s22+$0x0] =	vst v2  }
0x2cd: {  	v2 =	vld [tilespmem:s24+$0x2C70];
	_ =	sdelay $0x2  }
0x2ce: {  	v3 =	vld [tilespmem:s24+$0x2C60];
	_ =	sdelay $0x1  }
0x2cf: {  	v4 =	vand.u32 $0x80000000, v2;
	vm0 =	vlt.f32 v2, $0.0e+00;
	vm1 =	vgt.f32 v2, $0.0e+00  }
0x2d0: {  	v4 =	vor.u32 v4, v1;
	vm0 =	vmor vm1, vm0  }
0x2d1: {  	v5 =	vld [tilespmem:s24+$0x2C50];
	v2 =	vsel vm0, v4, v2  }
0x2d2: {  	v4 =	vand.u32 $0x80000000, v3;
	vm0 =	vlt.f32 v3, $0.0e+00;
	vm1 =	vgt.f32 v3, $0.0e+00  }
0x2d3: {  	v2 =	vmul.f32 $5.000000000e-01, v2;
	v4 =	vor.u32 v4, v1;
	vm0 =	vmor vm1, vm0  }
0x2d4: {  	v6 =	vld [tilespmem:s24+$0x2C40];
	v3 =	vsel vm0, v4, v3  }
0x2d5: {  	v2 =	vadd.f32 $5.000000000e-01, v2;
	v3 =	vmul.f32 $5.000000000e-01, v3  }
0x2d6: {  	v4 =	vld [tilespmem:s24+$0x2C30];
	v7 =	vand.u32 $0x80000000, v5;
	vm0 =	vlt.f32 v5, $0.0e+00;
	vm1 =	vgt.f32 v5, $0.0e+00  }
0x2d7: {  	v7 =	vor.u32 v7, v1;
	vm0 =	vmor vm1, vm0  }
0x2d8: {  	v2 =	vtrunc.f32 v2;
	v3 =	vadd.f32 $5.000000000e-01, v3;
	v5 =	vsel vm0, v7, v5  }
0x2d9: {  	v7 =	vld [tilespmem:s24+$0x2C20];
	v8 =	vand.u32 $0x80000000, v6;
	vm0 =	vlt.f32 v6, $0.0e+00;
	vm1 =	vgt.f32 v6, $0.0e+00  }
0x2da: {  	v5 =	vmul.f32 $5.000000000e-01, v5;
	v8 =	vor.u32 v8, v1;
	vm0 =	vmor vm1, vm0  }
0x2db: {  	v9 =	vand.u32 $0x80000000, v4;
	vm1 =	vlt.f32 v4, $0.0e+00;
	vm2 =	vgt.f32 v4, $0.0e+00  }
0x2dc: {  	v6 =	vsel vm0, v8, v6;
	v9 =	vor.u32 v9, v1;
	vm1 =	vmor vm2, vm1  }
0x2dd: {  	v5 =	vadd.f32 $5.000000000e-01, v5;
	v6 =	vmul.f32 $5.000000000e-01, v6;
	v8 =	vld [tilespmem:s24+$0x2C10];
	v4 =	vsel vm1, v9, v4  }
0x2de: {  	v9 =	vand.u32 $0x80000000, v7;
	vm0 =	vlt.f32 v7, $0.0e+00;
	vm1 =	vgt.f32 v7, $0.0e+00  }
0x2df: {  	v10 =	vmul.f32 $5.000000000e-01, v4;
	v9 =	vor.u32 v9, v1;
	vm0 =	vmor vm1, vm0  }
0x2e0: {  	v3 =	vtrunc.f32 v3;
	v4 =	vtrunc.f32 v5;
	v11 =	vld [tilespmem:s24+$0x2C00];
	v7 =	vsel vm0, v9, v7  }
0x2e1: {  	v5 =	vadd.f32 $5.000000000e-01, v6;
	v9 =	vadd.f32 $5.000000000e-01, v10;
	v7 =	vmul.f32 $5.000000000e-01, v7  }
0x2e2: {  	v10 =	vld [tilespmem:s24+$0x2870];
	v6 =	vand.u32 $0x80000000, v8;
	vm0 =	vlt.f32 v8, $0.0e+00;
	vm1 =	vgt.f32 v8, $0.0e+00  }
0x2e3: {  	v5 =	vtrunc.f32 v5;
	v6 =	vor.u32 v6, v1;
	vm0 =	vmor vm1, vm0  }
0x2e4: {  	v7 =	vadd.f32 $5.000000000e-01, v7;
	v8 =	vsel vm0, v6, v8;
	v6 =	vtrunc.f32 v9  }
0x2e5: {  	v9 =	vld [tilespmem:s24+$0x2860];
	v12 =	vand.u32 $0x80000000, v11;
	vm0 =	vlt.f32 v11, $0.0e+00;
	vm1 =	vgt.f32 v11, $0.0e+00  }
0x2e6: {  	v8 =	vmul.f32 $5.000000000e-01, v8;
	v12 =	vor.u32 v12, v1;
	vm0 =	vmor vm1, vm0  }
0x2e7: {  	v13 =	vand.u32 $0x80000000, v10;
	vm1 =	vlt.f32 v10, $0.0e+00;
	vm2 =	vgt.f32 v10, $0.0e+00  }
0x2e8: {  	v11 =	vsel vm0, v12, v11;
	v13 =	vor.u32 v13, v1;
	vm1 =	vmor vm2, vm1  }
0x2e9: {  	v8 =	vadd.f32 $5.000000000e-01, v8;
	v11 =	vmul.f32 $5.000000000e-01, v11;
	v12 =	vld [tilespmem:s24+$0x2850];
	v10 =	vsel vm1, v13, v10  }
0x2ea: {  	v13 =	vand.u32 $0x80000000, v9;
	vm0 =	vlt.f32 v9, $0.0e+00;
	vm1 =	vgt.f32 v9, $0.0e+00  }
0x2eb: {  	v10 =	vmul.f32 $5.000000000e-01, v10;
	v13 =	vor.u32 v13, v1;
	vm0 =	vmor vm1, vm0  }
0x2ec: {  	v7 =	vtrunc.f32 v7;
	v8 =	vtrunc.f32 v8;
	v14 =	vld [tilespmem:s24+$0x2840];
	v9 =	vsel vm0, v13, v9  }
0x2ed: {  	v10 =	vadd.f32 $5.000000000e-01, v10;
	v13 =	vmul.f32 $5.000000000e-01, v9;
	v9 =	vadd.f32 $5.000000000e-01, v11  }
0x2ee: {  	v11 =	vld [tilespmem:s24+$0x2830];
	v15 =	vand.u32 $0x80000000, v12;
	vm0 =	vlt.f32 v12, $0.0e+00;
	vm1 =	vgt.f32 v12, $0.0e+00  }
0x2ef: {  	v15 =	vor.u32 v15, v1;
	vm0 =	vmor vm1, vm0;
	v9 =	vtrunc.f32 v9  }
0x2f0: {  	v10 =	vtrunc.f32 v10;
	v13 =	vadd.f32 $5.000000000e-01, v13;
	v12 =	vsel vm0, v15, v12  }
0x2f1: {  	v15 =	vld [tilespmem:s24+$0x2820];
	v16 =	vand.u32 $0x80000000, v14;
	vm0 =	vlt.f32 v14, $0.0e+00;
	vm1 =	vgt.f32 v14, $0.0e+00  }
0x2f2: {  	v12 =	vmul.f32 $5.000000000e-01, v12;
	v16 =	vor.u32 v16, v1;
	vm0 =	vmor vm1, vm0  }
0x2f3: {  	v17 =	vand.u32 $0x80000000, v11;
	vm1 =	vlt.f32 v11, $0.0e+00;
	vm2 =	vgt.f32 v11, $0.0e+00  }
0x2f4: {  	v14 =	vsel vm0, v16, v14;
	v17 =	vor.u32 v17, v1;
	vm1 =	vmor vm2, vm1  }
0x2f5: {  	v12 =	vadd.f32 $5.000000000e-01, v12;
	v14 =	vmul.f32 $5.000000000e-01, v14;
	v16 =	vld [tilespmem:s24+$0x2810];
	v11 =	vsel vm1, v17, v11  }
0x2f6: {  	v17 =	vand.u32 $0x80000000, v15;
	vm0 =	vlt.f32 v15, $0.0e+00;
	vm1 =	vgt.f32 v15, $0.0e+00  }
0x2f7: {  	v18 =	vmul.f32 $5.000000000e-01, v11;
	v17 =	vor.u32 v17, v1;
	vm0 =	vmor vm1, vm0  }
0x2f8: {  	v12 =	vtrunc.f32 v12;
	v11 =	vtrunc.f32 v13;
	v19 =	vld [tilespmem:s24+$0x2800];
	v15 =	vsel vm0, v17, v15  }
0x2f9: {  	v13 =	vadd.f32 $5.000000000e-01, v14;
	v17 =	vadd.f32 $5.000000000e-01, v18;
	v15 =	vmul.f32 $5.000000000e-01, v15  }
0x2fa: {  	v18 =	vld [tilespmem:s24+$0x2470];
	v14 =	vand.u32 $0x80000000, v16;
	vm0 =	vlt.f32 v16, $0.0e+00;
	vm1 =	vgt.f32 v16, $0.0e+00  }
0x2fb: {  	v13 =	vtrunc.f32 v13;
	v14 =	vor.u32 v14, v1;
	vm0 =	vmor vm1, vm0  }
0x2fc: {  	v15 =	vadd.f32 $5.000000000e-01, v15;
	v16 =	vsel vm0, v14, v16;
	v14 =	vtrunc.f32 v17  }
0x2fd: {  	v17 =	vld [tilespmem:s24+$0x2460];
	v20 =	vand.u32 $0x80000000, v19;
	vm0 =	vlt.f32 v19, $0.0e+00;
	vm1 =	vgt.f32 v19, $0.0e+00  }
0x2fe: {  	v16 =	vmul.f32 $5.000000000e-01, v16;
	v20 =	vor.u32 v20, v1;
	vm0 =	vmor vm1, vm0  }
0x2ff: {  	v21 =	vand.u32 $0x80000000, v18;
	vm1 =	vlt.f32 v18, $0.0e+00;
	vm2 =	vgt.f32 v18, $0.0e+00  }
0x300: {  	v19 =	vsel vm0, v20, v19;
	v21 =	vor.u32 v21, v1;
	vm1 =	vmor vm2, vm1  }
0x301: {  	v16 =	vadd.f32 $5.000000000e-01, v16;
	v19 =	vmul.f32 $5.000000000e-01, v19;
	v20 =	vld [tilespmem:s24+$0x2450];
	v18 =	vsel vm1, v21, v18  }
0x302: {  	v21 =	vand.u32 $0x80000000, v17;
	vm0 =	vlt.f32 v17, $0.0e+00;
	vm1 =	vgt.f32 v17, $0.0e+00  }
0x303: {  	v18 =	vmul.f32 $5.000000000e-01, v18;
	v21 =	vor.u32 v21, v1;
	vm0 =	vmor vm1, vm0  }
0x304: {  	v15 =	vtrunc.f32 v15;
	v16 =	vtrunc.f32 v16;
	v22 =	vld [tilespmem:s24+$0x2440];
	v17 =	vsel vm0, v21, v17  }
0x305: {  	v18 =	vadd.f32 $5.000000000e-01, v18;
	v21 =	vmul.f32 $5.000000000e-01, v17;
	v17 =	vadd.f32 $5.000000000e-01, v19  }
0x306: {  	v19 =	vld [tilespmem:s24+$0x2430];
	v23 =	vand.u32 $0x80000000, v20;
	vm0 =	vlt.f32 v20, $0.0e+00;
	vm1 =	vgt.f32 v20, $0.0e+00  }
0x307: {  	v23 =	vor.u32 v23, v1;
	vm0 =	vmor vm1, vm0;
	v17 =	vtrunc.f32 v17  }
0x308: {  	v18 =	vtrunc.f32 v18;
	v21 =	vadd.f32 $5.000000000e-01, v21;
	v20 =	vsel vm0, v23, v20  }
0x309: {  	v23 =	vld [tilespmem:s24+$0x2420];
	v24 =	vand.u32 $0x80000000, v22;
	vm0 =	vlt.f32 v22, $0.0e+00;
	vm1 =	vgt.f32 v22, $0.0e+00  }
0x30a: {  	v20 =	vmul.f32 $5.000000000e-01, v20;
	v24 =	vor.u32 v24, v1;
	vm0 =	vmor vm1, vm0  }
0x30b: {  	v25 =	vand.u32 $0x80000000, v19;
	vm1 =	vlt.f32 v19, $0.0e+00;
	vm2 =	vgt.f32 v19, $0.0e+00  }
0x30c: {  	v22 =	vsel vm0, v24, v22;
	v25 =	vor.u32 v25, v1;
	vm1 =	vmor vm2, vm1  }
0x30d: {  	v20 =	vadd.f32 $5.000000000e-01, v20;
	v22 =	vmul.f32 $5.000000000e-01, v22;
	v24 =	vld [tilespmem:s24+$0x2410];
	v19 =	vsel vm1, v25, v19  }
0x30e: {  	v25 =	vand.u32 $0x80000000, v23;
	vm0 =	vlt.f32 v23, $0.0e+00;
	vm1 =	vgt.f32 v23, $0.0e+00  }
0x30f: {  	v26 =	vmul.f32 $5.000000000e-01, v19;
	v25 =	vor.u32 v25, v1;
	vm0 =	vmor vm1, vm0  }
0x310: {  	v20 =	vtrunc.f32 v20;
	v19 =	vtrunc.f32 v21;
	v27 =	vld [tilespmem:s24+$0x2400];
	v23 =	vsel vm0, v25, v23  }
0x311: {  	v21 =	vadd.f32 $5.000000000e-01, v22;
	v25 =	vadd.f32 $5.000000000e-01, v26;
	v23 =	vmul.f32 $5.000000000e-01, v23  }
0x312: {  	v26 =	vld [tilespmem:s24+$0x2070];
	v22 =	vand.u32 $0x80000000, v24;
	vm0 =	vlt.f32 v24, $0.0e+00;
	vm1 =	vgt.f32 v24, $0.0e+00  }
0x313: {  	v21 =	vtrunc.f32 v21;
	v22 =	vor.u32 v22, v1;
	vm0 =	vmor vm1, vm0  }
0x314: {  	v23 =	vadd.f32 $5.000000000e-01, v23;
	v28 =	vld [tilespmem:s24+$0x2060];
	v24 =	vsel vm0, v22, v24;
	v22 =	vtrunc.f32 v25  }
0x315: {  	v25 =	vand.u32 $0x80000000, v27;
	vm0 =	vlt.f32 v27, $0.0e+00;
	vm1 =	vgt.f32 v27, $0.0e+00  }
0x316: {  	v24 =	vmul.f32 $5.000000000e-01, v24;
	v30 =	vld [tilespmem:s24+$0x2050];
	v25 =	vor.u32 v25, v1;
	vm0 =	vmor vm1, vm0  }
0x317: {  	v29 =	vand.u32 $0x80000000, v26;
	vm1 =	vlt.f32 v26, $0.0e+00;
	vm2 =	vgt.f32 v26, $0.0e+00  }
0x318: {  	v25 =	vsel vm0, v25, v27;
	v29 =	vor.u32 v29, v1;
	vm1 =	vmor vm2, vm1  }
0x319: {  	v25 =	vmul.f32 $5.000000000e-01, v25;
	v27 =	vand.u32 $0x80000000, v28;
	v26 =	vsel vm1, v29, v26  }
0x31a: {  	vm0 =	vlt.f32 v28, $0.0e+00;
	vm1 =	vgt.f32 v28, $0.0e+00;
	v27 =	vor.u32 v27, v1  }
0x31b: {  	v29 =	vand.u32 $0x80000000, v30;
	vm2 =	vlt.f32 v30, $0.0e+00;
	vm3 =	vgt.f32 v30, $0.0e+00  }
0x31c: {  	vm0 =	vmor vm1, vm0;
	v31 =	vor.u32 v29, v1;
	vm2 =	vmor vm3, vm2  }
0x31d: {  	v26 =	vmul.f32 $5.000000000e-01, v26;
	v27 =	vsel vm0, v27, v28;
	v29 =	vld [tilespmem:s24+$0x2040];
	v30 =	vsel vm2, v31, v30  }
.Ltmp1:
0x31e: {  	v24 =	vadd.f32 $5.000000000e-01, v24;
	v27 =	vmul.f32 $5.000000000e-01, v27;
	v31 =	vld [tilespmem:s24+$0x2030];
	v28 =	vmul.f32 $5.000000000e-01, v30;
	(pc) =	sbr.rel @p0 .LBB2_4-.Ltmp1, $4  }
0x31f: {  	v23 =	vtrunc.f32 v23;
	v25 =	vadd.f32 $5.000000000e-01, v25;
	v26 =	vadd.f32 $5.000000000e-01, v26  }
0x320: {  	v24 =	vtrunc.f32 v24;
	v27 =	vadd.f32 $5.000000000e-01, v27;
	v28 =	vadd.f32 $5.000000000e-01, v28  }
0x321: {  	v25 =	vtrunc.f32 v25;
	v26 =	vtrunc.f32 v26;
	v30 =	vld [tilespmem:s24+$0x2000]  }
0x322: {  	s25 =	sadd.s32 $0x200, s25;
	v27 =	vtrunc.f32 v27;
	v32 =	vand.u32 $0x80000000, v29;
	v28 =	vtrunc.f32 v28  }
0x323: {  	v33 =	vld [tilespmem:s24+$0x2020];
	v34 =	vand.u32 $0x80000000, v31;
	vm0 =	vlt.f32 v31, $0.0e+00;
	vm1 =	vgt.f32 v31, $0.0e+00  }
0x324: {  	v35 =	vld [tilespmem:s24+$0x2010];
	vm11 =	vlt.f32 v29, $0.0e+00;
	v34 =	vor.u32 v34, v1;
	vm0 =	vmor vm1, vm0  }
0x325: {  	v32 =	vor.u32 v32, v1;
	vm12 =	vgt.f32 v29, $0.0e+00;
	v56 =	vsel vm0, v34, v31  }
0x326: {  	v57 =	vand.u32 $0x80000000, v30;
	vm2 =	vlt.f32 v30, $0.0e+00;
	vm3 =	vgt.f32 v30, $0.0e+00  }
0x327: {  	v31 =	vmul.f32 $5.000000000e-01, v56;
	v34 =	vor.u32 v57, v1;
	vm2 =	vmor vm3, vm2  }
0x328: {  	v58 =	vsel vm2, v34, v30;
	v59 =	vand.u32 $0x80000000, v33;
	vm13 =	vlt.f32 v33, $0.0e+00  }
0x329: {  	v36 =	vand.u32 $0x80000000, v35;
	vm14 =	vlt.f32 v35, $0.0e+00;
	vm4 =	vgt.f32 v35, $0.0e+00  }
0x32a: {  	vm15 =	vgt.f32 v33, $0.0e+00;
	v36 =	vor.u32 v36, v1;
	vm3 =	vmor vm4, vm14  }
0x32b: {  	v34 =	vor.u32 v59, v1;
	vm2 =	vmor vm15, vm13;
	v35 =	vsel vm3, v36, v35  }
0x32c: {  	v30 =	vmul.f32 $5.000000000e-01, v58;
	v33 =	vsel vm2, v34, v33;
	v35 =	vmul.f32 $5.000000000e-01, v35  }
0x32d: {  	vm0 =	vmor vm12, vm11;
	v31 =	vadd.f32 $5.000000000e-01, v31;
	v33 =	vmul.f32 $5.000000000e-01, v33  }
0x32e: {  	v61 =	vsel vm0, v32, v29;
	v30 =	vadd.f32 $5.000000000e-01, v30;
	v60 =	vadd.f32 $5.000000000e-01, v35  }
0x32f: {  	v29 =	vmul.f32 $5.000000000e-01, v61;
	v31 =	vtrunc.f32 v31;
	v62 =	vadd.f32 $5.000000000e-01, v33  }
0x330: {  	v30 =	vtrunc.f32 v30;
	v63 =	vtrunc.f32 v60  }
0x331: {  	v29 =	vadd.f32 $5.000000000e-01, v29;
	v32 =	vtrunc.f32 v62;
	v33 =	vcvt.f32.s32 v63  }
0x332: {  	v30 =	vcvt.f32.s32 v30;
	v32 =	vcvt.f32.s32 v32  }
0x333: {  	v31 =	vcvt.f32.s32 v31;
	v29 =	vtrunc.f32 v29;
	v33 =	vshll.u32 v33, $0x1  }
0x334: {  	v29 =	vcvt.f32.s32 v29;
	v32 =	vshll.u32 v32, $0x2;
	v30 =	vor.u32 v30, v33  }
0x335: {  	v28 =	vcvt.f32.s32 v28;
	v31 =	vshll.u32 v31, $0x3;
	v30 =	vor.u32 v32, v30  }
0x336: {  	v27 =	vcvt.f32.s32 v27;
	v29 =	vshll.u32 v29, $0x4;
	v30 =	vor.u32 v31, v30  }
0x337: {  	v26 =	vcvt.f32.s32 v26;
	v28 =	vshll.u32 v28, $0x5;
	v29 =	vor.u32 v29, v30  }
0x338: {  	v25 =	vcvt.f32.s32 v25;
	v27 =	vshll.u32 v27, $0x6;
	v28 =	vor.u32 v28, v29  }
0x339: {  	v24 =	vcvt.f32.s32 v24;
	v26 =	vshll.u32 v26, $0x7;
	v27 =	vor.u32 v27, v28  }
0x33a: {  	v23 =	vcvt.f32.s32 v23;
	v25 =	vshll.u32 v25, $0x8;
	v26 =	vor.u32 v26, v27  }
0x33b: {  	v22 =	vcvt.f32.s32 v22;
	v24 =	vshll.u32 v24, $0x9;
	v25 =	vor.u32 v25, v26  }
0x33c: {  	v21 =	vcvt.f32.s32 v21;
	v23 =	vshll.u32 v23, $0xA;
	v24 =	vor.u32 v24, v25  }
0x33d: {  	v20 =	vcvt.f32.s32 v20;
	v22 =	vshll.u32 v22, $0xB;
	v23 =	vor.u32 v23, v24  }
0x33e: {  	v19 =	vcvt.f32.s32 v19;
	v21 =	vshll.u32 v21, $0xC;
	v22 =	vor.u32 v22, v23  }
0x33f: {  	v18 =	vcvt.f32.s32 v18;
	v20 =	vshll.u32 v20, $0xD;
	v21 =	vor.u32 v21, v22  }
0x340: {  	v17 =	vcvt.f32.s32 v17;
	v19 =	vshll.u32 v19, $0xE;
	v20 =	vor.u32 v20, v21  }
0x341: {  	v16 =	vcvt.f32.s32 v16;
	v18 =	vshll.u32 v18, $0xF;
	v19 =	vor.u32 v19, v20  }
0x342: {  	v15 =	vcvt.f32.s32 v15;
	v17 =	vshll.u32 v17, $0x10;
	v18 =	vor.u32 v18, v19  }
0x343: {  	v14 =	vcvt.f32.s32 v14;
	v16 =	vshll.u32 v16, $0x11;
	v17 =	vor.u32 v17, v18  }
0x344: {  	v13 =	vcvt.f32.s32 v13;
	v15 =	vshll.u32 v15, $0x12;
	v16 =	vor.u32 v16, v17  }
0x345: {  	v12 =	vcvt.f32.s32 v12;
	v14 =	vshll.u32 v14, $0x13;
	v15 =	vor.u32 v15, v16  }
0x346: {  	v11 =	vcvt.f32.s32 v11;
	v13 =	vshll.u32 v13, $0x14;
	v14 =	vor.u32 v14, v15  }
0x347: {  	v10 =	vcvt.f32.s32 v10;
	v12 =	vshll.u32 v12, $0x15;
	v13 =	vor.u32 v13, v14  }
0x348: {  	v9 =	vcvt.f32.s32 v9;
	v11 =	vshll.u32 v11, $0x16;
	v12 =	vor.u32 v12, v13  }
0x349: {  	v8 =	vcvt.f32.s32 v8;
	v10 =	vshll.u32 v10, $0x17;
	v11 =	vor.u32 v11, v12  }
0x34a: {  	v7 =	vcvt.f32.s32 v7;
	v9 =	vshll.u32 v9, $0x18;
	v10 =	vor.u32 v10, v11  }
0x34b: {  	v6 =	vcvt.f32.s32 v6;
	v8 =	vshll.u32 v8, $0x19;
	v9 =	vor.u32 v9, v10  }
0x34c: {  	v5 =	vcvt.f32.s32 v5;
	v7 =	vshll.u32 v7, $0x1A;
	v8 =	vor.u32 v8, v9  }
0x34d: {  	v4 =	vcvt.f32.s32 v4;
	v6 =	vshll.u32 v6, $0x1B;
	v7 =	vor.u32 v7, v8  }
0x34e: {  	v3 =	vcvt.f32.s32 v3;
	v5 =	vshll.u32 v5, $0x1C;
	v6 =	vor.u32 v6, v7  }
0x34f: {  	v2 =	vcvt.f32.s32 v2;
	v4 =	vshll.u32 v4, $0x1D;
	v5 =	vor.u32 v5, v6  }
0x350: {  	v3 =	vshll.u32 v3, $0x1E;
	v4 =	vor.u32 v4, v5  }
0x351: {  	v2 =	vshll.u32 v2, $0x1F;
	v3 =	vor.u32 v3, v4  }
0x352: {  	s0 =	sadd.s32 $0x10, s22;
	v2 =	vor.u32 v2, v3  }
0x353: {  	[tilespmem:s0+$0x0] =	vst v2  }
0x354: {  	[spmem:s7] =	stream.linear.scatter [tilespmem:s15], [sflag:$0x1], $0x100, $0x38;
	[tilespmem:$0xB600] =	vst v63  }
0x355: {  	_ =	swait.ge [sflag:s14], $0x100  }
0x356: {  	[sflag:s14] =	ssyncset.done $0x0  }
0x357: {  	s29 =	simm.s32 $0xA100;
	[sflag:s14] =	ssyncadd.s32 $0xFFFFFF00  }
0x358: {  	[spmem:s8] =	stream.linear.scatter [tilespmem:s29], [sflag:$0x1], $0x200, $0x38;
	[tilespmem:$0xB600] =	vst v63  }
0x359: {  	_ =	swait.ge [sflag:s14], $0x200  }
0x35a: {  	[sflag:s14] =	ssyncset.done $0x0  }
0x35b: {  	[sflag:s14] =	ssyncadd.s32 $0xFFFFFE00  }
0x35c: {  	s30 =	simm.s32 $0x7000;
	[bflag:$0x0] =	sbarrier.arrive $0xFFFF  }
0x35d: {  	[tilespmem:s30], [sflag:$0x1] =	stream.linear.gather [spmem:s1], $0x1000, $0x38;
	[tilespmem:$0xB600] =	vst v63  }
0x35e: {  	_ =	swait.ge [sflag:s14], $0x1000  }
0x35f: {  	[sflag:s14] =	ssyncset.done $0x0  }
0x360: {  	s31 =	simm.s32 $0x8000;
	[sflag:s14] =	ssyncadd.s32 $0xFFFFF000  }
0x361: {  	[tilespmem:s31], [sflag:$0x1] =	stream.linear.gather [spmem:s5], $0x2000, $0x38;
	[tilespmem:$0xB600] =	vst v63  }
0x362: {  	_ =	swait.ge [sflag:s14], $0x2000  }
0x363: {  	[sflag:s14] =	ssyncset.done $0x0  }
0x364: {  	s22 =	simm.s32 $0x0;
	[sflag:s14] =	ssyncadd.s32 $0xFFFFE000  }
0x365: {  	[tilespmem:s19], [sflag:$0x1] =	stream.linear.gather [hbm4b:s9+s22], $0x1000, $0x38;
	[tilespmem:$0xB600] =	vst v63  }
0x366: {  	_ =	swait.ge [sflag:s14], $0x1000  }
0x367: {  	[sflag:s14] =	ssyncset.done $0x0  }
0x368: {  	s23 =	simm.s32 $0x0;
	[sflag:s14] =	ssyncadd.s32 $0xFFFFF000  }
.LBB2_6:
0x369: {  	s0 =	sshll.u32 s23, $0xB  }
0x36a: {  	s24 =	sshrl.u32 s0, $0x2  }
0x36b: {  	s0 =	sadd.s32 $0x6000, s24  }
0x36c: {  	[dreg:$0x6] =	wrdreg s0  }
0x36d: {  	s2 =	sand.u32 $0x180, s22;
	s0 =	rddreg [dreg:$0x6]  }
0x36e: {  	s25 =	sand.u32 $0x70, s22;
	s0 =	sadd.s32 s2, s0  }
0x36f: {  	s0 =	sadd.s32 s25, s0  }
0x370: {  	v2 =	vld [tilespmem:s0+$0x0];
	_ =	sdelay $0x4  }
0x371: {  	v2 =	vmul.f32 $2.550000000e+02, v2;
	_ =	sdelay $0x1  }
0x372: {  	v2 =	vadd.f32 $5.000000000e-01, v2;
	_ =	sdelay $0x1  }
0x373: {  	v2 =	vtrunc.f32 v2  }
0x374: {  	v2 =	vcvt.f32.s32 v2;
	_ =	sdelay $0x1  }
0x375: {  	vm0 =	vgt.s32 v2, $0x0  }
0x376: {  	v2 =	vnsel vm0, $0x0, v2  }
0x377: {  	v2 =	vmin.u32 v2, $0xFF  }
0x378: {  	v2 =	vshll.u32 v2, $0x4  }
0x379: {  	(v2sf) =	vpush v2, $0xF  }
0x37a: {  	(v2sf) =	vpush v2, $0xD  }
0x37b: {  	(v2sf) =	vpush v2, $0x8  }
0x37c: {  	(v2sf) =	vpush v2, $0x7  }
0x37d: {  	(v2sf) =	vpush v2, $0x2  }
0x37e: {  	(v2sf) =	vpush v2, $0x6  }
0x37f: {  	(v2sf) =	vpush v2, $0x4  }
0x380: {  	(v2sf) =	vpush v2, $0x1  }
0x381: {  	s25 =	simm.s32 $0x8080;
	(v2sf) =	vpush v2, $0x0  }
0x382: {  	v3 =	vld [tilespmem:s25+$0xFFFFFF90]  }
0x383: {  	v4 =	vld [tilespmem:s25+$0xFFFFFFC0]  }
0x384: {  	v5 =	vld [tilespmem:s25+$0xFFFFFFD0];
	(v2sf) =	vpush v2, $0x3  }
0x385: {  	s17 =	simm.s32 $0x10;
	v6 =	vld [tilespmem:s25+$0x0];
	(v2sf) =	vpush v2, $0x5  }
0x386: {  	s29 =	sand.u32 $0x180, s17;
	s16 =	rddreg [dreg:$0x6];
	v7 =	vld [tilespmem:s25+$0xFFFFFF80]  }
0x387: {  	s2 =	sand.u32 $0x70, s17;
	v8 =	vld [tilespmem:s25+$0xFFFFFFE0];
	s0 =	sadd.s32 s29, s16  }
0x388: {  	v9 =	vld [tilespmem:s25+$0xFFFFFFA0];
	s0 =	sadd.s32 s2, s0;
	(v2sf) =	vpush v2, $0xE;
	s26 =	spop (v2sf)  }
0x389: {  	v12 =	vld [tilespmem:s0+$0x0];
	s28 =	spop (v2sf)  }
0x38a: {  	v10 =	vld [tilespmem:s25+$0xFFFFFFF0];
	s30 =	spop (v2sf)  }
0x38b: {  	(v2sf) =	vpush v2, $0x9;
	s29 =	spop (v2sf);
	v11 =	vld [tilespmem:s30+$0x7000]  }
0x38c: {  	(v2sf) =	vpush v2, $0xB;
	s18 =	spop (v2sf);
	v13 =	vld [tilespmem:s29+$0x7000]  }
0x38d: {  	(v2sf) =	vpush v2, $0xA;
	s16 =	spop (v2sf);
	v14 =	vld [tilespmem:s18+$0x7000]  }
0x38e: {  	(v2sf) =	vpush v2, $0xC;
	v2 =	vmul.f32 $2.550000000e+02, v12;
	s17 =	spop (v2sf);
	v17 =	vld [tilespmem:s16+$0x7000]  }
0x38f: {  	v15 =	vld [tilespmem:s17+$0x7000];
	s18 =	spop (v2sf)  }
0x390: {  	v19 =	vadd.f32 $5.000000000e-01, v2;
	v16 =	vld [tilespmem:s18+$0x7000];
	s16 =	spop (v2sf)  }
0x391: {  	v12 =	vld [tilespmem:s16+$0x7000]  }
0x392: {  	v18 =	vld [tilespmem:s25+$0xFFFFFFB0];
	v10 =	vxor.u32 v13, v10;
	v13 =	vtrunc.f32 v19  }
0x393: {  	v6 =	vxor.u32 v11, v6;
	v11 =	vld [tilespmem:s25+$0x20];
	s17 =	spop (v2sf);
	v13 =	vcvt.f32.s32 v13  }
0x394: {  	s18 =	spop (v2sf);
	v20 =	vld [tilespmem:s17+$0x7000];
	v9 =	vxor.u32 v14, v9  }
0x395: {  	v21 =	vld [tilespmem:s18+$0x7000];
	v8 =	vxor.u32 v17, v8;
	v4 =	vxor.u32 v15, v4;
	vm14 =	vgt.s32 v13, $0x0  }
0x396: {  	v19 =	vld [tilespmem:s28+$0x7000];
	v3 =	vxor.u32 v16, v3;
	v13 =	vnsel vm14, $0x0, v13;
	v7 =	vxor.u32 v12, v7  }
0x397: {  	v14 =	vld [tilespmem:s25+$0x70];
	s16 =	spop (v2sf);
	v12 =	vxor.u32 v8, v10;
	v13 =	vmin.u32 v13, $0xFF;
	v8 =	vand.u32 v8, v10  }
0x398: {  	v23 =	vld [tilespmem:s16+$0x7000];
	v15 =	vxor.u32 v7, v3;
	v17 =	vxor.u32 v12, v6;
	v6 =	vand.u32 v12, v6  }
0x399: {  	v16 =	vld [tilespmem:s25+$0x40];
	v18 =	vxor.u32 v20, v18;
	v3 =	vand.u32 v7, v3;
	v13 =	vshll.u32 v13, $0x4  }
0x39a: {  	s17 =	spop (v2sf);
	v12 =	vld [tilespmem:s25+$0x50];
	v5 =	vxor.u32 v21, v5;
	v20 =	vxor.u32 v15, v9;
	v9 =	vand.u32 v15, v9  }
0x39b: {  	v15 =	vxor.u32 v18, v4;
	v21 =	vld [tilespmem:s17+$0x7000];
	v4 =	vand.u32 v18, v4;
	s29 =	spop (v2sf);
	(v2sf) =	vpush v13, $0xF  }
0x39c: {  	v18 =	vxor.u32 v15, v5;
	v3 =	vor.u32 v3, v9;
	v5 =	vand.u32 v15, v5;
	v10 =	vld [tilespmem:s29+$0x7000]  }
0x39d: {  	s30 =	spop (v2sf);
	(v2sf) =	vpush v13, $0xD;
	v4 =	vor.u32 v4, v5;
	v5 =	vor.u32 v8, v6;
	v6 =	vld [tilespmem:s25+$0x10]  }
0x39e: {  	v9 =	vxor.u32 v20, v18;
	v8 =	vand.u32 v20, v18;
	v18 =	vld [tilespmem:s25+$0x30];
	(v2sf) =	vpush v13, $0x8  }
0x39f: {  	v2 =	vimm.s32 $0x0;
	v7 =	vld [tilespmem:s30+$0x7000];
	(v2sf) =	vpush v13, $0x7  }
0x3a0: {  	s18 =	spop (v2sf);
	v20 =	vand.u32 v3, v4;
	v3 =	vxor.u32 v3, v4;
	v4 =	vld [tilespmem:s25+$0x60];
	(v2sf) =	vpush v13, $0x2  }
0x3a1: {  	v15 =	vand.u32 v9, v17;
	v9 =	vxor.u32 v9, v17;
	v22 =	vld [tilespmem:s18+$0x7000];
	(v2sf) =	vpush v13, $0x6  }
0x3a2: {  	v8 =	vor.u32 v8, v15;
	v12 =	vxor.u32 v19, v12;
	v19 =	vld [tilespmem:s26+$0x7000];
	(v2sf) =	vpush v13, $0x4  }
0x3a3: {  	v15 =	vand.u32 v3, v5;
	v5 =	vxor.u32 v3, v5;
	(v2sf) =	vpush v13, $0x1  }
0x3a4: {  	s25 =	simm.s32 $0x8180;
	v15 =	vor.u32 v20, v15;
	v6 =	vxor.u32 v21, v6;
	(v2sf) =	vpush v13, $0x0  }
0x3a5: {  	v24 =	vld [tilespmem:s25+$0xFFFFFFA0];
	v10 =	vxor.u32 v10, v18;
	v7 =	vxor.u32 v7, v11;
	(v2sf) =	vpush v13, $0x3  }
0x3a6: {  	v25 =	vld [tilespmem:s25+$0xFFFFFFF0];
	v4 =	vxor.u32 v23, v4;
	v16 =	vxor.u32 v22, v16;
	(v2sf) =	vpush v13, $0x5  }
0x3a7: {  	v11 =	vld [tilespmem:s25+$0xFFFFFFC0];
	v18 =	vand.u32 v6, v7;
	v6 =	vxor.u32 v6, v7;
	v7 =	vxor.u32 v19, v14  }
0x3a8: {  	v14 =	vld [tilespmem:s25+$0xFFFFFFD0];
	v20 =	vxor.u32 v16, v12;
	v12 =	vand.u32 v16, v12;
	v21 =	vxor.u32 v6, v10  }
0x3a9: {  	v22 =	vld [tilespmem:s25+$0xFFFFFFE0];
	v6 =	vand.u32 v6, v10;
	v19 =	vxor.u32 v20, v4;
	v4 =	vand.u32 v20, v4  }
0x3aa: {  	v16 =	vld [tilespmem:s25+$0xFFFFFF90];
	v6 =	vor.u32 v18, v6;
	v20 =	vand.u32 v21, v19;
	v4 =	vor.u32 v12, v4  }
0x3ab: {  	v10 =	vld [tilespmem:s25+$0xFFFFFFB0];
	(v2sf) =	vpush v13, $0xE;
	v12 =	vxor.u32 v21, v19;
	v21 =	vxor.u32 v6, v4;
	s26 =	spop (v2sf)  }
0x3ac: {  	v18 =	vld [tilespmem:s25+$0x0];
	v17 =	vxor.u32 v7, v12;
	v7 =	vand.u32 v12, v7;
	v4 =	vand.u32 v6, v4;
	s28 =	spop (v2sf)  }
0x3ad: {  	v19 =	vld [tilespmem:s25+$0xFFFFFF80];
	v23 =	vxor.u32 v8, v21;
	v3 =	vxor.u32 v9, v17;
	v9 =	vand.u32 v9, v17;
	s16 =	spop (v2sf)  }
0x3ae: {  	v8 =	vand.u32 v8, v21;
	v7 =	vor.u32 v20, v7;
	v17 =	vxor.u32 v5, v23;
	s17 =	spop (v2sf);
	v6 =	vld [tilespmem:s16+$0x7000]  }
0x3af: {  	v12 =	vand.u32 v2, v3;
	v4 =	vor.u32 v4, v8;
	v5 =	vand.u32 v5, v23;
	s18 =	spop (v2sf);
	v8 =	vld [tilespmem:s17+$0x7000]  }
0x3b0: {  	v20 =	vxor.u32 v7, v17;
	v7 =	vand.u32 v7, v17;
	(v2sf) =	vpush v13, $0x9;
	s16 =	spop (v2sf);
	v17 =	vld [tilespmem:s18+$0x7000]  }
0x3b1: {  	v26 =	vxor.u32 v15, v4;
	v4 =	vand.u32 v15, v4;
	(v2sf) =	vpush v13, $0xB;
	s17 =	spop (v2sf);
	v23 =	vld [tilespmem:s16+$0x7000]  }
0x3b2: {  	v21 =	vxor.u32 v9, v20;
	v9 =	vand.u32 v9, v20;
	(v2sf) =	vpush v13, $0xA;
	v20 =	vld [tilespmem:s17+$0x7000];
	s18 =	spop (v2sf)  }
0x3b3: {  	s29 =	simm.s32 $0x20;
	v5 =	vor.u32 v5, v7;
	v27 =	vand.u32 v2, v21;
	s30 =	spop (v2sf);
	v28 =	vld [tilespmem:s18+$0x7000];
	(v2sf) =	vpush v13, $0xC  }
0x3b4: {  	v7 =	vxor.u32 v26, v5;
	v5 =	vand.u32 v26, v5;
	v21 =	vxor.u32 v2, v21;
	s16 =	rddreg [dreg:$0x6];
	s17 =	spop (v2sf);
	v13 =	vld [tilespmem:s30+$0x7000];
	s30 =	sand.u32 $0x180, s29  }
0x3b5: {  	v5 =	vor.u32 v4, v5;
	v15 =	vxor.u32 v9, v7;
	v7 =	vand.u32 v9, v7;
	s18 =	sand.u32 $0x70, s29;
	s31 =	spop (v2sf);
	v9 =	vld [tilespmem:s17+$0x7000];
	s2 =	sadd.s32 s30, s16  }
0x3b6: {  	v26 =	vxor.u32 v2, v15;
	v29 =	vand.u32 v2, v15;
	v4 =	vand.u32 v4, v7;
	v15 =	vld [tilespmem:s31+$0x7000];
	s0 =	sadd.s32 s18, s2  }
0x3b7: {  	v5 =	vxor.u32 v7, v5;
	v7 =	vxor.u32 v2, v4;
	v6 =	vxor.u32 v6, v18;
	v31 =	vld [tilespmem:s0+$0x0]  }
0x3b8: {  	v8 =	vxor.u32 v8, v25;
	v25 =	vand.u32 v2, v4;
	v17 =	vxor.u32 v17, v24  }
0x3b9: {  	v11 =	vxor.u32 v20, v11;
	v20 =	vxor.u32 v23, v22;
	v16 =	vxor.u32 v28, v16  }
0x3ba: {  	v18 =	vxor.u32 v20, v8;
	v8 =	vand.u32 v20, v8;
	v13 =	vxor.u32 v13, v19  }
0x3bb: {  	v22 =	vxor.u32 v18, v6;
	v6 =	vand.u32 v18, v6;
	v19 =	vxor.u32 v13, v16  }
0x3bc: {  	v23 =	vld [tilespmem:s25+$0x20];
	v9 =	vxor.u32 v9, v10;
	v10 =	vxor.u32 v15, v14;
	v15 =	vmul.f32 $2.550000000e+02, v31  }
0x3bd: {  	v13 =	vand.u32 v13, v16;
	v14 =	vld [tilespmem:s25+$0x70];
	v18 =	vxor.u32 v19, v17;
	v16 =	vand.u32 v19, v17  }
0x3be: {  	s16 =	spop (v2sf);
	v17 =	vld [tilespmem:s25+$0x40];
	v19 =	vxor.u32 v9, v11;
	v9 =	vand.u32 v9, v11;
	v11 =	vadd.f32 $5.000000000e-01, v15  }
0x3bf: {  	v8 =	vor.u32 v8, v6;
	s17 =	spop (v2sf);
	v24 =	vxor.u32 v19, v10;
	v13 =	vor.u32 v13, v16;
	v16 =	vld [tilespmem:s28+$0x7000]  }
0x3c0: {  	v10 =	vand.u32 v19, v10;
	v20 =	vld [tilespmem:s17+$0x7000];
	v28 =	vxor.u32 v18, v24;
	s29 =	spop (v2sf);
	v4 =	vtrunc.f32 v11  }
0x3c1: {  	v9 =	vor.u32 v9, v10;
	v15 =	vld [tilespmem:s25+$0x50];
	v10 =	vand.u32 v28, v22;
	s30 =	spop (v2sf);
	v19 =	vcvt.f32.s32 v4  }
0x3c2: {  	v31 =	vld [tilespmem:s29+$0x7000];
	v4 =	vand.u32 v18, v24;
	v18 =	vand.u32 v13, v9;
	v9 =	vxor.u32 v13, v9;
	s18 =	spop (v2sf)  }
0x3c3: {  	v10 =	vor.u32 v4, v10;
	v4 =	vxor.u32 v12, v21;
	v12 =	vand.u32 v12, v21;
	v6 =	vld [tilespmem:s18+$0x7000]  }
0x3c4: {  	v11 =	vld [tilespmem:s30+$0x7000];
	vm15 =	vgt.s32 v19, $0x0;
	v12 =	vor.u32 v27, v12;
	v27 =	vand.u32 v9, v8  }
0x3c5: {  	v3 =	vxor.u32 v2, v3;
	v19 =	vnsel vm15, $0x0, v19;
	v27 =	vor.u32 v18, v27;
	v18 =	vld [tilespmem:s26+$0x7000]  }
0x3c6: {  	v30 =	vxor.u32 v2, v5;
	v16 =	vxor.u32 v16, v15;
	v15 =	vmin.u32 v19, $0xFF;
	v19 =	vld [tilespmem:s25+$0x10]  }
0x3c7: {  	v5 =	vand.u32 v2, v5;
	v21 =	vld [tilespmem:s25+$0x30];
	v8 =	vxor.u32 v9, v8;
	v15 =	vshll.u32 v15, $0x4  }
0x3c8: {  	v32 =	vld [tilespmem:s25+$0x60];
	v13 =	vxor.u32 v12, v26;
	(v2sf) =	vpush v15, $0xF;
	v6 =	vxor.u32 v6, v17  }
0x3c9: {  	v24 =	vld [tilespmem:s16+$0x7000];
	(v2sf) =	vpush v15, $0xD;
	v33 =	vxor.u32 v6, v16;
	v16 =	vand.u32 v6, v16  }
0x3ca: {  	(v2sf) =	vpush v15, $0x8;
	v6 =	vxor.u32 v11, v23;
	v11 =	vand.u32 v26, v12  }
0x3cb: {  	v14 =	vxor.u32 v18, v14;
	(v2sf) =	vpush v15, $0x7;
	v12 =	vxor.u32 v20, v19  }
0x3cc: {  	v11 =	vor.u32 v29, v11;
	v19 =	vxor.u32 v31, v21;
	(v2sf) =	vpush v15, $0x2  }
0x3cd: {  	v20 =	vand.u32 v12, v6;
	v6 =	vxor.u32 v12, v6;
	v17 =	vxor.u32 v30, v11  }
0x3ce: {  	v12 =	vxor.u32 v24, v32;
	v11 =	vand.u32 v30, v11;
	(v2sf) =	vpush v15, $0x6  }
0x3cf: {  	v18 =	vxor.u32 v33, v12;
	v12 =	vand.u32 v33, v12;
	(v2sf) =	vpush v15, $0x4  }
0x3d0: {  	v21 =	vxor.u32 v6, v19;
	v6 =	vand.u32 v6, v19;
	(v2sf) =	vpush v15, $0x1  }
0x3d1: {  	v11 =	vor.u32 v5, v11;
	v19 =	vand.u32 v21, v18;
	(v2sf) =	vpush v15, $0x0  }
0x3d2: {  	s26 =	simm.s32 $0x8280;
	v23 =	vor.u32 v20, v6;
	v24 =	vor.u32 v16, v12;
	v20 =	vxor.u32 v21, v18  }
0x3d3: {  	v5 =	vld [tilespmem:s26+$0xFFFFFFC0];
	v21 =	vxor.u32 v28, v22;
	v12 =	vxor.u32 v7, v11;
	v7 =	vand.u32 v7, v11  }
0x3d4: {  	v6 =	vld [tilespmem:s26+$0xFFFFFF90];
	v11 =	vimm.s32 $0x0;
	v9 =	vxor.u32 v23, v24;
	v22 =	vxor.u32 v14, v20  }
0x3d5: {  	v16 =	vld [tilespmem:s26+$0xFFFFFFD0];
	v14 =	vand.u32 v20, v14;
	v26 =	vxor.u32 v10, v9;
	v28 =	vxor.u32 v21, v22  }
0x3d6: {  	v18 =	vld [tilespmem:s26+$0xFFFFFFB0];
	v21 =	vand.u32 v21, v22;
	v10 =	vand.u32 v10, v9;
	(v2sf) =	vpush v15, $0x3  }
0x3d7: {  	v20 =	vld [tilespmem:s26+$0x0];
	v14 =	vor.u32 v19, v14;
	v19 =	vand.u32 v23, v24;
	v29 =	vxor.u32 v8, v26  }
0x3d8: {  	v22 =	vld [tilespmem:s26+$0xFFFFFF80];
	v9 =	vand.u32 v3, v28;
	v10 =	vor.u32 v19, v10;
	(v2sf) =	vpush v15, $0x5;
	s28 =	spop (v2sf)  }
0x3d9: {  	v23 =	vld [tilespmem:s26+$0xFFFFFFE0];
	v3 =	vxor.u32 v3, v28;
	v8 =	vand.u32 v8, v26;
	v30 =	vxor.u32 v14, v29;
	s30 =	spop (v2sf)  }
0x3da: {  	v24 =	vld [tilespmem:s26+$0xFFFFFFA0];
	v31 =	vand.u32 v14, v29;
	v28 =	vxor.u32 v27, v10;
	(v2sf) =	vpush v15, $0xE;
	s2 =	spop (v2sf)  }
0x3db: {  	v29 =	vld [tilespmem:s26+$0xFFFFFFF0];
	v19 =	vxor.u32 v21, v30;
	v63 =	vand.u32 v21, v30;
	v8 =	vor.u32 v8, v31;
	s16 =	spop (v2sf)  }
0x3dc: {  	v21 =	vand.u32 v27, v10;
	v27 =	vor.u32 v25, v7;
	v10 =	vimm.s32 $0x0;
	v26 =	vld [tilespmem:s2+$0x7000];
	s17 =	spop (v2sf)  }
0x3dd: {  	(v2sf) =	vpush v15, $0x9;
	v14 =	vand.u32 v4, v19;
	v7 =	vand.u32 v28, v8;
	v31 =	vld [tilespmem:s16+$0x7000];
	s18 =	spop (v2sf)  }
0x3de: {  	v8 =	vxor.u32 v28, v8;
	v25 =	vand.u32 v2, v27;
	v35 =	vor.u32 v21, v7;
	v30 =	vld [tilespmem:s17+$0x7000];
	s25 =	spop (v2sf)  }
0x3df: {  	v34 =	vxor.u32 v63, v8;
	v28 =	vand.u32 v63, v8;
	(v2sf) =	vpush v15, $0xB;
	v33 =	vld [tilespmem:s18+$0x7000];
	s0 =	spop (v2sf)  }
0x3e0: {  	s29 =	simm.s32 $0x30;
	v7 =	vimm.s32 $0x0;
	v8 =	vimm.s32 $0x0;
	(v2sf) =	vpush v15, $0xA;
	v32 =	vld [tilespmem:s25+$0x7000];
	s25 =	simm.s32 $0x8280;
	s31 =	spop (v2sf)  }
.LBB2_7:
0x3e1: {  	_ = 	snop  }
0x3e2: {  	v48 =	vxor.u32 v13, v34;
	v49 =	vand.u32 v13, v34  }
0x3e3: {  	v36 =	vld [tilespmem:s0+$0x7000];
	s17 =	smov.u32 s29;
	v2 =	vxor.u32 v2, v27;
	v13 =	vand.u32 v7, v25;
	v40 =	vand.u32 v21, v28  }
0x3e4: {  	s16 =	rddreg [dreg:$0x6];
	v37 =	vld [tilespmem:s31+$0x7000];
	v7 =	vxor.u32 v7, v25;
	v19 =	vxor.u32 v4, v19;
	s18 =	sand.u32 $0x180, s17;
	v39 =	vand.u32 v11, v13  }
0x3e5: {  	v11 =	vxor.u32 v11, v13;
	s17 =	sand.u32 $0x70, s17;
	s16 =	sadd.s32 s18, s16;
	s0 =	spop (v2sf);
	(v2sf) =	vpush v15, $0xC;
	v15 =	vxor.u32 v28, v35  }
0x3e6: {  	v38 =	vld [tilespmem:s0+$0x7000];
	v27 =	vxor.u32 v17, v15;
	v28 =	vand.u32 v17, v15;
	v15 =	vand.u32 v8, v39;
	s0 =	sadd.s32 s17, s16  }
0x3e7: {  	s2 =	sadd.s32 $0x10, s29;
	p0 =	sne.s32 s29, $0x1F0;
	v21 =	vxor.u32 v12, v40;
	v29 =	vxor.u32 v31, v29;
	s29 =	spop (v2sf);
	v10 =	vxor.u32 v10, v15;
	v15 =	vld [tilespmem:s0+$0x0]  }
0x3e8: {  	v32 =	vxor.u32 v32, v5;
	v23 =	vxor.u32 v33, v23;
	v50 =	vxor.u32 v26, v20;
	v13 =	vld [tilespmem:s29+$0x7000]  }
0x3e9: {  	s26 =	sadd.s32 $0x100, s26;
	v31 =	vxor.u32 v36, v6;
	v22 =	vxor.u32 v37, v22;
	v20 =	vxor.u32 v23, v29  }
0x3ea: {  	v24 =	vxor.u32 v30, v24;
	v25 =	vxor.u32 v22, v31;
	v26 =	vxor.u32 v20, v50;
	v17 =	vld [tilespmem:s26+$0xFFFFFF90]  }
0x3eb: {  	v20 =	vand.u32 v20, v50;
	v22 =	vand.u32 v22, v31;
	v30 =	vxor.u32 v25, v24  }
0x3ec: {  	v52 =	vld [tilespmem:s25+$0x50];
	v24 =	vand.u32 v25, v24;
	s31 =	spop (v2sf);
	v18 =	vxor.u32 v38, v18;
	v15 =	vmul.f32 $2.550000000e+02, v15  }
0x3ed: {  	v31 =	vld [tilespmem:s25+$0x40];
	v25 =	vand.u32 v12, v40;
	s0 =	spop (v2sf);
	v13 =	vxor.u32 v13, v16;
	v51 =	vxor.u32 v18, v32  }
0x3ee: {  	v12 =	vld [tilespmem:s30+$0x7000];
	v22 =	vor.u32 v22, v24;
	s16 =	spop (v2sf);
	v53 =	vxor.u32 v51, v13;
	v15 =	vadd.f32 $5.000000000e-01, v15  }
0x3ef: {  	s18 =	spop (v2sf);
	v6 =	vmovc v17;
	v17 =	vld [tilespmem:s25+$0x20];
	v18 =	vand.u32 v18, v32;
	v13 =	vand.u32 v51, v13;
	v24 =	vxor.u32 v30, v53  }
0x3f0: {  	v54 =	vld [tilespmem:s18+$0x7000];
	v13 =	vor.u32 v18, v13;
	v4 =	vtrunc.f32 v15;
	v15 =	vand.u32 v23, v29  }
0x3f1: {  	v16 =	vld [tilespmem:s25+$0x70];
	v23 =	vcvt.f32.s32 v4;
	v18 =	vor.u32 v15, v20;
	v4 =	vand.u32 v30, v53  }
0x3f2: {  	v29 =	vld [tilespmem:s0+$0x7000];
	v15 =	vand.u32 v24, v26;
	v30 =	vand.u32 v22, v13;
	v22 =	vxor.u32 v22, v13  }
0x3f3: {  	v36 =	vor.u32 v4, v15;
	v4 =	vxor.u32 v9, v19;
	v9 =	vand.u32 v9, v19;
	v19 =	vld [tilespmem:s25+$0x10]  }
0x3f4: {  	v56 =	vand.u32 v22, v18;
	v9 =	vor.u32 v14, v9;
	v14 =	vld [tilespmem:s25+$0x30]  }
0x3f5: {  	vm0 =	vgt.s32 v23, $0x0;
	v32 =	vor.u32 v30, v56;
	v30 =	vld [tilespmem:s28+$0x7000]  }
0x3f6: {  	s18 =	spop (v2sf);
	v15 =	vnsel vm0, $0x0, v23;
	v23 =	vld [tilespmem:s16+$0x7000]  }
0x3f7: {  	v20 =	vld [tilespmem:s18+$0x7000];
	v15 =	vmin.u32 v15, $0xFF  }
0x3f8: {  	v8 =	vxor.u32 v8, v39;
	v12 =	vxor.u32 v12, v52;
	v15 =	vshll.u32 v15, $0x4  }
0x3f9: {  	v13 =	vxor.u32 v9, v48;
	v9 =	vand.u32 v48, v9;
	(v2sf) =	vpush v15, $0xF  }
0x3fa: {  	v17 =	vxor.u32 v54, v17;
	v9 =	vor.u32 v49, v9;
	(v2sf) =	vpush v15, $0xD  }
0x3fb: {  	v19 =	vxor.u32 v29, v19;
	v29 =	vxor.u32 v30, v16;
	(v2sf) =	vpush v15, $0x8  }
0x3fc: {  	v55 =	vld [tilespmem:s31+$0x7000];
	v14 =	vxor.u32 v23, v14;
	v20 =	vxor.u32 v20, v31;
	(v2sf) =	vpush v15, $0x7  }
0x3fd: {  	v31 =	vld [tilespmem:s25+$0x60];
	v57 =	vxor.u32 v20, v12;
	v12 =	vand.u32 v20, v12;
	(v2sf) =	vpush v15, $0x2  }
0x3fe: {  	v20 =	vand.u32 v19, v17;
	v19 =	vxor.u32 v19, v17;
	(v2sf) =	vpush v15, $0x6  }
0x3ff: {  	v17 =	vxor.u32 v27, v9;
	v9 =	vand.u32 v27, v9;
	(v2sf) =	vpush v15, $0x4  }
0x400: {  	v30 =	vxor.u32 v19, v14;
	v14 =	vand.u32 v19, v14;
	(v2sf) =	vpush v15, $0x1  }
0x401: {  	v27 =	vor.u32 v28, v9;
	v28 =	vxor.u32 v22, v18;
	(v2sf) =	vpush v15, $0x0  }
0x402: {  	v22 =	vxor.u32 v24, v26;
	v14 =	vor.u32 v20, v14;
	v23 =	vxor.u32 v55, v31  }
0x403: {  	v16 =	vxor.u32 v57, v23;
	v23 =	vand.u32 v57, v23;
	(v2sf) =	vpush v15, $0x3  }
0x404: {  	v5 =	vld [tilespmem:s26+$0xFFFFFFC0];
	v19 =	vand.u32 v30, v16;
	(v2sf) =	vpush v15, $0x5;
	v9 =	vor.u32 v12, v23  }
0x405: {  	v18 =	vld [tilespmem:s26+$0xFFFFFFB0];
	v23 =	vxor.u32 v30, v16;
	v12 =	vxor.u32 v21, v27;
	v27 =	vand.u32 v21, v27  }
0x406: {  	v20 =	vld [tilespmem:s26+$0x0];
	(v2sf) =	vpush v15, $0xE;
	v30 =	vxor.u32 v14, v9;
	v24 =	vxor.u32 v29, v23  }
0x407: {  	v16 =	vld [tilespmem:s26+$0xFFFFFFD0];
	v14 =	vand.u32 v14, v9;
	v27 =	vor.u32 v25, v27;
	v58 =	vxor.u32 v36, v30  }
0x408: {  	v26 =	vxor.u32 v22, v24;
	v31 =	vand.u32 v22, v24;
	v22 =	vld [tilespmem:s26+$0xFFFFFF80];
	(v2sf) =	vpush v15, $0x9;
	s28 =	spop (v2sf)  }
0x409: {  	v24 =	vand.u32 v23, v29;
	v29 =	vand.u32 v36, v30;
	v23 =	vld [tilespmem:s26+$0xFFFFFFE0];
	v25 =	vand.u32 v2, v27;
	s30 =	spop (v2sf)  }
0x40a: {  	v59 =	vxor.u32 v28, v58;
	v19 =	vor.u32 v19, v24;
	v9 =	vand.u32 v3, v26;
	v24 =	vld [tilespmem:s26+$0xFFFFFFA0];
	s16 =	spop (v2sf)  }
0x40b: {  	v60 =	vor.u32 v14, v29;
	v29 =	vld [tilespmem:s26+$0xFFFFFFF0];
	v3 =	vxor.u32 v3, v26;
	v28 =	vand.u32 v28, v58;
	s17 =	spop (v2sf)  }
.Ltmp2:
0x40c: {  	v14 =	vxor.u32 v19, v59;
	v34 =	vand.u32 v19, v59;
	v62 =	vxor.u32 v32, v60;
	v26 =	vld [tilespmem:s16+$0x7000];
	s18 =	spop (v2sf);
	(pc) =	sbr.rel @p0 .LBB2_7-.Ltmp2, $4  }
0x40d: {  	v19 =	vxor.u32 v31, v14;
	v61 =	vand.u32 v31, v14;
	v28 =	vor.u32 v28, v34;
	v31 =	vld [tilespmem:s17+$0x7000];
	s17 =	spop (v2sf)  }
0x40e: {  	v21 =	vand.u32 v32, v60;
	v63 =	vxor.u32 v62, v28;
	v28 =	vand.u32 v62, v28;
	v30 =	vld [tilespmem:s18+$0x7000];
	s18 =	spop (v2sf)  }
0x40f: {  	v14 =	vand.u32 v4, v19;
	v35 =	vor.u32 v21, v28;
	(v2sf) =	vpush v15, $0xB;
	v33 =	vld [tilespmem:s17+$0x7000];
	s0 =	spop (v2sf)  }
0x410: {  	s29 =	smov.u32 s2;
	s25 =	smov.u32 s26;
	v34 =	vxor.u32 v61, v63;
	v28 =	vand.u32 v61, v63;
	(v2sf) =	vpush v15, $0xA;
	v32 =	vld [tilespmem:s18+$0x7000];
	s31 =	spop (v2sf)  }
0x411: {  	v60 =	vld [tilespmem:s0+$0x7000]  }
0x412: {  	(v2sf) =	vpush v15, $0xC;
	v35 =	vxor.u32 v28, v35;
	v37 =	vld [tilespmem:s31+$0x7000]  }
0x413: {  	v36 =	vxor.u32 v13, v34;
	v34 =	vand.u32 v13, v34;
	v38 =	vand.u32 v7, v25;
	v15 =	vld [tilespmem:s25+$0x20]  }
0x414: {  	v13 =	vxor.u32 v2, v27;
	v21 =	vand.u32 v21, v28;
	v42 =	vld [tilespmem:s25+$0x40];
	v20 =	vxor.u32 v26, v20  }
0x415: {  	v44 =	vld [tilespmem:s25+$0x50];
	v7 =	vxor.u32 v7, v25;
	v4 =	vxor.u32 v4, v19;
	v39 =	vxor.u32 v17, v35  }
0x416: {  	v46 =	vld [tilespmem:s30+$0x7000];
	v2 =	vxor.u32 v11, v38;
	v62 =	vand.u32 v11, v38;
	v17 =	vand.u32 v17, v35  }
0x417: {  	v59 =	vld [tilespmem:s25+$0x10];
	v29 =	vxor.u32 v31, v29;
	v31 =	vxor.u32 v12, v21;
	v12 =	vand.u32 v12, v21  }
0x418: {  	s18 =	spop (v2sf);
	v35 =	vld [tilespmem:s25+$0x70];
	v27 =	vxor.u32 v9, v4;
	v4 =	vand.u32 v9, v4;
	v40 =	vand.u32 v8, v62  }
0x419: {  	v61 =	vld [tilespmem:s18+$0x7000];
	v8 =	vxor.u32 v8, v62;
	v41 =	vxor.u32 v30, v24;
	v4 =	vor.u32 v14, v4  }
0x41a: {  	s2 =	spop (v2sf);
	v62 =	vld [tilespmem:s25+$0x60];
	v10 =	vxor.u32 v10, v40;
	v23 =	vxor.u32 v33, v23;
	v38 =	vxor.u32 v4, v36  }
0x41b: {  	v63 =	vld [tilespmem:s2+$0x7000];
	v4 =	vand.u32 v36, v4;
	s26 =	spop (v2sf);
	v5 =	vxor.u32 v32, v5;
	v43 =	vxor.u32 v23, v29  }
0x41c: {  	v55 =	vand.u32 v23, v29;
	v4 =	vor.u32 v34, v4;
	v6 =	vxor.u32 v60, v6;
	v54 =	vld [tilespmem:s26+$0x7000]  }
0x41d: {  	v22 =	vxor.u32 v37, v22;
	v30 =	vxor.u32 v43, v20;
	v20 =	vand.u32 v43, v20;
	v37 =	vld [tilespmem:s28+$0x7000];
	s29 =	spop (v2sf)  }
0x41e: {  	v45 =	vxor.u32 v22, v6;
	v6 =	vand.u32 v22, v6;
	v19 =	vor.u32 v55, v20;
	v50 =	vld [tilespmem:s29+$0x7000]  }
0x41f: {  	v18 =	vxor.u32 v61, v18;
	v48 =	vxor.u32 v45, v41;
	v11 =	vand.u32 v45, v41;
	v61 =	vld [tilespmem:s25+$0x30];
	s16 =	spop (v2sf)  }
0x420: {  	v16 =	vxor.u32 v63, v16;
	v49 =	vxor.u32 v18, v5;
	v5 =	vand.u32 v18, v5;
	s17 =	spop (v2sf);
	v56 =	vld [tilespmem:s16+$0x7000]  }
0x421: {  	v6 =	vor.u32 v6, v11;
	v51 =	vxor.u32 v49, v16;
	v16 =	vand.u32 v49, v16;
	v47 =	vld [tilespmem:s17+$0x7000];
	s31 =	spop (v2sf)  }
0x422: {  	v63 =	vxor.u32 v46, v44;
	v53 =	vxor.u32 v48, v51;
	v5 =	vor.u32 v5, v16;
	v52 =	vld [tilespmem:s31+$0x7000]  }
0x423: {  	v57 =	vand.u32 v48, v51;
	v43 =	vxor.u32 v37, v35;
	v58 =	vand.u32 v53, v30  }
0x424: {  	v60 =	vand.u32 v6, v5;
	v5 =	vxor.u32 v6, v5;
	v6 =	vxor.u32 v54, v62  }
0x425: {  	v11 =	vxor.u32 v53, v30;
	v16 =	vor.u32 v57, v58;
	v32 =	vand.u32 v5, v19  }
0x426: {  	v23 =	vxor.u32 v50, v59;
	v5 =	vxor.u32 v5, v19;
	v14 =	vor.u32 v60, v32  }
0x427: {  	v18 =	vxor.u32 v56, v61;
	v15 =	vxor.u32 v47, v15;
	v24 =	vxor.u32 v52, v42  }
0x428: {  	v41 =	vand.u32 v23, v15;
	v15 =	vxor.u32 v23, v15;
	v42 =	vxor.u32 v39, v4  }
0x429: {  	v4 =	vand.u32 v39, v4;
	v40 =	vxor.u32 v24, v63;
	v9 =	vand.u32 v24, v63  }
0x42a: {  	v45 =	vxor.u32 v15, v18;
	v15 =	vand.u32 v15, v18;
	v4 =	vor.u32 v17, v4  }
0x42b: {  	v44 =	vxor.u32 v40, v6;
	v6 =	vand.u32 v40, v6;
	v15 =	vor.u32 v41, v15  }
0x42c: {  	v49 =	vxor.u32 v31, v4;
	v4 =	vand.u32 v31, v4;
	v46 =	vand.u32 v45, v44  }
0x42d: {  	v6 =	vor.u32 v9, v6;
	v47 =	vxor.u32 v45, v44;
	v4 =	vor.u32 v12, v4  }
0x42e: {  	v48 =	vxor.u32 v15, v6;
	v20 =	vxor.u32 v43, v47;
	v9 =	vand.u32 v47, v43  }
0x42f: {  	v6 =	vand.u32 v15, v6;
	v59 =	vand.u32 v13, v4;
	v4 =	vxor.u32 v13, v4  }
0x430: {  	v50 =	vxor.u32 v16, v48;
	v51 =	vxor.u32 v11, v20;
	v11 =	vand.u32 v11, v20  }
0x431: {  	v16 =	vand.u32 v16, v48;
	v9 =	vor.u32 v46, v9;
	v61 =	vand.u32 v7, v59  }
0x432: {  	v7 =	vxor.u32 v7, v59;
	v52 =	vxor.u32 v5, v50;
	v53 =	vand.u32 v3, v51  }
0x433: {  	v6 =	vor.u32 v6, v16;
	v3 =	vxor.u32 v3, v51;
	v5 =	vand.u32 v5, v50  }
0x434: {  	v63 =	vxor.u32 v2, v61;
	v2 =	vand.u32 v2, v61;
	v54 =	vxor.u32 v9, v52  }
0x435: {  	v9 =	vand.u32 v9, v52;
	v56 =	vxor.u32 v14, v6;
	v6 =	vand.u32 v14, v6  }
0x436: {  	v13 =	vand.u32 v8, v2;
	v2 =	vxor.u32 v8, v2;
	v55 =	vxor.u32 v11, v54  }
0x437: {  	v11 =	vand.u32 v11, v54;
	v5 =	vor.u32 v5, v9;
	v10 =	vxor.u32 v10, v13  }
0x438: {  	v9 =	vxor.u32 v56, v5;
	v5 =	vand.u32 v56, v5;
	v17 =	vxor.u32 v27, v55  }
0x439: {  	v5 =	vor.u32 v6, v5;
	v58 =	vxor.u32 v11, v9;
	v9 =	vand.u32 v11, v9  }
0x43a: {  	v57 =	vand.u32 v27, v55;
	v22 =	vand.u32 v53, v17;
	v5 =	vxor.u32 v9, v5  }
0x43b: {  	v60 =	vxor.u32 v38, v58;
	v6 =	vand.u32 v6, v9;
	v9 =	vor.u32 v57, v22  }
0x43c: {  	v26 =	vxor.u32 v53, v17;
	v12 =	vand.u32 v38, v58;
	v24 =	vand.u32 v60, v9  }
0x43d: {  	v3 =	vor.u32 v3, v26;
	v62 =	vxor.u32 v42, v5;
	v25 =	vor.u32 v12, v24  }
0x43e: {  	v5 =	vand.u32 v42, v5;
	v23 =	vxor.u32 v49, v6;
	v12 =	vand.u32 v62, v25  }
0x43f: {  	v6 =	vand.u32 v49, v6;
	v9 =	vxor.u32 v9, v60;
	v5 =	vor.u32 v5, v12  }
0x440: {  	v3 =	vor.u32 v9, v3;
	v8 =	vxor.u32 v62, v25;
	v27 =	vand.u32 v23, v5  }
0x441: {  	v3 =	vor.u32 v8, v3;
	v5 =	vxor.u32 v23, v5;
	v6 =	vor.u32 v6, v27  }
0x442: {  	v3 =	vor.u32 v5, v3;
	v28 =	vand.u32 v4, v6;
	v4 =	vxor.u32 v4, v6  }
0x443: {  	v29 =	vand.u32 v7, v28;
	v30 =	vxor.u32 v7, v28;
	v3 =	vor.u32 v4, v3  }
0x444: {  	v31 =	vxor.u32 v63, v29;
	v5 =	vand.u32 v63, v29;
	v3 =	vor.u32 v30, v3  }
0x445: {  	v32 =	vand.u32 v2, v5;
	v2 =	vxor.u32 v2, v5;
	v3 =	vor.u32 v31, v3  }
0x446: {  	v33 =	vxor.u32 v10, v32;
	v2 =	vand.u32 v3, v2  }
0x447: {  	v2 =	vor.u32 v2, v33  }
0x448: {  	v3 =	vand.u32 $0x1, v2  }
0x449: {  	vm0 =	veq.s32 v3, $0x0;
	v3 =	vand.u32 $0x2, v2  }
0x44a: {  	v34 =	vsel vm0, $0xBF800000, v0;
	vm9 =	veq.s32 v3, $0x0;
	v3 =	vand.u32 $0x4, v2  }
0x44b: {  	[tilespmem:s24+$0xA300] =	vst v34;
	v35 =	vsel vm9, $0xBF800000, v0;
	vm10 =	veq.s32 v3, $0x0;
	v3 =	vand.u32 $0x8, v2  }
0x44c: {  	[tilespmem:s24+$0xA310] =	vst v35;
	v36 =	vsel vm10, $0xBF800000, v0;
	vm11 =	veq.s32 v3, $0x0;
	v3 =	vand.u32 $0x10, v2  }
0x44d: {  	[tilespmem:s24+$0xA320] =	vst v36;
	v37 =	vsel vm11, $0xBF800000, v0;
	vm12 =	veq.s32 v3, $0x0;
	v3 =	vand.u32 $0x20, v2  }
0x44e: {  	[tilespmem:s24+$0xA330] =	vst v37;
	v38 =	vsel vm12, $0xBF800000, v0;
	vm13 =	veq.s32 v3, $0x0;
	v3 =	vand.u32 $0x40, v2  }
0x44f: {  	[tilespmem:s24+$0xA340] =	vst v38;
	v39 =	vsel vm13, $0xBF800000, v0;
	vm14 =	veq.s32 v3, $0x0;
	v3 =	vand.u32 $0x80, v2  }
0x450: {  	[tilespmem:s24+$0xA350] =	vst v39;
	v40 =	vsel vm14, $0xBF800000, v0;
	vm15 =	veq.s32 v3, $0x0;
	v3 =	vand.u32 $0x100, v2  }
0x451: {  	[tilespmem:s24+$0xA360] =	vst v40;
	v41 =	vsel vm15, $0xBF800000, v0;
	vm4 =	veq.s32 v3, $0x0;
	v3 =	vand.u32 $0x200, v2  }
0x452: {  	[tilespmem:s24+$0xA370] =	vst v41;
	v42 =	vsel vm4, $0xBF800000, v0;
	vm5 =	veq.s32 v3, $0x0;
	v3 =	vand.u32 $0x400, v2  }
0x453: {  	[tilespmem:s24+$0xA380] =	vst v42;
	v43 =	vsel vm5, $0xBF800000, v0;
	vm6 =	veq.s32 v3, $0x0;
	v3 =	vand.u32 $0x800, v2  }
0x454: {  	[tilespmem:s24+$0xA390] =	vst v43;
	v44 =	vsel vm6, $0xBF800000, v0;
	vm7 =	veq.s32 v3, $0x0;
	v3 =	vand.u32 $0x1000, v2  }
0x455: {  	[tilespmem:s24+$0xA3A0] =	vst v44;
	v45 =	vsel vm7, $0xBF800000, v0;
	vm8 =	veq.s32 v3, $0x0;
	v3 =	vand.u32 $0x2000, v2  }
0x456: {  	[tilespmem:s24+$0xA3B0] =	vst v45;
	v46 =	vsel vm8, $0xBF800000, v0;
	vm9 =	veq.s32 v3, $0x0;
	v3 =	vand.u32 $0x4000, v2  }
0x457: {  	[tilespmem:s24+$0xA3C0] =	vst v46;
	v47 =	vsel vm9, $0xBF800000, v0;
	vm10 =	veq.s32 v3, $0x0;
	v3 =	vand.u32 $0x8000, v2  }
0x458: {  	[tilespmem:s24+$0xA3D0] =	vst v47;
	v48 =	vsel vm10, $0xBF800000, v0;
	vm11 =	veq.s32 v3, $0x0;
	v3 =	vand.u32 $0x10000, v2  }
0x459: {  	[tilespmem:s24+$0xA3E0] =	vst v48;
	v49 =	vsel vm11, $0xBF800000, v0;
	vm12 =	veq.s32 v3, $0x0;
	v3 =	vand.u32 $0x20000, v2  }
0x45a: {  	[tilespmem:s24+$0xA3F0] =	vst v49;
	v50 =	vsel vm12, $0xBF800000, v0;
	vm13 =	veq.s32 v3, $0x0;
	v3 =	vand.u32 $0x40000, v2  }
0x45b: {  	[tilespmem:s24+$0xA400] =	vst v50;
	v51 =	vsel vm13, $0xBF800000, v0;
	vm14 =	veq.s32 v3, $0x0;
	v3 =	vand.u32 $0x80000, v2  }
0x45c: {  	[tilespmem:s24+$0xA410] =	vst v51;
	v52 =	vsel vm14, $0xBF800000, v0;
	vm15 =	veq.s32 v3, $0x0;
	v3 =	vand.u32 $0x100000, v2  }
0x45d: {  	[tilespmem:s24+$0xA420] =	vst v52;
	v53 =	vsel vm15, $0xBF800000, v0;
	vm4 =	veq.s32 v3, $0x0;
	v3 =	vand.u32 $0x200000, v2  }
0x45e: {  	[tilespmem:s24+$0xA430] =	vst v53;
	v54 =	vsel vm4, $0xBF800000, v0;
	vm5 =	veq.s32 v3, $0x0;
	v3 =	vand.u32 $0x400000, v2  }
0x45f: {  	[tilespmem:s24+$0xA440] =	vst v54;
	v55 =	vsel vm5, $0xBF800000, v0;
	vm6 =	veq.s32 v3, $0x0;
	v3 =	vand.u32 $0x800000, v2  }
0x460: {  	[tilespmem:s24+$0xA450] =	vst v55;
	v56 =	vsel vm6, $0xBF800000, v0;
	vm7 =	veq.s32 v3, $0x0;
	v3 =	vand.u32 $0x1000000, v2  }
0x461: {  	[tilespmem:s24+$0xA460] =	vst v56;
	v57 =	vsel vm7, $0xBF800000, v0;
	vm8 =	veq.s32 v3, $0x0;
	v3 =	vand.u32 $0x2000000, v2  }
0x462: {  	[tilespmem:s24+$0xA470] =	vst v57;
	v58 =	vsel vm8, $0xBF800000, v0;
	vm9 =	veq.s32 v3, $0x0;
	v3 =	vand.u32 $0x4000000, v2  }
0x463: {  	[tilespmem:s24+$0xA480] =	vst v58;
	v59 =	vsel vm9, $0xBF800000, v0;
	vm10 =	veq.s32 v3, $0x0;
	v3 =	vand.u32 $0x8000000, v2  }
0x464: {  	s23 =	sadd.s32 $0x1, s23;
	[tilespmem:s24+$0xA490] =	vst v59;
	v60 =	vsel vm10, $0xBF800000, v0;
	vm11 =	veq.s32 v3, $0x0;
	v3 =	vand.u32 $0x10000000, v2  }
0x465: {  	p0 =	sne.s32 s23, $0x8;
	[tilespmem:s24+$0xA4A0] =	vst v60;
	v61 =	vsel vm11, $0xBF800000, v0;
	vm12 =	veq.s32 v3, $0x0  }
.Ltmp3:
0x466: {  	vm15 =	vgt.s32 v2, $0xFFFFFFFF;
	v3 =	vand.u32 $0x20000000, v2;
	[tilespmem:s24+$0xA4B0] =	vst v61;
	v62 =	vsel vm12, $0xBF800000, v0;
	(pc) =	sbr.rel @p0 .LBB2_6-.Ltmp3, $4  }
0x467: {  	vm13 =	veq.s32 v3, $0x0;
	v3 =	vand.u32 $0x40000000, v2;
	v2 =	vsel vm15, $0xBF800000, v0;
	[tilespmem:s24+$0xA4C0] =	vst v62  }
0x468: {  	v63 =	vsel vm13, $0xBF800000, v0;
	vm14 =	veq.s32 v3, $0x0;
	[tilespmem:s24+$0xA4F0] =	vst v2  }
0x469: {  	[tilespmem:s24+$0xA4D0] =	vst v63;
	v3 =	vsel vm14, $0xBF800000, v0  }
0x46a: {  	[tilespmem:s24+$0xA4E0] =	vst v3  }
0x46b: {  	s21 =	sadd.s32 $0x1, s21  }
0x46c: {  	p0 =	sne.s32 s21, s11  }
.Ltmp4:
0x46d: {  	_ = 	snop;
	(pc) =	sbr.rel @p0 .LBB2_1-.Ltmp4, $4  }
0x46e: {  	[hbm4b:s10+s3] =	stream.linear.scatter [tilespmem:s20], [sflag:$0x1], $0x1000, $0x38;
	[tilespmem:$0xB600] =	vst v63  }
0x46f: {  	_ =	swait.ge [sflag:s14], $0x1000  }
0x470: {  	[sflag:s14] =	ssyncset.done $0x0  }
0x471: {  	[sflag:s14] =	ssyncadd.s32 $0xFFFFF000  }
0x472: {  	_ =	sfence.sel $0x180000  }
0x473: {  	[bflag:$0x0] =	sbarrier.arrive $0xFFFF  }
0x474: {  	_ =	strace $0x90000047  }
0x475: {  	s0 =	stileid.u32;
	[bflag:$0x2] =	sbarrier.arrive $0xFFFF  }
0x476: {  	p0 =	sne.s32 s0, $0x0;
	s0 =	rddreg [dreg:$0x5]  }
0x477: {  	s0 =	sadd.s32 @!p0 $0x100000, s0  }
0x478: {  	[sflag:s0] =	ssyncadd.tile.s32 @!p0 $0x1;
	_ =	shalt  }
.Lfunc_end2:
_tile_overlayer_lowered:
.L_overlay_start_2:
0x479: {  	(tag) =	ssettag $0x2  }
0x47a: {  	s0 =	rddreg [dreg:$0x0];
	s2 =	stileid.u32  }
0x47b: {  	s1 =	rddreg [dreg:$0x1];
	p0 =	sne.s32 s2, $0x0  }
0x47c: {  	s3 =	rddreg [dreg:$0x2];
	[bflag:$0x3] =	sbarrier.arrive $0xFFFF;
	s2 =	simm.s32 @!p0 $0x1C01  }
0x47d: {  	[timem:s3], [sflag:s2] =	dma.local @!p0 [hbm:s0], s1  }
0x47e: {  	s0 =	simm.s32 @!p0 $0x1  }
0x47f: {  	_ =	swait.ge @!p0 [sflag:s0], s1  }
0x480: {  	s1 =	ssub.s32 @!p0 $0x0, s1;
	[sflag:s0] =	ssyncset.done @!p0 $0x0  }
0x481: {  	[sflag:s0] =	ssyncadd.s32 @!p0 s1  }
0x482: {  	[bflag:$0x3] =	sbarrier.arrive $0xFFFF  }
0x483: {  	_ =	shalt  }

</sc_bundles>
